<compile_context>
chip_gen: v7x
topology: tpu7x:2x2x1
jax: 0.10.2.dev20260603
libtpu: 0.0.44.dev20260713+nightly
codegen_flags: <defaults>
</compile_context>

<pallas_src>
import jax
import jax.numpy as jnp
from jax import lax
from jax.experimental import pallas as pl
from jax.experimental.pallas import tpu as pltpu
from jax.experimental.pallas import tpu_sc as plsc

N_NODES = 10000
NC, NS = 2, 16
NW = NC * NS
CHUNK = 128
NACC = 10240
DUMMY = N_NODES
ROWS_PER_TILE = NACC // NS
COPY_CHUNKS = ROWS_PER_TILE // CHUNK
NBUF = 2
NCHM = 56
NCHL = 24
FAST_CORE = 0


def _fill_vmem(ref, value, rows, width):
    vec = jnp.full((16,), value, jnp.float32)

    @pl.loop(0, rows)
    def _(r):
        for j in range(width // 16):
            ref[r, pl.ds(j * 16, 16)] = vec


def _sc_edge_agg(tabA, tabB, src3, dst3, width):
    nch = src3.shape[1]
    mesh = plsc.VectorSubcoreMesh(core_axis_name="c", subcore_axis_name="s")

    def body(tabA_hbm, tabB_hbm, src_hbm, dst_hbm, outA_hbm, outB_hbm,
             src_idx, dst_idx, rows, acc, *gs):
        c = lax.axis_index("c")
        s = lax.axis_index("s")
        wid = c * NS + s
        nch_mine = jnp.where(c == FAST_CORE, NCHM, NCHL)

        _fill_vmem(rows.at[0], 0.0, CHUNK, width)

        @pl.loop(0, COPY_CHUNKS)
        def _(k):
            pltpu.sync_copy(
                rows.at[0],
                acc.at[pl.ds(s * ROWS_PER_TILE + k * CHUNK, CHUNK)])

        pltpu.sync_copy(src_hbm.at[wid], src_idx)
        pltpu.sync_copy(dst_hbm.at[wid], dst_idx)
        plsc.subcore_barrier()

        for table_hbm, out_hbm in ((tabA_hbm, outA_hbm), (tabB_hbm, outB_hbm)):
            for b in range(NBUF):
                pltpu.async_copy(table_hbm.at[src_idx.at[b]], rows.at[b],
                                 gs[b])

            @pl.loop(0, nch_mine // NBUF)
            def _(jj):
                j0 = NBUF * jj
                for b in range(NBUF):
                    pltpu.make_async_copy(table_hbm.at[src_idx.at[0]],
                                          rows.at[b], gs[b]).wait()
                    pltpu.sync_copy(rows.at[b], acc.at[dst_idx.at[j0 + b]],
                                    add=True)
                    jn = lax.rem(j0 + b + NBUF, nch_mine)
                    pltpu.async_copy(table_hbm.at[src_idx.at[jn]],
                                     rows.at[b], gs[b])

            for b in range(NBUF):
                pltpu.make_async_copy(table_hbm.at[src_idx.at[0]],
                                      rows.at[b], gs[b]).wait()

            plsc.subcore_barrier()

            _fill_vmem(rows.at[1], 0.0, CHUNK, width)

            @pl.loop(0, COPY_CHUNKS)
            def _(k):
                base = s * ROWS_PER_TILE + k * CHUNK
                pltpu.sync_copy(acc.at[pl.ds(base, CHUNK)], rows.at[0])
                pltpu.sync_copy(rows.at[0],
                                out_hbm.at[c].at[pl.ds(base, CHUNK)])
                pltpu.sync_copy(rows.at[1], acc.at[pl.ds(base, CHUNK)])

            plsc.subcore_barrier()

    fn = pl.kernel(
        body,
        out_type=[jax.ShapeDtypeStruct((NC, NACC, width), jnp.float32)] * 2,
        mesh=mesh,
        scratch_types=[
            pltpu.VMEM((nch, CHUNK), jnp.int32),
            pltpu.VMEM((nch, CHUNK), jnp.int32),
            pltpu.VMEM((NBUF, CHUNK, width), jnp.float32),
            pltpu.VMEM_SHARED((NACC, width), jnp.float32),
        ] + [pltpu.SemaphoreType.DMA] * NBUF,
    )
    return fn(tabA, tabB, src3, dst3)


def _sc_scalar_agg(table, src3, dst3, gather):
    nch = src3.shape[1]
    groups = nch * (CHUNK // 16)
    arows = NACC // 128
    mesh = plsc.VectorSubcoreMesh(core_axis_name="c", subcore_axis_name="s")

    def body(table_hbm, src_hbm, dst_hbm, out_hbm, src_idx, dst_idx, tab_v,
             acc_v, rowids, shared):
        c = lax.axis_index("c")
        s = lax.axis_index("s")
        wid = c * NS + s
        groups_mine = jnp.where(c == FAST_CORE, NCHM, NCHL) * (CHUNK // 16)

        pltpu.sync_copy(src_hbm.at[wid], src_idx)
        pltpu.sync_copy(dst_hbm.at[wid], dst_idx)
        if gather:
            pltpu.sync_copy(table_hbm, tab_v)

        for i in range(arows // 16):
            rowids[pl.ds(i * 16, 16)] = lax.iota(jnp.int32, 16) + i * 16

        zvec = jnp.zeros((16,), jnp.float32)

        @pl.loop(0, arows)
        def _(r):
            for j in range(8):
                acc_v[r, pl.ds(j * 16, 16)] = zvec

        @pl.when(s < arows // 8)
        def _():
            pltpu.sync_copy(acc_v.at[pl.ds(s * 8, 8)],
                            shared.at[pl.ds(s * 8, 8)])

        plsc.subcore_barrier()

        ones = jnp.full((16,), 1.0, jnp.float32)

        @pl.loop(0, groups_mine)
        def _(g):
            jc = g // (CHUNK // 16)
            l = g % (CHUNK // 16)
            di = dst_idx[jc, pl.ds(l * 16, 16)]
            if gather:
                si = src_idx[jc, pl.ds(l * 16, 16)]
                vals = plsc.load_gather(tab_v, [si])
            else:
                vals = ones
            plsc.addupdate_scatter(acc_v, [di // 128, di % 128], vals)

        pltpu.sync_copy(acc_v, shared.at[rowids], add=True)
        plsc.subcore_barrier()

        @pl.when(s < arows // 8)
        def _():
            pltpu.sync_copy(shared.at[pl.ds(s * 8, 8)], acc_v.at[pl.ds(0, 8)])
            pltpu.sync_copy(acc_v.at[pl.ds(0, 8)],
                            out_hbm.at[c].at[pl.ds(s * 8, 8)])

    fn = pl.kernel(
        body,
        out_type=jax.ShapeDtypeStruct((NC, arows, 128), jnp.float32),
        mesh=mesh,
        compiler_params=pltpu.CompilerParams(needs_layout_passes=False),
        scratch_types=[
            pltpu.VMEM((nch, CHUNK), jnp.int32),
            pltpu.VMEM((nch, CHUNK), jnp.int32),
            pltpu.VMEM((N_NODES,), jnp.float32),
            pltpu.VMEM((arows, 128), jnp.float32),
            pltpu.VMEM((arows,), jnp.int32),
            pltpu.VMEM_SHARED((arows, 128), jnp.float32),
        ],
    )
    return fn(table, src3, dst3).reshape(NC, NACC)


def _t1(x, W1, degp):
    n, f = x.shape
    blk = 1000

    def body(x_ref, w_ref, degp_ref, ya_ref, yb_ref):
        xw = jnp.dot(x_ref[...], w_ref[...], preferred_element_type=jnp.float32)
        deg = degp_ref[0, :, 0] + degp_ref[1, :, 0] + 2.0
        dis = lax.rsqrt(deg)
        y = xw * dis[:, None]
        ya_ref[...] = y[:, :128]
        yb_ref[...] = y[:, 128:]

    return pl.pallas_call(
        body,
        grid=(n // blk,),
        in_specs=[
            pl.BlockSpec((blk, f), lambda i: (i, 0)),
            pl.BlockSpec((f, f), lambda i: (0, 0)),
            pl.BlockSpec((NC, blk, 1), lambda i: (0, i, 0)),
        ],
        out_specs=[
            pl.BlockSpec((blk, 128), lambda i: (i, 0)),
            pl.BlockSpec((blk, 128), lambda i: (i, 0)),
        ],
        out_shape=[
            jax.ShapeDtypeStruct((n, 128), jnp.float32),
            jax.ShapeDtypeStruct((n, 128), jnp.float32),
        ],
    )(x, W1, degp)


def _t2(aggA, aggB, yA, yB, degp, b1, W2a, W2b):
    n = yA.shape[0]
    blk = 1000

    def body(aA_ref, aB_ref, ya_ref, yb_ref, degp_ref, b1_ref, w2a_ref,
             w2b_ref, zs_ref, sl2_ref):
        deg = degp_ref[0, :, 0] + degp_ref[1, :, 0] + 2.0
        dis = lax.rsqrt(deg)[:, None]
        hA = jnp.maximum(
            dis * (aA_ref[0] + aA_ref[1]) + 2.0 * dis * ya_ref[...]
            + b1_ref[0, :128], 0.0)
        hB = jnp.maximum(
            dis * (aB_ref[0] + aB_ref[1]) + 2.0 * dis * yb_ref[...]
            + b1_ref[0, 128:], 0.0)
        z = (jnp.dot(hA, w2a_ref[...], preferred_element_type=jnp.float32)
             + jnp.dot(hB, w2b_ref[...], preferred_element_type=jnp.float32))
        zs = dis * z
        zs_ref[...] = zs
        sl2_ref[...] = 2.0 * dis * zs

    return pl.pallas_call(
        body,
        grid=(n // blk,),
        in_specs=[
            pl.BlockSpec((NC, blk, 128), lambda i: (0, i, 0)),
            pl.BlockSpec((NC, blk, 128), lambda i: (0, i, 0)),
            pl.BlockSpec((blk, 128), lambda i: (i, 0)),
            pl.BlockSpec((blk, 128), lambda i: (i, 0)),
            pl.BlockSpec((NC, blk, 1), lambda i: (0, i, 0)),
            pl.BlockSpec((1, 256), lambda i: (0, 0)),
            pl.BlockSpec((128, 1), lambda i: (0, 0)),
            pl.BlockSpec((128, 1), lambda i: (0, 0)),
        ],
        out_specs=[
            pl.BlockSpec((blk, 1), lambda i: (i, 0)),
            pl.BlockSpec((blk, 1), lambda i: (i, 0)),
        ],
        out_shape=[
            jax.ShapeDtypeStruct((n, 1), jnp.float32),
            jax.ShapeDtypeStruct((n, 1), jnp.float32),
        ],
    )(aggA, aggB, yA, yB, degp, b1, W2a, W2b)


def _t3(zaggp, sl2, degp, b2):
    n = sl2.shape[0]
    blk = 1000

    def body(zp_ref, sl2_ref, degp_ref, b2_ref, out_ref):
        deg = degp_ref[0, :, 0] + degp_ref[1, :, 0] + 2.0
        dis = lax.rsqrt(deg)
        v = (dis * (zp_ref[0, :, 0] + zp_ref[1, :, 0]) + sl2_ref[:, 0]
             + b2_ref[0, 0])
        out_ref[...] = jax.nn.sigmoid(v)[:, None]

    return pl.pallas_call(
        body,
        grid=(n // blk,),
        in_specs=[
            pl.BlockSpec((NC, blk, 1), lambda i: (0, i, 0)),
            pl.BlockSpec((blk, 1), lambda i: (i, 0)),
            pl.BlockSpec((NC, blk, 1), lambda i: (0, i, 0)),
            pl.BlockSpec((1, 1), lambda i: (0, 0)),
        ],
        out_specs=pl.BlockSpec((blk, 1), lambda i: (i, 0)),
        out_shape=jax.ShapeDtypeStruct((n, 1), jnp.float32),
    )(zaggp, sl2, degp, b2)


@jax.jit
def kernel(x, edge_index, W1, b1, W2, b2):
    src = edge_index[0].astype(jnp.int32)
    dst = edge_index[1].astype(jnp.int32)
    e = src.shape[0]
    cap0 = NS * NCHM * CHUNK
    n0 = min(e, cap0)
    cap1 = NS * NCHL * CHUNK

    def section(vals, fill, lo, cap, nch_pad):
        part = vals[lo:lo + cap] if lo < vals.shape[0] else vals[:0]
        pad = cap - part.shape[0]
        part = jnp.concatenate(
            [part, jnp.full((pad,), fill, jnp.int32)]) if pad else part
        part = part.reshape(NS, cap // (NS * CHUNK), CHUNK)
        extra = nch_pad - part.shape[1]
        if extra:
            part = jnp.concatenate(
                [part, jnp.full((NS, extra, CHUNK), fill, jnp.int32)], axis=1)
        return part

    secs = [section(src, 0, 0, cap0, NCHM), section(src, 0, n0, cap1, NCHM)]
    secd = [section(dst, DUMMY, 0, cap0, NCHM),
            section(dst, DUMMY, n0, cap1, NCHM)]
    if FAST_CORE == 1:
        secs.reverse()
        secd.reverse()
    src3 = jnp.concatenate(secs, axis=0)
    dst3 = jnp.concatenate(secd, axis=0)

    dummy_table = jnp.zeros((N_NODES,), jnp.float32)
    degp = _sc_scalar_agg(dummy_table, src3, dst3, gather=False)
    degp3 = degp.reshape(NC, NACC, 1)
    yA, yB = _t1(x, W1, degp3)
    aggA, aggB = _sc_edge_agg(yA, yB, src3, dst3, 128)
    zs, sl2 = _t2(aggA, aggB, yA, yB, degp3, b1.reshape(1, 256),
                  W2[:128], W2[128:])
    zaggp = _sc_scalar_agg(zs.reshape(N_NODES), src3, dst3, gather=True)
    return _t3(zaggp.reshape(NC, NACC, 1), sl2, degp3, b2.reshape(1, 1))

# --- scband reference (transcript-rebuilt; emitter-appended) ---
"""Pipeline reference for scband-net-g-15006615732275 (READ-ONLY COPY).

The authoritative reference and input builder live on the scoring server;
editing this copy changes nothing except your own understanding.
"""

import jax, jax.numpy as jnp
import numpy as np

N_NODES = 10000


def gcn_conv(x, edge_index, W, b):
    # GCNConv with improved=True: A_hat = A + 2I, symmetric normalization
    n = N_NODES
    xw = x @ W
    src = edge_index[0]
    dst = edge_index[1]
    loop = jnp.arange(n, dtype=edge_index.dtype)
    src_a = jnp.concatenate([src, loop])
    dst_a = jnp.concatenate([dst, loop])
    ew = jnp.concatenate([jnp.ones(src.shape[0], dtype=xw.dtype), 2.0 * jnp.ones(n, dtype=xw.dtype)])
    deg = jax.ops.segment_sum(ew, dst_a, num_segments=n)
    deg_inv_sqrt = jnp.where(deg > 0, jax.lax.rsqrt(jnp.where(deg > 0, deg, 1.0)), 0.0)
    norm = deg_inv_sqrt[src_a] * ew * deg_inv_sqrt[dst_a]
    msgs = norm[:, None] * jnp.take(xw, src_a, axis=0)
    out = jax.ops.segment_sum(msgs, dst_a, num_segments=n)
    return out + b


def setup_inputs(seed: int = 0) -> dict:
    key = jax.random.key(seed)
    k1, k2, k3, k4, k5, k6 = jax.random.split(key, 6)
    num_features, dim, num_classes = 256, 256, 1
    x = jax.random.normal(k1, (N_NODES, num_features), dtype=jnp.float32)
    edge_index = jax.random.randint(k2, (2, 160000), 0, N_NODES, dtype=jnp.int64)
    s1 = 1.0 / np.sqrt(num_features)
    W1 = jax.random.uniform(k3, (num_features, dim), jnp.float32, -s1, s1)
    b1 = jnp.zeros((dim,), jnp.float32)
    s2 = 1.0 / np.sqrt(dim)
    W2 = jax.random.uniform(k4, (dim, num_classes), jnp.float32, -s2, s2)
    b2 = jnp.zeros((num_classes,), jnp.float32)
    return {"x": x, "edge_index": edge_index, "W1": W1, "b1": b1, "W2": W2, "b2": b2}


def reference(x, edge_index, W1, b1, W2, b2):
    h = jax.nn.relu(gcn_conv(x, edge_index, W1, b1))
    # dropout p=0.5 is identity in eval mode
    h = gcn_conv(h, edge_index, W2, b2)
    # num_classes == 1 -> sigmoid
    return jax.nn.sigmoid(h)

if __name__ == "__main__":
    import jax
    _d = setup_inputs()
    print(jax.jit(kernel)(*tuple(_d.values())))

</pallas_src>

<mosaic_0001>
#map = affine_map<(d0, d1) -> (0)>
#map1 = affine_map<(d0, d1) -> (0, 0, 0)>
module attributes {stable_mosaic.version = 14 : i64} {
  func.func @body(%arg0: i32, %arg1: i32, %arg2: memref<10000xf32, #tpu.memory_space<hbm>>, %arg3: memref<32x56x128xi32, #tpu.memory_space<hbm>>, %arg4: memref<32x56x128xi32, #tpu.memory_space<hbm>>, %arg5: memref<2x80x128xf32, #tpu.memory_space<hbm>>, %arg6: memref<56x128xi32, #tpu.memory_space<vmem>>, %arg7: memref<56x128xi32, #tpu.memory_space<vmem>>, %arg8: memref<10000xf32, #tpu.memory_space<vmem>>, %arg9: memref<80x128xf32, #tpu.memory_space<vmem>>, %arg10: memref<80xi32, #tpu.memory_space<vmem>>, %arg11: memref<80x128xf32, #tpu.memory_space<vmem_shared>>) attributes {dimension_semantics = [#tpu.dimension_semantics<core_parallel>, #tpu.dimension_semantics<subcore_parallel>], iteration_bounds = array<i64: 2, 16>, scalar_prefetch = 0 : i64, scratch_operands = 6 : i64, tpu.core_type = #tpu.core_type<sc_vector_subcore>, window_params = [{transform_indices = #map}, {transform_indices = #map1}, {transform_indices = #map1}, {transform_indices = #map1}]} {
    %mul3A = arith.constant 16 : i32
    %mul3A_0 = arith.muli %arg0, %mul3A : i32
    %add3A = arith.addi %mul3A_0, %arg1 : i32
    %eq3A = arith.constant 0 : i32
    %eq3A_1 = arith.cmpi eq, %arg0, %eq3A : i32
    %jit3A = arith.constant 56 : i32
    %jit3A_2 = arith.constant 24 : i32
    %select_n3A = arith.select %eq3A_1, %jit3A, %jit3A_2 : i32
    %mul3A_3 = arith.constant 8 : i32
    %mul3A_4 = arith.muli %select_n3A, %mul3A_3 : i32
    "tpu.region"() ({
      %run_scoped3A = tpu.sem_alloc : memref<!tpu.dma_semaphore, #tpu.memory_space<semaphore_mem>>
      %dma_start3A = arith.constant 0 : i32
      %dma_start3A_64 = arith.constant 0 : i32
      %dma_start3A_65 = tpu.memref_slice %arg3[%add3A, %dma_start3A, %dma_start3A_64] : memref<32x56x128xi32, #tpu.memory_space<hbm>> -> memref<1x56x128xi32, #tpu.memory_space<hbm>>
      %dma_start3A_66 = tpu.memref_squeeze %dma_start3A_65 : memref<1x56x128xi32, #tpu.memory_space<hbm>> -> memref<56x128xi32, #tpu.memory_space<hbm>>
      %dma_start3A_67 = arith.constant 0 : i32
      %dma_start3A_68 = arith.constant 0 : i32
      %dma_start3A_69 = tpu.memref_slice %arg3[%add3A, %dma_start3A_67, %dma_start3A_68] : memref<32x56x128xi32, #tpu.memory_space<hbm>> -> memref<1x56x128xi32, #tpu.memory_space<hbm>>
      %dma_start3A_70 = tpu.memref_squeeze %dma_start3A_69 : memref<1x56x128xi32, #tpu.memory_space<hbm>> -> memref<56x128xi32, #tpu.memory_space<hbm>>
      tpu.enqueue_dma source(%dma_start3A_70 : memref<56x128xi32, #tpu.memory_space<hbm>>) target(%arg6 : memref<56x128xi32, #tpu.memory_space<vmem>>) target_semaphore(%run_scoped3A : memref<!tpu.dma_semaphore, #tpu.memory_space<semaphore_mem>>)
      %dma_wait3A = arith.constant 0 : i32
      %dma_wait3A_71 = arith.constant 0 : i32
      %dma_wait3A_72 = tpu.memref_slice %arg3[%add3A, %dma_wait3A, %dma_wait3A_71] : memref<32x56x128xi32, #tpu.memory_space<hbm>> -> memref<1x56x128xi32, #tpu.memory_space<hbm>>
      %dma_wait3A_73 = tpu.memref_squeeze %dma_wait3A_72 : memref<1x56x128xi32, #tpu.memory_space<hbm>> -> memref<56x128xi32, #tpu.memory_space<hbm>>
      %dma_wait3A_74 = arith.constant 0 : i32
      %dma_wait3A_75 = arith.constant 0 : i32
      %dma_wait3A_76 = tpu.memref_slice %arg3[%add3A, %dma_wait3A_74, %dma_wait3A_75] : memref<32x56x128xi32, #tpu.memory_space<hbm>> -> memref<1x56x128xi32, #tpu.memory_space<hbm>>
      %dma_wait3A_77 = tpu.memref_squeeze %dma_wait3A_76 : memref<1x56x128xi32, #tpu.memory_space<hbm>> -> memref<56x128xi32, #tpu.memory_space<hbm>>
      tpu.wait_dma2 semaphore(%run_scoped3A : memref<!tpu.dma_semaphore, #tpu.memory_space<semaphore_mem>>) src(%dma_wait3A_77 : memref<56x128xi32, #tpu.memory_space<hbm>>) dst(%arg6 : memref<56x128xi32, #tpu.memory_space<vmem>>)
      tpu.yield
    }) : () -> ()
    "tpu.region"() ({
      %run_scoped3A = tpu.sem_alloc : memref<!tpu.dma_semaphore, #tpu.memory_space<semaphore_mem>>
      %dma_start3A = arith.constant 0 : i32
      %dma_start3A_64 = arith.constant 0 : i32
      %dma_start3A_65 = tpu.memref_slice %arg4[%add3A, %dma_start3A, %dma_start3A_64] : memref<32x56x128xi32, #tpu.memory_space<hbm>> -> memref<1x56x128xi32, #tpu.memory_space<hbm>>
      %dma_start3A_66 = tpu.memref_squeeze %dma_start3A_65 : memref<1x56x128xi32, #tpu.memory_space<hbm>> -> memref<56x128xi32, #tpu.memory_space<hbm>>
      %dma_start3A_67 = arith.constant 0 : i32
      %dma_start3A_68 = arith.constant 0 : i32
      %dma_start3A_69 = tpu.memref_slice %arg4[%add3A, %dma_start3A_67, %dma_start3A_68] : memref<32x56x128xi32, #tpu.memory_space<hbm>> -> memref<1x56x128xi32, #tpu.memory_space<hbm>>
      %dma_start3A_70 = tpu.memref_squeeze %dma_start3A_69 : memref<1x56x128xi32, #tpu.memory_space<hbm>> -> memref<56x128xi32, #tpu.memory_space<hbm>>
      tpu.enqueue_dma source(%dma_start3A_70 : memref<56x128xi32, #tpu.memory_space<hbm>>) target(%arg7 : memref<56x128xi32, #tpu.memory_space<vmem>>) target_semaphore(%run_scoped3A : memref<!tpu.dma_semaphore, #tpu.memory_space<semaphore_mem>>)
      %dma_wait3A = arith.constant 0 : i32
      %dma_wait3A_71 = arith.constant 0 : i32
      %dma_wait3A_72 = tpu.memref_slice %arg4[%add3A, %dma_wait3A, %dma_wait3A_71] : memref<32x56x128xi32, #tpu.memory_space<hbm>> -> memref<1x56x128xi32, #tpu.memory_space<hbm>>
      %dma_wait3A_73 = tpu.memref_squeeze %dma_wait3A_72 : memref<1x56x128xi32, #tpu.memory_space<hbm>> -> memref<56x128xi32, #tpu.memory_space<hbm>>
      %dma_wait3A_74 = arith.constant 0 : i32
      %dma_wait3A_75 = arith.constant 0 : i32
      %dma_wait3A_76 = tpu.memref_slice %arg4[%add3A, %dma_wait3A_74, %dma_wait3A_75] : memref<32x56x128xi32, #tpu.memory_space<hbm>> -> memref<1x56x128xi32, #tpu.memory_space<hbm>>
      %dma_wait3A_77 = tpu.memref_squeeze %dma_wait3A_76 : memref<1x56x128xi32, #tpu.memory_space<hbm>> -> memref<56x128xi32, #tpu.memory_space<hbm>>
      tpu.wait_dma2 semaphore(%run_scoped3A : memref<!tpu.dma_semaphore, #tpu.memory_space<semaphore_mem>>) src(%dma_wait3A_77 : memref<56x128xi32, #tpu.memory_space<hbm>>) dst(%arg7 : memref<56x128xi32, #tpu.memory_space<vmem>>)
      tpu.yield
    }) : () -> ()
    %iota3A = tpu.iota {dimensions = array<i32: 0>} : vector<16xi32>
    %add3A_5 = arith.constant 0 : i32
    %add3A_6 = vector.broadcast %add3A_5 : i32 to vector<16xi32>
    %add3A_7 = arith.addi %iota3A, %add3A_6 : vector<16xi32>
    %swap3A = arith.constant 0 : index
    %swap3A_8 = tpu.vector_load %arg10[%swap3A] {strides = array<i32>} : memref<80xi32, #tpu.memory_space<vmem>>, vector<16xi32>,
    tpu.vector_store %arg10[%swap3A], %add3A_7 {strides = array<i32>} : memref<80xi32, #tpu.memory_space<vmem>>, vector<16xi32>,
    %iota3A_9 = tpu.iota {dimensions = array<i32: 0>} : vector<16xi32>
    %add3A_10 = arith.constant 16 : i32
    %add3A_11 = vector.broadcast %add3A_10 : i32 to vector<16xi32>
    %add3A_12 = arith.addi %iota3A_9, %add3A_11 : vector<16xi32>
    %swap3A_13 = arith.constant 16 : index
    %swap3A_14 = tpu.vector_load %arg10[%swap3A_13] {strides = array<i32>} : memref<80xi32, #tpu.memory_space<vmem>>, vector<16xi32>,
    tpu.vector_store %arg10[%swap3A_13], %add3A_12 {strides = array<i32>} : memref<80xi32, #tpu.memory_space<vmem>>, vector<16xi32>,
    %iota3A_15 = tpu.iota {dimensions = array<i32: 0>} : vector<16xi32>
    %add3A_16 = arith.constant 32 : i32
    %add3A_17 = vector.broadcast %add3A_16 : i32 to vector<16xi32>
    %add3A_18 = arith.addi %iota3A_15, %add3A_17 : vector<16xi32>
    %swap3A_19 = arith.constant 32 : index
    %swap3A_20 = tpu.vector_load %arg10[%swap3A_19] {strides = array<i32>} : memref<80xi32, #tpu.memory_space<vmem>>, vector<16xi32>,
    tpu.vector_store %arg10[%swap3A_19], %add3A_18 {strides = array<i32>} : memref<80xi32, #tpu.memory_space<vmem>>, vector<16xi32>,
    %iota3A_21 = tpu.iota {dimensions = array<i32: 0>} : vector<16xi32>
    %add3A_22 = arith.constant 48 : i32
    %add3A_23 = vector.broadcast %add3A_22 : i32 to vector<16xi32>
    %add3A_24 = arith.addi %iota3A_21, %add3A_23 : vector<16xi32>
    %swap3A_25 = arith.constant 48 : index
    %swap3A_26 = tpu.vector_load %arg10[%swap3A_25] {strides = array<i32>} : memref<80xi32, #tpu.memory_space<vmem>>, vector<16xi32>,
    tpu.vector_store %arg10[%swap3A_25], %add3A_24 {strides = array<i32>} : memref<80xi32, #tpu.memory_space<vmem>>, vector<16xi32>,
    %iota3A_27 = tpu.iota {dimensions = array<i32: 0>} : vector<16xi32>
    %add3A_28 = arith.constant 64 : i32
    %add3A_29 = vector.broadcast %add3A_28 : i32 to vector<16xi32>
    %add3A_30 = arith.addi %iota3A_27, %add3A_29 : vector<16xi32>
    %swap3A_31 = arith.constant 64 : index
    %swap3A_32 = tpu.vector_load %arg10[%swap3A_31] {strides = array<i32>} : memref<80xi32, #tpu.memory_space<vmem>>, vector<16xi32>,
    tpu.vector_store %arg10[%swap3A_31], %add3A_30 {strides = array<i32>} : memref<80xi32, #tpu.memory_space<vmem>>, vector<16xi32>,
    %broadcast_in_dim3A = arith.constant 0.000000e+00 : f32
    %broadcast_in_dim3A_33 = vector.broadcast %broadcast_in_dim3A : f32 to vector<16xf32>
    %scan3A = arith.constant 0 : i32
    %scan3A_34 = arith.constant 80 : i32
    %scan3A_35 = arith.addi %scan3A, %scan3A_34 : i32
    %scan3A_36 = arith.constant 1 : i32
    scf.for %scan3A_64 = %scan3A to %scan3A_35 step %scan3A_36  : i32 {
      %mul3A_65 = arith.constant 1 : i32
      %mul3A_66 = arith.muli %scan3A_64, %mul3A_65 : i32
      %add3A_67 = arith.constant 0 : i32
      %add3A_68 = arith.addi %add3A_67, %mul3A_66 : i32
      %swap3A_69 = arith.index_cast %add3A_68 : i32 to index
      %swap3A_70 = arith.constant 0 : index
      %swap3A_71 = tpu.vector_load %arg9[%swap3A_69, %swap3A_70] {strides = array<i32>} : memref<80x128xf32, #tpu.memory_space<vmem>>, vector<16xf32>,
      tpu.vector_store %arg9[%swap3A_69, %swap3A_70], %broadcast_in_dim3A_33 {strides = array<i32>} : memref<80x128xf32, #tpu.memory_space<vmem>>, vector<16xf32>,
      %swap3A_72 = arith.index_cast %add3A_68 : i32 to index
      %swap3A_73 = arith.constant 16 : index
      %swap3A_74 = tpu.vector_load %arg9[%swap3A_72, %swap3A_73] {strides = array<i32>} : memref<80x128xf32, #tpu.memory_space<vmem>>, vector<16xf32>,
      tpu.vector_store %arg9[%swap3A_72, %swap3A_73], %broadcast_in_dim3A_33 {strides = array<i32>} : memref<80x128xf32, #tpu.memory_space<vmem>>, vector<16xf32>,
      %swap3A_75 = arith.index_cast %add3A_68 : i32 to index
      %swap3A_76 = arith.constant 32 : index
      %swap3A_77 = tpu.vector_load %arg9[%swap3A_75, %swap3A_76] {strides = array<i32>} : memref<80x128xf32, #tpu.memory_space<vmem>>, vector<16xf32>,
      tpu.vector_store %arg9[%swap3A_75, %swap3A_76], %broadcast_in_dim3A_33 {strides = array<i32>} : memref<80x128xf32, #tpu.memory_space<vmem>>, vector<16xf32>,
      %swap3A_78 = arith.index_cast %add3A_68 : i32 to index
      %swap3A_79 = arith.constant 48 : index
      %swap3A_80 = tpu.vector_load %arg9[%swap3A_78, %swap3A_79] {strides = array<i32>} : memref<80x128xf32, #tpu.memory_space<vmem>>, vector<16xf32>,
      tpu.vector_store %arg9[%swap3A_78, %swap3A_79], %broadcast_in_dim3A_33 {strides = array<i32>} : memref<80x128xf32, #tpu.memory_space<vmem>>, vector<16xf32>,
      %swap3A_81 = arith.index_cast %add3A_68 : i32 to index
      %swap3A_82 = arith.constant 64 : index
      %swap3A_83 = tpu.vector_load %arg9[%swap3A_81, %swap3A_82] {strides = array<i32>} : memref<80x128xf32, #tpu.memory_space<vmem>>, vector<16xf32>,
      tpu.vector_store %arg9[%swap3A_81, %swap3A_82], %broadcast_in_dim3A_33 {strides = array<i32>} : memref<80x128xf32, #tpu.memory_space<vmem>>, vector<16xf32>,
      %swap3A_84 = arith.index_cast %add3A_68 : i32 to index
      %swap3A_85 = arith.constant 80 : index
      %swap3A_86 = tpu.vector_load %arg9[%swap3A_84, %swap3A_85] {strides = array<i32>} : memref<80x128xf32, #tpu.memory_space<vmem>>, vector<16xf32>,
      tpu.vector_store %arg9[%swap3A_84, %swap3A_85], %broadcast_in_dim3A_33 {strides = array<i32>} : memref<80x128xf32, #tpu.memory_space<vmem>>, vector<16xf32>,
      %swap3A_87 = arith.index_cast %add3A_68 : i32 to index
      %swap3A_88 = arith.constant 96 : index
      %swap3A_89 = tpu.vector_load %arg9[%swap3A_87, %swap3A_88] {strides = array<i32>} : memref<80x128xf32, #tpu.memory_space<vmem>>, vector<16xf32>,
      tpu.vector_store %arg9[%swap3A_87, %swap3A_88], %broadcast_in_dim3A_33 {strides = array<i32>} : memref<80x128xf32, #tpu.memory_space<vmem>>, vector<16xf32>,
      %swap3A_90 = arith.index_cast %add3A_68 : i32 to index
      %swap3A_91 = arith.constant 112 : index
      %swap3A_92 = tpu.vector_load %arg9[%swap3A_90, %swap3A_91] {strides = array<i32>} : memref<80x128xf32, #tpu.memory_space<vmem>>, vector<16xf32>,
      tpu.vector_store %arg9[%swap3A_90, %swap3A_91], %broadcast_in_dim3A_33 {strides = array<i32>} : memref<80x128xf32, #tpu.memory_space<vmem>>, vector<16xf32>,
    }
    %scan3A_37 = arith.constant 80 : i32
    %lt3A = arith.constant 10 : i32
    %lt3A_38 = arith.cmpi slt, %arg1, %lt3A : i32
    %convert_element_type3A = arith.extui %lt3A_38 : i1 to i32
    %cond3A = arith.constant 0 : i32
    %cond3A_39 = arith.cmpi ne, %convert_element_type3A, %cond3A : i32
    scf.if %cond3A_39 {
      %mul3A_64 = arith.constant 8 : i32
      %mul3A_65 = arith.muli %arg1, %mul3A_64 : i32
      %mul3A_66 = arith.constant 8 : i32
      %mul3A_67 = arith.muli %arg1, %mul3A_66 : i32
      "tpu.region"() ({
        %run_scoped3A = tpu.sem_alloc : memref<!tpu.dma_semaphore, #tpu.memory_space<semaphore_mem>>
        %dma_start3A = arith.constant 0 : i32
        %dma_start3A_68 = tpu.memref_slice %arg9[%mul3A_65, %dma_start3A] : memref<80x128xf32, #tpu.memory_space<vmem>> -> memref<8x128xf32, #tpu.memory_space<vmem>>
        %dma_start3A_69 = arith.constant 0 : i32
        %dma_start3A_70 = tpu.memref_slice %arg11[%mul3A_67, %dma_start3A_69] : memref<80x128xf32, #tpu.memory_space<vmem_shared>> -> memref<8x128xf32, #tpu.memory_space<vmem_shared>>
        %dma_start3A_71 = arith.constant 0 : i32
        %dma_start3A_72 = tpu.memref_slice %arg11[%mul3A_67, %dma_start3A_71] : memref<80x128xf32, #tpu.memory_space<vmem_shared>> -> memref<8x128xf32, #tpu.memory_space<vmem_shared>>
        %dma_start3A_73 = arith.constant 0 : i32
        %dma_start3A_74 = tpu.memref_slice %arg9[%mul3A_65, %dma_start3A_73] : memref<80x128xf32, #tpu.memory_space<vmem>> -> memref<8x128xf32, #tpu.memory_space<vmem>>
        tpu.enqueue_dma source(%dma_start3A_74 : memref<8x128xf32, #tpu.memory_space<vmem>>) target(%dma_start3A_72 : memref<8x128xf32, #tpu.memory_space<vmem_shared>>) target_semaphore(%run_scoped3A : memref<!tpu.dma_semaphore, #tpu.memory_space<semaphore_mem>>)
        %dma_wait3A = arith.constant 0 : i32
        %dma_wait3A_75 = tpu.memref_slice %arg9[%mul3A_65, %dma_wait3A] : memref<80x128xf32, #tpu.memory_space<vmem>> -> memref<8x128xf32, #tpu.memory_space<vmem>>
        %dma_wait3A_76 = arith.constant 0 : i32
        %dma_wait3A_77 = tpu.memref_slice %arg11[%mul3A_67, %dma_wait3A_76] : memref<80x128xf32, #tpu.memory_space<vmem_shared>> -> memref<8x128xf32, #tpu.memory_space<vmem_shared>>
        %dma_wait3A_78 = arith.constant 0 : i32
        %dma_wait3A_79 = tpu.memref_slice %arg11[%mul3A_67, %dma_wait3A_78] : memref<80x128xf32, #tpu.memory_space<vmem_shared>> -> memref<8x128xf32, #tpu.memory_space<vmem_shared>>
        %dma_wait3A_80 = arith.constant 0 : i32
        %dma_wait3A_81 = tpu.memref_slice %arg9[%mul3A_65, %dma_wait3A_80] : memref<80x128xf32, #tpu.memory_space<vmem>> -> memref<8x128xf32, #tpu.memory_space<vmem>>
        tpu.wait_dma2 semaphore(%run_scoped3A : memref<!tpu.dma_semaphore, #tpu.memory_space<semaphore_mem>>) src(%dma_wait3A_81 : memref<8x128xf32, #tpu.memory_space<vmem>>) dst(%dma_wait3A_79 : memref<8x128xf32, #tpu.memory_space<vmem_shared>>)
        tpu.yield
      }) : () -> ()
    } else {
    }
    %barrier3A = arith.constant 0 : index
    tpu.barrier barrier_id(%barrier3A)
    %broadcast_in_dim3A_40 = arith.constant 1.000000e+00 : f32
    %broadcast_in_dim3A_41 = vector.broadcast %broadcast_in_dim3A_40 : f32 to vector<16xf32>
    %sub3A = arith.constant 0 : i32
    %sub3A_42 = arith.subi %mul3A_4, %sub3A : i32
    %sub3A_43 = arith.constant 1 : i32
    %sub3A_44 = arith.constant 1 : i32
    %sub3A_45 = arith.subi %sub3A_43, %sub3A_44 : i32
    %add3A_46 = arith.addi %sub3A_42, %sub3A_45 : i32
    %div3A = arith.constant 1 : i32
    %div3A_47 = arith.divsi %add3A_46, %div3A : i32
    %while3A = arith.constant 1 : i32
    %while3A_48 = arith.constant 0 : i32
    %while3A_49 = arith.constant 0 : i32
    %while3A_50 = arith.subi %div3A_47, %while3A_49 : i32
    %while3A_51 = arith.addi %while3A_49, %while3A_50 : i32
    %while3A_52 = arith.constant 1 : i32
    %while3A_53 = arith.divsi %while3A_50, %while3A_52 : i32
    %while3A_54 = arith.muli %while3A_53, %while3A_52 : i32
    %while3A_55 = arith.addi %while3A_49, %while3A_54 : i32
    %while3A_56 = arith.constant 1 : i32
    scf.for %while3A_64 = %while3A_49 to %while3A_55 step %while3A_56  : i32 {
      %mul3A_65 = arith.muli %while3A_64, %while3A : i32
      %add3A_66 = arith.addi %while3A_48, %mul3A_65 : i32
      %jit3A_67 = arith.constant 8 : i32
      %div3A_68 = arith.divsi %add3A_66, %jit3A_67 : i32
      %sign3A = arith.constant 0 : i32
      %sign3A_69 = arith.cmpi sgt, %add3A_66, %sign3A : i32
      %sign3A_70 = arith.extui %sign3A_69 : i1 to i32
      %sign3A_71 = arith.constant 0 : i32
      %sign3A_72 = arith.cmpi slt, %add3A_66, %sign3A_71 : i32
      %sign3A_73 = arith.extui %sign3A_72 : i1 to i32
      %sign3A_74 = arith.subi %sign3A_70, %sign3A_73 : i32
      %sign3A_75 = arith.constant 0 : i32
      %sign3A_76 = arith.cmpi sgt, %jit3A_67, %sign3A_75 : i32
      %sign3A_77 = arith.extui %sign3A_76 : i1 to i32
      %sign3A_78 = arith.constant 0 : i32
      %sign3A_79 = arith.cmpi slt, %jit3A_67, %sign3A_78 : i32
      %sign3A_80 = arith.extui %sign3A_79 : i1 to i32
      %sign3A_81 = arith.subi %sign3A_77, %sign3A_80 : i32
      %ne3A = arith.cmpi ne, %sign3A_74, %sign3A_81 : i32
      %rem3A = arith.remsi %add3A_66, %jit3A_67 : i32
      %ne3A_82 = arith.constant 0 : i32
      %ne3A_83 = arith.cmpi ne, %rem3A, %ne3A_82 : i32
      %and3A = arith.andi %ne3A, %ne3A_83 : i1
      %sub3A_84 = arith.constant 1 : i32
      %sub3A_85 = arith.subi %div3A_68, %sub3A_84 : i32
      %select_n3A_86 = arith.select %and3A, %sub3A_85, %div3A_68 : i32
      %jit3A_87 = arith.constant 8 : i32
      %eq3A_88 = arith.constant 0 : i32
      %eq3A_89 = arith.cmpi eq, %jit3A_87, %eq3A_88 : i32
      %jit3A_90 = arith.constant 1 : i32
      %select_n3A_91 = arith.select %eq3A_89, %jit3A_90, %jit3A_87 : i32
      %rem3A_92 = arith.remsi %add3A_66, %select_n3A_91 : i32
      %ne3A_93 = arith.constant 0 : i32
      %ne3A_94 = arith.cmpi ne, %rem3A_92, %ne3A_93 : i32
      %lt3A_95 = arith.constant 0 : i32
      %lt3A_96 = arith.cmpi slt, %rem3A_92, %lt3A_95 : i32
      %lt3A_97 = arith.constant 0 : i32
      %lt3A_98 = arith.cmpi slt, %select_n3A_91, %lt3A_97 : i32
      %ne3A_99 = arith.xori %lt3A_96, %lt3A_98 : i1
      %and3A_100 = arith.andi %ne3A_99, %ne3A_94 : i1
      %add3A_101 = arith.addi %rem3A_92, %select_n3A_91 : i32
      %select_n3A_102 = arith.select %and3A_100, %add3A_101, %rem3A_92 : i32
      %mul3A_103 = arith.constant 16 : i32
      %mul3A_104 = arith.muli %select_n3A_102, %mul3A_103 : i32
      %get3A = arith.index_cast %select_n3A_86 : i32 to index
      %get3A_105 = arith.index_cast %mul3A_104 : i32 to index
      %get3A_106 = tpu.vector_load %arg7[%get3A, %get3A_105] {strides = array<i32>} : memref<56x128xi32, #tpu.memory_space<vmem>>, vector<16xi32>,
      %jit3A_107 = arith.constant 128 : i32
      %div3A_108 = vector.broadcast %jit3A_107 : i32 to vector<16xi32>
      %div3A_109 = arith.divsi %get3A_106, %div3A_108 : vector<16xi32>
      %sign3A_110 = arith.constant 0 : i32
      %sign3A_111 = vector.broadcast %sign3A_110 : i32 to vector<16xi32>
      %sign3A_112 = arith.cmpi sgt, %get3A_106, %sign3A_111 : vector<16xi32>
      %sign3A_113 = arith.extui %sign3A_112 : vector<16xi1> to vector<16xi32>
      %sign3A_114 = arith.constant 0 : i32
      %sign3A_115 = vector.broadcast %sign3A_114 : i32 to vector<16xi32>
      %sign3A_116 = arith.cmpi slt, %get3A_106, %sign3A_115 : vector<16xi32>
      %sign3A_117 = arith.extui %sign3A_116 : vector<16xi1> to vector<16xi32>
      %sign3A_118 = arith.subi %sign3A_113, %sign3A_117 : vector<16xi32>
      %sign3A_119 = arith.constant 0 : i32
      %sign3A_120 = arith.cmpi sgt, %jit3A_107, %sign3A_119 : i32
      %sign3A_121 = arith.extui %sign3A_120 : i1 to i32
      %sign3A_122 = arith.constant 0 : i32
      %sign3A_123 = arith.cmpi slt, %jit3A_107, %sign3A_122 : i32
      %sign3A_124 = arith.extui %sign3A_123 : i1 to i32
      %sign3A_125 = arith.subi %sign3A_121, %sign3A_124 : i32
      %ne3A_126 = vector.broadcast %sign3A_125 : i32 to vector<16xi32>
      %ne3A_127 = arith.cmpi ne, %sign3A_118, %ne3A_126 : vector<16xi32>
      %rem3A_128 = vector.broadcast %jit3A_107 : i32 to vector<16xi32>
      %rem3A_129 = arith.remsi %get3A_106, %rem3A_128 : vector<16xi32>
      %ne3A_130 = arith.constant 0 : i32
      %ne3A_131 = vector.broadcast %ne3A_130 : i32 to vector<16xi32>
      %ne3A_132 = arith.cmpi ne, %rem3A_129, %ne3A_131 : vector<16xi32>
      %and3A_133 = arith.andi %ne3A_127, %ne3A_132 : vector<16xi1>
      %sub3A_134 = arith.constant 1 : i32
      %sub3A_135 = vector.broadcast %sub3A_134 : i32 to vector<16xi32>
      %sub3A_136 = arith.subi %div3A_109, %sub3A_135 : vector<16xi32>
      %select_n3A_137 = arith.select %and3A_133, %sub3A_136, %div3A_109 : vector<16xi1>, vector<16xi32>
      %jit3A_138 = arith.constant 128 : i32
      %eq3A_139 = arith.constant 0 : i32
      %eq3A_140 = arith.cmpi eq, %jit3A_138, %eq3A_139 : i32
      %jit3A_141 = arith.constant 1 : i32
      %select_n3A_142 = arith.select %eq3A_140, %jit3A_141, %jit3A_138 : i32
      %rem3A_143 = vector.broadcast %select_n3A_142 : i32 to vector<16xi32>
      %rem3A_144 = arith.remsi %get3A_106, %rem3A_143 : vector<16xi32>
      %ne3A_145 = arith.constant 0 : i32
      %ne3A_146 = vector.broadcast %ne3A_145 : i32 to vector<16xi32>
      %ne3A_147 = arith.cmpi ne, %rem3A_144, %ne3A_146 : vector<16xi32>
      %lt3A_148 = arith.constant 0 : i32
      %lt3A_149 = vector.broadcast %lt3A_148 : i32 to vector<16xi32>
      %lt3A_150 = arith.cmpi slt, %rem3A_144, %lt3A_149 : vector<16xi32>
      %lt3A_151 = arith.constant 0 : i32
      %lt3A_152 = arith.cmpi slt, %select_n3A_142, %lt3A_151 : i32
      %ne3A_153 = vector.broadcast %lt3A_152 : i1 to vector<16xi1>
      %ne3A_154 = vector.broadcast %ne3A_153 : vector<16xi1> to vector<16xi1>
      %ne3A_155 = arith.xori %lt3A_150, %ne3A_154 : vector<16xi1>
      %and3A_156 = arith.andi %ne3A_155, %ne3A_147 : vector<16xi1>
      %add3A_157 = vector.broadcast %select_n3A_142 : i32 to vector<16xi32>
      %add3A_158 = arith.addi %rem3A_144, %add3A_157 : vector<16xi32>
      %select_n3A_159 = arith.select %and3A_156, %add3A_158, %rem3A_144 : vector<16xi1>, vector<16xi32>
      tpu.vector_store_idx %arg9[%select_n3A_137, %select_n3A_159], %broadcast_in_dim3A_41 {add = true} : memref<80x128xf32, #tpu.memory_space<vmem>>[vector<16xi32>, vector<16xi32>], vector<16xf32>,
    }
    %while3A_57 = arith.constant 1 : i32
    scf.for %while3A_64 = %while3A_55 to %while3A_51 step %while3A_57  : i32 {
      %mul3A_65 = arith.muli %while3A_64, %while3A : i32
      %add3A_66 = arith.addi %while3A_48, %mul3A_65 : i32
      %jit3A_67 = arith.constant 8 : i32
      %div3A_68 = arith.divsi %add3A_66, %jit3A_67 : i32
      %sign3A = arith.constant 0 : i32
      %sign3A_69 = arith.cmpi sgt, %add3A_66, %sign3A : i32
      %sign3A_70 = arith.extui %sign3A_69 : i1 to i32
      %sign3A_71 = arith.constant 0 : i32
      %sign3A_72 = arith.cmpi slt, %add3A_66, %sign3A_71 : i32
      %sign3A_73 = arith.extui %sign3A_72 : i1 to i32
      %sign3A_74 = arith.subi %sign3A_70, %sign3A_73 : i32
      %sign3A_75 = arith.constant 0 : i32
      %sign3A_76 = arith.cmpi sgt, %jit3A_67, %sign3A_75 : i32
      %sign3A_77 = arith.extui %sign3A_76 : i1 to i32
      %sign3A_78 = arith.constant 0 : i32
      %sign3A_79 = arith.cmpi slt, %jit3A_67, %sign3A_78 : i32
      %sign3A_80 = arith.extui %sign3A_79 : i1 to i32
      %sign3A_81 = arith.subi %sign3A_77, %sign3A_80 : i32
      %ne3A = arith.cmpi ne, %sign3A_74, %sign3A_81 : i32
      %rem3A = arith.remsi %add3A_66, %jit3A_67 : i32
      %ne3A_82 = arith.constant 0 : i32
      %ne3A_83 = arith.cmpi ne, %rem3A, %ne3A_82 : i32
      %and3A = arith.andi %ne3A, %ne3A_83 : i1
      %sub3A_84 = arith.constant 1 : i32
      %sub3A_85 = arith.subi %div3A_68, %sub3A_84 : i32
      %select_n3A_86 = arith.select %and3A, %sub3A_85, %div3A_68 : i32
      %jit3A_87 = arith.constant 8 : i32
      %eq3A_88 = arith.constant 0 : i32
      %eq3A_89 = arith.cmpi eq, %jit3A_87, %eq3A_88 : i32
      %jit3A_90 = arith.constant 1 : i32
      %select_n3A_91 = arith.select %eq3A_89, %jit3A_90, %jit3A_87 : i32
      %rem3A_92 = arith.remsi %add3A_66, %select_n3A_91 : i32
      %ne3A_93 = arith.constant 0 : i32
      %ne3A_94 = arith.cmpi ne, %rem3A_92, %ne3A_93 : i32
      %lt3A_95 = arith.constant 0 : i32
      %lt3A_96 = arith.cmpi slt, %rem3A_92, %lt3A_95 : i32
      %lt3A_97 = arith.constant 0 : i32
      %lt3A_98 = arith.cmpi slt, %select_n3A_91, %lt3A_97 : i32
      %ne3A_99 = arith.xori %lt3A_96, %lt3A_98 : i1
      %and3A_100 = arith.andi %ne3A_99, %ne3A_94 : i1
      %add3A_101 = arith.addi %rem3A_92, %select_n3A_91 : i32
      %select_n3A_102 = arith.select %and3A_100, %add3A_101, %rem3A_92 : i32
      %mul3A_103 = arith.constant 16 : i32
      %mul3A_104 = arith.muli %select_n3A_102, %mul3A_103 : i32
      %get3A = arith.index_cast %select_n3A_86 : i32 to index
      %get3A_105 = arith.index_cast %mul3A_104 : i32 to index
      %get3A_106 = tpu.vector_load %arg7[%get3A, %get3A_105] {strides = array<i32>} : memref<56x128xi32, #tpu.memory_space<vmem>>, vector<16xi32>,
      %jit3A_107 = arith.constant 128 : i32
      %div3A_108 = vector.broadcast %jit3A_107 : i32 to vector<16xi32>
      %div3A_109 = arith.divsi %get3A_106, %div3A_108 : vector<16xi32>
      %sign3A_110 = arith.constant 0 : i32
      %sign3A_111 = vector.broadcast %sign3A_110 : i32 to vector<16xi32>
      %sign3A_112 = arith.cmpi sgt, %get3A_106, %sign3A_111 : vector<16xi32>
      %sign3A_113 = arith.extui %sign3A_112 : vector<16xi1> to vector<16xi32>
      %sign3A_114 = arith.constant 0 : i32
      %sign3A_115 = vector.broadcast %sign3A_114 : i32 to vector<16xi32>
      %sign3A_116 = arith.cmpi slt, %get3A_106, %sign3A_115 : vector<16xi32>
      %sign3A_117 = arith.extui %sign3A_116 : vector<16xi1> to vector<16xi32>
      %sign3A_118 = arith.subi %sign3A_113, %sign3A_117 : vector<16xi32>
      %sign3A_119 = arith.constant 0 : i32
      %sign3A_120 = arith.cmpi sgt, %jit3A_107, %sign3A_119 : i32
      %sign3A_121 = arith.extui %sign3A_120 : i1 to i32
      %sign3A_122 = arith.constant 0 : i32
      %sign3A_123 = arith.cmpi slt, %jit3A_107, %sign3A_122 : i32
      %sign3A_124 = arith.extui %sign3A_123 : i1 to i32
      %sign3A_125 = arith.subi %sign3A_121, %sign3A_124 : i32
      %ne3A_126 = vector.broadcast %sign3A_125 : i32 to vector<16xi32>
      %ne3A_127 = arith.cmpi ne, %sign3A_118, %ne3A_126 : vector<16xi32>
      %rem3A_128 = vector.broadcast %jit3A_107 : i32 to vector<16xi32>
      %rem3A_129 = arith.remsi %get3A_106, %rem3A_128 : vector<16xi32>
      %ne3A_130 = arith.constant 0 : i32
      %ne3A_131 = vector.broadcast %ne3A_130 : i32 to vector<16xi32>
      %ne3A_132 = arith.cmpi ne, %rem3A_129, %ne3A_131 : vector<16xi32>
      %and3A_133 = arith.andi %ne3A_127, %ne3A_132 : vector<16xi1>
      %sub3A_134 = arith.constant 1 : i32
      %sub3A_135 = vector.broadcast %sub3A_134 : i32 to vector<16xi32>
      %sub3A_136 = arith.subi %div3A_109, %sub3A_135 : vector<16xi32>
      %select_n3A_137 = arith.select %and3A_133, %sub3A_136, %div3A_109 : vector<16xi1>, vector<16xi32>
      %jit3A_138 = arith.constant 128 : i32
      %eq3A_139 = arith.constant 0 : i32
      %eq3A_140 = arith.cmpi eq, %jit3A_138, %eq3A_139 : i32
      %jit3A_141 = arith.constant 1 : i32
      %select_n3A_142 = arith.select %eq3A_140, %jit3A_141, %jit3A_138 : i32
      %rem3A_143 = vector.broadcast %select_n3A_142 : i32 to vector<16xi32>
      %rem3A_144 = arith.remsi %get3A_106, %rem3A_143 : vector<16xi32>
      %ne3A_145 = arith.constant 0 : i32
      %ne3A_146 = vector.broadcast %ne3A_145 : i32 to vector<16xi32>
      %ne3A_147 = arith.cmpi ne, %rem3A_144, %ne3A_146 : vector<16xi32>
      %lt3A_148 = arith.constant 0 : i32
      %lt3A_149 = vector.broadcast %lt3A_148 : i32 to vector<16xi32>
      %lt3A_150 = arith.cmpi slt, %rem3A_144, %lt3A_149 : vector<16xi32>
      %lt3A_151 = arith.constant 0 : i32
      %lt3A_152 = arith.cmpi slt, %select_n3A_142, %lt3A_151 : i32
      %ne3A_153 = vector.broadcast %lt3A_152 : i1 to vector<16xi1>
      %ne3A_154 = vector.broadcast %ne3A_153 : vector<16xi1> to vector<16xi1>
      %ne3A_155 = arith.xori %lt3A_150, %ne3A_154 : vector<16xi1>
      %and3A_156 = arith.andi %ne3A_155, %ne3A_147 : vector<16xi1>
      %add3A_157 = vector.broadcast %select_n3A_142 : i32 to vector<16xi32>
      %add3A_158 = arith.addi %rem3A_144, %add3A_157 : vector<16xi32>
      %select_n3A_159 = arith.select %and3A_156, %add3A_158, %rem3A_144 : vector<16xi1>, vector<16xi32>
      tpu.vector_store_idx %arg9[%select_n3A_137, %select_n3A_159], %broadcast_in_dim3A_41 {add = true} : memref<80x128xf32, #tpu.memory_space<vmem>>[vector<16xi32>, vector<16xi32>], vector<16xf32>,
    }
    "tpu.region"() ({
      %run_scoped3A = tpu.sem_alloc : memref<!tpu.dma_semaphore, #tpu.memory_space<semaphore_mem>>
      %dma_start3A = arith.constant 0 : i32
      %dma_start3A_64 = arith.constant 0 : i32
      %dma_start3A_65 = tpu.memref_slice %arg11[%dma_start3A, %dma_start3A_64] : memref<80x128xf32, #tpu.memory_space<vmem_shared>> -> memref<80x128xf32, #tpu.memory_space<vmem_shared>>
      tpu.enqueue_indirect_dma source(%arg9 : memref<80x128xf32, #tpu.memory_space<vmem>>) target(%dma_start3A_65 : memref<80x128xf32, #tpu.memory_space<vmem_shared>>) offsets(%arg10 : memref<80xi32, #tpu.memory_space<vmem>>) semaphore(%run_scoped3A : memref<!tpu.dma_semaphore, #tpu.memory_space<semaphore_mem>>) {add = true}
      %dma_wait3A = arith.constant 0 : i32
      %dma_wait3A_66 = arith.constant 0 : i32
      %dma_wait3A_67 = tpu.memref_slice %arg11[%dma_wait3A, %dma_wait3A_66] : memref<80x128xf32, #tpu.memory_space<vmem_shared>> -> memref<80x128xf32, #tpu.memory_space<vmem_shared>>
      tpu.wait_indirect_dma semaphore(%run_scoped3A : memref<!tpu.dma_semaphore, #tpu.memory_space<semaphore_mem>>) src(%arg9 : memref<80x128xf32, #tpu.memory_space<vmem>>) dst(%dma_wait3A_67 : memref<80x128xf32, #tpu.memory_space<vmem_shared>>)
      tpu.yield
    }) : () -> ()
    %barrier3A_58 = arith.constant 0 : index
    tpu.barrier barrier_id(%barrier3A_58)
    %lt3A_59 = arith.constant 10 : i32
    %lt3A_60 = arith.cmpi slt, %arg1, %lt3A_59 : i32
    %convert_element_type3A_61 = arith.extui %lt3A_60 : i1 to i32
    %cond3A_62 = arith.constant 0 : i32
    %cond3A_63 = arith.cmpi ne, %convert_element_type3A_61, %cond3A_62 : i32
    scf.if %cond3A_63 {
      %mul3A_64 = arith.constant 8 : i32
      %mul3A_65 = arith.muli %arg1, %mul3A_64 : i32
      "tpu.region"() ({
        %run_scoped3A = tpu.sem_alloc : memref<!tpu.dma_semaphore, #tpu.memory_space<semaphore_mem>>
        %dma_start3A = arith.constant 0 : i32
        %dma_start3A_68 = arith.constant 0 : i32
        %dma_start3A_69 = tpu.memref_slice %arg9[%dma_start3A, %dma_start3A_68] : memref<80x128xf32, #tpu.memory_space<vmem>> -> memref<8x128xf32, #tpu.memory_space<vmem>>
        %dma_start3A_70 = arith.constant 0 : i32
        %dma_start3A_71 = tpu.memref_slice %arg11[%mul3A_65, %dma_start3A_70] : memref<80x128xf32, #tpu.memory_space<vmem_shared>> -> memref<8x128xf32, #tpu.memory_space<vmem_shared>>
        %dma_start3A_72 = arith.constant 0 : i32
        %dma_start3A_73 = arith.constant 0 : i32
        %dma_start3A_74 = tpu.memref_slice %arg9[%dma_start3A_72, %dma_start3A_73] : memref<80x128xf32, #tpu.memory_space<vmem>> -> memref<8x128xf32, #tpu.memory_space<vmem>>
        %dma_start3A_75 = arith.constant 0 : i32
        %dma_start3A_76 = tpu.memref_slice %arg11[%mul3A_65, %dma_start3A_75] : memref<80x128xf32, #tpu.memory_space<vmem_shared>> -> memref<8x128xf32, #tpu.memory_space<vmem_shared>>
        tpu.enqueue_dma source(%dma_start3A_76 : memref<8x128xf32, #tpu.memory_space<vmem_shared>>) target(%dma_start3A_74 : memref<8x128xf32, #tpu.memory_space<vmem>>) target_semaphore(%run_scoped3A : memref<!tpu.dma_semaphore, #tpu.memory_space<semaphore_mem>>)
        %dma_wait3A = arith.constant 0 : i32
        %dma_wait3A_77 = arith.constant 0 : i32
        %dma_wait3A_78 = tpu.memref_slice %arg9[%dma_wait3A, %dma_wait3A_77] : memref<80x128xf32, #tpu.memory_space<vmem>> -> memref<8x128xf32, #tpu.memory_space<vmem>>
        %dma_wait3A_79 = arith.constant 0 : i32
        %dma_wait3A_80 = tpu.memref_slice %arg11[%mul3A_65, %dma_wait3A_79] : memref<80x128xf32, #tpu.memory_space<vmem_shared>> -> memref<8x128xf32, #tpu.memory_space<vmem_shared>>
        %dma_wait3A_81 = arith.constant 0 : i32
        %dma_wait3A_82 = arith.constant 0 : i32
        %dma_wait3A_83 = tpu.memref_slice %arg9[%dma_wait3A_81, %dma_wait3A_82] : memref<80x128xf32, #tpu.memory_space<vmem>> -> memref<8x128xf32, #tpu.memory_space<vmem>>
        %dma_wait3A_84 = arith.constant 0 : i32
        %dma_wait3A_85 = tpu.memref_slice %arg11[%mul3A_65, %dma_wait3A_84] : memref<80x128xf32, #tpu.memory_space<vmem_shared>> -> memref<8x128xf32, #tpu.memory_space<vmem_shared>>
        tpu.wait_dma2 semaphore(%run_scoped3A : memref<!tpu.dma_semaphore, #tpu.memory_space<semaphore_mem>>) src(%dma_wait3A_85 : memref<8x128xf32, #tpu.memory_space<vmem_shared>>) dst(%dma_wait3A_83 : memref<8x128xf32, #tpu.memory_space<vmem>>)
        tpu.yield
      }) : () -> ()
      %mul3A_66 = arith.constant 8 : i32
      %mul3A_67 = arith.muli %arg1, %mul3A_66 : i32
      "tpu.region"() ({
        %run_scoped3A = tpu.sem_alloc : memref<!tpu.dma_semaphore, #tpu.memory_space<semaphore_mem>>
        %dma_start3A = arith.constant 0 : i32
        %dma_start3A_68 = arith.constant 0 : i32
        %dma_start3A_69 = tpu.memref_slice %arg9[%dma_start3A, %dma_start3A_68] : memref<80x128xf32, #tpu.memory_space<vmem>> -> memref<8x128xf32, #tpu.memory_space<vmem>>
        %dma_start3A_70 = arith.constant 0 : i32
        %dma_start3A_71 = arith.constant 0 : i32
        %dma_start3A_72 = tpu.memref_slice %arg5[%arg0, %dma_start3A_70, %dma_start3A_71] : memref<2x80x128xf32, #tpu.memory_space<hbm>> -> memref<1x80x128xf32, #tpu.memory_space<hbm>>
        %dma_start3A_73 = tpu.memref_squeeze %dma_start3A_72 : memref<1x80x128xf32, #tpu.memory_space<hbm>> -> memref<80x128xf32, #tpu.memory_space<hbm>>
        %dma_start3A_74 = arith.constant 0 : i32
        %dma_start3A_75 = tpu.memref_slice %dma_start3A_73[%mul3A_67, %dma_start3A_74] : memref<80x128xf32, #tpu.memory_space<hbm>> -> memref<8x128xf32, #tpu.memory_space<hbm>>
        %dma_start3A_76 = arith.constant 0 : i32
        %dma_start3A_77 = arith.constant 0 : i32
        %dma_start3A_78 = tpu.memref_slice %arg5[%arg0, %dma_start3A_76, %dma_start3A_77] : memref<2x80x128xf32, #tpu.memory_space<hbm>> -> memref<1x80x128xf32, #tpu.memory_space<hbm>>
        %dma_start3A_79 = tpu.memref_squeeze %dma_start3A_78 : memref<1x80x128xf32, #tpu.memory_space<hbm>> -> memref<80x128xf32, #tpu.memory_space<hbm>>
        %dma_start3A_80 = arith.constant 0 : i32
        %dma_start3A_81 = tpu.memref_slice %dma_start3A_79[%mul3A_67, %dma_start3A_80] : memref<80x128xf32, #tpu.memory_space<hbm>> -> memref<8x128xf32, #tpu.memory_space<hbm>>
        %dma_start3A_82 = arith.constant 0 : i32
        %dma_start3A_83 = arith.constant 0 : i32
        %dma_start3A_84 = tpu.memref_slice %arg9[%dma_start3A_82, %dma_start3A_83] : memref<80x128xf32, #tpu.memory_space<vmem>> -> memref<8x128xf32, #tpu.memory_space<vmem>>
        tpu.enqueue_dma source(%dma_start3A_84 : memref<8x128xf32, #tpu.memory_space<vmem>>) target(%dma_start3A_81 : memref<8x128xf32, #tpu.memory_space<hbm>>) target_semaphore(%run_scoped3A : memref<!tpu.dma_semaphore, #tpu.memory_space<semaphore_mem>>)
        %dma_wait3A = arith.constant 0 : i32
        %dma_wait3A_85 = arith.constant 0 : i32
        %dma_wait3A_86 = tpu.memref_slice %arg9[%dma_wait3A, %dma_wait3A_85] : memref<80x128xf32, #tpu.memory_space<vmem>> -> memref<8x128xf32, #tpu.memory_space<vmem>>
        %dma_wait3A_87 = arith.constant 0 : i32
        %dma_wait3A_88 = arith.constant 0 : i32
        %dma_wait3A_89 = tpu.memref_slice %arg5[%arg0, %dma_wait3A_87, %dma_wait3A_88] : memref<2x80x128xf32, #tpu.memory_space<hbm>> -> memref<1x80x128xf32, #tpu.memory_space<hbm>>
        %dma_wait3A_90 = tpu.memref_squeeze %dma_wait3A_89 : memref<1x80x128xf32, #tpu.memory_space<hbm>> -> memref<80x128xf32, #tpu.memory_space<hbm>>
        %dma_wait3A_91 = arith.constant 0 : i32
        %dma_wait3A_92 = tpu.memref_slice %dma_wait3A_90[%mul3A_67, %dma_wait3A_91] : memref<80x128xf32, #tpu.memory_space<hbm>> -> memref<8x128xf32, #tpu.memory_space<hbm>>
        %dma_wait3A_93 = arith.constant 0 : i32
        %dma_wait3A_94 = arith.constant 0 : i32
        %dma_wait3A_95 = tpu.memref_slice %arg5[%arg0, %dma_wait3A_93, %dma_wait3A_94] : memref<2x80x128xf32, #tpu.memory_space<hbm>> -> memref<1x80x128xf32, #tpu.memory_space<hbm>>
        %dma_wait3A_96 = tpu.memref_squeeze %dma_wait3A_95 : memref<1x80x128xf32, #tpu.memory_space<hbm>> -> memref<80x128xf32, #tpu.memory_space<hbm>>
        %dma_wait3A_97 = arith.constant 0 : i32
        %dma_wait3A_98 = tpu.memref_slice %dma_wait3A_96[%mul3A_67, %dma_wait3A_97] : memref<80x128xf32, #tpu.memory_space<hbm>> -> memref<8x128xf32, #tpu.memory_space<hbm>>
        %dma_wait3A_99 = arith.constant 0 : i32
        %dma_wait3A_100 = arith.constant 0 : i32
        %dma_wait3A_101 = tpu.memref_slice %arg9[%dma_wait3A_99, %dma_wait3A_100] : memref<80x128xf32, #tpu.memory_space<vmem>> -> memref<8x128xf32, #tpu.memory_space<vmem>>
        tpu.wait_dma2 semaphore(%run_scoped3A : memref<!tpu.dma_semaphore, #tpu.memory_space<semaphore_mem>>) src(%dma_wait3A_101 : memref<8x128xf32, #tpu.memory_space<vmem>>) dst(%dma_wait3A_98 : memref<8x128xf32, #tpu.memory_space<hbm>>)
        tpu.yield
      }) : () -> ()
    } else {
    }
    return
  }
}

#map = affine_map<(d0, d1) -> (0)>
#map1 = affine_map<(d0, d1) -> (0, 0, 0)>
module attributes {stable_mosaic.version = 14 : i64} {
  func.func @body(%arg0: i32, %arg1: i32, %arg2: memref<10000xf32, #tpu.memory_space<hbm>>, %arg3: memref<32x56x128xi32, #tpu.memory_space<hbm>>, %arg4: memref<32x56x128xi32, #tpu.memory_space<hbm>>, %arg5: memref<2x80x128xf32, #tpu.memory_space<hbm>>, %arg6: memref<56x128xi32, #tpu.memory_space<vmem>>, %arg7: memref<56x128xi32, #tpu.memory_space<vmem>>, %arg8: memref<10000xf32, #tpu.memory_space<vmem>>, %arg9: memref<80x128xf32, #tpu.memory_space<vmem>>, %arg10: memref<80xi32, #tpu.memory_space<vmem>>, %arg11: memref<80x128xf32, #tpu.memory_space<vmem_shared>>) attributes {dimension_semantics = [#tpu.dimension_semantics<core_parallel>, #tpu.dimension_semantics<subcore_parallel>], iteration_bounds = array<i64: 2, 16>, scalar_prefetch = 0 : i64, scratch_operands = 6 : i64, tpu.core_type = #tpu.core_type<sc_vector_subcore>, window_params = [{transform_indices = #map}, {transform_indices = #map1}, {transform_indices = #map1}, {transform_indices = #map1}]} {
    %mul3A = arith.constant 16 : i32
    %mul3A_0 = arith.muli %arg0, %mul3A : i32
    %add3A = arith.addi %mul3A_0, %arg1 : i32
    %eq3A = arith.constant 0 : i32
    %eq3A_1 = arith.cmpi eq, %arg0, %eq3A : i32
    %jit3A = arith.constant 56 : i32
    %jit3A_2 = arith.constant 24 : i32
    %select_n3A = arith.select %eq3A_1, %jit3A, %jit3A_2 : i32
    %mul3A_3 = arith.constant 8 : i32
    %mul3A_4 = arith.muli %select_n3A, %mul3A_3 : i32
    "tpu.region"() ({
      %run_scoped3A = tpu.sem_alloc : memref<!tpu.dma_semaphore, #tpu.memory_space<semaphore_mem>>
      %dma_start3A = arith.constant 0 : i32
      %dma_start3A_64 = arith.constant 0 : i32
      %dma_start3A_65 = tpu.memref_slice %arg3[%add3A, %dma_start3A, %dma_start3A_64] : memref<32x56x128xi32, #tpu.memory_space<hbm>> -> memref<1x56x128xi32, #tpu.memory_space<hbm>>
      %dma_start3A_66 = tpu.memref_squeeze %dma_start3A_65 : memref<1x56x128xi32, #tpu.memory_space<hbm>> -> memref<56x128xi32, #tpu.memory_space<hbm>>
      %dma_start3A_67 = arith.constant 0 : i32
      %dma_start3A_68 = arith.constant 0 : i32
      %dma_start3A_69 = tpu.memref_slice %arg3[%add3A, %dma_start3A_67, %dma_start3A_68] : memref<32x56x128xi32, #tpu.memory_space<hbm>> -> memref<1x56x128xi32, #tpu.memory_space<hbm>>
      %dma_start3A_70 = tpu.memref_squeeze %dma_start3A_69 : memref<1x56x128xi32, #tpu.memory_space<hbm>> -> memref<56x128xi32, #tpu.memory_space<hbm>>
      tpu.enqueue_dma source(%dma_start3A_70 : memref<56x128xi32, #tpu.memory_space<hbm>>) target(%arg6 : memref<56x128xi32, #tpu.memory_space<vmem>>) target_semaphore(%run_scoped3A : memref<!tpu.dma_semaphore, #tpu.memory_space<semaphore_mem>>)
      %dma_wait3A = arith.constant 0 : i32
      %dma_wait3A_71 = arith.constant 0 : i32
      %dma_wait3A_72 = tpu.memref_slice %arg3[%add3A, %dma_wait3A, %dma_wait3A_71] : memref<32x56x128xi32, #tpu.memory_space<hbm>> -> memref<1x56x128xi32, #tpu.memory_space<hbm>>
      %dma_wait3A_73 = tpu.memref_squeeze %dma_wait3A_72 : memref<1x56x128xi32, #tpu.memory_space<hbm>> -> memref<56x128xi32, #tpu.memory_space<hbm>>
      %dma_wait3A_74 = arith.constant 0 : i32
      %dma_wait3A_75 = arith.constant 0 : i32
      %dma_wait3A_76 = tpu.memref_slice %arg3[%add3A, %dma_wait3A_74, %dma_wait3A_75] : memref<32x56x128xi32, #tpu.memory_space<hbm>> -> memref<1x56x128xi32, #tpu.memory_space<hbm>>
      %dma_wait3A_77 = tpu.memref_squeeze %dma_wait3A_76 : memref<1x56x128xi32, #tpu.memory_space<hbm>> -> memref<56x128xi32, #tpu.memory_space<hbm>>
      tpu.wait_dma2 semaphore(%run_scoped3A : memref<!tpu.dma_semaphore, #tpu.memory_space<semaphore_mem>>) src(%dma_wait3A_77 : memref<56x128xi32, #tpu.memory_space<hbm>>) dst(%arg6 : memref<56x128xi32, #tpu.memory_space<vmem>>)
      tpu.yield
    }) : () -> ()
    "tpu.region"() ({
      %run_scoped3A = tpu.sem_alloc : memref<!tpu.dma_semaphore, #tpu.memory_space<semaphore_mem>>
      %dma_start3A = arith.constant 0 : i32
      %dma_start3A_64 = arith.constant 0 : i32
      %dma_start3A_65 = tpu.memref_slice %arg4[%add3A, %dma_start3A, %dma_start3A_64] : memref<32x56x128xi32, #tpu.memory_space<hbm>> -> memref<1x56x128xi32, #tpu.memory_space<hbm>>
      %dma_start3A_66 = tpu.memref_squeeze %dma_start3A_65 : memref<1x56x128xi32, #tpu.memory_space<hbm>> -> memref<56x128xi32, #tpu.memory_space<hbm>>
      %dma_start3A_67 = arith.constant 0 : i32
      %dma_start3A_68 = arith.constant 0 : i32
      %dma_start3A_69 = tpu.memref_slice %arg4[%add3A, %dma_start3A_67, %dma_start3A_68] : memref<32x56x128xi32, #tpu.memory_space<hbm>> -> memref<1x56x128xi32, #tpu.memory_space<hbm>>
      %dma_start3A_70 = tpu.memref_squeeze %dma_start3A_69 : memref<1x56x128xi32, #tpu.memory_space<hbm>> -> memref<56x128xi32, #tpu.memory_space<hbm>>
      tpu.enqueue_dma source(%dma_start3A_70 : memref<56x128xi32, #tpu.memory_space<hbm>>) target(%arg7 : memref<56x128xi32, #tpu.memory_space<vmem>>) target_semaphore(%run_scoped3A : memref<!tpu.dma_semaphore, #tpu.memory_space<semaphore_mem>>)
      %dma_wait3A = arith.constant 0 : i32
      %dma_wait3A_71 = arith.constant 0 : i32
      %dma_wait3A_72 = tpu.memref_slice %arg4[%add3A, %dma_wait3A, %dma_wait3A_71] : memref<32x56x128xi32, #tpu.memory_space<hbm>> -> memref<1x56x128xi32, #tpu.memory_space<hbm>>
      %dma_wait3A_73 = tpu.memref_squeeze %dma_wait3A_72 : memref<1x56x128xi32, #tpu.memory_space<hbm>> -> memref<56x128xi32, #tpu.memory_space<hbm>>
      %dma_wait3A_74 = arith.constant 0 : i32
      %dma_wait3A_75 = arith.constant 0 : i32
      %dma_wait3A_76 = tpu.memref_slice %arg4[%add3A, %dma_wait3A_74, %dma_wait3A_75] : memref<32x56x128xi32, #tpu.memory_space<hbm>> -> memref<1x56x128xi32, #tpu.memory_space<hbm>>
      %dma_wait3A_77 = tpu.memref_squeeze %dma_wait3A_76 : memref<1x56x128xi32, #tpu.memory_space<hbm>> -> memref<56x128xi32, #tpu.memory_space<hbm>>
      tpu.wait_dma2 semaphore(%run_scoped3A : memref<!tpu.dma_semaphore, #tpu.memory_space<semaphore_mem>>) src(%dma_wait3A_77 : memref<56x128xi32, #tpu.memory_space<hbm>>) dst(%arg7 : memref<56x128xi32, #tpu.memory_space<vmem>>)
      tpu.yield
    }) : () -> ()
    "tpu.region"() ({
      %run_scoped3A = tpu.sem_alloc : memref<!tpu.dma_semaphore, #tpu.memory_space<semaphore_mem>>
      tpu.enqueue_dma source(%arg2 : memref<10000xf32, #tpu.memory_space<hbm>>) target(%arg8 : memref<10000xf32, #tpu.memory_space<vmem>>) target_semaphore(%run_scoped3A : memref<!tpu.dma_semaphore, #tpu.memory_space<semaphore_mem>>)
      tpu.wait_dma2 semaphore(%run_scoped3A : memref<!tpu.dma_semaphore, #tpu.memory_space<semaphore_mem>>) src(%arg2 : memref<10000xf32, #tpu.memory_space<hbm>>) dst(%arg8 : memref<10000xf32, #tpu.memory_space<vmem>>)
      tpu.yield
    }) : () -> ()
    %iota3A = tpu.iota {dimensions = array<i32: 0>} : vector<16xi32>
    %add3A_5 = arith.constant 0 : i32
    %add3A_6 = vector.broadcast %add3A_5 : i32 to vector<16xi32>
    %add3A_7 = arith.addi %iota3A, %add3A_6 : vector<16xi32>
    %swap3A = arith.constant 0 : index
    %swap3A_8 = tpu.vector_load %arg10[%swap3A] {strides = array<i32>} : memref<80xi32, #tpu.memory_space<vmem>>, vector<16xi32>,
    tpu.vector_store %arg10[%swap3A], %add3A_7 {strides = array<i32>} : memref<80xi32, #tpu.memory_space<vmem>>, vector<16xi32>,
    %iota3A_9 = tpu.iota {dimensions = array<i32: 0>} : vector<16xi32>
    %add3A_10 = arith.constant 16 : i32
    %add3A_11 = vector.broadcast %add3A_10 : i32 to vector<16xi32>
    %add3A_12 = arith.addi %iota3A_9, %add3A_11 : vector<16xi32>
    %swap3A_13 = arith.constant 16 : index
    %swap3A_14 = tpu.vector_load %arg10[%swap3A_13] {strides = array<i32>} : memref<80xi32, #tpu.memory_space<vmem>>, vector<16xi32>,
    tpu.vector_store %arg10[%swap3A_13], %add3A_12 {strides = array<i32>} : memref<80xi32, #tpu.memory_space<vmem>>, vector<16xi32>,
    %iota3A_15 = tpu.iota {dimensions = array<i32: 0>} : vector<16xi32>
    %add3A_16 = arith.constant 32 : i32
    %add3A_17 = vector.broadcast %add3A_16 : i32 to vector<16xi32>
    %add3A_18 = arith.addi %iota3A_15, %add3A_17 : vector<16xi32>
    %swap3A_19 = arith.constant 32 : index
    %swap3A_20 = tpu.vector_load %arg10[%swap3A_19] {strides = array<i32>} : memref<80xi32, #tpu.memory_space<vmem>>, vector<16xi32>,
    tpu.vector_store %arg10[%swap3A_19], %add3A_18 {strides = array<i32>} : memref<80xi32, #tpu.memory_space<vmem>>, vector<16xi32>,
    %iota3A_21 = tpu.iota {dimensions = array<i32: 0>} : vector<16xi32>
    %add3A_22 = arith.constant 48 : i32
    %add3A_23 = vector.broadcast %add3A_22 : i32 to vector<16xi32>
    %add3A_24 = arith.addi %iota3A_21, %add3A_23 : vector<16xi32>
    %swap3A_25 = arith.constant 48 : index
    %swap3A_26 = tpu.vector_load %arg10[%swap3A_25] {strides = array<i32>} : memref<80xi32, #tpu.memory_space<vmem>>, vector<16xi32>,
    tpu.vector_store %arg10[%swap3A_25], %add3A_24 {strides = array<i32>} : memref<80xi32, #tpu.memory_space<vmem>>, vector<16xi32>,
    %iota3A_27 = tpu.iota {dimensions = array<i32: 0>} : vector<16xi32>
    %add3A_28 = arith.constant 64 : i32
    %add3A_29 = vector.broadcast %add3A_28 : i32 to vector<16xi32>
    %add3A_30 = arith.addi %iota3A_27, %add3A_29 : vector<16xi32>
    %swap3A_31 = arith.constant 64 : index
    %swap3A_32 = tpu.vector_load %arg10[%swap3A_31] {strides = array<i32>} : memref<80xi32, #tpu.memory_space<vmem>>, vector<16xi32>,
    tpu.vector_store %arg10[%swap3A_31], %add3A_30 {strides = array<i32>} : memref<80xi32, #tpu.memory_space<vmem>>, vector<16xi32>,
    %broadcast_in_dim3A = arith.constant 0.000000e+00 : f32
    %broadcast_in_dim3A_33 = vector.broadcast %broadcast_in_dim3A : f32 to vector<16xf32>
    %scan3A = arith.constant 0 : i32
    %scan3A_34 = arith.constant 80 : i32
    %scan3A_35 = arith.addi %scan3A, %scan3A_34 : i32
    %scan3A_36 = arith.constant 1 : i32
    scf.for %scan3A_64 = %scan3A to %scan3A_35 step %scan3A_36  : i32 {
      %mul3A_65 = arith.constant 1 : i32
      %mul3A_66 = arith.muli %scan3A_64, %mul3A_65 : i32
      %add3A_67 = arith.constant 0 : i32
      %add3A_68 = arith.addi %add3A_67, %mul3A_66 : i32
      %swap3A_69 = arith.index_cast %add3A_68 : i32 to index
      %swap3A_70 = arith.constant 0 : index
      %swap3A_71 = tpu.vector_load %arg9[%swap3A_69, %swap3A_70] {strides = array<i32>} : memref<80x128xf32, #tpu.memory_space<vmem>>, vector<16xf32>,
      tpu.vector_store %arg9[%swap3A_69, %swap3A_70], %broadcast_in_dim3A_33 {strides = array<i32>} : memref<80x128xf32, #tpu.memory_space<vmem>>, vector<16xf32>,
      %swap3A_72 = arith.index_cast %add3A_68 : i32 to index
      %swap3A_73 = arith.constant 16 : index
      %swap3A_74 = tpu.vector_load %arg9[%swap3A_72, %swap3A_73] {strides = array<i32>} : memref<80x128xf32, #tpu.memory_space<vmem>>, vector<16xf32>,
      tpu.vector_store %arg9[%swap3A_72, %swap3A_73], %broadcast_in_dim3A_33 {strides = array<i32>} : memref<80x128xf32, #tpu.memory_space<vmem>>, vector<16xf32>,
      %swap3A_75 = arith.index_cast %add3A_68 : i32 to index
      %swap3A_76 = arith.constant 32 : index
      %swap3A_77 = tpu.vector_load %arg9[%swap3A_75, %swap3A_76] {strides = array<i32>} : memref<80x128xf32, #tpu.memory_space<vmem>>, vector<16xf32>,
      tpu.vector_store %arg9[%swap3A_75, %swap3A_76], %broadcast_in_dim3A_33 {strides = array<i32>} : memref<80x128xf32, #tpu.memory_space<vmem>>, vector<16xf32>,
      %swap3A_78 = arith.index_cast %add3A_68 : i32 to index
      %swap3A_79 = arith.constant 48 : index
      %swap3A_80 = tpu.vector_load %arg9[%swap3A_78, %swap3A_79] {strides = array<i32>} : memref<80x128xf32, #tpu.memory_space<vmem>>, vector<16xf32>,
      tpu.vector_store %arg9[%swap3A_78, %swap3A_79], %broadcast_in_dim3A_33 {strides = array<i32>} : memref<80x128xf32, #tpu.memory_space<vmem>>, vector<16xf32>,
      %swap3A_81 = arith.index_cast %add3A_68 : i32 to index
      %swap3A_82 = arith.constant 64 : index
      %swap3A_83 = tpu.vector_load %arg9[%swap3A_81, %swap3A_82] {strides = array<i32>} : memref<80x128xf32, #tpu.memory_space<vmem>>, vector<16xf32>,
      tpu.vector_store %arg9[%swap3A_81, %swap3A_82], %broadcast_in_dim3A_33 {strides = array<i32>} : memref<80x128xf32, #tpu.memory_space<vmem>>, vector<16xf32>,
      %swap3A_84 = arith.index_cast %add3A_68 : i32 to index
      %swap3A_85 = arith.constant 80 : index
      %swap3A_86 = tpu.vector_load %arg9[%swap3A_84, %swap3A_85] {strides = array<i32>} : memref<80x128xf32, #tpu.memory_space<vmem>>, vector<16xf32>,
      tpu.vector_store %arg9[%swap3A_84, %swap3A_85], %broadcast_in_dim3A_33 {strides = array<i32>} : memref<80x128xf32, #tpu.memory_space<vmem>>, vector<16xf32>,
      %swap3A_87 = arith.index_cast %add3A_68 : i32 to index
      %swap3A_88 = arith.constant 96 : index
      %swap3A_89 = tpu.vector_load %arg9[%swap3A_87, %swap3A_88] {strides = array<i32>} : memref<80x128xf32, #tpu.memory_space<vmem>>, vector<16xf32>,
      tpu.vector_store %arg9[%swap3A_87, %swap3A_88], %broadcast_in_dim3A_33 {strides = array<i32>} : memref<80x128xf32, #tpu.memory_space<vmem>>, vector<16xf32>,
      %swap3A_90 = arith.index_cast %add3A_68 : i32 to index
      %swap3A_91 = arith.constant 112 : index
      %swap3A_92 = tpu.vector_load %arg9[%swap3A_90, %swap3A_91] {strides = array<i32>} : memref<80x128xf32, #tpu.memory_space<vmem>>, vector<16xf32>,
      tpu.vector_store %arg9[%swap3A_90, %swap3A_91], %broadcast_in_dim3A_33 {strides = array<i32>} : memref<80x128xf32, #tpu.memory_space<vmem>>, vector<16xf32>,
    }
    %scan3A_37 = arith.constant 80 : i32
    %lt3A = arith.constant 10 : i32
    %lt3A_38 = arith.cmpi slt, %arg1, %lt3A : i32
    %convert_element_type3A = arith.extui %lt3A_38 : i1 to i32
    %cond3A = arith.constant 0 : i32
    %cond3A_39 = arith.cmpi ne, %convert_element_type3A, %cond3A : i32
    scf.if %cond3A_39 {
      %mul3A_64 = arith.constant 8 : i32
      %mul3A_65 = arith.muli %arg1, %mul3A_64 : i32
      %mul3A_66 = arith.constant 8 : i32
      %mul3A_67 = arith.muli %arg1, %mul3A_66 : i32
      "tpu.region"() ({
        %run_scoped3A = tpu.sem_alloc : memref<!tpu.dma_semaphore, #tpu.memory_space<semaphore_mem>>
        %dma_start3A = arith.constant 0 : i32
        %dma_start3A_68 = tpu.memref_slice %arg9[%mul3A_65, %dma_start3A] : memref<80x128xf32, #tpu.memory_space<vmem>> -> memref<8x128xf32, #tpu.memory_space<vmem>>
        %dma_start3A_69 = arith.constant 0 : i32
        %dma_start3A_70 = tpu.memref_slice %arg11[%mul3A_67, %dma_start3A_69] : memref<80x128xf32, #tpu.memory_space<vmem_shared>> -> memref<8x128xf32, #tpu.memory_space<vmem_shared>>
        %dma_start3A_71 = arith.constant 0 : i32
        %dma_start3A_72 = tpu.memref_slice %arg11[%mul3A_67, %dma_start3A_71] : memref<80x128xf32, #tpu.memory_space<vmem_shared>> -> memref<8x128xf32, #tpu.memory_space<vmem_shared>>
        %dma_start3A_73 = arith.constant 0 : i32
        %dma_start3A_74 = tpu.memref_slice %arg9[%mul3A_65, %dma_start3A_73] : memref<80x128xf32, #tpu.memory_space<vmem>> -> memref<8x128xf32, #tpu.memory_space<vmem>>
        tpu.enqueue_dma source(%dma_start3A_74 : memref<8x128xf32, #tpu.memory_space<vmem>>) target(%dma_start3A_72 : memref<8x128xf32, #tpu.memory_space<vmem_shared>>) target_semaphore(%run_scoped3A : memref<!tpu.dma_semaphore, #tpu.memory_space<semaphore_mem>>)
        %dma_wait3A = arith.constant 0 : i32
        %dma_wait3A_75 = tpu.memref_slice %arg9[%mul3A_65, %dma_wait3A] : memref<80x128xf32, #tpu.memory_space<vmem>> -> memref<8x128xf32, #tpu.memory_space<vmem>>
        %dma_wait3A_76 = arith.constant 0 : i32
        %dma_wait3A_77 = tpu.memref_slice %arg11[%mul3A_67, %dma_wait3A_76] : memref<80x128xf32, #tpu.memory_space<vmem_shared>> -> memref<8x128xf32, #tpu.memory_space<vmem_shared>>
        %dma_wait3A_78 = arith.constant 0 : i32
        %dma_wait3A_79 = tpu.memref_slice %arg11[%mul3A_67, %dma_wait3A_78] : memref<80x128xf32, #tpu.memory_space<vmem_shared>> -> memref<8x128xf32, #tpu.memory_space<vmem_shared>>
        %dma_wait3A_80 = arith.constant 0 : i32
        %dma_wait3A_81 = tpu.memref_slice %arg9[%mul3A_65, %dma_wait3A_80] : memref<80x128xf32, #tpu.memory_space<vmem>> -> memref<8x128xf32, #tpu.memory_space<vmem>>
        tpu.wait_dma2 semaphore(%run_scoped3A : memref<!tpu.dma_semaphore, #tpu.memory_space<semaphore_mem>>) src(%dma_wait3A_81 : memref<8x128xf32, #tpu.memory_space<vmem>>) dst(%dma_wait3A_79 : memref<8x128xf32, #tpu.memory_space<vmem_shared>>)
        tpu.yield
      }) : () -> ()
    } else {
    }
    %barrier3A = arith.constant 0 : index
    tpu.barrier barrier_id(%barrier3A)
    %broadcast_in_dim3A_40 = arith.constant 1.000000e+00 : f32
    %broadcast_in_dim3A_41 = vector.broadcast %broadcast_in_dim3A_40 : f32 to vector<16xf32>
    %sub3A = arith.constant 0 : i32
    %sub3A_42 = arith.subi %mul3A_4, %sub3A : i32
    %sub3A_43 = arith.constant 1 : i32
    %sub3A_44 = arith.constant 1 : i32
    %sub3A_45 = arith.subi %sub3A_43, %sub3A_44 : i32
    %add3A_46 = arith.addi %sub3A_42, %sub3A_45 : i32
    %div3A = arith.constant 1 : i32
    %div3A_47 = arith.divsi %add3A_46, %div3A : i32
    %while3A = arith.constant 1 : i32
    %while3A_48 = arith.constant 0 : i32
    %while3A_49 = arith.constant 0 : i32
    %while3A_50 = arith.subi %div3A_47, %while3A_49 : i32
    %while3A_51 = arith.addi %while3A_49, %while3A_50 : i32
    %while3A_52 = arith.constant 1 : i32
    %while3A_53 = arith.divsi %while3A_50, %while3A_52 : i32
    %while3A_54 = arith.muli %while3A_53, %while3A_52 : i32
    %while3A_55 = arith.addi %while3A_49, %while3A_54 : i32
    %while3A_56 = arith.constant 1 : i32
    scf.for %while3A_64 = %while3A_49 to %while3A_55 step %while3A_56  : i32 {
      %mul3A_65 = arith.muli %while3A_64, %while3A : i32
      %add3A_66 = arith.addi %while3A_48, %mul3A_65 : i32
      %jit3A_67 = arith.constant 8 : i32
      %div3A_68 = arith.divsi %add3A_66, %jit3A_67 : i32
      %sign3A = arith.constant 0 : i32
      %sign3A_69 = arith.cmpi sgt, %add3A_66, %sign3A : i32
      %sign3A_70 = arith.extui %sign3A_69 : i1 to i32
      %sign3A_71 = arith.constant 0 : i32
      %sign3A_72 = arith.cmpi slt, %add3A_66, %sign3A_71 : i32
      %sign3A_73 = arith.extui %sign3A_72 : i1 to i32
      %sign3A_74 = arith.subi %sign3A_70, %sign3A_73 : i32
      %sign3A_75 = arith.constant 0 : i32
      %sign3A_76 = arith.cmpi sgt, %jit3A_67, %sign3A_75 : i32
      %sign3A_77 = arith.extui %sign3A_76 : i1 to i32
      %sign3A_78 = arith.constant 0 : i32
      %sign3A_79 = arith.cmpi slt, %jit3A_67, %sign3A_78 : i32
      %sign3A_80 = arith.extui %sign3A_79 : i1 to i32
      %sign3A_81 = arith.subi %sign3A_77, %sign3A_80 : i32
      %ne3A = arith.cmpi ne, %sign3A_74, %sign3A_81 : i32
      %rem3A = arith.remsi %add3A_66, %jit3A_67 : i32
      %ne3A_82 = arith.constant 0 : i32
      %ne3A_83 = arith.cmpi ne, %rem3A, %ne3A_82 : i32
      %and3A = arith.andi %ne3A, %ne3A_83 : i1
      %sub3A_84 = arith.constant 1 : i32
      %sub3A_85 = arith.subi %div3A_68, %sub3A_84 : i32
      %select_n3A_86 = arith.select %and3A, %sub3A_85, %div3A_68 : i32
      %jit3A_87 = arith.constant 8 : i32
      %eq3A_88 = arith.constant 0 : i32
      %eq3A_89 = arith.cmpi eq, %jit3A_87, %eq3A_88 : i32
      %jit3A_90 = arith.constant 1 : i32
      %select_n3A_91 = arith.select %eq3A_89, %jit3A_90, %jit3A_87 : i32
      %rem3A_92 = arith.remsi %add3A_66, %select_n3A_91 : i32
      %ne3A_93 = arith.constant 0 : i32
      %ne3A_94 = arith.cmpi ne, %rem3A_92, %ne3A_93 : i32
      %lt3A_95 = arith.constant 0 : i32
      %lt3A_96 = arith.cmpi slt, %rem3A_92, %lt3A_95 : i32
      %lt3A_97 = arith.constant 0 : i32
      %lt3A_98 = arith.cmpi slt, %select_n3A_91, %lt3A_97 : i32
      %ne3A_99 = arith.xori %lt3A_96, %lt3A_98 : i1
      %and3A_100 = arith.andi %ne3A_99, %ne3A_94 : i1
      %add3A_101 = arith.addi %rem3A_92, %select_n3A_91 : i32
      %select_n3A_102 = arith.select %and3A_100, %add3A_101, %rem3A_92 : i32
      %mul3A_103 = arith.constant 16 : i32
      %mul3A_104 = arith.muli %select_n3A_102, %mul3A_103 : i32
      %get3A = arith.index_cast %select_n3A_86 : i32 to index
      %get3A_105 = arith.index_cast %mul3A_104 : i32 to index
      %get3A_106 = tpu.vector_load %arg7[%get3A, %get3A_105] {strides = array<i32>} : memref<56x128xi32, #tpu.memory_space<vmem>>, vector<16xi32>,
      %mul3A_107 = arith.constant 16 : i32
      %mul3A_108 = arith.muli %select_n3A_102, %mul3A_107 : i32
      %get3A_109 = arith.index_cast %select_n3A_86 : i32 to index
      %get3A_110 = arith.index_cast %mul3A_108 : i32 to index
      %get3A_111 = tpu.vector_load %arg6[%get3A_109, %get3A_110] {strides = array<i32>} : memref<56x128xi32, #tpu.memory_space<vmem>>, vector<16xi32>,
      %gather3A = tpu.vector_load_idx %arg8[%get3A_111] : memref<10000xf32, #tpu.memory_space<vmem>>[vector<16xi32>], vector<16xf32>,
      %jit3A_112 = arith.constant 128 : i32
      %div3A_113 = vector.broadcast %jit3A_112 : i32 to vector<16xi32>
      %div3A_114 = arith.divsi %get3A_106, %div3A_113 : vector<16xi32>
      %sign3A_115 = arith.constant 0 : i32
      %sign3A_116 = vector.broadcast %sign3A_115 : i32 to vector<16xi32>
      %sign3A_117 = arith.cmpi sgt, %get3A_106, %sign3A_116 : vector<16xi32>
      %sign3A_118 = arith.extui %sign3A_117 : vector<16xi1> to vector<16xi32>
      %sign3A_119 = arith.constant 0 : i32
      %sign3A_120 = vector.broadcast %sign3A_119 : i32 to vector<16xi32>
      %sign3A_121 = arith.cmpi slt, %get3A_106, %sign3A_120 : vector<16xi32>
      %sign3A_122 = arith.extui %sign3A_121 : vector<16xi1> to vector<16xi32>
      %sign3A_123 = arith.subi %sign3A_118, %sign3A_122 : vector<16xi32>
      %sign3A_124 = arith.constant 0 : i32
      %sign3A_125 = arith.cmpi sgt, %jit3A_112, %sign3A_124 : i32
      %sign3A_126 = arith.extui %sign3A_125 : i1 to i32
      %sign3A_127 = arith.constant 0 : i32
      %sign3A_128 = arith.cmpi slt, %jit3A_112, %sign3A_127 : i32
      %sign3A_129 = arith.extui %sign3A_128 : i1 to i32
      %sign3A_130 = arith.subi %sign3A_126, %sign3A_129 : i32
      %ne3A_131 = vector.broadcast %sign3A_130 : i32 to vector<16xi32>
      %ne3A_132 = arith.cmpi ne, %sign3A_123, %ne3A_131 : vector<16xi32>
      %rem3A_133 = vector.broadcast %jit3A_112 : i32 to vector<16xi32>
      %rem3A_134 = arith.remsi %get3A_106, %rem3A_133 : vector<16xi32>
      %ne3A_135 = arith.constant 0 : i32
      %ne3A_136 = vector.broadcast %ne3A_135 : i32 to vector<16xi32>
      %ne3A_137 = arith.cmpi ne, %rem3A_134, %ne3A_136 : vector<16xi32>
      %and3A_138 = arith.andi %ne3A_132, %ne3A_137 : vector<16xi1>
      %sub3A_139 = arith.constant 1 : i32
      %sub3A_140 = vector.broadcast %sub3A_139 : i32 to vector<16xi32>
      %sub3A_141 = arith.subi %div3A_114, %sub3A_140 : vector<16xi32>
      %select_n3A_142 = arith.select %and3A_138, %sub3A_141, %div3A_114 : vector<16xi1>, vector<16xi32>
      %jit3A_143 = arith.constant 128 : i32
      %eq3A_144 = arith.constant 0 : i32
      %eq3A_145 = arith.cmpi eq, %jit3A_143, %eq3A_144 : i32
      %jit3A_146 = arith.constant 1 : i32
      %select_n3A_147 = arith.select %eq3A_145, %jit3A_146, %jit3A_143 : i32
      %rem3A_148 = vector.broadcast %select_n3A_147 : i32 to vector<16xi32>
      %rem3A_149 = arith.remsi %get3A_106, %rem3A_148 : vector<16xi32>
      %ne3A_150 = arith.constant 0 : i32
      %ne3A_151 = vector.broadcast %ne3A_150 : i32 to vector<16xi32>
      %ne3A_152 = arith.cmpi ne, %rem3A_149, %ne3A_151 : vector<16xi32>
      %lt3A_153 = arith.constant 0 : i32
      %lt3A_154 = vector.broadcast %lt3A_153 : i32 to vector<16xi32>
      %lt3A_155 = arith.cmpi slt, %rem3A_149, %lt3A_154 : vector<16xi32>
      %lt3A_156 = arith.constant 0 : i32
      %lt3A_157 = arith.cmpi slt, %select_n3A_147, %lt3A_156 : i32
      %ne3A_158 = vector.broadcast %lt3A_157 : i1 to vector<16xi1>
      %ne3A_159 = vector.broadcast %ne3A_158 : vector<16xi1> to vector<16xi1>
      %ne3A_160 = arith.xori %lt3A_155, %ne3A_159 : vector<16xi1>
      %and3A_161 = arith.andi %ne3A_160, %ne3A_152 : vector<16xi1>
      %add3A_162 = vector.broadcast %select_n3A_147 : i32 to vector<16xi32>
      %add3A_163 = arith.addi %rem3A_149, %add3A_162 : vector<16xi32>
      %select_n3A_164 = arith.select %and3A_161, %add3A_163, %rem3A_149 : vector<16xi1>, vector<16xi32>
      tpu.vector_store_idx %arg9[%select_n3A_142, %select_n3A_164], %gather3A {add = true} : memref<80x128xf32, #tpu.memory_space<vmem>>[vector<16xi32>, vector<16xi32>], vector<16xf32>,
    }
    %while3A_57 = arith.constant 1 : i32
    scf.for %while3A_64 = %while3A_55 to %while3A_51 step %while3A_57  : i32 {
      %mul3A_65 = arith.muli %while3A_64, %while3A : i32
      %add3A_66 = arith.addi %while3A_48, %mul3A_65 : i32
      %jit3A_67 = arith.constant 8 : i32
      %div3A_68 = arith.divsi %add3A_66, %jit3A_67 : i32
      %sign3A = arith.constant 0 : i32
      %sign3A_69 = arith.cmpi sgt, %add3A_66, %sign3A : i32
      %sign3A_70 = arith.extui %sign3A_69 : i1 to i32
      %sign3A_71 = arith.constant 0 : i32
      %sign3A_72 = arith.cmpi slt, %add3A_66, %sign3A_71 : i32
      %sign3A_73 = arith.extui %sign3A_72 : i1 to i32
      %sign3A_74 = arith.subi %sign3A_70, %sign3A_73 : i32
      %sign3A_75 = arith.constant 0 : i32
      %sign3A_76 = arith.cmpi sgt, %jit3A_67, %sign3A_75 : i32
      %sign3A_77 = arith.extui %sign3A_76 : i1 to i32
      %sign3A_78 = arith.constant 0 : i32
      %sign3A_79 = arith.cmpi slt, %jit3A_67, %sign3A_78 : i32
      %sign3A_80 = arith.extui %sign3A_79 : i1 to i32
      %sign3A_81 = arith.subi %sign3A_77, %sign3A_80 : i32
      %ne3A = arith.cmpi ne, %sign3A_74, %sign3A_81 : i32
      %rem3A = arith.remsi %add3A_66, %jit3A_67 : i32
      %ne3A_82 = arith.constant 0 : i32
      %ne3A_83 = arith.cmpi ne, %rem3A, %ne3A_82 : i32
      %and3A = arith.andi %ne3A, %ne3A_83 : i1
      %sub3A_84 = arith.constant 1 : i32
      %sub3A_85 = arith.subi %div3A_68, %sub3A_84 : i32
      %select_n3A_86 = arith.select %and3A, %sub3A_85, %div3A_68 : i32
      %jit3A_87 = arith.constant 8 : i32
      %eq3A_88 = arith.constant 0 : i32
      %eq3A_89 = arith.cmpi eq, %jit3A_87, %eq3A_88 : i32
      %jit3A_90 = arith.constant 1 : i32
      %select_n3A_91 = arith.select %eq3A_89, %jit3A_90, %jit3A_87 : i32
      %rem3A_92 = arith.remsi %add3A_66, %select_n3A_91 : i32
      %ne3A_93 = arith.constant 0 : i32
      %ne3A_94 = arith.cmpi ne, %rem3A_92, %ne3A_93 : i32
      %lt3A_95 = arith.constant 0 : i32
      %lt3A_96 = arith.cmpi slt, %rem3A_92, %lt3A_95 : i32
      %lt3A_97 = arith.constant 0 : i32
      %lt3A_98 = arith.cmpi slt, %select_n3A_91, %lt3A_97 : i32
      %ne3A_99 = arith.xori %lt3A_96, %lt3A_98 : i1
      %and3A_100 = arith.andi %ne3A_99, %ne3A_94 : i1
      %add3A_101 = arith.addi %rem3A_92, %select_n3A_91 : i32
      %select_n3A_102 = arith.select %and3A_100, %add3A_101, %rem3A_92 : i32
      %mul3A_103 = arith.constant 16 : i32
      %mul3A_104 = arith.muli %select_n3A_102, %mul3A_103 : i32
      %get3A = arith.index_cast %select_n3A_86 : i32 to index
      %get3A_105 = arith.index_cast %mul3A_104 : i32 to index
      %get3A_106 = tpu.vector_load %arg7[%get3A, %get3A_105] {strides = array<i32>} : memref<56x128xi32, #tpu.memory_space<vmem>>, vector<16xi32>,
      %mul3A_107 = arith.constant 16 : i32
      %mul3A_108 = arith.muli %select_n3A_102, %mul3A_107 : i32
      %get3A_109 = arith.index_cast %select_n3A_86 : i32 to index
      %get3A_110 = arith.index_cast %mul3A_108 : i32 to index
      %get3A_111 = tpu.vector_load %arg6[%get3A_109, %get3A_110] {strides = array<i32>} : memref<56x128xi32, #tpu.memory_space<vmem>>, vector<16xi32>,
      %gather3A = tpu.vector_load_idx %arg8[%get3A_111] : memref<10000xf32, #tpu.memory_space<vmem>>[vector<16xi32>], vector<16xf32>,
      %jit3A_112 = arith.constant 128 : i32
      %div3A_113 = vector.broadcast %jit3A_112 : i32 to vector<16xi32>
      %div3A_114 = arith.divsi %get3A_106, %div3A_113 : vector<16xi32>
      %sign3A_115 = arith.constant 0 : i32
      %sign3A_116 = vector.broadcast %sign3A_115 : i32 to vector<16xi32>
      %sign3A_117 = arith.cmpi sgt, %get3A_106, %sign3A_116 : vector<16xi32>
      %sign3A_118 = arith.extui %sign3A_117 : vector<16xi1> to vector<16xi32>
      %sign3A_119 = arith.constant 0 : i32
      %sign3A_120 = vector.broadcast %sign3A_119 : i32 to vector<16xi32>
      %sign3A_121 = arith.cmpi slt, %get3A_106, %sign3A_120 : vector<16xi32>
      %sign3A_122 = arith.extui %sign3A_121 : vector<16xi1> to vector<16xi32>
      %sign3A_123 = arith.subi %sign3A_118, %sign3A_122 : vector<16xi32>
      %sign3A_124 = arith.constant 0 : i32
      %sign3A_125 = arith.cmpi sgt, %jit3A_112, %sign3A_124 : i32
      %sign3A_126 = arith.extui %sign3A_125 : i1 to i32
      %sign3A_127 = arith.constant 0 : i32
      %sign3A_128 = arith.cmpi slt, %jit3A_112, %sign3A_127 : i32
      %sign3A_129 = arith.extui %sign3A_128 : i1 to i32
      %sign3A_130 = arith.subi %sign3A_126, %sign3A_129 : i32
      %ne3A_131 = vector.broadcast %sign3A_130 : i32 to vector<16xi32>
      %ne3A_132 = arith.cmpi ne, %sign3A_123, %ne3A_131 : vector<16xi32>
      %rem3A_133 = vector.broadcast %jit3A_112 : i32 to vector<16xi32>
      %rem3A_134 = arith.remsi %get3A_106, %rem3A_133 : vector<16xi32>
      %ne3A_135 = arith.constant 0 : i32
      %ne3A_136 = vector.broadcast %ne3A_135 : i32 to vector<16xi32>
      %ne3A_137 = arith.cmpi ne, %rem3A_134, %ne3A_136 : vector<16xi32>
      %and3A_138 = arith.andi %ne3A_132, %ne3A_137 : vector<16xi1>
      %sub3A_139 = arith.constant 1 : i32
      %sub3A_140 = vector.broadcast %sub3A_139 : i32 to vector<16xi32>
      %sub3A_141 = arith.subi %div3A_114, %sub3A_140 : vector<16xi32>
      %select_n3A_142 = arith.select %and3A_138, %sub3A_141, %div3A_114 : vector<16xi1>, vector<16xi32>
      %jit3A_143 = arith.constant 128 : i32
      %eq3A_144 = arith.constant 0 : i32
      %eq3A_145 = arith.cmpi eq, %jit3A_143, %eq3A_144 : i32
      %jit3A_146 = arith.constant 1 : i32
      %select_n3A_147 = arith.select %eq3A_145, %jit3A_146, %jit3A_143 : i32
      %rem3A_148 = vector.broadcast %select_n3A_147 : i32 to vector<16xi32>
      %rem3A_149 = arith.remsi %get3A_106, %rem3A_148 : vector<16xi32>
      %ne3A_150 = arith.constant 0 : i32
      %ne3A_151 = vector.broadcast %ne3A_150 : i32 to vector<16xi32>
      %ne3A_152 = arith.cmpi ne, %rem3A_149, %ne3A_151 : vector<16xi32>
      %lt3A_153 = arith.constant 0 : i32
      %lt3A_154 = vector.broadcast %lt3A_153 : i32 to vector<16xi32>
      %lt3A_155 = arith.cmpi slt, %rem3A_149, %lt3A_154 : vector<16xi32>
      %lt3A_156 = arith.constant 0 : i32
      %lt3A_157 = arith.cmpi slt, %select_n3A_147, %lt3A_156 : i32
      %ne3A_158 = vector.broadcast %lt3A_157 : i1 to vector<16xi1>
      %ne3A_159 = vector.broadcast %ne3A_158 : vector<16xi1> to vector<16xi1>
      %ne3A_160 = arith.xori %lt3A_155, %ne3A_159 : vector<16xi1>
      %and3A_161 = arith.andi %ne3A_160, %ne3A_152 : vector<16xi1>
      %add3A_162 = vector.broadcast %select_n3A_147 : i32 to vector<16xi32>
      %add3A_163 = arith.addi %rem3A_149, %add3A_162 : vector<16xi32>
      %select_n3A_164 = arith.select %and3A_161, %add3A_163, %rem3A_149 : vector<16xi1>, vector<16xi32>
      tpu.vector_store_idx %arg9[%select_n3A_142, %select_n3A_164], %gather3A {add = true} : memref<80x128xf32, #tpu.memory_space<vmem>>[vector<16xi32>, vector<16xi32>], vector<16xf32>,
    }
    "tpu.region"() ({
      %run_scoped3A = tpu.sem_alloc : memref<!tpu.dma_semaphore, #tpu.memory_space<semaphore_mem>>
      %dma_start3A = arith.constant 0 : i32
      %dma_start3A_64 = arith.constant 0 : i32
      %dma_start3A_65 = tpu.memref_slice %arg11[%dma_start3A, %dma_start3A_64] : memref<80x128xf32, #tpu.memory_space<vmem_shared>> -> memref<80x128xf32, #tpu.memory_space<vmem_shared>>
      tpu.enqueue_indirect_dma source(%arg9 : memref<80x128xf32, #tpu.memory_space<vmem>>) target(%dma_start3A_65 : memref<80x128xf32, #tpu.memory_space<vmem_shared>>) offsets(%arg10 : memref<80xi32, #tpu.memory_space<vmem>>) semaphore(%run_scoped3A : memref<!tpu.dma_semaphore, #tpu.memory_space<semaphore_mem>>) {add = true}
      %dma_wait3A = arith.constant 0 : i32
      %dma_wait3A_66 = arith.constant 0 : i32
      %dma_wait3A_67 = tpu.memref_slice %arg11[%dma_wait3A, %dma_wait3A_66] : memref<80x128xf32, #tpu.memory_space<vmem_shared>> -> memref<80x128xf32, #tpu.memory_space<vmem_shared>>
      tpu.wait_indirect_dma semaphore(%run_scoped3A : memref<!tpu.dma_semaphore, #tpu.memory_space<semaphore_mem>>) src(%arg9 : memref<80x128xf32, #tpu.memory_space<vmem>>) dst(%dma_wait3A_67 : memref<80x128xf32, #tpu.memory_space<vmem_shared>>)
      tpu.yield
    }) : () -> ()
    %barrier3A_58 = arith.constant 0 : index
    tpu.barrier barrier_id(%barrier3A_58)
    %lt3A_59 = arith.constant 10 : i32
    %lt3A_60 = arith.cmpi slt, %arg1, %lt3A_59 : i32
    %convert_element_type3A_61 = arith.extui %lt3A_60 : i1 to i32
    %cond3A_62 = arith.constant 0 : i32
    %cond3A_63 = arith.cmpi ne, %convert_element_type3A_61, %cond3A_62 : i32
    scf.if %cond3A_63 {
      %mul3A_64 = arith.constant 8 : i32
      %mul3A_65 = arith.muli %arg1, %mul3A_64 : i32
      "tpu.region"() ({
        %run_scoped3A = tpu.sem_alloc : memref<!tpu.dma_semaphore, #tpu.memory_space<semaphore_mem>>
        %dma_start3A = arith.constant 0 : i32
        %dma_start3A_68 = arith.constant 0 : i32
        %dma_start3A_69 = tpu.memref_slice %arg9[%dma_start3A, %dma_start3A_68] : memref<80x128xf32, #tpu.memory_space<vmem>> -> memref<8x128xf32, #tpu.memory_space<vmem>>
        %dma_start3A_70 = arith.constant 0 : i32
        %dma_start3A_71 = tpu.memref_slice %arg11[%mul3A_65, %dma_start3A_70] : memref<80x128xf32, #tpu.memory_space<vmem_shared>> -> memref<8x128xf32, #tpu.memory_space<vmem_shared>>
        %dma_start3A_72 = arith.constant 0 : i32
        %dma_start3A_73 = arith.constant 0 : i32
        %dma_start3A_74 = tpu.memref_slice %arg9[%dma_start3A_72, %dma_start3A_73] : memref<80x128xf32, #tpu.memory_space<vmem>> -> memref<8x128xf32, #tpu.memory_space<vmem>>
        %dma_start3A_75 = arith.constant 0 : i32
        %dma_start3A_76 = tpu.memref_slice %arg11[%mul3A_65, %dma_start3A_75] : memref<80x128xf32, #tpu.memory_space<vmem_shared>> -> memref<8x128xf32, #tpu.memory_space<vmem_shared>>
        tpu.enqueue_dma source(%dma_start3A_76 : memref<8x128xf32, #tpu.memory_space<vmem_shared>>) target(%dma_start3A_74 : memref<8x128xf32, #tpu.memory_space<vmem>>) target_semaphore(%run_scoped3A : memref<!tpu.dma_semaphore, #tpu.memory_space<semaphore_mem>>)
        %dma_wait3A = arith.constant 0 : i32
        %dma_wait3A_77 = arith.constant 0 : i32
        %dma_wait3A_78 = tpu.memref_slice %arg9[%dma_wait3A, %dma_wait3A_77] : memref<80x128xf32, #tpu.memory_space<vmem>> -> memref<8x128xf32, #tpu.memory_space<vmem>>
        %dma_wait3A_79 = arith.constant 0 : i32
        %dma_wait3A_80 = tpu.memref_slice %arg11[%mul3A_65, %dma_wait3A_79] : memref<80x128xf32, #tpu.memory_space<vmem_shared>> -> memref<8x128xf32, #tpu.memory_space<vmem_shared>>
        %dma_wait3A_81 = arith.constant 0 : i32
        %dma_wait3A_82 = arith.constant 0 : i32
        %dma_wait3A_83 = tpu.memref_slice %arg9[%dma_wait3A_81, %dma_wait3A_82] : memref<80x128xf32, #tpu.memory_space<vmem>> -> memref<8x128xf32, #tpu.memory_space<vmem>>
        %dma_wait3A_84 = arith.constant 0 : i32
        %dma_wait3A_85 = tpu.memref_slice %arg11[%mul3A_65, %dma_wait3A_84] : memref<80x128xf32, #tpu.memory_space<vmem_shared>> -> memref<8x128xf32, #tpu.memory_space<vmem_shared>>
        tpu.wait_dma2 semaphore(%run_scoped3A : memref<!tpu.dma_semaphore, #tpu.memory_space<semaphore_mem>>) src(%dma_wait3A_85 : memref<8x128xf32, #tpu.memory_space<vmem_shared>>) dst(%dma_wait3A_83 : memref<8x128xf32, #tpu.memory_space<vmem>>)
        tpu.yield
      }) : () -> ()
      %mul3A_66 = arith.constant 8 : i32
      %mul3A_67 = arith.muli %arg1, %mul3A_66 : i32
      "tpu.region"() ({
        %run_scoped3A = tpu.sem_alloc : memref<!tpu.dma_semaphore, #tpu.memory_space<semaphore_mem>>
        %dma_start3A = arith.constant 0 : i32
        %dma_start3A_68 = arith.constant 0 : i32
        %dma_start3A_69 = tpu.memref_slice %arg9[%dma_start3A, %dma_start3A_68] : memref<80x128xf32, #tpu.memory_space<vmem>> -> memref<8x128xf32, #tpu.memory_space<vmem>>
        %dma_start3A_70 = arith.constant 0 : i32
        %dma_start3A_71 = arith.constant 0 : i32
        %dma_start3A_72 = tpu.memref_slice %arg5[%arg0, %dma_start3A_70, %dma_start3A_71] : memref<2x80x128xf32, #tpu.memory_space<hbm>> -> memref<1x80x128xf32, #tpu.memory_space<hbm>>
        %dma_start3A_73 = tpu.memref_squeeze %dma_start3A_72 : memref<1x80x128xf32, #tpu.memory_space<hbm>> -> memref<80x128xf32, #tpu.memory_space<hbm>>
        %dma_start3A_74 = arith.constant 0 : i32
        %dma_start3A_75 = tpu.memref_slice %dma_start3A_73[%mul3A_67, %dma_start3A_74] : memref<80x128xf32, #tpu.memory_space<hbm>> -> memref<8x128xf32, #tpu.memory_space<hbm>>
        %dma_start3A_76 = arith.constant 0 : i32
        %dma_start3A_77 = arith.constant 0 : i32
        %dma_start3A_78 = tpu.memref_slice %arg5[%arg0, %dma_start3A_76, %dma_start3A_77] : memref<2x80x128xf32, #tpu.memory_space<hbm>> -> memref<1x80x128xf32, #tpu.memory_space<hbm>>
        %dma_start3A_79 = tpu.memref_squeeze %dma_start3A_78 : memref<1x80x128xf32, #tpu.memory_space<hbm>> -> memref<80x128xf32, #tpu.memory_space<hbm>>
        %dma_start3A_80 = arith.constant 0 : i32
        %dma_start3A_81 = tpu.memref_slice %dma_start3A_79[%mul3A_67, %dma_start3A_80] : memref<80x128xf32, #tpu.memory_space<hbm>> -> memref<8x128xf32, #tpu.memory_space<hbm>>
        %dma_start3A_82 = arith.constant 0 : i32
        %dma_start3A_83 = arith.constant 0 : i32
        %dma_start3A_84 = tpu.memref_slice %arg9[%dma_start3A_82, %dma_start3A_83] : memref<80x128xf32, #tpu.memory_space<vmem>> -> memref<8x128xf32, #tpu.memory_space<vmem>>
        tpu.enqueue_dma source(%dma_start3A_84 : memref<8x128xf32, #tpu.memory_space<vmem>>) target(%dma_start3A_81 : memref<8x128xf32, #tpu.memory_space<hbm>>) target_semaphore(%run_scoped3A : memref<!tpu.dma_semaphore, #tpu.memory_space<semaphore_mem>>)
        %dma_wait3A = arith.constant 0 : i32
        %dma_wait3A_85 = arith.constant 0 : i32
        %dma_wait3A_86 = tpu.memref_slice %arg9[%dma_wait3A, %dma_wait3A_85] : memref<80x128xf32, #tpu.memory_space<vmem>> -> memref<8x128xf32, #tpu.memory_space<vmem>>
        %dma_wait3A_87 = arith.constant 0 : i32
        %dma_wait3A_88 = arith.constant 0 : i32
        %dma_wait3A_89 = tpu.memref_slice %arg5[%arg0, %dma_wait3A_87, %dma_wait3A_88] : memref<2x80x128xf32, #tpu.memory_space<hbm>> -> memref<1x80x128xf32, #tpu.memory_space<hbm>>
        %dma_wait3A_90 = tpu.memref_squeeze %dma_wait3A_89 : memref<1x80x128xf32, #tpu.memory_space<hbm>> -> memref<80x128xf32, #tpu.memory_space<hbm>>
        %dma_wait3A_91 = arith.constant 0 : i32
        %dma_wait3A_92 = tpu.memref_slice %dma_wait3A_90[%mul3A_67, %dma_wait3A_91] : memref<80x128xf32, #tpu.memory_space<hbm>> -> memref<8x128xf32, #tpu.memory_space<hbm>>
        %dma_wait3A_93 = arith.constant 0 : i32
        %dma_wait3A_94 = arith.constant 0 : i32
        %dma_wait3A_95 = tpu.memref_slice %arg5[%arg0, %dma_wait3A_93, %dma_wait3A_94] : memref<2x80x128xf32, #tpu.memory_space<hbm>> -> memref<1x80x128xf32, #tpu.memory_space<hbm>>
        %dma_wait3A_96 = tpu.memref_squeeze %dma_wait3A_95 : memref<1x80x128xf32, #tpu.memory_space<hbm>> -> memref<80x128xf32, #tpu.memory_space<hbm>>
        %dma_wait3A_97 = arith.constant 0 : i32
        %dma_wait3A_98 = tpu.memref_slice %dma_wait3A_96[%mul3A_67, %dma_wait3A_97] : memref<80x128xf32, #tpu.memory_space<hbm>> -> memref<8x128xf32, #tpu.memory_space<hbm>>
        %dma_wait3A_99 = arith.constant 0 : i32
        %dma_wait3A_100 = arith.constant 0 : i32
        %dma_wait3A_101 = tpu.memref_slice %arg9[%dma_wait3A_99, %dma_wait3A_100] : memref<80x128xf32, #tpu.memory_space<vmem>> -> memref<8x128xf32, #tpu.memory_space<vmem>>
        tpu.wait_dma2 semaphore(%run_scoped3A : memref<!tpu.dma_semaphore, #tpu.memory_space<semaphore_mem>>) src(%dma_wait3A_101 : memref<8x128xf32, #tpu.memory_space<vmem>>) dst(%dma_wait3A_98 : memref<8x128xf32, #tpu.memory_space<hbm>>)
        tpu.yield
      }) : () -> ()
    } else {
    }
    return
  }
}

#map = affine_map<(d0, d1) -> (0, 0)>
#map1 = affine_map<(d0, d1) -> (0, 0, 0)>
module attributes {stable_mosaic.version = 14 : i64} {
  func.func @body(%arg0: i32, %arg1: i32, %arg2: memref<10000x128xf32, #tpu.memory_space<hbm>>, %arg3: memref<10000x128xf32, #tpu.memory_space<hbm>>, %arg4: memref<32x56x128xi32, #tpu.memory_space<hbm>>, %arg5: memref<32x56x128xi32, #tpu.memory_space<hbm>>, %arg6: memref<2x10240x128xf32, #tpu.memory_space<hbm>>, %arg7: memref<2x10240x128xf32, #tpu.memory_space<hbm>>, %arg8: memref<56x128xi32, #tpu.memory_space<vmem>>, %arg9: memref<56x128xi32, #tpu.memory_space<vmem>>, %arg10: memref<2x128x128xf32, #tpu.memory_space<vmem>>, %arg11: memref<10240x128xf32, #tpu.memory_space<vmem_shared>>, %arg12: memref<!tpu.dma_semaphore, #tpu.memory_space<semaphore_mem>>, %arg13: memref<!tpu.dma_semaphore, #tpu.memory_space<semaphore_mem>>) attributes {dimension_semantics = [#tpu.dimension_semantics<core_parallel>, #tpu.dimension_semantics<subcore_parallel>], iteration_bounds = array<i64: 2, 16>, scalar_prefetch = 0 : i64, scratch_operands = 6 : i64, tpu.core_type = #tpu.core_type<sc_vector_subcore>, window_params = [{transform_indices = #map}, {transform_indices = #map}, {transform_indices = #map1}, {transform_indices = #map1}, {transform_indices = #map1}, {transform_indices = #map1}]} {
    %mul3A = arith.constant 16 : i32
    %mul3A_0 = arith.muli %arg0, %mul3A : i32
    %add3A = arith.addi %mul3A_0, %arg1 : i32
    %eq3A = arith.constant 0 : i32
    %eq3A_1 = arith.cmpi eq, %arg0, %eq3A : i32
    %jit3A = arith.constant 56 : i32
    %jit3A_2 = arith.constant 24 : i32
    %select_n3A = arith.select %eq3A_1, %jit3A, %jit3A_2 : i32
    %broadcast_in_dim3A = arith.constant 0.000000e+00 : f32
    %broadcast_in_dim3A_3 = vector.broadcast %broadcast_in_dim3A : f32 to vector<16xf32>
    %scan3A = arith.constant 0 : i32
    %scan3A_4 = arith.constant 0 : i32
    %scan3A_5 = arith.constant 128 : i32
    %scan3A_6 = arith.addi %scan3A_4, %scan3A_5 : i32
    %scan3A_7 = arith.constant 1 : i32
    scf.for %scan3A_217 = %scan3A_4 to %scan3A_6 step %scan3A_7  : i32 {
      %mul3A_218 = arith.constant 1 : i32
      %mul3A_219 = arith.muli %scan3A_217, %mul3A_218 : i32
      %add3A_220 = arith.constant 0 : i32
      %add3A_221 = arith.addi %add3A_220, %mul3A_219 : i32
      %swap3A = arith.constant 0 : i32
      %swap3A_222 = arith.constant 0 : i32
      %swap3A_223 = tpu.memref_slice %arg10[%scan3A, %swap3A, %swap3A_222] : memref<2x128x128xf32, #tpu.memory_space<vmem>> -> memref<1x128x128xf32, #tpu.memory_space<vmem>>
      %swap3A_224 = tpu.memref_squeeze %swap3A_223 : memref<1x128x128xf32, #tpu.memory_space<vmem>> -> memref<128x128xf32, #tpu.memory_space<vmem>>
      %swap3A_225 = arith.index_cast %add3A_221 : i32 to index
      %swap3A_226 = arith.constant 0 : index
      %swap3A_227 = tpu.vector_load %swap3A_224[%swap3A_225, %swap3A_226] {strides = array<i32>} : memref<128x128xf32, #tpu.memory_space<vmem>>, vector<1x16xf32>,
      %swap3A_228 = vector.shape_cast %swap3A_227 : vector<1x16xf32> to vector<16xf32>
      %swap3A_229 = vector.shape_cast %broadcast_in_dim3A_3 : vector<16xf32> to vector<1x16xf32>
      tpu.vector_store %swap3A_224[%swap3A_225, %swap3A_226], %swap3A_229 {strides = array<i32>} : memref<128x128xf32, #tpu.memory_space<vmem>>, vector<1x16xf32>,
      %swap3A_230 = arith.constant 0 : i32
      %swap3A_231 = arith.constant 0 : i32
      %swap3A_232 = tpu.memref_slice %arg10[%scan3A, %swap3A_230, %swap3A_231] : memref<2x128x128xf32, #tpu.memory_space<vmem>> -> memref<1x128x128xf32, #tpu.memory_space<vmem>>
      %swap3A_233 = tpu.memref_squeeze %swap3A_232 : memref<1x128x128xf32, #tpu.memory_space<vmem>> -> memref<128x128xf32, #tpu.memory_space<vmem>>
      %swap3A_234 = arith.index_cast %add3A_221 : i32 to index
      %swap3A_235 = arith.constant 16 : index
      %swap3A_236 = tpu.vector_load %swap3A_233[%swap3A_234, %swap3A_235] {strides = array<i32>} : memref<128x128xf32, #tpu.memory_space<vmem>>, vector<1x16xf32>,
      %swap3A_237 = vector.shape_cast %swap3A_236 : vector<1x16xf32> to vector<16xf32>
      %swap3A_238 = vector.shape_cast %broadcast_in_dim3A_3 : vector<16xf32> to vector<1x16xf32>
      tpu.vector_store %swap3A_233[%swap3A_234, %swap3A_235], %swap3A_238 {strides = array<i32>} : memref<128x128xf32, #tpu.memory_space<vmem>>, vector<1x16xf32>,
      %swap3A_239 = arith.constant 0 : i32
      %swap3A_240 = arith.constant 0 : i32
      %swap3A_241 = tpu.memref_slice %arg10[%scan3A, %swap3A_239, %swap3A_240] : memref<2x128x128xf32, #tpu.memory_space<vmem>> -> memref<1x128x128xf32, #tpu.memory_space<vmem>>
      %swap3A_242 = tpu.memref_squeeze %swap3A_241 : memref<1x128x128xf32, #tpu.memory_space<vmem>> -> memref<128x128xf32, #tpu.memory_space<vmem>>
      %swap3A_243 = arith.index_cast %add3A_221 : i32 to index
      %swap3A_244 = arith.constant 32 : index
      %swap3A_245 = tpu.vector_load %swap3A_242[%swap3A_243, %swap3A_244] {strides = array<i32>} : memref<128x128xf32, #tpu.memory_space<vmem>>, vector<1x16xf32>,
      %swap3A_246 = vector.shape_cast %swap3A_245 : vector<1x16xf32> to vector<16xf32>
      %swap3A_247 = vector.shape_cast %broadcast_in_dim3A_3 : vector<16xf32> to vector<1x16xf32>
      tpu.vector_store %swap3A_242[%swap3A_243, %swap3A_244], %swap3A_247 {strides = array<i32>} : memref<128x128xf32, #tpu.memory_space<vmem>>, vector<1x16xf32>,
      %swap3A_248 = arith.constant 0 : i32
      %swap3A_249 = arith.constant 0 : i32
      %swap3A_250 = tpu.memref_slice %arg10[%scan3A, %swap3A_248, %swap3A_249] : memref<2x128x128xf32, #tpu.memory_space<vmem>> -> memref<1x128x128xf32, #tpu.memory_space<vmem>>
      %swap3A_251 = tpu.memref_squeeze %swap3A_250 : memref<1x128x128xf32, #tpu.memory_space<vmem>> -> memref<128x128xf32, #tpu.memory_space<vmem>>
      %swap3A_252 = arith.index_cast %add3A_221 : i32 to index
      %swap3A_253 = arith.constant 48 : index
      %swap3A_254 = tpu.vector_load %swap3A_251[%swap3A_252, %swap3A_253] {strides = array<i32>} : memref<128x128xf32, #tpu.memory_space<vmem>>, vector<1x16xf32>,
      %swap3A_255 = vector.shape_cast %swap3A_254 : vector<1x16xf32> to vector<16xf32>
      %swap3A_256 = vector.shape_cast %broadcast_in_dim3A_3 : vector<16xf32> to vector<1x16xf32>
      tpu.vector_store %swap3A_251[%swap3A_252, %swap3A_253], %swap3A_256 {strides = array<i32>} : memref<128x128xf32, #tpu.memory_space<vmem>>, vector<1x16xf32>,
      %swap3A_257 = arith.constant 0 : i32
      %swap3A_258 = arith.constant 0 : i32
      %swap3A_259 = tpu.memref_slice %arg10[%scan3A, %swap3A_257, %swap3A_258] : memref<2x128x128xf32, #tpu.memory_space<vmem>> -> memref<1x128x128xf32, #tpu.memory_space<vmem>>
      %swap3A_260 = tpu.memref_squeeze %swap3A_259 : memref<1x128x128xf32, #tpu.memory_space<vmem>> -> memref<128x128xf32, #tpu.memory_space<vmem>>
      %swap3A_261 = arith.index_cast %add3A_221 : i32 to index
      %swap3A_262 = arith.constant 64 : index
      %swap3A_263 = tpu.vector_load %swap3A_260[%swap3A_261, %swap3A_262] {strides = array<i32>} : memref<128x128xf32, #tpu.memory_space<vmem>>, vector<1x16xf32>,
      %swap3A_264 = vector.shape_cast %swap3A_263 : vector<1x16xf32> to vector<16xf32>
      %swap3A_265 = vector.shape_cast %broadcast_in_dim3A_3 : vector<16xf32> to vector<1x16xf32>
      tpu.vector_store %swap3A_260[%swap3A_261, %swap3A_262], %swap3A_265 {strides = array<i32>} : memref<128x128xf32, #tpu.memory_space<vmem>>, vector<1x16xf32>,
      %swap3A_266 = arith.constant 0 : i32
      %swap3A_267 = arith.constant 0 : i32
      %swap3A_268 = tpu.memref_slice %arg10[%scan3A, %swap3A_266, %swap3A_267] : memref<2x128x128xf32, #tpu.memory_space<vmem>> -> memref<1x128x128xf32, #tpu.memory_space<vmem>>
      %swap3A_269 = tpu.memref_squeeze %swap3A_268 : memref<1x128x128xf32, #tpu.memory_space<vmem>> -> memref<128x128xf32, #tpu.memory_space<vmem>>
      %swap3A_270 = arith.index_cast %add3A_221 : i32 to index
      %swap3A_271 = arith.constant 80 : index
      %swap3A_272 = tpu.vector_load %swap3A_269[%swap3A_270, %swap3A_271] {strides = array<i32>} : memref<128x128xf32, #tpu.memory_space<vmem>>, vector<1x16xf32>,
      %swap3A_273 = vector.shape_cast %swap3A_272 : vector<1x16xf32> to vector<16xf32>
      %swap3A_274 = vector.shape_cast %broadcast_in_dim3A_3 : vector<16xf32> to vector<1x16xf32>
      tpu.vector_store %swap3A_269[%swap3A_270, %swap3A_271], %swap3A_274 {strides = array<i32>} : memref<128x128xf32, #tpu.memory_space<vmem>>, vector<1x16xf32>,
      %swap3A_275 = arith.constant 0 : i32
      %swap3A_276 = arith.constant 0 : i32
      %swap3A_277 = tpu.memref_slice %arg10[%scan3A, %swap3A_275, %swap3A_276] : memref<2x128x128xf32, #tpu.memory_space<vmem>> -> memref<1x128x128xf32, #tpu.memory_space<vmem>>
      %swap3A_278 = tpu.memref_squeeze %swap3A_277 : memref<1x128x128xf32, #tpu.memory_space<vmem>> -> memref<128x128xf32, #tpu.memory_space<vmem>>
      %swap3A_279 = arith.index_cast %add3A_221 : i32 to index
      %swap3A_280 = arith.constant 96 : index
      %swap3A_281 = tpu.vector_load %swap3A_278[%swap3A_279, %swap3A_280] {strides = array<i32>} : memref<128x128xf32, #tpu.memory_space<vmem>>, vector<1x16xf32>,
      %swap3A_282 = vector.shape_cast %swap3A_281 : vector<1x16xf32> to vector<16xf32>
      %swap3A_283 = vector.shape_cast %broadcast_in_dim3A_3 : vector<16xf32> to vector<1x16xf32>
      tpu.vector_store %swap3A_278[%swap3A_279, %swap3A_280], %swap3A_283 {strides = array<i32>} : memref<128x128xf32, #tpu.memory_space<vmem>>, vector<1x16xf32>,
      %swap3A_284 = arith.constant 0 : i32
      %swap3A_285 = arith.constant 0 : i32
      %swap3A_286 = tpu.memref_slice %arg10[%scan3A, %swap3A_284, %swap3A_285] : memref<2x128x128xf32, #tpu.memory_space<vmem>> -> memref<1x128x128xf32, #tpu.memory_space<vmem>>
      %swap3A_287 = tpu.memref_squeeze %swap3A_286 : memref<1x128x128xf32, #tpu.memory_space<vmem>> -> memref<128x128xf32, #tpu.memory_space<vmem>>
      %swap3A_288 = arith.index_cast %add3A_221 : i32 to index
      %swap3A_289 = arith.constant 112 : index
      %swap3A_290 = tpu.vector_load %swap3A_287[%swap3A_288, %swap3A_289] {strides = array<i32>} : memref<128x128xf32, #tpu.memory_space<vmem>>, vector<1x16xf32>,
      %swap3A_291 = vector.shape_cast %swap3A_290 : vector<1x16xf32> to vector<16xf32>
      %swap3A_292 = vector.shape_cast %broadcast_in_dim3A_3 : vector<16xf32> to vector<1x16xf32>
      tpu.vector_store %swap3A_287[%swap3A_288, %swap3A_289], %swap3A_292 {strides = array<i32>} : memref<128x128xf32, #tpu.memory_space<vmem>>, vector<1x16xf32>,
    }
    %scan3A_8 = arith.constant 128 : i32
    %scan3A_9 = arith.constant 0 : i32
    %scan3A_10 = arith.constant 5 : i32
    %scan3A_11 = arith.addi %scan3A_9, %scan3A_10 : i32
    %scan3A_12 = arith.constant 1 : i32
    scf.for %scan3A_217 = %scan3A_9 to %scan3A_11 step %scan3A_12  : i32 {
      %mul3A_218 = arith.constant 1 : i32
      %mul3A_219 = arith.muli %scan3A_217, %mul3A_218 : i32
      %add3A_220 = arith.constant 0 : i32
      %add3A_221 = arith.addi %add3A_220, %mul3A_219 : i32
      %mul3A_222 = arith.constant 640 : i32
      %mul3A_223 = arith.muli %arg1, %mul3A_222 : i32
      %mul3A_224 = arith.constant 128 : i32
      %mul3A_225 = arith.muli %add3A_221, %mul3A_224 : i32
      %add3A_226 = arith.addi %mul3A_223, %mul3A_225 : i32
      %run_scoped3A = arith.constant 0 : i32
      "tpu.region"() ({
        %run_scoped3A_227 = tpu.sem_alloc : memref<!tpu.dma_semaphore, #tpu.memory_space<semaphore_mem>>
        %dma_start3A_228 = arith.constant 0 : i32
        %dma_start3A_229 = arith.constant 0 : i32
        %dma_start3A_230 = tpu.memref_slice %arg10[%run_scoped3A, %dma_start3A_228, %dma_start3A_229] : memref<2x128x128xf32, #tpu.memory_space<vmem>> -> memref<1x128x128xf32, #tpu.memory_space<vmem>>
        %dma_start3A_231 = tpu.memref_squeeze %dma_start3A_230 : memref<1x128x128xf32, #tpu.memory_space<vmem>> -> memref<128x128xf32, #tpu.memory_space<vmem>>
        %dma_start3A_232 = arith.constant 0 : i32
        %dma_start3A_233 = tpu.memref_slice %arg11[%add3A_226, %dma_start3A_232] : memref<10240x128xf32, #tpu.memory_space<vmem_shared>> -> memref<128x128xf32, #tpu.memory_space<vmem_shared>>
        %dma_start3A_234 = arith.constant 0 : i32
        %dma_start3A_235 = tpu.memref_slice %arg11[%add3A_226, %dma_start3A_234] : memref<10240x128xf32, #tpu.memory_space<vmem_shared>> -> memref<128x128xf32, #tpu.memory_space<vmem_shared>>
        %dma_start3A_236 = arith.constant 0 : i32
        %dma_start3A_237 = arith.constant 0 : i32
        %dma_start3A_238 = tpu.memref_slice %arg10[%run_scoped3A, %dma_start3A_236, %dma_start3A_237] : memref<2x128x128xf32, #tpu.memory_space<vmem>> -> memref<1x128x128xf32, #tpu.memory_space<vmem>>
        %dma_start3A_239 = tpu.memref_squeeze %dma_start3A_238 : memref<1x128x128xf32, #tpu.memory_space<vmem>> -> memref<128x128xf32, #tpu.memory_space<vmem>>
        tpu.enqueue_dma source(%dma_start3A_239 : memref<128x128xf32, #tpu.memory_space<vmem>>) target(%dma_start3A_235 : memref<128x128xf32, #tpu.memory_space<vmem_shared>>) target_semaphore(%run_scoped3A_227 : memref<!tpu.dma_semaphore, #tpu.memory_space<semaphore_mem>>)
        %dma_wait3A_240 = arith.constant 0 : i32
        %dma_wait3A_241 = arith.constant 0 : i32
        %dma_wait3A_242 = tpu.memref_slice %arg10[%run_scoped3A, %dma_wait3A_240, %dma_wait3A_241] : memref<2x128x128xf32, #tpu.memory_space<vmem>> -> memref<1x128x128xf32, #tpu.memory_space<vmem>>
        %dma_wait3A_243 = tpu.memref_squeeze %dma_wait3A_242 : memref<1x128x128xf32, #tpu.memory_space<vmem>> -> memref<128x128xf32, #tpu.memory_space<vmem>>
        %dma_wait3A_244 = arith.constant 0 : i32
        %dma_wait3A_245 = tpu.memref_slice %arg11[%add3A_226, %dma_wait3A_244] : memref<10240x128xf32, #tpu.memory_space<vmem_shared>> -> memref<128x128xf32, #tpu.memory_space<vmem_shared>>
        %dma_wait3A_246 = arith.constant 0 : i32
        %dma_wait3A_247 = tpu.memref_slice %arg11[%add3A_226, %dma_wait3A_246] : memref<10240x128xf32, #tpu.memory_space<vmem_shared>> -> memref<128x128xf32, #tpu.memory_space<vmem_shared>>
        %dma_wait3A_248 = arith.constant 0 : i32
        %dma_wait3A_249 = arith.constant 0 : i32
        %dma_wait3A_250 = tpu.memref_slice %arg10[%run_scoped3A, %dma_wait3A_248, %dma_wait3A_249] : memref<2x128x128xf32, #tpu.memory_space<vmem>> -> memref<1x128x128xf32, #tpu.memory_space<vmem>>
        %dma_wait3A_251 = tpu.memref_squeeze %dma_wait3A_250 : memref<1x128x128xf32, #tpu.memory_space<vmem>> -> memref<128x128xf32, #tpu.memory_space<vmem>>
        tpu.wait_dma2 semaphore(%run_scoped3A_227 : memref<!tpu.dma_semaphore, #tpu.memory_space<semaphore_mem>>) src(%dma_wait3A_251 : memref<128x128xf32, #tpu.memory_space<vmem>>) dst(%dma_wait3A_247 : memref<128x128xf32, #tpu.memory_space<vmem_shared>>)
        tpu.yield
      }) : () -> ()
    }
    %scan3A_13 = arith.constant 5 : i32
    "tpu.region"() ({
      %run_scoped3A = tpu.sem_alloc : memref<!tpu.dma_semaphore, #tpu.memory_space<semaphore_mem>>
      %dma_start3A_217 = arith.constant 0 : i32
      %dma_start3A_218 = arith.constant 0 : i32
      %dma_start3A_219 = tpu.memref_slice %arg4[%add3A, %dma_start3A_217, %dma_start3A_218] : memref<32x56x128xi32, #tpu.memory_space<hbm>> -> memref<1x56x128xi32, #tpu.memory_space<hbm>>
      %dma_start3A_220 = tpu.memref_squeeze %dma_start3A_219 : memref<1x56x128xi32, #tpu.memory_space<hbm>> -> memref<56x128xi32, #tpu.memory_space<hbm>>
      %dma_start3A_221 = arith.constant 0 : i32
      %dma_start3A_222 = arith.constant 0 : i32
      %dma_start3A_223 = tpu.memref_slice %arg4[%add3A, %dma_start3A_221, %dma_start3A_222] : memref<32x56x128xi32, #tpu.memory_space<hbm>> -> memref<1x56x128xi32, #tpu.memory_space<hbm>>
      %dma_start3A_224 = tpu.memref_squeeze %dma_start3A_223 : memref<1x56x128xi32, #tpu.memory_space<hbm>> -> memref<56x128xi32, #tpu.memory_space<hbm>>
      tpu.enqueue_dma source(%dma_start3A_224 : memref<56x128xi32, #tpu.memory_space<hbm>>) target(%arg8 : memref<56x128xi32, #tpu.memory_space<vmem>>) target_semaphore(%run_scoped3A : memref<!tpu.dma_semaphore, #tpu.memory_space<semaphore_mem>>)
      %dma_wait3A_225 = arith.constant 0 : i32
      %dma_wait3A_226 = arith.constant 0 : i32
      %dma_wait3A_227 = tpu.memref_slice %arg4[%add3A, %dma_wait3A_225, %dma_wait3A_226] : memref<32x56x128xi32, #tpu.memory_space<hbm>> -> memref<1x56x128xi32, #tpu.memory_space<hbm>>
      %dma_wait3A_228 = tpu.memref_squeeze %dma_wait3A_227 : memref<1x56x128xi32, #tpu.memory_space<hbm>> -> memref<56x128xi32, #tpu.memory_space<hbm>>
      %dma_wait3A_229 = arith.constant 0 : i32
      %dma_wait3A_230 = arith.constant 0 : i32
      %dma_wait3A_231 = tpu.memref_slice %arg4[%add3A, %dma_wait3A_229, %dma_wait3A_230] : memref<32x56x128xi32, #tpu.memory_space<hbm>> -> memref<1x56x128xi32, #tpu.memory_space<hbm>>
      %dma_wait3A_232 = tpu.memref_squeeze %dma_wait3A_231 : memref<1x56x128xi32, #tpu.memory_space<hbm>> -> memref<56x128xi32, #tpu.memory_space<hbm>>
      tpu.wait_dma2 semaphore(%run_scoped3A : memref<!tpu.dma_semaphore, #tpu.memory_space<semaphore_mem>>) src(%dma_wait3A_232 : memref<56x128xi32, #tpu.memory_space<hbm>>) dst(%arg8 : memref<56x128xi32, #tpu.memory_space<vmem>>)
      tpu.yield
    }) : () -> ()
    "tpu.region"() ({
      %run_scoped3A = tpu.sem_alloc : memref<!tpu.dma_semaphore, #tpu.memory_space<semaphore_mem>>
      %dma_start3A_217 = arith.constant 0 : i32
      %dma_start3A_218 = arith.constant 0 : i32
      %dma_start3A_219 = tpu.memref_slice %arg5[%add3A, %dma_start3A_217, %dma_start3A_218] : memref<32x56x128xi32, #tpu.memory_space<hbm>> -> memref<1x56x128xi32, #tpu.memory_space<hbm>>
      %dma_start3A_220 = tpu.memref_squeeze %dma_start3A_219 : memref<1x56x128xi32, #tpu.memory_space<hbm>> -> memref<56x128xi32, #tpu.memory_space<hbm>>
      %dma_start3A_221 = arith.constant 0 : i32
      %dma_start3A_222 = arith.constant 0 : i32
      %dma_start3A_223 = tpu.memref_slice %arg5[%add3A, %dma_start3A_221, %dma_start3A_222] : memref<32x56x128xi32, #tpu.memory_space<hbm>> -> memref<1x56x128xi32, #tpu.memory_space<hbm>>
      %dma_start3A_224 = tpu.memref_squeeze %dma_start3A_223 : memref<1x56x128xi32, #tpu.memory_space<hbm>> -> memref<56x128xi32, #tpu.memory_space<hbm>>
      tpu.enqueue_dma source(%dma_start3A_224 : memref<56x128xi32, #tpu.memory_space<hbm>>) target(%arg9 : memref<56x128xi32, #tpu.memory_space<vmem>>) target_semaphore(%run_scoped3A : memref<!tpu.dma_semaphore, #tpu.memory_space<semaphore_mem>>)
      %dma_wait3A_225 = arith.constant 0 : i32
      %dma_wait3A_226 = arith.constant 0 : i32
      %dma_wait3A_227 = tpu.memref_slice %arg5[%add3A, %dma_wait3A_225, %dma_wait3A_226] : memref<32x56x128xi32, #tpu.memory_space<hbm>> -> memref<1x56x128xi32, #tpu.memory_space<hbm>>
      %dma_wait3A_228 = tpu.memref_squeeze %dma_wait3A_227 : memref<1x56x128xi32, #tpu.memory_space<hbm>> -> memref<56x128xi32, #tpu.memory_space<hbm>>
      %dma_wait3A_229 = arith.constant 0 : i32
      %dma_wait3A_230 = arith.constant 0 : i32
      %dma_wait3A_231 = tpu.memref_slice %arg5[%add3A, %dma_wait3A_229, %dma_wait3A_230] : memref<32x56x128xi32, #tpu.memory_space<hbm>> -> memref<1x56x128xi32, #tpu.memory_space<hbm>>
      %dma_wait3A_232 = tpu.memref_squeeze %dma_wait3A_231 : memref<1x56x128xi32, #tpu.memory_space<hbm>> -> memref<56x128xi32, #tpu.memory_space<hbm>>
      tpu.wait_dma2 semaphore(%run_scoped3A : memref<!tpu.dma_semaphore, #tpu.memory_space<semaphore_mem>>) src(%dma_wait3A_232 : memref<56x128xi32, #tpu.memory_space<hbm>>) dst(%arg9 : memref<56x128xi32, #tpu.memory_space<vmem>>)
      tpu.yield
    }) : () -> ()
    %barrier3A = arith.constant 0 : index
    tpu.barrier barrier_id(%barrier3A)
    %dma_start3A = arith.constant 0 : i32
    %dma_start3A_14 = arith.constant 0 : i32
    %dma_start3A_15 = arith.constant 0 : i32
    %dma_start3A_16 = arith.constant 0 : i32
    %dma_start3A_17 = tpu.memref_slice %arg10[%dma_start3A_14, %dma_start3A_15, %dma_start3A_16] : memref<2x128x128xf32, #tpu.memory_space<vmem>> -> memref<1x128x128xf32, #tpu.memory_space<vmem>>
    %dma_start3A_18 = tpu.memref_squeeze %dma_start3A_17 : memref<1x128x128xf32, #tpu.memory_space<vmem>> -> memref<128x128xf32, #tpu.memory_space<vmem>>
    %dma_start3A_19 = arith.constant 0 : i32
    %dma_start3A_20 = tpu.memref_slice %arg8[%dma_start3A, %dma_start3A_19] : memref<56x128xi32, #tpu.memory_space<vmem>> -> memref<1x128xi32, #tpu.memory_space<vmem>>
    %dma_start3A_21 = tpu.memref_squeeze %dma_start3A_20 : memref<1x128xi32, #tpu.memory_space<vmem>> -> memref<128xi32, #tpu.memory_space<vmem>>
    %dma_start3A_22 = arith.constant 0 : i32
    %dma_start3A_23 = arith.constant 0 : i32
    %dma_start3A_24 = tpu.memref_slice %arg2[%dma_start3A_22, %dma_start3A_23] : memref<10000x128xf32, #tpu.memory_space<hbm>> -> memref<10000x128xf32, #tpu.memory_space<hbm>>
    tpu.enqueue_indirect_dma source(%dma_start3A_24 : memref<10000x128xf32, #tpu.memory_space<hbm>>) target(%dma_start3A_18 : memref<128x128xf32, #tpu.memory_space<vmem>>) offsets(%dma_start3A_21 : memref<128xi32, #tpu.memory_space<vmem>>) semaphore(%arg12 : memref<!tpu.dma_semaphore, #tpu.memory_space<semaphore_mem>>)
    %dma_start3A_25 = arith.constant 1 : i32
    %dma_start3A_26 = arith.constant 1 : i32
    %dma_start3A_27 = arith.constant 0 : i32
    %dma_start3A_28 = arith.constant 0 : i32
    %dma_start3A_29 = tpu.memref_slice %arg10[%dma_start3A_26, %dma_start3A_27, %dma_start3A_28] : memref<2x128x128xf32, #tpu.memory_space<vmem>> -> memref<1x128x128xf32, #tpu.memory_space<vmem>>
    %dma_start3A_30 = tpu.memref_squeeze %dma_start3A_29 : memref<1x128x128xf32, #tpu.memory_space<vmem>> -> memref<128x128xf32, #tpu.memory_space<vmem>>
    %dma_start3A_31 = arith.constant 0 : i32
    %dma_start3A_32 = tpu.memref_slice %arg8[%dma_start3A_25, %dma_start3A_31] : memref<56x128xi32, #tpu.memory_space<vmem>> -> memref<1x128xi32, #tpu.memory_space<vmem>>
    %dma_start3A_33 = tpu.memref_squeeze %dma_start3A_32 : memref<1x128xi32, #tpu.memory_space<vmem>> -> memref<128xi32, #tpu.memory_space<vmem>>
    %dma_start3A_34 = arith.constant 0 : i32
    %dma_start3A_35 = arith.constant 0 : i32
    %dma_start3A_36 = tpu.memref_slice %arg2[%dma_start3A_34, %dma_start3A_35] : memref<10000x128xf32, #tpu.memory_space<hbm>> -> memref<10000x128xf32, #tpu.memory_space<hbm>>
    tpu.enqueue_indirect_dma source(%dma_start3A_36 : memref<10000x128xf32, #tpu.memory_space<hbm>>) target(%dma_start3A_30 : memref<128x128xf32, #tpu.memory_space<vmem>>) offsets(%dma_start3A_33 : memref<128xi32, #tpu.memory_space<vmem>>) semaphore(%arg13 : memref<!tpu.dma_semaphore, #tpu.memory_space<semaphore_mem>>)
    %jit3A_37 = arith.constant 2 : i32
    %div3A = arith.divsi %select_n3A, %jit3A_37 : i32
    %sign3A = arith.constant 0 : i32
    %sign3A_38 = arith.cmpi sgt, %select_n3A, %sign3A : i32
    %sign3A_39 = arith.extui %sign3A_38 : i1 to i32
    %sign3A_40 = arith.constant 0 : i32
    %sign3A_41 = arith.cmpi slt, %select_n3A, %sign3A_40 : i32
    %sign3A_42 = arith.extui %sign3A_41 : i1 to i32
    %sign3A_43 = arith.subi %sign3A_39, %sign3A_42 : i32
    %sign3A_44 = arith.constant 0 : i32
    %sign3A_45 = arith.cmpi sgt, %jit3A_37, %sign3A_44 : i32
    %sign3A_46 = arith.extui %sign3A_45 : i1 to i32
    %sign3A_47 = arith.constant 0 : i32
    %sign3A_48 = arith.cmpi slt, %jit3A_37, %sign3A_47 : i32
    %sign3A_49 = arith.extui %sign3A_48 : i1 to i32
    %sign3A_50 = arith.subi %sign3A_46, %sign3A_49 : i32
    %ne3A = arith.cmpi ne, %sign3A_43, %sign3A_50 : i32
    %rem3A = arith.remsi %select_n3A, %jit3A_37 : i32
    %ne3A_51 = arith.constant 0 : i32
    %ne3A_52 = arith.cmpi ne, %rem3A, %ne3A_51 : i32
    %and3A = arith.andi %ne3A, %ne3A_52 : i1
    %sub3A = arith.constant 1 : i32
    %sub3A_53 = arith.subi %div3A, %sub3A : i32
    %select_n3A_54 = arith.select %and3A, %sub3A_53, %div3A : i32
    %sub3A_55 = arith.constant 0 : i32
    %sub3A_56 = arith.subi %select_n3A_54, %sub3A_55 : i32
    %sub3A_57 = arith.constant 1 : i32
    %sub3A_58 = arith.constant 1 : i32
    %sub3A_59 = arith.subi %sub3A_57, %sub3A_58 : i32
    %add3A_60 = arith.addi %sub3A_56, %sub3A_59 : i32
    %div3A_61 = arith.constant 1 : i32
    %div3A_62 = arith.divsi %add3A_60, %div3A_61 : i32
    %while3A = arith.constant 1 : i32
    %while3A_63 = arith.constant 0 : i32
    %while3A_64 = arith.constant 0 : i32
    %while3A_65 = arith.subi %div3A_62, %while3A_64 : i32
    %while3A_66 = arith.addi %while3A_64, %while3A_65 : i32
    %while3A_67 = arith.constant 1 : i32
    %while3A_68 = arith.divsi %while3A_65, %while3A_67 : i32
    %while3A_69 = arith.muli %while3A_68, %while3A_67 : i32
    %while3A_70 = arith.addi %while3A_64, %while3A_69 : i32
    %while3A_71 = arith.constant 1 : i32
    scf.for %while3A_217 = %while3A_64 to %while3A_70 step %while3A_71  : i32 {
      %mul3A_218 = arith.muli %while3A_217, %while3A : i32
      %add3A_219 = arith.addi %while3A_63, %mul3A_218 : i32
      %mul3A_220 = arith.constant 2 : i32
      %mul3A_221 = arith.muli %mul3A_220, %add3A_219 : i32
      %dma_wait3A_222 = arith.constant 0 : i32
      %dma_wait3A_223 = arith.constant 0 : i32
      %dma_wait3A_224 = arith.constant 0 : i32
      %dma_wait3A_225 = arith.constant 0 : i32
      %dma_wait3A_226 = tpu.memref_slice %arg10[%dma_wait3A_223, %dma_wait3A_224, %dma_wait3A_225] : memref<2x128x128xf32, #tpu.memory_space<vmem>> -> memref<1x128x128xf32, #tpu.memory_space<vmem>>
      %dma_wait3A_227 = tpu.memref_squeeze %dma_wait3A_226 : memref<1x128x128xf32, #tpu.memory_space<vmem>> -> memref<128x128xf32, #tpu.memory_space<vmem>>
      %dma_wait3A_228 = arith.constant 0 : i32
      %dma_wait3A_229 = tpu.memref_slice %arg8[%dma_wait3A_222, %dma_wait3A_228] : memref<56x128xi32, #tpu.memory_space<vmem>> -> memref<1x128xi32, #tpu.memory_space<vmem>>
      %dma_wait3A_230 = tpu.memref_squeeze %dma_wait3A_229 : memref<1x128xi32, #tpu.memory_space<vmem>> -> memref<128xi32, #tpu.memory_space<vmem>>
      %dma_wait3A_231 = arith.constant 0 : i32
      %dma_wait3A_232 = arith.constant 0 : i32
      %dma_wait3A_233 = tpu.memref_slice %arg2[%dma_wait3A_231, %dma_wait3A_232] : memref<10000x128xf32, #tpu.memory_space<hbm>> -> memref<10000x128xf32, #tpu.memory_space<hbm>>
      tpu.wait_indirect_dma semaphore(%arg12 : memref<!tpu.dma_semaphore, #tpu.memory_space<semaphore_mem>>) src(%dma_wait3A_233 : memref<10000x128xf32, #tpu.memory_space<hbm>>) dst(%dma_wait3A_227 : memref<128x128xf32, #tpu.memory_space<vmem>>)
      %add3A_234 = arith.constant 0 : i32
      %add3A_235 = arith.addi %mul3A_221, %add3A_234 : i32
      %run_scoped3A = arith.constant 0 : i32
      "tpu.region"() ({
        %run_scoped3A_283 = tpu.sem_alloc : memref<!tpu.dma_semaphore, #tpu.memory_space<semaphore_mem>>
        %dma_start3A_284 = arith.constant 0 : i32
        %dma_start3A_285 = arith.constant 0 : i32
        %dma_start3A_286 = tpu.memref_slice %arg10[%run_scoped3A, %dma_start3A_284, %dma_start3A_285] : memref<2x128x128xf32, #tpu.memory_space<vmem>> -> memref<1x128x128xf32, #tpu.memory_space<vmem>>
        %dma_start3A_287 = tpu.memref_squeeze %dma_start3A_286 : memref<1x128x128xf32, #tpu.memory_space<vmem>> -> memref<128x128xf32, #tpu.memory_space<vmem>>
        %dma_start3A_288 = arith.constant 0 : i32
        %dma_start3A_289 = tpu.memref_slice %arg9[%add3A_235, %dma_start3A_288] : memref<56x128xi32, #tpu.memory_space<vmem>> -> memref<1x128xi32, #tpu.memory_space<vmem>>
        %dma_start3A_290 = tpu.memref_squeeze %dma_start3A_289 : memref<1x128xi32, #tpu.memory_space<vmem>> -> memref<128xi32, #tpu.memory_space<vmem>>
        %dma_start3A_291 = arith.constant 0 : i32
        %dma_start3A_292 = arith.constant 0 : i32
        %dma_start3A_293 = tpu.memref_slice %arg11[%dma_start3A_291, %dma_start3A_292] : memref<10240x128xf32, #tpu.memory_space<vmem_shared>> -> memref<10240x128xf32, #tpu.memory_space<vmem_shared>>
        tpu.enqueue_indirect_dma source(%dma_start3A_287 : memref<128x128xf32, #tpu.memory_space<vmem>>) target(%dma_start3A_293 : memref<10240x128xf32, #tpu.memory_space<vmem_shared>>) offsets(%dma_start3A_290 : memref<128xi32, #tpu.memory_space<vmem>>) semaphore(%run_scoped3A_283 : memref<!tpu.dma_semaphore, #tpu.memory_space<semaphore_mem>>) {add = true}
        %dma_wait3A_294 = arith.constant 0 : i32
        %dma_wait3A_295 = arith.constant 0 : i32
        %dma_wait3A_296 = tpu.memref_slice %arg10[%run_scoped3A, %dma_wait3A_294, %dma_wait3A_295] : memref<2x128x128xf32, #tpu.memory_space<vmem>> -> memref<1x128x128xf32, #tpu.memory_space<vmem>>
        %dma_wait3A_297 = tpu.memref_squeeze %dma_wait3A_296 : memref<1x128x128xf32, #tpu.memory_space<vmem>> -> memref<128x128xf32, #tpu.memory_space<vmem>>
        %dma_wait3A_298 = arith.constant 0 : i32
        %dma_wait3A_299 = tpu.memref_slice %arg9[%add3A_235, %dma_wait3A_298] : memref<56x128xi32, #tpu.memory_space<vmem>> -> memref<1x128xi32, #tpu.memory_space<vmem>>
        %dma_wait3A_300 = tpu.memref_squeeze %dma_wait3A_299 : memref<1x128xi32, #tpu.memory_space<vmem>> -> memref<128xi32, #tpu.memory_space<vmem>>
        %dma_wait3A_301 = arith.constant 0 : i32
        %dma_wait3A_302 = arith.constant 0 : i32
        %dma_wait3A_303 = tpu.memref_slice %arg11[%dma_wait3A_301, %dma_wait3A_302] : memref<10240x128xf32, #tpu.memory_space<vmem_shared>> -> memref<10240x128xf32, #tpu.memory_space<vmem_shared>>
        tpu.wait_indirect_dma semaphore(%run_scoped3A_283 : memref<!tpu.dma_semaphore, #tpu.memory_space<semaphore_mem>>) src(%dma_wait3A_297 : memref<128x128xf32, #tpu.memory_space<vmem>>) dst(%dma_wait3A_303 : memref<10240x128xf32, #tpu.memory_space<vmem_shared>>)
        tpu.yield
      }) : () -> ()
      %add3A_236 = arith.constant 0 : i32
      %add3A_237 = arith.addi %mul3A_221, %add3A_236 : i32
      %add3A_238 = arith.constant 2 : i32
      %add3A_239 = arith.addi %add3A_237, %add3A_238 : i32
      %rem3A_240 = arith.remsi %add3A_239, %select_n3A : i32
      %dma_start3A_241 = arith.constant 0 : i32
      %dma_start3A_242 = arith.constant 0 : i32
      %dma_start3A_243 = arith.constant 0 : i32
      %dma_start3A_244 = tpu.memref_slice %arg10[%dma_start3A_241, %dma_start3A_242, %dma_start3A_243] : memref<2x128x128xf32, #tpu.memory_space<vmem>> -> memref<1x128x128xf32, #tpu.memory_space<vmem>>
      %dma_start3A_245 = tpu.memref_squeeze %dma_start3A_244 : memref<1x128x128xf32, #tpu.memory_space<vmem>> -> memref<128x128xf32, #tpu.memory_space<vmem>>
      %dma_start3A_246 = arith.constant 0 : i32
      %dma_start3A_247 = tpu.memref_slice %arg8[%rem3A_240, %dma_start3A_246] : memref<56x128xi32, #tpu.memory_space<vmem>> -> memref<1x128xi32, #tpu.memory_space<vmem>>
      %dma_start3A_248 = tpu.memref_squeeze %dma_start3A_247 : memref<1x128xi32, #tpu.memory_space<vmem>> -> memref<128xi32, #tpu.memory_space<vmem>>
      %dma_start3A_249 = arith.constant 0 : i32
      %dma_start3A_250 = arith.constant 0 : i32
      %dma_start3A_251 = tpu.memref_slice %arg2[%dma_start3A_249, %dma_start3A_250] : memref<10000x128xf32, #tpu.memory_space<hbm>> -> memref<10000x128xf32, #tpu.memory_space<hbm>>
      tpu.enqueue_indirect_dma source(%dma_start3A_251 : memref<10000x128xf32, #tpu.memory_space<hbm>>) target(%dma_start3A_245 : memref<128x128xf32, #tpu.memory_space<vmem>>) offsets(%dma_start3A_248 : memref<128xi32, #tpu.memory_space<vmem>>) semaphore(%arg12 : memref<!tpu.dma_semaphore, #tpu.memory_space<semaphore_mem>>)
      %dma_wait3A_252 = arith.constant 0 : i32
      %dma_wait3A_253 = arith.constant 1 : i32
      %dma_wait3A_254 = arith.constant 0 : i32
      %dma_wait3A_255 = arith.constant 0 : i32
      %dma_wait3A_256 = tpu.memref_slice %arg10[%dma_wait3A_253, %dma_wait3A_254, %dma_wait3A_255] : memref<2x128x128xf32, #tpu.memory_space<vmem>> -> memref<1x128x128xf32, #tpu.memory_space<vmem>>
      %dma_wait3A_257 = tpu.memref_squeeze %dma_wait3A_256 : memref<1x128x128xf32, #tpu.memory_space<vmem>> -> memref<128x128xf32, #tpu.memory_space<vmem>>
      %dma_wait3A_258 = arith.constant 0 : i32
      %dma_wait3A_259 = tpu.memref_slice %arg8[%dma_wait3A_252, %dma_wait3A_258] : memref<56x128xi32, #tpu.memory_space<vmem>> -> memref<1x128xi32, #tpu.memory_space<vmem>>
      %dma_wait3A_260 = tpu.memref_squeeze %dma_wait3A_259 : memref<1x128xi32, #tpu.memory_space<vmem>> -> memref<128xi32, #tpu.memory_space<vmem>>
      %dma_wait3A_261 = arith.constant 0 : i32
      %dma_wait3A_262 = arith.constant 0 : i32
      %dma_wait3A_263 = tpu.memref_slice %arg2[%dma_wait3A_261, %dma_wait3A_262] : memref<10000x128xf32, #tpu.memory_space<hbm>> -> memref<10000x128xf32, #tpu.memory_space<hbm>>
      tpu.wait_indirect_dma semaphore(%arg13 : memref<!tpu.dma_semaphore, #tpu.memory_space<semaphore_mem>>) src(%dma_wait3A_263 : memref<10000x128xf32, #tpu.memory_space<hbm>>) dst(%dma_wait3A_257 : memref<128x128xf32, #tpu.memory_space<vmem>>)
      %add3A_264 = arith.constant 1 : i32
      %add3A_265 = arith.addi %mul3A_221, %add3A_264 : i32
      %run_scoped3A_266 = arith.constant 1 : i32
      "tpu.region"() ({
        %run_scoped3A_283 = tpu.sem_alloc : memref<!tpu.dma_semaphore, #tpu.memory_space<semaphore_mem>>
        %dma_start3A_284 = arith.constant 0 : i32
        %dma_start3A_285 = arith.constant 0 : i32
        %dma_start3A_286 = tpu.memref_slice %arg10[%run_scoped3A_266, %dma_start3A_284, %dma_start3A_285] : memref<2x128x128xf32, #tpu.memory_space<vmem>> -> memref<1x128x128xf32, #tpu.memory_space<vmem>>
        %dma_start3A_287 = tpu.memref_squeeze %dma_start3A_286 : memref<1x128x128xf32, #tpu.memory_space<vmem>> -> memref<128x128xf32, #tpu.memory_space<vmem>>
        %dma_start3A_288 = arith.constant 0 : i32
        %dma_start3A_289 = tpu.memref_slice %arg9[%add3A_265, %dma_start3A_288] : memref<56x128xi32, #tpu.memory_space<vmem>> -> memref<1x128xi32, #tpu.memory_space<vmem>>
        %dma_start3A_290 = tpu.memref_squeeze %dma_start3A_289 : memref<1x128xi32, #tpu.memory_space<vmem>> -> memref<128xi32, #tpu.memory_space<vmem>>
        %dma_start3A_291 = arith.constant 0 : i32
        %dma_start3A_292 = arith.constant 0 : i32
        %dma_start3A_293 = tpu.memref_slice %arg11[%dma_start3A_291, %dma_start3A_292] : memref<10240x128xf32, #tpu.memory_space<vmem_shared>> -> memref<10240x128xf32, #tpu.memory_space<vmem_shared>>
        tpu.enqueue_indirect_dma source(%dma_start3A_287 : memref<128x128xf32, #tpu.memory_space<vmem>>) target(%dma_start3A_293 : memref<10240x128xf32, #tpu.memory_space<vmem_shared>>) offsets(%dma_start3A_290 : memref<128xi32, #tpu.memory_space<vmem>>) semaphore(%run_scoped3A_283 : memref<!tpu.dma_semaphore, #tpu.memory_space<semaphore_mem>>) {add = true}
        %dma_wait3A_294 = arith.constant 0 : i32
        %dma_wait3A_295 = arith.constant 0 : i32
        %dma_wait3A_296 = tpu.memref_slice %arg10[%run_scoped3A_266, %dma_wait3A_294, %dma_wait3A_295] : memref<2x128x128xf32, #tpu.memory_space<vmem>> -> memref<1x128x128xf32, #tpu.memory_space<vmem>>
        %dma_wait3A_297 = tpu.memref_squeeze %dma_wait3A_296 : memref<1x128x128xf32, #tpu.memory_space<vmem>> -> memref<128x128xf32, #tpu.memory_space<vmem>>
        %dma_wait3A_298 = arith.constant 0 : i32
        %dma_wait3A_299 = tpu.memref_slice %arg9[%add3A_265, %dma_wait3A_298] : memref<56x128xi32, #tpu.memory_space<vmem>> -> memref<1x128xi32, #tpu.memory_space<vmem>>
        %dma_wait3A_300 = tpu.memref_squeeze %dma_wait3A_299 : memref<1x128xi32, #tpu.memory_space<vmem>> -> memref<128xi32, #tpu.memory_space<vmem>>
        %dma_wait3A_301 = arith.constant 0 : i32
        %dma_wait3A_302 = arith.constant 0 : i32
        %dma_wait3A_303 = tpu.memref_slice %arg11[%dma_wait3A_301, %dma_wait3A_302] : memref<10240x128xf32, #tpu.memory_space<vmem_shared>> -> memref<10240x128xf32, #tpu.memory_space<vmem_shared>>
        tpu.wait_indirect_dma semaphore(%run_scoped3A_283 : memref<!tpu.dma_semaphore, #tpu.memory_space<semaphore_mem>>) src(%dma_wait3A_297 : memref<128x128xf32, #tpu.memory_space<vmem>>) dst(%dma_wait3A_303 : memref<10240x128xf32, #tpu.memory_space<vmem_shared>>)
        tpu.yield
      }) : () -> ()
      %add3A_267 = arith.constant 1 : i32
      %add3A_268 = arith.addi %mul3A_221, %add3A_267 : i32
      %add3A_269 = arith.constant 2 : i32
      %add3A_270 = arith.addi %add3A_268, %add3A_269 : i32
      %rem3A_271 = arith.remsi %add3A_270, %select_n3A : i32
      %dma_start3A_272 = arith.constant 1 : i32
      %dma_start3A_273 = arith.constant 0 : i32
      %dma_start3A_274 = arith.constant 0 : i32
      %dma_start3A_275 = tpu.memref_slice %arg10[%dma_start3A_272, %dma_start3A_273, %dma_start3A_274] : memref<2x128x128xf32, #tpu.memory_space<vmem>> -> memref<1x128x128xf32, #tpu.memory_space<vmem>>
      %dma_start3A_276 = tpu.memref_squeeze %dma_start3A_275 : memref<1x128x128xf32, #tpu.memory_space<vmem>> -> memref<128x128xf32, #tpu.memory_space<vmem>>
      %dma_start3A_277 = arith.constant 0 : i32
      %dma_start3A_278 = tpu.memref_slice %arg8[%rem3A_271, %dma_start3A_277] : memref<56x128xi32, #tpu.memory_space<vmem>> -> memref<1x128xi32, #tpu.memory_space<vmem>>
      %dma_start3A_279 = tpu.memref_squeeze %dma_start3A_278 : memref<1x128xi32, #tpu.memory_space<vmem>> -> memref<128xi32, #tpu.memory_space<vmem>>
      %dma_start3A_280 = arith.constant 0 : i32
      %dma_start3A_281 = arith.constant 0 : i32
      %dma_start3A_282 = tpu.memref_slice %arg2[%dma_start3A_280, %dma_start3A_281] : memref<10000x128xf32, #tpu.memory_space<hbm>> -> memref<10000x128xf32, #tpu.memory_space<hbm>>
      tpu.enqueue_indirect_dma source(%dma_start3A_282 : memref<10000x128xf32, #tpu.memory_space<hbm>>) target(%dma_start3A_276 : memref<128x128xf32, #tpu.memory_space<vmem>>) offsets(%dma_start3A_279 : memref<128xi32, #tpu.memory_space<vmem>>) semaphore(%arg13 : memref<!tpu.dma_semaphore, #tpu.memory_space<semaphore_mem>>)
    }
    %while3A_72 = arith.constant 1 : i32
    scf.for %while3A_217 = %while3A_70 to %while3A_66 step %while3A_72  : i32 {
      %mul3A_218 = arith.muli %while3A_217, %while3A : i32
      %add3A_219 = arith.addi %while3A_63, %mul3A_218 : i32
      %mul3A_220 = arith.constant 2 : i32
      %mul3A_221 = arith.muli %mul3A_220, %add3A_219 : i32
      %dma_wait3A_222 = arith.constant 0 : i32
      %dma_wait3A_223 = arith.constant 0 : i32
      %dma_wait3A_224 = arith.constant 0 : i32
      %dma_wait3A_225 = arith.constant 0 : i32
      %dma_wait3A_226 = tpu.memref_slice %arg10[%dma_wait3A_223, %dma_wait3A_224, %dma_wait3A_225] : memref<2x128x128xf32, #tpu.memory_space<vmem>> -> memref<1x128x128xf32, #tpu.memory_space<vmem>>
      %dma_wait3A_227 = tpu.memref_squeeze %dma_wait3A_226 : memref<1x128x128xf32, #tpu.memory_space<vmem>> -> memref<128x128xf32, #tpu.memory_space<vmem>>
      %dma_wait3A_228 = arith.constant 0 : i32
      %dma_wait3A_229 = tpu.memref_slice %arg8[%dma_wait3A_222, %dma_wait3A_228] : memref<56x128xi32, #tpu.memory_space<vmem>> -> memref<1x128xi32, #tpu.memory_space<vmem>>
      %dma_wait3A_230 = tpu.memref_squeeze %dma_wait3A_229 : memref<1x128xi32, #tpu.memory_space<vmem>> -> memref<128xi32, #tpu.memory_space<vmem>>
      %dma_wait3A_231 = arith.constant 0 : i32
      %dma_wait3A_232 = arith.constant 0 : i32
      %dma_wait3A_233 = tpu.memref_slice %arg2[%dma_wait3A_231, %dma_wait3A_232] : memref<10000x128xf32, #tpu.memory_space<hbm>> -> memref<10000x128xf32, #tpu.memory_space<hbm>>
      tpu.wait_indirect_dma semaphore(%arg12 : memref<!tpu.dma_semaphore, #tpu.memory_space<semaphore_mem>>) src(%dma_wait3A_233 : memref<10000x128xf32, #tpu.memory_space<hbm>>) dst(%dma_wait3A_227 : memref<128x128xf32, #tpu.memory_space<vmem>>)
      %add3A_234 = arith.constant 0 : i32
      %add3A_235 = arith.addi %mul3A_221, %add3A_234 : i32
      %run_scoped3A = arith.constant 0 : i32
      "tpu.region"() ({
        %run_scoped3A_283 = tpu.sem_alloc : memref<!tpu.dma_semaphore, #tpu.memory_space<semaphore_mem>>
        %dma_start3A_284 = arith.constant 0 : i32
        %dma_start3A_285 = arith.constant 0 : i32
        %dma_start3A_286 = tpu.memref_slice %arg10[%run_scoped3A, %dma_start3A_284, %dma_start3A_285] : memref<2x128x128xf32, #tpu.memory_space<vmem>> -> memref<1x128x128xf32, #tpu.memory_space<vmem>>
        %dma_start3A_287 = tpu.memref_squeeze %dma_start3A_286 : memref<1x128x128xf32, #tpu.memory_space<vmem>> -> memref<128x128xf32, #tpu.memory_space<vmem>>
        %dma_start3A_288 = arith.constant 0 : i32
        %dma_start3A_289 = tpu.memref_slice %arg9[%add3A_235, %dma_start3A_288] : memref<56x128xi32, #tpu.memory_space<vmem>> -> memref<1x128xi32, #tpu.memory_space<vmem>>
        %dma_start3A_290 = tpu.memref_squeeze %dma_start3A_289 : memref<1x128xi32, #tpu.memory_space<vmem>> -> memref<128xi32, #tpu.memory_space<vmem>>
        %dma_start3A_291 = arith.constant 0 : i32
        %dma_start3A_292 = arith.constant 0 : i32
        %dma_start3A_293 = tpu.memref_slice %arg11[%dma_start3A_291, %dma_start3A_292] : memref<10240x128xf32, #tpu.memory_space<vmem_shared>> -> memref<10240x128xf32, #tpu.memory_space<vmem_shared>>
        tpu.enqueue_indirect_dma source(%dma_start3A_287 : memref<128x128xf32, #tpu.memory_space<vmem>>) target(%dma_start3A_293 : memref<10240x128xf32, #tpu.memory_space<vmem_shared>>) offsets(%dma_start3A_290 : memref<128xi32, #tpu.memory_space<vmem>>) semaphore(%run_scoped3A_283 : memref<!tpu.dma_semaphore, #tpu.memory_space<semaphore_mem>>) {add = true}
        %dma_wait3A_294 = arith.constant 0 : i32
        %dma_wait3A_295 = arith.constant 0 : i32
        %dma_wait3A_296 = tpu.memref_slice %arg10[%run_scoped3A, %dma_wait3A_294, %dma_wait3A_295] : memref<2x128x128xf32, #tpu.memory_space<vmem>> -> memref<1x128x128xf32, #tpu.memory_space<vmem>>
        %dma_wait3A_297 = tpu.memref_squeeze %dma_wait3A_296 : memref<1x128x128xf32, #tpu.memory_space<vmem>> -> memref<128x128xf32, #tpu.memory_space<vmem>>
        %dma_wait3A_298 = arith.constant 0 : i32
        %dma_wait3A_299 = tpu.memref_slice %arg9[%add3A_235, %dma_wait3A_298] : memref<56x128xi32, #tpu.memory_space<vmem>> -> memref<1x128xi32, #tpu.memory_space<vmem>>
        %dma_wait3A_300 = tpu.memref_squeeze %dma_wait3A_299 : memref<1x128xi32, #tpu.memory_space<vmem>> -> memref<128xi32, #tpu.memory_space<vmem>>
        %dma_wait3A_301 = arith.constant 0 : i32
        %dma_wait3A_302 = arith.constant 0 : i32
        %dma_wait3A_303 = tpu.memref_slice %arg11[%dma_wait3A_301, %dma_wait3A_302] : memref<10240x128xf32, #tpu.memory_space<vmem_shared>> -> memref<10240x128xf32, #tpu.memory_space<vmem_shared>>
        tpu.wait_indirect_dma semaphore(%run_scoped3A_283 : memref<!tpu.dma_semaphore, #tpu.memory_space<semaphore_mem>>) src(%dma_wait3A_297 : memref<128x128xf32, #tpu.memory_space<vmem>>) dst(%dma_wait3A_303 : memref<10240x128xf32, #tpu.memory_space<vmem_shared>>)
        tpu.yield
      }) : () -> ()
      %add3A_236 = arith.constant 0 : i32
      %add3A_237 = arith.addi %mul3A_221, %add3A_236 : i32
      %add3A_238 = arith.constant 2 : i32
      %add3A_239 = arith.addi %add3A_237, %add3A_238 : i32
      %rem3A_240 = arith.remsi %add3A_239, %select_n3A : i32
      %dma_start3A_241 = arith.constant 0 : i32
      %dma_start3A_242 = arith.constant 0 : i32
      %dma_start3A_243 = arith.constant 0 : i32
      %dma_start3A_244 = tpu.memref_slice %arg10[%dma_start3A_241, %dma_start3A_242, %dma_start3A_243] : memref<2x128x128xf32, #tpu.memory_space<vmem>> -> memref<1x128x128xf32, #tpu.memory_space<vmem>>
      %dma_start3A_245 = tpu.memref_squeeze %dma_start3A_244 : memref<1x128x128xf32, #tpu.memory_space<vmem>> -> memref<128x128xf32, #tpu.memory_space<vmem>>
      %dma_start3A_246 = arith.constant 0 : i32
      %dma_start3A_247 = tpu.memref_slice %arg8[%rem3A_240, %dma_start3A_246] : memref<56x128xi32, #tpu.memory_space<vmem>> -> memref<1x128xi32, #tpu.memory_space<vmem>>
      %dma_start3A_248 = tpu.memref_squeeze %dma_start3A_247 : memref<1x128xi32, #tpu.memory_space<vmem>> -> memref<128xi32, #tpu.memory_space<vmem>>
      %dma_start3A_249 = arith.constant 0 : i32
      %dma_start3A_250 = arith.constant 0 : i32
      %dma_start3A_251 = tpu.memref_slice %arg2[%dma_start3A_249, %dma_start3A_250] : memref<10000x128xf32, #tpu.memory_space<hbm>> -> memref<10000x128xf32, #tpu.memory_space<hbm>>
      tpu.enqueue_indirect_dma source(%dma_start3A_251 : memref<10000x128xf32, #tpu.memory_space<hbm>>) target(%dma_start3A_245 : memref<128x128xf32, #tpu.memory_space<vmem>>) offsets(%dma_start3A_248 : memref<128xi32, #tpu.memory_space<vmem>>) semaphore(%arg12 : memref<!tpu.dma_semaphore, #tpu.memory_space<semaphore_mem>>)
      %dma_wait3A_252 = arith.constant 0 : i32
      %dma_wait3A_253 = arith.constant 1 : i32
      %dma_wait3A_254 = arith.constant 0 : i32
      %dma_wait3A_255 = arith.constant 0 : i32
      %dma_wait3A_256 = tpu.memref_slice %arg10[%dma_wait3A_253, %dma_wait3A_254, %dma_wait3A_255] : memref<2x128x128xf32, #tpu.memory_space<vmem>> -> memref<1x128x128xf32, #tpu.memory_space<vmem>>
      %dma_wait3A_257 = tpu.memref_squeeze %dma_wait3A_256 : memref<1x128x128xf32, #tpu.memory_space<vmem>> -> memref<128x128xf32, #tpu.memory_space<vmem>>
      %dma_wait3A_258 = arith.constant 0 : i32
      %dma_wait3A_259 = tpu.memref_slice %arg8[%dma_wait3A_252, %dma_wait3A_258] : memref<56x128xi32, #tpu.memory_space<vmem>> -> memref<1x128xi32, #tpu.memory_space<vmem>>
      %dma_wait3A_260 = tpu.memref_squeeze %dma_wait3A_259 : memref<1x128xi32, #tpu.memory_space<vmem>> -> memref<128xi32, #tpu.memory_space<vmem>>
      %dma_wait3A_261 = arith.constant 0 : i32
      %dma_wait3A_262 = arith.constant 0 : i32
      %dma_wait3A_263 = tpu.memref_slice %arg2[%dma_wait3A_261, %dma_wait3A_262] : memref<10000x128xf32, #tpu.memory_space<hbm>> -> memref<10000x128xf32, #tpu.memory_space<hbm>>
      tpu.wait_indirect_dma semaphore(%arg13 : memref<!tpu.dma_semaphore, #tpu.memory_space<semaphore_mem>>) src(%dma_wait3A_263 : memref<10000x128xf32, #tpu.memory_space<hbm>>) dst(%dma_wait3A_257 : memref<128x128xf32, #tpu.memory_space<vmem>>)
      %add3A_264 = arith.constant 1 : i32
      %add3A_265 = arith.addi %mul3A_221, %add3A_264 : i32
      %run_scoped3A_266 = arith.constant 1 : i32
      "tpu.region"() ({
        %run_scoped3A_283 = tpu.sem_alloc : memref<!tpu.dma_semaphore, #tpu.memory_space<semaphore_mem>>
        %dma_start3A_284 = arith.constant 0 : i32
        %dma_start3A_285 = arith.constant 0 : i32
        %dma_start3A_286 = tpu.memref_slice %arg10[%run_scoped3A_266, %dma_start3A_284, %dma_start3A_285] : memref<2x128x128xf32, #tpu.memory_space<vmem>> -> memref<1x128x128xf32, #tpu.memory_space<vmem>>
        %dma_start3A_287 = tpu.memref_squeeze %dma_start3A_286 : memref<1x128x128xf32, #tpu.memory_space<vmem>> -> memref<128x128xf32, #tpu.memory_space<vmem>>
        %dma_start3A_288 = arith.constant 0 : i32
        %dma_start3A_289 = tpu.memref_slice %arg9[%add3A_265, %dma_start3A_288] : memref<56x128xi32, #tpu.memory_space<vmem>> -> memref<1x128xi32, #tpu.memory_space<vmem>>
        %dma_start3A_290 = tpu.memref_squeeze %dma_start3A_289 : memref<1x128xi32, #tpu.memory_space<vmem>> -> memref<128xi32, #tpu.memory_space<vmem>>
        %dma_start3A_291 = arith.constant 0 : i32
        %dma_start3A_292 = arith.constant 0 : i32
        %dma_start3A_293 = tpu.memref_slice %arg11[%dma_start3A_291, %dma_start3A_292] : memref<10240x128xf32, #tpu.memory_space<vmem_shared>> -> memref<10240x128xf32, #tpu.memory_space<vmem_shared>>
        tpu.enqueue_indirect_dma source(%dma_start3A_287 : memref<128x128xf32, #tpu.memory_space<vmem>>) target(%dma_start3A_293 : memref<10240x128xf32, #tpu.memory_space<vmem_shared>>) offsets(%dma_start3A_290 : memref<128xi32, #tpu.memory_space<vmem>>) semaphore(%run_scoped3A_283 : memref<!tpu.dma_semaphore, #tpu.memory_space<semaphore_mem>>) {add = true}
        %dma_wait3A_294 = arith.constant 0 : i32
        %dma_wait3A_295 = arith.constant 0 : i32
        %dma_wait3A_296 = tpu.memref_slice %arg10[%run_scoped3A_266, %dma_wait3A_294, %dma_wait3A_295] : memref<2x128x128xf32, #tpu.memory_space<vmem>> -> memref<1x128x128xf32, #tpu.memory_space<vmem>>
        %dma_wait3A_297 = tpu.memref_squeeze %dma_wait3A_296 : memref<1x128x128xf32, #tpu.memory_space<vmem>> -> memref<128x128xf32, #tpu.memory_space<vmem>>
        %dma_wait3A_298 = arith.constant 0 : i32
        %dma_wait3A_299 = tpu.memref_slice %arg9[%add3A_265, %dma_wait3A_298] : memref<56x128xi32, #tpu.memory_space<vmem>> -> memref<1x128xi32, #tpu.memory_space<vmem>>
        %dma_wait3A_300 = tpu.memref_squeeze %dma_wait3A_299 : memref<1x128xi32, #tpu.memory_space<vmem>> -> memref<128xi32, #tpu.memory_space<vmem>>
        %dma_wait3A_301 = arith.constant 0 : i32
        %dma_wait3A_302 = arith.constant 0 : i32
        %dma_wait3A_303 = tpu.memref_slice %arg11[%dma_wait3A_301, %dma_wait3A_302] : memref<10240x128xf32, #tpu.memory_space<vmem_shared>> -> memref<10240x128xf32, #tpu.memory_space<vmem_shared>>
        tpu.wait_indirect_dma semaphore(%run_scoped3A_283 : memref<!tpu.dma_semaphore, #tpu.memory_space<semaphore_mem>>) src(%dma_wait3A_297 : memref<128x128xf32, #tpu.memory_space<vmem>>) dst(%dma_wait3A_303 : memref<10240x128xf32, #tpu.memory_space<vmem_shared>>)
        tpu.yield
      }) : () -> ()
      %add3A_267 = arith.constant 1 : i32
      %add3A_268 = arith.addi %mul3A_221, %add3A_267 : i32
      %add3A_269 = arith.constant 2 : i32
      %add3A_270 = arith.addi %add3A_268, %add3A_269 : i32
      %rem3A_271 = arith.remsi %add3A_270, %select_n3A : i32
      %dma_start3A_272 = arith.constant 1 : i32
      %dma_start3A_273 = arith.constant 0 : i32
      %dma_start3A_274 = arith.constant 0 : i32
      %dma_start3A_275 = tpu.memref_slice %arg10[%dma_start3A_272, %dma_start3A_273, %dma_start3A_274] : memref<2x128x128xf32, #tpu.memory_space<vmem>> -> memref<1x128x128xf32, #tpu.memory_space<vmem>>
      %dma_start3A_276 = tpu.memref_squeeze %dma_start3A_275 : memref<1x128x128xf32, #tpu.memory_space<vmem>> -> memref<128x128xf32, #tpu.memory_space<vmem>>
      %dma_start3A_277 = arith.constant 0 : i32
      %dma_start3A_278 = tpu.memref_slice %arg8[%rem3A_271, %dma_start3A_277] : memref<56x128xi32, #tpu.memory_space<vmem>> -> memref<1x128xi32, #tpu.memory_space<vmem>>
      %dma_start3A_279 = tpu.memref_squeeze %dma_start3A_278 : memref<1x128xi32, #tpu.memory_space<vmem>> -> memref<128xi32, #tpu.memory_space<vmem>>
      %dma_start3A_280 = arith.constant 0 : i32
      %dma_start3A_281 = arith.constant 0 : i32
      %dma_start3A_282 = tpu.memref_slice %arg2[%dma_start3A_280, %dma_start3A_281] : memref<10000x128xf32, #tpu.memory_space<hbm>> -> memref<10000x128xf32, #tpu.memory_space<hbm>>
      tpu.enqueue_indirect_dma source(%dma_start3A_282 : memref<10000x128xf32, #tpu.memory_space<hbm>>) target(%dma_start3A_276 : memref<128x128xf32, #tpu.memory_space<vmem>>) offsets(%dma_start3A_279 : memref<128xi32, #tpu.memory_space<vmem>>) semaphore(%arg13 : memref<!tpu.dma_semaphore, #tpu.memory_space<semaphore_mem>>)
    }
    %dma_wait3A = arith.constant 0 : i32
    %dma_wait3A_73 = arith.constant 0 : i32
    %dma_wait3A_74 = arith.constant 0 : i32
    %dma_wait3A_75 = arith.constant 0 : i32
    %dma_wait3A_76 = tpu.memref_slice %arg10[%dma_wait3A_73, %dma_wait3A_74, %dma_wait3A_75] : memref<2x128x128xf32, #tpu.memory_space<vmem>> -> memref<1x128x128xf32, #tpu.memory_space<vmem>>
    %dma_wait3A_77 = tpu.memref_squeeze %dma_wait3A_76 : memref<1x128x128xf32, #tpu.memory_space<vmem>> -> memref<128x128xf32, #tpu.memory_space<vmem>>
    %dma_wait3A_78 = arith.constant 0 : i32
    %dma_wait3A_79 = tpu.memref_slice %arg8[%dma_wait3A, %dma_wait3A_78] : memref<56x128xi32, #tpu.memory_space<vmem>> -> memref<1x128xi32, #tpu.memory_space<vmem>>
    %dma_wait3A_80 = tpu.memref_squeeze %dma_wait3A_79 : memref<1x128xi32, #tpu.memory_space<vmem>> -> memref<128xi32, #tpu.memory_space<vmem>>
    %dma_wait3A_81 = arith.constant 0 : i32
    %dma_wait3A_82 = arith.constant 0 : i32
    %dma_wait3A_83 = tpu.memref_slice %arg2[%dma_wait3A_81, %dma_wait3A_82] : memref<10000x128xf32, #tpu.memory_space<hbm>> -> memref<10000x128xf32, #tpu.memory_space<hbm>>
    tpu.wait_indirect_dma semaphore(%arg12 : memref<!tpu.dma_semaphore, #tpu.memory_space<semaphore_mem>>) src(%dma_wait3A_83 : memref<10000x128xf32, #tpu.memory_space<hbm>>) dst(%dma_wait3A_77 : memref<128x128xf32, #tpu.memory_space<vmem>>)
    %dma_wait3A_84 = arith.constant 0 : i32
    %dma_wait3A_85 = arith.constant 1 : i32
    %dma_wait3A_86 = arith.constant 0 : i32
    %dma_wait3A_87 = arith.constant 0 : i32
    %dma_wait3A_88 = tpu.memref_slice %arg10[%dma_wait3A_85, %dma_wait3A_86, %dma_wait3A_87] : memref<2x128x128xf32, #tpu.memory_space<vmem>> -> memref<1x128x128xf32, #tpu.memory_space<vmem>>
    %dma_wait3A_89 = tpu.memref_squeeze %dma_wait3A_88 : memref<1x128x128xf32, #tpu.memory_space<vmem>> -> memref<128x128xf32, #tpu.memory_space<vmem>>
    %dma_wait3A_90 = arith.constant 0 : i32
    %dma_wait3A_91 = tpu.memref_slice %arg8[%dma_wait3A_84, %dma_wait3A_90] : memref<56x128xi32, #tpu.memory_space<vmem>> -> memref<1x128xi32, #tpu.memory_space<vmem>>
    %dma_wait3A_92 = tpu.memref_squeeze %dma_wait3A_91 : memref<1x128xi32, #tpu.memory_space<vmem>> -> memref<128xi32, #tpu.memory_space<vmem>>
    %dma_wait3A_93 = arith.constant 0 : i32
    %dma_wait3A_94 = arith.constant 0 : i32
    %dma_wait3A_95 = tpu.memref_slice %arg2[%dma_wait3A_93, %dma_wait3A_94] : memref<10000x128xf32, #tpu.memory_space<hbm>> -> memref<10000x128xf32, #tpu.memory_space<hbm>>
    tpu.wait_indirect_dma semaphore(%arg13 : memref<!tpu.dma_semaphore, #tpu.memory_space<semaphore_mem>>) src(%dma_wait3A_95 : memref<10000x128xf32, #tpu.memory_space<hbm>>) dst(%dma_wait3A_89 : memref<128x128xf32, #tpu.memory_space<vmem>>)
    %barrier3A_96 = arith.constant 0 : index
    tpu.barrier barrier_id(%barrier3A_96)
    %broadcast_in_dim3A_97 = arith.constant 0.000000e+00 : f32
    %broadcast_in_dim3A_98 = vector.broadcast %broadcast_in_dim3A_97 : f32 to vector<16xf32>
    %scan3A_99 = arith.constant 1 : i32
    %scan3A_100 = arith.constant 0 : i32
    %scan3A_101 = arith.constant 128 : i32
    %scan3A_102 = arith.addi %scan3A_100, %scan3A_101 : i32
    %scan3A_103 = arith.constant 1 : i32
    scf.for %scan3A_217 = %scan3A_100 to %scan3A_102 step %scan3A_103  : i32 {
      %mul3A_218 = arith.constant 1 : i32
      %mul3A_219 = arith.muli %scan3A_217, %mul3A_218 : i32
      %add3A_220 = arith.constant 0 : i32
      %add3A_221 = arith.addi %add3A_220, %mul3A_219 : i32
      %swap3A = arith.constant 0 : i32
      %swap3A_222 = arith.constant 0 : i32
      %swap3A_223 = tpu.memref_slice %arg10[%scan3A_99, %swap3A, %swap3A_222] : memref<2x128x128xf32, #tpu.memory_space<vmem>> -> memref<1x128x128xf32, #tpu.memory_space<vmem>>
      %swap3A_224 = tpu.memref_squeeze %swap3A_223 : memref<1x128x128xf32, #tpu.memory_space<vmem>> -> memref<128x128xf32, #tpu.memory_space<vmem>>
      %swap3A_225 = arith.index_cast %add3A_221 : i32 to index
      %swap3A_226 = arith.constant 0 : index
      %swap3A_227 = tpu.vector_load %swap3A_224[%swap3A_225, %swap3A_226] {strides = array<i32>} : memref<128x128xf32, #tpu.memory_space<vmem>>, vector<1x16xf32>,
      %swap3A_228 = vector.shape_cast %swap3A_227 : vector<1x16xf32> to vector<16xf32>
      %swap3A_229 = vector.shape_cast %broadcast_in_dim3A_98 : vector<16xf32> to vector<1x16xf32>
      tpu.vector_store %swap3A_224[%swap3A_225, %swap3A_226], %swap3A_229 {strides = array<i32>} : memref<128x128xf32, #tpu.memory_space<vmem>>, vector<1x16xf32>,
      %swap3A_230 = arith.constant 0 : i32
      %swap3A_231 = arith.constant 0 : i32
      %swap3A_232 = tpu.memref_slice %arg10[%scan3A_99, %swap3A_230, %swap3A_231] : memref<2x128x128xf32, #tpu.memory_space<vmem>> -> memref<1x128x128xf32, #tpu.memory_space<vmem>>
      %swap3A_233 = tpu.memref_squeeze %swap3A_232 : memref<1x128x128xf32, #tpu.memory_space<vmem>> -> memref<128x128xf32, #tpu.memory_space<vmem>>
      %swap3A_234 = arith.index_cast %add3A_221 : i32 to index
      %swap3A_235 = arith.constant 16 : index
      %swap3A_236 = tpu.vector_load %swap3A_233[%swap3A_234, %swap3A_235] {strides = array<i32>} : memref<128x128xf32, #tpu.memory_space<vmem>>, vector<1x16xf32>,
      %swap3A_237 = vector.shape_cast %swap3A_236 : vector<1x16xf32> to vector<16xf32>
      %swap3A_238 = vector.shape_cast %broadcast_in_dim3A_98 : vector<16xf32> to vector<1x16xf32>
      tpu.vector_store %swap3A_233[%swap3A_234, %swap3A_235], %swap3A_238 {strides = array<i32>} : memref<128x128xf32, #tpu.memory_space<vmem>>, vector<1x16xf32>,
      %swap3A_239 = arith.constant 0 : i32
      %swap3A_240 = arith.constant 0 : i32
      %swap3A_241 = tpu.memref_slice %arg10[%scan3A_99, %swap3A_239, %swap3A_240] : memref<2x128x128xf32, #tpu.memory_space<vmem>> -> memref<1x128x128xf32, #tpu.memory_space<vmem>>
      %swap3A_242 = tpu.memref_squeeze %swap3A_241 : memref<1x128x128xf32, #tpu.memory_space<vmem>> -> memref<128x128xf32, #tpu.memory_space<vmem>>
      %swap3A_243 = arith.index_cast %add3A_221 : i32 to index
      %swap3A_244 = arith.constant 32 : index
      %swap3A_245 = tpu.vector_load %swap3A_242[%swap3A_243, %swap3A_244] {strides = array<i32>} : memref<128x128xf32, #tpu.memory_space<vmem>>, vector<1x16xf32>,
      %swap3A_246 = vector.shape_cast %swap3A_245 : vector<1x16xf32> to vector<16xf32>
      %swap3A_247 = vector.shape_cast %broadcast_in_dim3A_98 : vector<16xf32> to vector<1x16xf32>
      tpu.vector_store %swap3A_242[%swap3A_243, %swap3A_244], %swap3A_247 {strides = array<i32>} : memref<128x128xf32, #tpu.memory_space<vmem>>, vector<1x16xf32>,
      %swap3A_248 = arith.constant 0 : i32
      %swap3A_249 = arith.constant 0 : i32
      %swap3A_250 = tpu.memref_slice %arg10[%scan3A_99, %swap3A_248, %swap3A_249] : memref<2x128x128xf32, #tpu.memory_space<vmem>> -> memref<1x128x128xf32, #tpu.memory_space<vmem>>
      %swap3A_251 = tpu.memref_squeeze %swap3A_250 : memref<1x128x128xf32, #tpu.memory_space<vmem>> -> memref<128x128xf32, #tpu.memory_space<vmem>>
      %swap3A_252 = arith.index_cast %add3A_221 : i32 to index
      %swap3A_253 = arith.constant 48 : index
      %swap3A_254 = tpu.vector_load %swap3A_251[%swap3A_252, %swap3A_253] {strides = array<i32>} : memref<128x128xf32, #tpu.memory_space<vmem>>, vector<1x16xf32>,
      %swap3A_255 = vector.shape_cast %swap3A_254 : vector<1x16xf32> to vector<16xf32>
      %swap3A_256 = vector.shape_cast %broadcast_in_dim3A_98 : vector<16xf32> to vector<1x16xf32>
      tpu.vector_store %swap3A_251[%swap3A_252, %swap3A_253], %swap3A_256 {strides = array<i32>} : memref<128x128xf32, #tpu.memory_space<vmem>>, vector<1x16xf32>,
      %swap3A_257 = arith.constant 0 : i32
      %swap3A_258 = arith.constant 0 : i32
      %swap3A_259 = tpu.memref_slice %arg10[%scan3A_99, %swap3A_257, %swap3A_258] : memref<2x128x128xf32, #tpu.memory_space<vmem>> -> memref<1x128x128xf32, #tpu.memory_space<vmem>>
      %swap3A_260 = tpu.memref_squeeze %swap3A_259 : memref<1x128x128xf32, #tpu.memory_space<vmem>> -> memref<128x128xf32, #tpu.memory_space<vmem>>
      %swap3A_261 = arith.index_cast %add3A_221 : i32 to index
      %swap3A_262 = arith.constant 64 : index
      %swap3A_263 = tpu.vector_load %swap3A_260[%swap3A_261, %swap3A_262] {strides = array<i32>} : memref<128x128xf32, #tpu.memory_space<vmem>>, vector<1x16xf32>,
      %swap3A_264 = vector.shape_cast %swap3A_263 : vector<1x16xf32> to vector<16xf32>
      %swap3A_265 = vector.shape_cast %broadcast_in_dim3A_98 : vector<16xf32> to vector<1x16xf32>
      tpu.vector_store %swap3A_260[%swap3A_261, %swap3A_262], %swap3A_265 {strides = array<i32>} : memref<128x128xf32, #tpu.memory_space<vmem>>, vector<1x16xf32>,
      %swap3A_266 = arith.constant 0 : i32
      %swap3A_267 = arith.constant 0 : i32
      %swap3A_268 = tpu.memref_slice %arg10[%scan3A_99, %swap3A_266, %swap3A_267] : memref<2x128x128xf32, #tpu.memory_space<vmem>> -> memref<1x128x128xf32, #tpu.memory_space<vmem>>
      %swap3A_269 = tpu.memref_squeeze %swap3A_268 : memref<1x128x128xf32, #tpu.memory_space<vmem>> -> memref<128x128xf32, #tpu.memory_space<vmem>>
      %swap3A_270 = arith.index_cast %add3A_221 : i32 to index
      %swap3A_271 = arith.constant 80 : index
      %swap3A_272 = tpu.vector_load %swap3A_269[%swap3A_270, %swap3A_271] {strides = array<i32>} : memref<128x128xf32, #tpu.memory_space<vmem>>, vector<1x16xf32>,
      %swap3A_273 = vector.shape_cast %swap3A_272 : vector<1x16xf32> to vector<16xf32>
      %swap3A_274 = vector.shape_cast %broadcast_in_dim3A_98 : vector<16xf32> to vector<1x16xf32>
      tpu.vector_store %swap3A_269[%swap3A_270, %swap3A_271], %swap3A_274 {strides = array<i32>} : memref<128x128xf32, #tpu.memory_space<vmem>>, vector<1x16xf32>,
      %swap3A_275 = arith.constant 0 : i32
      %swap3A_276 = arith.constant 0 : i32
      %swap3A_277 = tpu.memref_slice %arg10[%scan3A_99, %swap3A_275, %swap3A_276] : memref<2x128x128xf32, #tpu.memory_space<vmem>> -> memref<1x128x128xf32, #tpu.memory_space<vmem>>
      %swap3A_278 = tpu.memref_squeeze %swap3A_277 : memref<1x128x128xf32, #tpu.memory_space<vmem>> -> memref<128x128xf32, #tpu.memory_space<vmem>>
      %swap3A_279 = arith.index_cast %add3A_221 : i32 to index
      %swap3A_280 = arith.constant 96 : index
      %swap3A_281 = tpu.vector_load %swap3A_278[%swap3A_279, %swap3A_280] {strides = array<i32>} : memref<128x128xf32, #tpu.memory_space<vmem>>, vector<1x16xf32>,
      %swap3A_282 = vector.shape_cast %swap3A_281 : vector<1x16xf32> to vector<16xf32>
      %swap3A_283 = vector.shape_cast %broadcast_in_dim3A_98 : vector<16xf32> to vector<1x16xf32>
      tpu.vector_store %swap3A_278[%swap3A_279, %swap3A_280], %swap3A_283 {strides = array<i32>} : memref<128x128xf32, #tpu.memory_space<vmem>>, vector<1x16xf32>,
      %swap3A_284 = arith.constant 0 : i32
      %swap3A_285 = arith.constant 0 : i32
      %swap3A_286 = tpu.memref_slice %arg10[%scan3A_99, %swap3A_284, %swap3A_285] : memref<2x128x128xf32, #tpu.memory_space<vmem>> -> memref<1x128x128xf32, #tpu.memory_space<vmem>>
      %swap3A_287 = tpu.memref_squeeze %swap3A_286 : memref<1x128x128xf32, #tpu.memory_space<vmem>> -> memref<128x128xf32, #tpu.memory_space<vmem>>
      %swap3A_288 = arith.index_cast %add3A_221 : i32 to index
      %swap3A_289 = arith.constant 112 : index
      %swap3A_290 = tpu.vector_load %swap3A_287[%swap3A_288, %swap3A_289] {strides = array<i32>} : memref<128x128xf32, #tpu.memory_space<vmem>>, vector<1x16xf32>,
      %swap3A_291 = vector.shape_cast %swap3A_290 : vector<1x16xf32> to vector<16xf32>
      %swap3A_292 = vector.shape_cast %broadcast_in_dim3A_98 : vector<16xf32> to vector<1x16xf32>
      tpu.vector_store %swap3A_287[%swap3A_288, %swap3A_289], %swap3A_292 {strides = array<i32>} : memref<128x128xf32, #tpu.memory_space<vmem>>, vector<1x16xf32>,
    }
    %scan3A_104 = arith.constant 128 : i32
    %scan3A_105 = arith.constant 0 : i32
    %scan3A_106 = arith.constant 5 : i32
    %scan3A_107 = arith.addi %scan3A_105, %scan3A_106 : i32
    %scan3A_108 = arith.constant 1 : i32
    scf.for %scan3A_217 = %scan3A_105 to %scan3A_107 step %scan3A_108  : i32 {
      %mul3A_218 = arith.constant 1 : i32
      %mul3A_219 = arith.muli %scan3A_217, %mul3A_218 : i32
      %add3A_220 = arith.constant 0 : i32
      %add3A_221 = arith.addi %add3A_220, %mul3A_219 : i32
      %mul3A_222 = arith.constant 640 : i32
      %mul3A_223 = arith.muli %arg1, %mul3A_222 : i32
      %mul3A_224 = arith.constant 128 : i32
      %mul3A_225 = arith.muli %add3A_221, %mul3A_224 : i32
      %add3A_226 = arith.addi %mul3A_223, %mul3A_225 : i32
      %run_scoped3A = arith.constant 0 : i32
      "tpu.region"() ({
        %run_scoped3A_229 = tpu.sem_alloc : memref<!tpu.dma_semaphore, #tpu.memory_space<semaphore_mem>>
        %dma_start3A_230 = arith.constant 0 : i32
        %dma_start3A_231 = arith.constant 0 : i32
        %dma_start3A_232 = tpu.memref_slice %arg10[%run_scoped3A, %dma_start3A_230, %dma_start3A_231] : memref<2x128x128xf32, #tpu.memory_space<vmem>> -> memref<1x128x128xf32, #tpu.memory_space<vmem>>
        %dma_start3A_233 = tpu.memref_squeeze %dma_start3A_232 : memref<1x128x128xf32, #tpu.memory_space<vmem>> -> memref<128x128xf32, #tpu.memory_space<vmem>>
        %dma_start3A_234 = arith.constant 0 : i32
        %dma_start3A_235 = tpu.memref_slice %arg11[%add3A_226, %dma_start3A_234] : memref<10240x128xf32, #tpu.memory_space<vmem_shared>> -> memref<128x128xf32, #tpu.memory_space<vmem_shared>>
        %dma_start3A_236 = arith.constant 0 : i32
        %dma_start3A_237 = arith.constant 0 : i32
        %dma_start3A_238 = tpu.memref_slice %arg10[%run_scoped3A, %dma_start3A_236, %dma_start3A_237] : memref<2x128x128xf32, #tpu.memory_space<vmem>> -> memref<1x128x128xf32, #tpu.memory_space<vmem>>
        %dma_start3A_239 = tpu.memref_squeeze %dma_start3A_238 : memref<1x128x128xf32, #tpu.memory_space<vmem>> -> memref<128x128xf32, #tpu.memory_space<vmem>>
        %dma_start3A_240 = arith.constant 0 : i32
        %dma_start3A_241 = tpu.memref_slice %arg11[%add3A_226, %dma_start3A_240] : memref<10240x128xf32, #tpu.memory_space<vmem_shared>> -> memref<128x128xf32, #tpu.memory_space<vmem_shared>>
        tpu.enqueue_dma source(%dma_start3A_241 : memref<128x128xf32, #tpu.memory_space<vmem_shared>>) target(%dma_start3A_239 : memref<128x128xf32, #tpu.memory_space<vmem>>) target_semaphore(%run_scoped3A_229 : memref<!tpu.dma_semaphore, #tpu.memory_space<semaphore_mem>>)
        %dma_wait3A_242 = arith.constant 0 : i32
        %dma_wait3A_243 = arith.constant 0 : i32
        %dma_wait3A_244 = tpu.memref_slice %arg10[%run_scoped3A, %dma_wait3A_242, %dma_wait3A_243] : memref<2x128x128xf32, #tpu.memory_space<vmem>> -> memref<1x128x128xf32, #tpu.memory_space<vmem>>
        %dma_wait3A_245 = tpu.memref_squeeze %dma_wait3A_244 : memref<1x128x128xf32, #tpu.memory_space<vmem>> -> memref<128x128xf32, #tpu.memory_space<vmem>>
        %dma_wait3A_246 = arith.constant 0 : i32
        %dma_wait3A_247 = tpu.memref_slice %arg11[%add3A_226, %dma_wait3A_246] : memref<10240x128xf32, #tpu.memory_space<vmem_shared>> -> memref<128x128xf32, #tpu.memory_space<vmem_shared>>
        %dma_wait3A_248 = arith.constant 0 : i32
        %dma_wait3A_249 = arith.constant 0 : i32
        %dma_wait3A_250 = tpu.memref_slice %arg10[%run_scoped3A, %dma_wait3A_248, %dma_wait3A_249] : memref<2x128x128xf32, #tpu.memory_space<vmem>> -> memref<1x128x128xf32, #tpu.memory_space<vmem>>
        %dma_wait3A_251 = tpu.memref_squeeze %dma_wait3A_250 : memref<1x128x128xf32, #tpu.memory_space<vmem>> -> memref<128x128xf32, #tpu.memory_space<vmem>>
        %dma_wait3A_252 = arith.constant 0 : i32
        %dma_wait3A_253 = tpu.memref_slice %arg11[%add3A_226, %dma_wait3A_252] : memref<10240x128xf32, #tpu.memory_space<vmem_shared>> -> memref<128x128xf32, #tpu.memory_space<vmem_shared>>
        tpu.wait_dma2 semaphore(%run_scoped3A_229 : memref<!tpu.dma_semaphore, #tpu.memory_space<semaphore_mem>>) src(%dma_wait3A_253 : memref<128x128xf32, #tpu.memory_space<vmem_shared>>) dst(%dma_wait3A_251 : memref<128x128xf32, #tpu.memory_space<vmem>>)
        tpu.yield
      }) : () -> ()
      %run_scoped3A_227 = arith.constant 0 : i32
      "tpu.region"() ({
        %run_scoped3A_229 = tpu.sem_alloc : memref<!tpu.dma_semaphore, #tpu.memory_space<semaphore_mem>>
        %dma_start3A_230 = arith.constant 0 : i32
        %dma_start3A_231 = arith.constant 0 : i32
        %dma_start3A_232 = tpu.memref_slice %arg10[%run_scoped3A_227, %dma_start3A_230, %dma_start3A_231] : memref<2x128x128xf32, #tpu.memory_space<vmem>> -> memref<1x128x128xf32, #tpu.memory_space<vmem>>
        %dma_start3A_233 = tpu.memref_squeeze %dma_start3A_232 : memref<1x128x128xf32, #tpu.memory_space<vmem>> -> memref<128x128xf32, #tpu.memory_space<vmem>>
        %dma_start3A_234 = arith.constant 0 : i32
        %dma_start3A_235 = arith.constant 0 : i32
        %dma_start3A_236 = tpu.memref_slice %arg6[%arg0, %dma_start3A_234, %dma_start3A_235] : memref<2x10240x128xf32, #tpu.memory_space<hbm>> -> memref<1x10240x128xf32, #tpu.memory_space<hbm>>
        %dma_start3A_237 = tpu.memref_squeeze %dma_start3A_236 : memref<1x10240x128xf32, #tpu.memory_space<hbm>> -> memref<10240x128xf32, #tpu.memory_space<hbm>>
        %dma_start3A_238 = arith.constant 0 : i32
        %dma_start3A_239 = tpu.memref_slice %dma_start3A_237[%add3A_226, %dma_start3A_238] : memref<10240x128xf32, #tpu.memory_space<hbm>> -> memref<128x128xf32, #tpu.memory_space<hbm>>
        %dma_start3A_240 = arith.constant 0 : i32
        %dma_start3A_241 = arith.constant 0 : i32
        %dma_start3A_242 = tpu.memref_slice %arg6[%arg0, %dma_start3A_240, %dma_start3A_241] : memref<2x10240x128xf32, #tpu.memory_space<hbm>> -> memref<1x10240x128xf32, #tpu.memory_space<hbm>>
        %dma_start3A_243 = tpu.memref_squeeze %dma_start3A_242 : memref<1x10240x128xf32, #tpu.memory_space<hbm>> -> memref<10240x128xf32, #tpu.memory_space<hbm>>
        %dma_start3A_244 = arith.constant 0 : i32
        %dma_start3A_245 = tpu.memref_slice %dma_start3A_243[%add3A_226, %dma_start3A_244] : memref<10240x128xf32, #tpu.memory_space<hbm>> -> memref<128x128xf32, #tpu.memory_space<hbm>>
        %dma_start3A_246 = arith.constant 0 : i32
        %dma_start3A_247 = arith.constant 0 : i32
        %dma_start3A_248 = tpu.memref_slice %arg10[%run_scoped3A_227, %dma_start3A_246, %dma_start3A_247] : memref<2x128x128xf32, #tpu.memory_space<vmem>> -> memref<1x128x128xf32, #tpu.memory_space<vmem>>
        %dma_start3A_249 = tpu.memref_squeeze %dma_start3A_248 : memref<1x128x128xf32, #tpu.memory_space<vmem>> -> memref<128x128xf32, #tpu.memory_space<vmem>>
        tpu.enqueue_dma source(%dma_start3A_249 : memref<128x128xf32, #tpu.memory_space<vmem>>) target(%dma_start3A_245 : memref<128x128xf32, #tpu.memory_space<hbm>>) target_semaphore(%run_scoped3A_229 : memref<!tpu.dma_semaphore, #tpu.memory_space<semaphore_mem>>)
        %dma_wait3A_250 = arith.constant 0 : i32
        %dma_wait3A_251 = arith.constant 0 : i32
        %dma_wait3A_252 = tpu.memref_slice %arg10[%run_scoped3A_227, %dma_wait3A_250, %dma_wait3A_251] : memref<2x128x128xf32, #tpu.memory_space<vmem>> -> memref<1x128x128xf32, #tpu.memory_space<vmem>>
        %dma_wait3A_253 = tpu.memref_squeeze %dma_wait3A_252 : memref<1x128x128xf32, #tpu.memory_space<vmem>> -> memref<128x128xf32, #tpu.memory_space<vmem>>
        %dma_wait3A_254 = arith.constant 0 : i32
        %dma_wait3A_255 = arith.constant 0 : i32
        %dma_wait3A_256 = tpu.memref_slice %arg6[%arg0, %dma_wait3A_254, %dma_wait3A_255] : memref<2x10240x128xf32, #tpu.memory_space<hbm>> -> memref<1x10240x128xf32, #tpu.memory_space<hbm>>
        %dma_wait3A_257 = tpu.memref_squeeze %dma_wait3A_256 : memref<1x10240x128xf32, #tpu.memory_space<hbm>> -> memref<10240x128xf32, #tpu.memory_space<hbm>>
        %dma_wait3A_258 = arith.constant 0 : i32
        %dma_wait3A_259 = tpu.memref_slice %dma_wait3A_257[%add3A_226, %dma_wait3A_258] : memref<10240x128xf32, #tpu.memory_space<hbm>> -> memref<128x128xf32, #tpu.memory_space<hbm>>
        %dma_wait3A_260 = arith.constant 0 : i32
        %dma_wait3A_261 = arith.constant 0 : i32
        %dma_wait3A_262 = tpu.memref_slice %arg6[%arg0, %dma_wait3A_260, %dma_wait3A_261] : memref<2x10240x128xf32, #tpu.memory_space<hbm>> -> memref<1x10240x128xf32, #tpu.memory_space<hbm>>
        %dma_wait3A_263 = tpu.memref_squeeze %dma_wait3A_262 : memref<1x10240x128xf32, #tpu.memory_space<hbm>> -> memref<10240x128xf32, #tpu.memory_space<hbm>>
        %dma_wait3A_264 = arith.constant 0 : i32
        %dma_wait3A_265 = tpu.memref_slice %dma_wait3A_263[%add3A_226, %dma_wait3A_264] : memref<10240x128xf32, #tpu.memory_space<hbm>> -> memref<128x128xf32, #tpu.memory_space<hbm>>
        %dma_wait3A_266 = arith.constant 0 : i32
        %dma_wait3A_267 = arith.constant 0 : i32
        %dma_wait3A_268 = tpu.memref_slice %arg10[%run_scoped3A_227, %dma_wait3A_266, %dma_wait3A_267] : memref<2x128x128xf32, #tpu.memory_space<vmem>> -> memref<1x128x128xf32, #tpu.memory_space<vmem>>
        %dma_wait3A_269 = tpu.memref_squeeze %dma_wait3A_268 : memref<1x128x128xf32, #tpu.memory_space<vmem>> -> memref<128x128xf32, #tpu.memory_space<vmem>>
        tpu.wait_dma2 semaphore(%run_scoped3A_229 : memref<!tpu.dma_semaphore, #tpu.memory_space<semaphore_mem>>) src(%dma_wait3A_269 : memref<128x128xf32, #tpu.memory_space<vmem>>) dst(%dma_wait3A_265 : memref<128x128xf32, #tpu.memory_space<hbm>>)
        tpu.yield
      }) : () -> ()
      %run_scoped3A_228 = arith.constant 1 : i32
      "tpu.region"() ({
        %run_scoped3A_229 = tpu.sem_alloc : memref<!tpu.dma_semaphore, #tpu.memory_space<semaphore_mem>>
        %dma_start3A_230 = arith.constant 0 : i32
        %dma_start3A_231 = arith.constant 0 : i32
        %dma_start3A_232 = tpu.memref_slice %arg10[%run_scoped3A_228, %dma_start3A_230, %dma_start3A_231] : memref<2x128x128xf32, #tpu.memory_space<vmem>> -> memref<1x128x128xf32, #tpu.memory_space<vmem>>
        %dma_start3A_233 = tpu.memref_squeeze %dma_start3A_232 : memref<1x128x128xf32, #tpu.memory_space<vmem>> -> memref<128x128xf32, #tpu.memory_space<vmem>>
        %dma_start3A_234 = arith.constant 0 : i32
        %dma_start3A_235 = tpu.memref_slice %arg11[%add3A_226, %dma_start3A_234] : memref<10240x128xf32, #tpu.memory_space<vmem_shared>> -> memref<128x128xf32, #tpu.memory_space<vmem_shared>>
        %dma_start3A_236 = arith.constant 0 : i32
        %dma_start3A_237 = tpu.memref_slice %arg11[%add3A_226, %dma_start3A_236] : memref<10240x128xf32, #tpu.memory_space<vmem_shared>> -> memref<128x128xf32, #tpu.memory_space<vmem_shared>>
        %dma_start3A_238 = arith.constant 0 : i32
        %dma_start3A_239 = arith.constant 0 : i32
        %dma_start3A_240 = tpu.memref_slice %arg10[%run_scoped3A_228, %dma_start3A_238, %dma_start3A_239] : memref<2x128x128xf32, #tpu.memory_space<vmem>> -> memref<1x128x128xf32, #tpu.memory_space<vmem>>
        %dma_start3A_241 = tpu.memref_squeeze %dma_start3A_240 : memref<1x128x128xf32, #tpu.memory_space<vmem>> -> memref<128x128xf32, #tpu.memory_space<vmem>>
        tpu.enqueue_dma source(%dma_start3A_241 : memref<128x128xf32, #tpu.memory_space<vmem>>) target(%dma_start3A_237 : memref<128x128xf32, #tpu.memory_space<vmem_shared>>) target_semaphore(%run_scoped3A_229 : memref<!tpu.dma_semaphore, #tpu.memory_space<semaphore_mem>>)
        %dma_wait3A_242 = arith.constant 0 : i32
        %dma_wait3A_243 = arith.constant 0 : i32
        %dma_wait3A_244 = tpu.memref_slice %arg10[%run_scoped3A_228, %dma_wait3A_242, %dma_wait3A_243] : memref<2x128x128xf32, #tpu.memory_space<vmem>> -> memref<1x128x128xf32, #tpu.memory_space<vmem>>
        %dma_wait3A_245 = tpu.memref_squeeze %dma_wait3A_244 : memref<1x128x128xf32, #tpu.memory_space<vmem>> -> memref<128x128xf32, #tpu.memory_space<vmem>>
        %dma_wait3A_246 = arith.constant 0 : i32
        %dma_wait3A_247 = tpu.memref_slice %arg11[%add3A_226, %dma_wait3A_246] : memref<10240x128xf32, #tpu.memory_space<vmem_shared>> -> memref<128x128xf32, #tpu.memory_space<vmem_shared>>
        %dma_wait3A_248 = arith.constant 0 : i32
        %dma_wait3A_249 = tpu.memref_slice %arg11[%add3A_226, %dma_wait3A_248] : memref<10240x128xf32, #tpu.memory_space<vmem_shared>> -> memref<128x128xf32, #tpu.memory_space<vmem_shared>>
        %dma_wait3A_250 = arith.constant 0 : i32
        %dma_wait3A_251 = arith.constant 0 : i32
        %dma_wait3A_252 = tpu.memref_slice %arg10[%run_scoped3A_228, %dma_wait3A_250, %dma_wait3A_251] : memref<2x128x128xf32, #tpu.memory_space<vmem>> -> memref<1x128x128xf32, #tpu.memory_space<vmem>>
        %dma_wait3A_253 = tpu.memref_squeeze %dma_wait3A_252 : memref<1x128x128xf32, #tpu.memory_space<vmem>> -> memref<128x128xf32, #tpu.memory_space<vmem>>
        tpu.wait_dma2 semaphore(%run_scoped3A_229 : memref<!tpu.dma_semaphore, #tpu.memory_space<semaphore_mem>>) src(%dma_wait3A_253 : memref<128x128xf32, #tpu.memory_space<vmem>>) dst(%dma_wait3A_249 : memref<128x128xf32, #tpu.memory_space<vmem_shared>>)
        tpu.yield
      }) : () -> ()
    }
    %scan3A_109 = arith.constant 5 : i32
    %barrier3A_110 = arith.constant 0 : index
    tpu.barrier barrier_id(%barrier3A_110)
    %dma_start3A_111 = arith.constant 0 : i32
    %dma_start3A_112 = arith.constant 0 : i32
    %dma_start3A_113 = arith.constant 0 : i32
    %dma_start3A_114 = arith.constant 0 : i32
    %dma_start3A_115 = tpu.memref_slice %arg10[%dma_start3A_112, %dma_start3A_113, %dma_start3A_114] : memref<2x128x128xf32, #tpu.memory_space<vmem>> -> memref<1x128x128xf32, #tpu.memory_space<vmem>>
    %dma_start3A_116 = tpu.memref_squeeze %dma_start3A_115 : memref<1x128x128xf32, #tpu.memory_space<vmem>> -> memref<128x128xf32, #tpu.memory_space<vmem>>
    %dma_start3A_117 = arith.constant 0 : i32
    %dma_start3A_118 = tpu.memref_slice %arg8[%dma_start3A_111, %dma_start3A_117] : memref<56x128xi32, #tpu.memory_space<vmem>> -> memref<1x128xi32, #tpu.memory_space<vmem>>
    %dma_start3A_119 = tpu.memref_squeeze %dma_start3A_118 : memref<1x128xi32, #tpu.memory_space<vmem>> -> memref<128xi32, #tpu.memory_space<vmem>>
    %dma_start3A_120 = arith.constant 0 : i32
    %dma_start3A_121 = arith.constant 0 : i32
    %dma_start3A_122 = tpu.memref_slice %arg3[%dma_start3A_120, %dma_start3A_121] : memref<10000x128xf32, #tpu.memory_space<hbm>> -> memref<10000x128xf32, #tpu.memory_space<hbm>>
    tpu.enqueue_indirect_dma source(%dma_start3A_122 : memref<10000x128xf32, #tpu.memory_space<hbm>>) target(%dma_start3A_116 : memref<128x128xf32, #tpu.memory_space<vmem>>) offsets(%dma_start3A_119 : memref<128xi32, #tpu.memory_space<vmem>>) semaphore(%arg12 : memref<!tpu.dma_semaphore, #tpu.memory_space<semaphore_mem>>)
    %dma_start3A_123 = arith.constant 1 : i32
    %dma_start3A_124 = arith.constant 1 : i32
    %dma_start3A_125 = arith.constant 0 : i32
    %dma_start3A_126 = arith.constant 0 : i32
    %dma_start3A_127 = tpu.memref_slice %arg10[%dma_start3A_124, %dma_start3A_125, %dma_start3A_126] : memref<2x128x128xf32, #tpu.memory_space<vmem>> -> memref<1x128x128xf32, #tpu.memory_space<vmem>>
    %dma_start3A_128 = tpu.memref_squeeze %dma_start3A_127 : memref<1x128x128xf32, #tpu.memory_space<vmem>> -> memref<128x128xf32, #tpu.memory_space<vmem>>
    %dma_start3A_129 = arith.constant 0 : i32
    %dma_start3A_130 = tpu.memref_slice %arg8[%dma_start3A_123, %dma_start3A_129] : memref<56x128xi32, #tpu.memory_space<vmem>> -> memref<1x128xi32, #tpu.memory_space<vmem>>
    %dma_start3A_131 = tpu.memref_squeeze %dma_start3A_130 : memref<1x128xi32, #tpu.memory_space<vmem>> -> memref<128xi32, #tpu.memory_space<vmem>>
    %dma_start3A_132 = arith.constant 0 : i32
    %dma_start3A_133 = arith.constant 0 : i32
    %dma_start3A_134 = tpu.memref_slice %arg3[%dma_start3A_132, %dma_start3A_133] : memref<10000x128xf32, #tpu.memory_space<hbm>> -> memref<10000x128xf32, #tpu.memory_space<hbm>>
    tpu.enqueue_indirect_dma source(%dma_start3A_134 : memref<10000x128xf32, #tpu.memory_space<hbm>>) target(%dma_start3A_128 : memref<128x128xf32, #tpu.memory_space<vmem>>) offsets(%dma_start3A_131 : memref<128xi32, #tpu.memory_space<vmem>>) semaphore(%arg13 : memref<!tpu.dma_semaphore, #tpu.memory_space<semaphore_mem>>)
    %jit3A_135 = arith.constant 2 : i32
    %div3A_136 = arith.divsi %select_n3A, %jit3A_135 : i32
    %sign3A_137 = arith.constant 0 : i32
    %sign3A_138 = arith.cmpi sgt, %select_n3A, %sign3A_137 : i32
    %sign3A_139 = arith.extui %sign3A_138 : i1 to i32
    %sign3A_140 = arith.constant 0 : i32
    %sign3A_141 = arith.cmpi slt, %select_n3A, %sign3A_140 : i32
    %sign3A_142 = arith.extui %sign3A_141 : i1 to i32
    %sign3A_143 = arith.subi %sign3A_139, %sign3A_142 : i32
    %sign3A_144 = arith.constant 0 : i32
    %sign3A_145 = arith.cmpi sgt, %jit3A_135, %sign3A_144 : i32
    %sign3A_146 = arith.extui %sign3A_145 : i1 to i32
    %sign3A_147 = arith.constant 0 : i32
    %sign3A_148 = arith.cmpi slt, %jit3A_135, %sign3A_147 : i32
    %sign3A_149 = arith.extui %sign3A_148 : i1 to i32
    %sign3A_150 = arith.subi %sign3A_146, %sign3A_149 : i32
    %ne3A_151 = arith.cmpi ne, %sign3A_143, %sign3A_150 : i32
    %rem3A_152 = arith.remsi %select_n3A, %jit3A_135 : i32
    %ne3A_153 = arith.constant 0 : i32
    %ne3A_154 = arith.cmpi ne, %rem3A_152, %ne3A_153 : i32
    %and3A_155 = arith.andi %ne3A_151, %ne3A_154 : i1
    %sub3A_156 = arith.constant 1 : i32
    %sub3A_157 = arith.subi %div3A_136, %sub3A_156 : i32
    %select_n3A_158 = arith.select %and3A_155, %sub3A_157, %div3A_136 : i32
    %sub3A_159 = arith.constant 0 : i32
    %sub3A_160 = arith.subi %select_n3A_158, %sub3A_159 : i32
    %sub3A_161 = arith.constant 1 : i32
    %sub3A_162 = arith.constant 1 : i32
    %sub3A_163 = arith.subi %sub3A_161, %sub3A_162 : i32
    %add3A_164 = arith.addi %sub3A_160, %sub3A_163 : i32
    %div3A_165 = arith.constant 1 : i32
    %div3A_166 = arith.divsi %add3A_164, %div3A_165 : i32
    %while3A_167 = arith.constant 1 : i32
    %while3A_168 = arith.constant 0 : i32
    %while3A_169 = arith.constant 0 : i32
    %while3A_170 = arith.subi %div3A_166, %while3A_169 : i32
    %while3A_171 = arith.addi %while3A_169, %while3A_170 : i32
    %while3A_172 = arith.constant 1 : i32
    %while3A_173 = arith.divsi %while3A_170, %while3A_172 : i32
    %while3A_174 = arith.muli %while3A_173, %while3A_172 : i32
    %while3A_175 = arith.addi %while3A_169, %while3A_174 : i32
    %while3A_176 = arith.constant 1 : i32
    scf.for %while3A_217 = %while3A_169 to %while3A_175 step %while3A_176  : i32 {
      %mul3A_218 = arith.muli %while3A_217, %while3A_167 : i32
      %add3A_219 = arith.addi %while3A_168, %mul3A_218 : i32
      %mul3A_220 = arith.constant 2 : i32
      %mul3A_221 = arith.muli %mul3A_220, %add3A_219 : i32
      %dma_wait3A_222 = arith.constant 0 : i32
      %dma_wait3A_223 = arith.constant 0 : i32
      %dma_wait3A_224 = arith.constant 0 : i32
      %dma_wait3A_225 = arith.constant 0 : i32
      %dma_wait3A_226 = tpu.memref_slice %arg10[%dma_wait3A_223, %dma_wait3A_224, %dma_wait3A_225] : memref<2x128x128xf32, #tpu.memory_space<vmem>> -> memref<1x128x128xf32, #tpu.memory_space<vmem>>
      %dma_wait3A_227 = tpu.memref_squeeze %dma_wait3A_226 : memref<1x128x128xf32, #tpu.memory_space<vmem>> -> memref<128x128xf32, #tpu.memory_space<vmem>>
      %dma_wait3A_228 = arith.constant 0 : i32
      %dma_wait3A_229 = tpu.memref_slice %arg8[%dma_wait3A_222, %dma_wait3A_228] : memref<56x128xi32, #tpu.memory_space<vmem>> -> memref<1x128xi32, #tpu.memory_space<vmem>>
      %dma_wait3A_230 = tpu.memref_squeeze %dma_wait3A_229 : memref<1x128xi32, #tpu.memory_space<vmem>> -> memref<128xi32, #tpu.memory_space<vmem>>
      %dma_wait3A_231 = arith.constant 0 : i32
      %dma_wait3A_232 = arith.constant 0 : i32
      %dma_wait3A_233 = tpu.memref_slice %arg3[%dma_wait3A_231, %dma_wait3A_232] : memref<10000x128xf32, #tpu.memory_space<hbm>> -> memref<10000x128xf32, #tpu.memory_space<hbm>>
      tpu.wait_indirect_dma semaphore(%arg12 : memref<!tpu.dma_semaphore, #tpu.memory_space<semaphore_mem>>) src(%dma_wait3A_233 : memref<10000x128xf32, #tpu.memory_space<hbm>>) dst(%dma_wait3A_227 : memref<128x128xf32, #tpu.memory_space<vmem>>)
      %add3A_234 = arith.constant 0 : i32
      %add3A_235 = arith.addi %mul3A_221, %add3A_234 : i32
      %run_scoped3A = arith.constant 0 : i32
      "tpu.region"() ({
        %run_scoped3A_283 = tpu.sem_alloc : memref<!tpu.dma_semaphore, #tpu.memory_space<semaphore_mem>>
        %dma_start3A_284 = arith.constant 0 : i32
        %dma_start3A_285 = arith.constant 0 : i32
        %dma_start3A_286 = tpu.memref_slice %arg10[%run_scoped3A, %dma_start3A_284, %dma_start3A_285] : memref<2x128x128xf32, #tpu.memory_space<vmem>> -> memref<1x128x128xf32, #tpu.memory_space<vmem>>
        %dma_start3A_287 = tpu.memref_squeeze %dma_start3A_286 : memref<1x128x128xf32, #tpu.memory_space<vmem>> -> memref<128x128xf32, #tpu.memory_space<vmem>>
        %dma_start3A_288 = arith.constant 0 : i32
        %dma_start3A_289 = tpu.memref_slice %arg9[%add3A_235, %dma_start3A_288] : memref<56x128xi32, #tpu.memory_space<vmem>> -> memref<1x128xi32, #tpu.memory_space<vmem>>
        %dma_start3A_290 = tpu.memref_squeeze %dma_start3A_289 : memref<1x128xi32, #tpu.memory_space<vmem>> -> memref<128xi32, #tpu.memory_space<vmem>>
        %dma_start3A_291 = arith.constant 0 : i32
        %dma_start3A_292 = arith.constant 0 : i32
        %dma_start3A_293 = tpu.memref_slice %arg11[%dma_start3A_291, %dma_start3A_292] : memref<10240x128xf32, #tpu.memory_space<vmem_shared>> -> memref<10240x128xf32, #tpu.memory_space<vmem_shared>>
        tpu.enqueue_indirect_dma source(%dma_start3A_287 : memref<128x128xf32, #tpu.memory_space<vmem>>) target(%dma_start3A_293 : memref<10240x128xf32, #tpu.memory_space<vmem_shared>>) offsets(%dma_start3A_290 : memref<128xi32, #tpu.memory_space<vmem>>) semaphore(%run_scoped3A_283 : memref<!tpu.dma_semaphore, #tpu.memory_space<semaphore_mem>>) {add = true}
        %dma_wait3A_294 = arith.constant 0 : i32
        %dma_wait3A_295 = arith.constant 0 : i32
        %dma_wait3A_296 = tpu.memref_slice %arg10[%run_scoped3A, %dma_wait3A_294, %dma_wait3A_295] : memref<2x128x128xf32, #tpu.memory_space<vmem>> -> memref<1x128x128xf32, #tpu.memory_space<vmem>>
        %dma_wait3A_297 = tpu.memref_squeeze %dma_wait3A_296 : memref<1x128x128xf32, #tpu.memory_space<vmem>> -> memref<128x128xf32, #tpu.memory_space<vmem>>
        %dma_wait3A_298 = arith.constant 0 : i32
        %dma_wait3A_299 = tpu.memref_slice %arg9[%add3A_235, %dma_wait3A_298] : memref<56x128xi32, #tpu.memory_space<vmem>> -> memref<1x128xi32, #tpu.memory_space<vmem>>
        %dma_wait3A_300 = tpu.memref_squeeze %dma_wait3A_299 : memref<1x128xi32, #tpu.memory_space<vmem>> -> memref<128xi32, #tpu.memory_space<vmem>>
        %dma_wait3A_301 = arith.constant 0 : i32
        %dma_wait3A_302 = arith.constant 0 : i32
        %dma_wait3A_303 = tpu.memref_slice %arg11[%dma_wait3A_301, %dma_wait3A_302] : memref<10240x128xf32, #tpu.memory_space<vmem_shared>> -> memref<10240x128xf32, #tpu.memory_space<vmem_shared>>
        tpu.wait_indirect_dma semaphore(%run_scoped3A_283 : memref<!tpu.dma_semaphore, #tpu.memory_space<semaphore_mem>>) src(%dma_wait3A_297 : memref<128x128xf32, #tpu.memory_space<vmem>>) dst(%dma_wait3A_303 : memref<10240x128xf32, #tpu.memory_space<vmem_shared>>)
        tpu.yield
      }) : () -> ()
      %add3A_236 = arith.constant 0 : i32
      %add3A_237 = arith.addi %mul3A_221, %add3A_236 : i32
      %add3A_238 = arith.constant 2 : i32
      %add3A_239 = arith.addi %add3A_237, %add3A_238 : i32
      %rem3A_240 = arith.remsi %add3A_239, %select_n3A : i32
      %dma_start3A_241 = arith.constant 0 : i32
      %dma_start3A_242 = arith.constant 0 : i32
      %dma_start3A_243 = arith.constant 0 : i32
      %dma_start3A_244 = tpu.memref_slice %arg10[%dma_start3A_241, %dma_start3A_242, %dma_start3A_243] : memref<2x128x128xf32, #tpu.memory_space<vmem>> -> memref<1x128x128xf32, #tpu.memory_space<vmem>>
      %dma_start3A_245 = tpu.memref_squeeze %dma_start3A_244 : memref<1x128x128xf32, #tpu.memory_space<vmem>> -> memref<128x128xf32, #tpu.memory_space<vmem>>
      %dma_start3A_246 = arith.constant 0 : i32
      %dma_start3A_247 = tpu.memref_slice %arg8[%rem3A_240, %dma_start3A_246] : memref<56x128xi32, #tpu.memory_space<vmem>> -> memref<1x128xi32, #tpu.memory_space<vmem>>
      %dma_start3A_248 = tpu.memref_squeeze %dma_start3A_247 : memref<1x128xi32, #tpu.memory_space<vmem>> -> memref<128xi32, #tpu.memory_space<vmem>>
      %dma_start3A_249 = arith.constant 0 : i32
      %dma_start3A_250 = arith.constant 0 : i32
      %dma_start3A_251 = tpu.memref_slice %arg3[%dma_start3A_249, %dma_start3A_250] : memref<10000x128xf32, #tpu.memory_space<hbm>> -> memref<10000x128xf32, #tpu.memory_space<hbm>>
      tpu.enqueue_indirect_dma source(%dma_start3A_251 : memref<10000x128xf32, #tpu.memory_space<hbm>>) target(%dma_start3A_245 : memref<128x128xf32, #tpu.memory_space<vmem>>) offsets(%dma_start3A_248 : memref<128xi32, #tpu.memory_space<vmem>>) semaphore(%arg12 : memref<!tpu.dma_semaphore, #tpu.memory_space<semaphore_mem>>)
      %dma_wait3A_252 = arith.constant 0 : i32
      %dma_wait3A_253 = arith.constant 1 : i32
      %dma_wait3A_254 = arith.constant 0 : i32
      %dma_wait3A_255 = arith.constant 0 : i32
      %dma_wait3A_256 = tpu.memref_slice %arg10[%dma_wait3A_253, %dma_wait3A_254, %dma_wait3A_255] : memref<2x128x128xf32, #tpu.memory_space<vmem>> -> memref<1x128x128xf32, #tpu.memory_space<vmem>>
      %dma_wait3A_257 = tpu.memref_squeeze %dma_wait3A_256 : memref<1x128x128xf32, #tpu.memory_space<vmem>> -> memref<128x128xf32, #tpu.memory_space<vmem>>
      %dma_wait3A_258 = arith.constant 0 : i32
      %dma_wait3A_259 = tpu.memref_slice %arg8[%dma_wait3A_252, %dma_wait3A_258] : memref<56x128xi32, #tpu.memory_space<vmem>> -> memref<1x128xi32, #tpu.memory_space<vmem>>
      %dma_wait3A_260 = tpu.memref_squeeze %dma_wait3A_259 : memref<1x128xi32, #tpu.memory_space<vmem>> -> memref<128xi32, #tpu.memory_space<vmem>>
      %dma_wait3A_261 = arith.constant 0 : i32
      %dma_wait3A_262 = arith.constant 0 : i32
      %dma_wait3A_263 = tpu.memref_slice %arg3[%dma_wait3A_261, %dma_wait3A_262] : memref<10000x128xf32, #tpu.memory_space<hbm>> -> memref<10000x128xf32, #tpu.memory_space<hbm>>
      tpu.wait_indirect_dma semaphore(%arg13 : memref<!tpu.dma_semaphore, #tpu.memory_space<semaphore_mem>>) src(%dma_wait3A_263 : memref<10000x128xf32, #tpu.memory_space<hbm>>) dst(%dma_wait3A_257 : memref<128x128xf32, #tpu.memory_space<vmem>>)
      %add3A_264 = arith.constant 1 : i32
      %add3A_265 = arith.addi %mul3A_221, %add3A_264 : i32
      %run_scoped3A_266 = arith.constant 1 : i32
      "tpu.region"() ({
        %run_scoped3A_283 = tpu.sem_alloc : memref<!tpu.dma_semaphore, #tpu.memory_space<semaphore_mem>>
        %dma_start3A_284 = arith.constant 0 : i32
        %dma_start3A_285 = arith.constant 0 : i32
        %dma_start3A_286 = tpu.memref_slice %arg10[%run_scoped3A_266, %dma_start3A_284, %dma_start3A_285] : memref<2x128x128xf32, #tpu.memory_space<vmem>> -> memref<1x128x128xf32, #tpu.memory_space<vmem>>
        %dma_start3A_287 = tpu.memref_squeeze %dma_start3A_286 : memref<1x128x128xf32, #tpu.memory_space<vmem>> -> memref<128x128xf32, #tpu.memory_space<vmem>>
        %dma_start3A_288 = arith.constant 0 : i32
        %dma_start3A_289 = tpu.memref_slice %arg9[%add3A_265, %dma_start3A_288] : memref<56x128xi32, #tpu.memory_space<vmem>> -> memref<1x128xi32, #tpu.memory_space<vmem>>
        %dma_start3A_290 = tpu.memref_squeeze %dma_start3A_289 : memref<1x128xi32, #tpu.memory_space<vmem>> -> memref<128xi32, #tpu.memory_space<vmem>>
        %dma_start3A_291 = arith.constant 0 : i32
        %dma_start3A_292 = arith.constant 0 : i32
        %dma_start3A_293 = tpu.memref_slice %arg11[%dma_start3A_291, %dma_start3A_292] : memref<10240x128xf32, #tpu.memory_space<vmem_shared>> -> memref<10240x128xf32, #tpu.memory_space<vmem_shared>>
        tpu.enqueue_indirect_dma source(%dma_start3A_287 : memref<128x128xf32, #tpu.memory_space<vmem>>) target(%dma_start3A_293 : memref<10240x128xf32, #tpu.memory_space<vmem_shared>>) offsets(%dma_start3A_290 : memref<128xi32, #tpu.memory_space<vmem>>) semaphore(%run_scoped3A_283 : memref<!tpu.dma_semaphore, #tpu.memory_space<semaphore_mem>>) {add = true}
        %dma_wait3A_294 = arith.constant 0 : i32
        %dma_wait3A_295 = arith.constant 0 : i32
        %dma_wait3A_296 = tpu.memref_slice %arg10[%run_scoped3A_266, %dma_wait3A_294, %dma_wait3A_295] : memref<2x128x128xf32, #tpu.memory_space<vmem>> -> memref<1x128x128xf32, #tpu.memory_space<vmem>>
        %dma_wait3A_297 = tpu.memref_squeeze %dma_wait3A_296 : memref<1x128x128xf32, #tpu.memory_space<vmem>> -> memref<128x128xf32, #tpu.memory_space<vmem>>
        %dma_wait3A_298 = arith.constant 0 : i32
        %dma_wait3A_299 = tpu.memref_slice %arg9[%add3A_265, %dma_wait3A_298] : memref<56x128xi32, #tpu.memory_space<vmem>> -> memref<1x128xi32, #tpu.memory_space<vmem>>
        %dma_wait3A_300 = tpu.memref_squeeze %dma_wait3A_299 : memref<1x128xi32, #tpu.memory_space<vmem>> -> memref<128xi32, #tpu.memory_space<vmem>>
        %dma_wait3A_301 = arith.constant 0 : i32
        %dma_wait3A_302 = arith.constant 0 : i32
        %dma_wait3A_303 = tpu.memref_slice %arg11[%dma_wait3A_301, %dma_wait3A_302] : memref<10240x128xf32, #tpu.memory_space<vmem_shared>> -> memref<10240x128xf32, #tpu.memory_space<vmem_shared>>
        tpu.wait_indirect_dma semaphore(%run_scoped3A_283 : memref<!tpu.dma_semaphore, #tpu.memory_space<semaphore_mem>>) src(%dma_wait3A_297 : memref<128x128xf32, #tpu.memory_space<vmem>>) dst(%dma_wait3A_303 : memref<10240x128xf32, #tpu.memory_space<vmem_shared>>)
        tpu.yield
      }) : () -> ()
      %add3A_267 = arith.constant 1 : i32
      %add3A_268 = arith.addi %mul3A_221, %add3A_267 : i32
      %add3A_269 = arith.constant 2 : i32
      %add3A_270 = arith.addi %add3A_268, %add3A_269 : i32
      %rem3A_271 = arith.remsi %add3A_270, %select_n3A : i32
      %dma_start3A_272 = arith.constant 1 : i32
      %dma_start3A_273 = arith.constant 0 : i32
      %dma_start3A_274 = arith.constant 0 : i32
      %dma_start3A_275 = tpu.memref_slice %arg10[%dma_start3A_272, %dma_start3A_273, %dma_start3A_274] : memref<2x128x128xf32, #tpu.memory_space<vmem>> -> memref<1x128x128xf32, #tpu.memory_space<vmem>>
      %dma_start3A_276 = tpu.memref_squeeze %dma_start3A_275 : memref<1x128x128xf32, #tpu.memory_space<vmem>> -> memref<128x128xf32, #tpu.memory_space<vmem>>
      %dma_start3A_277 = arith.constant 0 : i32
      %dma_start3A_278 = tpu.memref_slice %arg8[%rem3A_271, %dma_start3A_277] : memref<56x128xi32, #tpu.memory_space<vmem>> -> memref<1x128xi32, #tpu.memory_space<vmem>>
      %dma_start3A_279 = tpu.memref_squeeze %dma_start3A_278 : memref<1x128xi32, #tpu.memory_space<vmem>> -> memref<128xi32, #tpu.memory_space<vmem>>
      %dma_start3A_280 = arith.constant 0 : i32
      %dma_start3A_281 = arith.constant 0 : i32
      %dma_start3A_282 = tpu.memref_slice %arg3[%dma_start3A_280, %dma_start3A_281] : memref<10000x128xf32, #tpu.memory_space<hbm>> -> memref<10000x128xf32, #tpu.memory_space<hbm>>
      tpu.enqueue_indirect_dma source(%dma_start3A_282 : memref<10000x128xf32, #tpu.memory_space<hbm>>) target(%dma_start3A_276 : memref<128x128xf32, #tpu.memory_space<vmem>>) offsets(%dma_start3A_279 : memref<128xi32, #tpu.memory_space<vmem>>) semaphore(%arg13 : memref<!tpu.dma_semaphore, #tpu.memory_space<semaphore_mem>>)
    }
    %while3A_177 = arith.constant 1 : i32
    scf.for %while3A_217 = %while3A_175 to %while3A_171 step %while3A_177  : i32 {
      %mul3A_218 = arith.muli %while3A_217, %while3A_167 : i32
      %add3A_219 = arith.addi %while3A_168, %mul3A_218 : i32
      %mul3A_220 = arith.constant 2 : i32
      %mul3A_221 = arith.muli %mul3A_220, %add3A_219 : i32
      %dma_wait3A_222 = arith.constant 0 : i32
      %dma_wait3A_223 = arith.constant 0 : i32
      %dma_wait3A_224 = arith.constant 0 : i32
      %dma_wait3A_225 = arith.constant 0 : i32
      %dma_wait3A_226 = tpu.memref_slice %arg10[%dma_wait3A_223, %dma_wait3A_224, %dma_wait3A_225] : memref<2x128x128xf32, #tpu.memory_space<vmem>> -> memref<1x128x128xf32, #tpu.memory_space<vmem>>
      %dma_wait3A_227 = tpu.memref_squeeze %dma_wait3A_226 : memref<1x128x128xf32, #tpu.memory_space<vmem>> -> memref<128x128xf32, #tpu.memory_space<vmem>>
      %dma_wait3A_228 = arith.constant 0 : i32
      %dma_wait3A_229 = tpu.memref_slice %arg8[%dma_wait3A_222, %dma_wait3A_228] : memref<56x128xi32, #tpu.memory_space<vmem>> -> memref<1x128xi32, #tpu.memory_space<vmem>>
      %dma_wait3A_230 = tpu.memref_squeeze %dma_wait3A_229 : memref<1x128xi32, #tpu.memory_space<vmem>> -> memref<128xi32, #tpu.memory_space<vmem>>
      %dma_wait3A_231 = arith.constant 0 : i32
      %dma_wait3A_232 = arith.constant 0 : i32
      %dma_wait3A_233 = tpu.memref_slice %arg3[%dma_wait3A_231, %dma_wait3A_232] : memref<10000x128xf32, #tpu.memory_space<hbm>> -> memref<10000x128xf32, #tpu.memory_space<hbm>>
      tpu.wait_indirect_dma semaphore(%arg12 : memref<!tpu.dma_semaphore, #tpu.memory_space<semaphore_mem>>) src(%dma_wait3A_233 : memref<10000x128xf32, #tpu.memory_space<hbm>>) dst(%dma_wait3A_227 : memref<128x128xf32, #tpu.memory_space<vmem>>)
      %add3A_234 = arith.constant 0 : i32
      %add3A_235 = arith.addi %mul3A_221, %add3A_234 : i32
      %run_scoped3A = arith.constant 0 : i32
      "tpu.region"() ({
        %run_scoped3A_283 = tpu.sem_alloc : memref<!tpu.dma_semaphore, #tpu.memory_space<semaphore_mem>>
        %dma_start3A_284 = arith.constant 0 : i32
        %dma_start3A_285 = arith.constant 0 : i32
        %dma_start3A_286 = tpu.memref_slice %arg10[%run_scoped3A, %dma_start3A_284, %dma_start3A_285] : memref<2x128x128xf32, #tpu.memory_space<vmem>> -> memref<1x128x128xf32, #tpu.memory_space<vmem>>
        %dma_start3A_287 = tpu.memref_squeeze %dma_start3A_286 : memref<1x128x128xf32, #tpu.memory_space<vmem>> -> memref<128x128xf32, #tpu.memory_space<vmem>>
        %dma_start3A_288 = arith.constant 0 : i32
        %dma_start3A_289 = tpu.memref_slice %arg9[%add3A_235, %dma_start3A_288] : memref<56x128xi32, #tpu.memory_space<vmem>> -> memref<1x128xi32, #tpu.memory_space<vmem>>
        %dma_start3A_290 = tpu.memref_squeeze %dma_start3A_289 : memref<1x128xi32, #tpu.memory_space<vmem>> -> memref<128xi32, #tpu.memory_space<vmem>>
        %dma_start3A_291 = arith.constant 0 : i32
        %dma_start3A_292 = arith.constant 0 : i32
        %dma_start3A_293 = tpu.memref_slice %arg11[%dma_start3A_291, %dma_start3A_292] : memref<10240x128xf32, #tpu.memory_space<vmem_shared>> -> memref<10240x128xf32, #tpu.memory_space<vmem_shared>>
        tpu.enqueue_indirect_dma source(%dma_start3A_287 : memref<128x128xf32, #tpu.memory_space<vmem>>) target(%dma_start3A_293 : memref<10240x128xf32, #tpu.memory_space<vmem_shared>>) offsets(%dma_start3A_290 : memref<128xi32, #tpu.memory_space<vmem>>) semaphore(%run_scoped3A_283 : memref<!tpu.dma_semaphore, #tpu.memory_space<semaphore_mem>>) {add = true}
        %dma_wait3A_294 = arith.constant 0 : i32
        %dma_wait3A_295 = arith.constant 0 : i32
        %dma_wait3A_296 = tpu.memref_slice %arg10[%run_scoped3A, %dma_wait3A_294, %dma_wait3A_295] : memref<2x128x128xf32, #tpu.memory_space<vmem>> -> memref<1x128x128xf32, #tpu.memory_space<vmem>>
        %dma_wait3A_297 = tpu.memref_squeeze %dma_wait3A_296 : memref<1x128x128xf32, #tpu.memory_space<vmem>> -> memref<128x128xf32, #tpu.memory_space<vmem>>
        %dma_wait3A_298 = arith.constant 0 : i32
        %dma_wait3A_299 = tpu.memref_slice %arg9[%add3A_235, %dma_wait3A_298] : memref<56x128xi32, #tpu.memory_space<vmem>> -> memref<1x128xi32, #tpu.memory_space<vmem>>
        %dma_wait3A_300 = tpu.memref_squeeze %dma_wait3A_299 : memref<1x128xi32, #tpu.memory_space<vmem>> -> memref<128xi32, #tpu.memory_space<vmem>>
        %dma_wait3A_301 = arith.constant 0 : i32
        %dma_wait3A_302 = arith.constant 0 : i32
        %dma_wait3A_303 = tpu.memref_slice %arg11[%dma_wait3A_301, %dma_wait3A_302] : memref<10240x128xf32, #tpu.memory_space<vmem_shared>> -> memref<10240x128xf32, #tpu.memory_space<vmem_shared>>
        tpu.wait_indirect_dma semaphore(%run_scoped3A_283 : memref<!tpu.dma_semaphore, #tpu.memory_space<semaphore_mem>>) src(%dma_wait3A_297 : memref<128x128xf32, #tpu.memory_space<vmem>>) dst(%dma_wait3A_303 : memref<10240x128xf32, #tpu.memory_space<vmem_shared>>)
        tpu.yield
      }) : () -> ()
      %add3A_236 = arith.constant 0 : i32
      %add3A_237 = arith.addi %mul3A_221, %add3A_236 : i32
      %add3A_238 = arith.constant 2 : i32
      %add3A_239 = arith.addi %add3A_237, %add3A_238 : i32
      %rem3A_240 = arith.remsi %add3A_239, %select_n3A : i32
      %dma_start3A_241 = arith.constant 0 : i32
      %dma_start3A_242 = arith.constant 0 : i32
      %dma_start3A_243 = arith.constant 0 : i32
      %dma_start3A_244 = tpu.memref_slice %arg10[%dma_start3A_241, %dma_start3A_242, %dma_start3A_243] : memref<2x128x128xf32, #tpu.memory_space<vmem>> -> memref<1x128x128xf32, #tpu.memory_space<vmem>>
      %dma_start3A_245 = tpu.memref_squeeze %dma_start3A_244 : memref<1x128x128xf32, #tpu.memory_space<vmem>> -> memref<128x128xf32, #tpu.memory_space<vmem>>
      %dma_start3A_246 = arith.constant 0 : i32
      %dma_start3A_247 = tpu.memref_slice %arg8[%rem3A_240, %dma_start3A_246] : memref<56x128xi32, #tpu.memory_space<vmem>> -> memref<1x128xi32, #tpu.memory_space<vmem>>
      %dma_start3A_248 = tpu.memref_squeeze %dma_start3A_247 : memref<1x128xi32, #tpu.memory_space<vmem>> -> memref<128xi32, #tpu.memory_space<vmem>>
      %dma_start3A_249 = arith.constant 0 : i32
      %dma_start3A_250 = arith.constant 0 : i32
      %dma_start3A_251 = tpu.memref_slice %arg3[%dma_start3A_249, %dma_start3A_250] : memref<10000x128xf32, #tpu.memory_space<hbm>> -> memref<10000x128xf32, #tpu.memory_space<hbm>>
      tpu.enqueue_indirect_dma source(%dma_start3A_251 : memref<10000x128xf32, #tpu.memory_space<hbm>>) target(%dma_start3A_245 : memref<128x128xf32, #tpu.memory_space<vmem>>) offsets(%dma_start3A_248 : memref<128xi32, #tpu.memory_space<vmem>>) semaphore(%arg12 : memref<!tpu.dma_semaphore, #tpu.memory_space<semaphore_mem>>)
      %dma_wait3A_252 = arith.constant 0 : i32
      %dma_wait3A_253 = arith.constant 1 : i32
      %dma_wait3A_254 = arith.constant 0 : i32
      %dma_wait3A_255 = arith.constant 0 : i32
      %dma_wait3A_256 = tpu.memref_slice %arg10[%dma_wait3A_253, %dma_wait3A_254, %dma_wait3A_255] : memref<2x128x128xf32, #tpu.memory_space<vmem>> -> memref<1x128x128xf32, #tpu.memory_space<vmem>>
      %dma_wait3A_257 = tpu.memref_squeeze %dma_wait3A_256 : memref<1x128x128xf32, #tpu.memory_space<vmem>> -> memref<128x128xf32, #tpu.memory_space<vmem>>
      %dma_wait3A_258 = arith.constant 0 : i32
      %dma_wait3A_259 = tpu.memref_slice %arg8[%dma_wait3A_252, %dma_wait3A_258] : memref<56x128xi32, #tpu.memory_space<vmem>> -> memref<1x128xi32, #tpu.memory_space<vmem>>
      %dma_wait3A_260 = tpu.memref_squeeze %dma_wait3A_259 : memref<1x128xi32, #tpu.memory_space<vmem>> -> memref<128xi32, #tpu.memory_space<vmem>>
      %dma_wait3A_261 = arith.constant 0 : i32
      %dma_wait3A_262 = arith.constant 0 : i32
      %dma_wait3A_263 = tpu.memref_slice %arg3[%dma_wait3A_261, %dma_wait3A_262] : memref<10000x128xf32, #tpu.memory_space<hbm>> -> memref<10000x128xf32, #tpu.memory_space<hbm>>
      tpu.wait_indirect_dma semaphore(%arg13 : memref<!tpu.dma_semaphore, #tpu.memory_space<semaphore_mem>>) src(%dma_wait3A_263 : memref<10000x128xf32, #tpu.memory_space<hbm>>) dst(%dma_wait3A_257 : memref<128x128xf32, #tpu.memory_space<vmem>>)
      %add3A_264 = arith.constant 1 : i32
      %add3A_265 = arith.addi %mul3A_221, %add3A_264 : i32
      %run_scoped3A_266 = arith.constant 1 : i32
      "tpu.region"() ({
        %run_scoped3A_283 = tpu.sem_alloc : memref<!tpu.dma_semaphore, #tpu.memory_space<semaphore_mem>>
        %dma_start3A_284 = arith.constant 0 : i32
        %dma_start3A_285 = arith.constant 0 : i32
        %dma_start3A_286 = tpu.memref_slice %arg10[%run_scoped3A_266, %dma_start3A_284, %dma_start3A_285] : memref<2x128x128xf32, #tpu.memory_space<vmem>> -> memref<1x128x128xf32, #tpu.memory_space<vmem>>
        %dma_start3A_287 = tpu.memref_squeeze %dma_start3A_286 : memref<1x128x128xf32, #tpu.memory_space<vmem>> -> memref<128x128xf32, #tpu.memory_space<vmem>>
        %dma_start3A_288 = arith.constant 0 : i32
        %dma_start3A_289 = tpu.memref_slice %arg9[%add3A_265, %dma_start3A_288] : memref<56x128xi32, #tpu.memory_space<vmem>> -> memref<1x128xi32, #tpu.memory_space<vmem>>
        %dma_start3A_290 = tpu.memref_squeeze %dma_start3A_289 : memref<1x128xi32, #tpu.memory_space<vmem>> -> memref<128xi32, #tpu.memory_space<vmem>>
        %dma_start3A_291 = arith.constant 0 : i32
        %dma_start3A_292 = arith.constant 0 : i32
        %dma_start3A_293 = tpu.memref_slice %arg11[%dma_start3A_291, %dma_start3A_292] : memref<10240x128xf32, #tpu.memory_space<vmem_shared>> -> memref<10240x128xf32, #tpu.memory_space<vmem_shared>>
        tpu.enqueue_indirect_dma source(%dma_start3A_287 : memref<128x128xf32, #tpu.memory_space<vmem>>) target(%dma_start3A_293 : memref<10240x128xf32, #tpu.memory_space<vmem_shared>>) offsets(%dma_start3A_290 : memref<128xi32, #tpu.memory_space<vmem>>) semaphore(%run_scoped3A_283 : memref<!tpu.dma_semaphore, #tpu.memory_space<semaphore_mem>>) {add = true}
        %dma_wait3A_294 = arith.constant 0 : i32
        %dma_wait3A_295 = arith.constant 0 : i32
        %dma_wait3A_296 = tpu.memref_slice %arg10[%run_scoped3A_266, %dma_wait3A_294, %dma_wait3A_295] : memref<2x128x128xf32, #tpu.memory_space<vmem>> -> memref<1x128x128xf32, #tpu.memory_space<vmem>>
        %dma_wait3A_297 = tpu.memref_squeeze %dma_wait3A_296 : memref<1x128x128xf32, #tpu.memory_space<vmem>> -> memref<128x128xf32, #tpu.memory_space<vmem>>
        %dma_wait3A_298 = arith.constant 0 : i32
        %dma_wait3A_299 = tpu.memref_slice %arg9[%add3A_265, %dma_wait3A_298] : memref<56x128xi32, #tpu.memory_space<vmem>> -> memref<1x128xi32, #tpu.memory_space<vmem>>
        %dma_wait3A_300 = tpu.memref_squeeze %dma_wait3A_299 : memref<1x128xi32, #tpu.memory_space<vmem>> -> memref<128xi32, #tpu.memory_space<vmem>>
        %dma_wait3A_301 = arith.constant 0 : i32
        %dma_wait3A_302 = arith.constant 0 : i32
        %dma_wait3A_303 = tpu.memref_slice %arg11[%dma_wait3A_301, %dma_wait3A_302] : memref<10240x128xf32, #tpu.memory_space<vmem_shared>> -> memref<10240x128xf32, #tpu.memory_space<vmem_shared>>
        tpu.wait_indirect_dma semaphore(%run_scoped3A_283 : memref<!tpu.dma_semaphore, #tpu.memory_space<semaphore_mem>>) src(%dma_wait3A_297 : memref<128x128xf32, #tpu.memory_space<vmem>>) dst(%dma_wait3A_303 : memref<10240x128xf32, #tpu.memory_space<vmem_shared>>)
        tpu.yield
      }) : () -> ()
      %add3A_267 = arith.constant 1 : i32
      %add3A_268 = arith.addi %mul3A_221, %add3A_267 : i32
      %add3A_269 = arith.constant 2 : i32
      %add3A_270 = arith.addi %add3A_268, %add3A_269 : i32
      %rem3A_271 = arith.remsi %add3A_270, %select_n3A : i32
      %dma_start3A_272 = arith.constant 1 : i32
      %dma_start3A_273 = arith.constant 0 : i32
      %dma_start3A_274 = arith.constant 0 : i32
      %dma_start3A_275 = tpu.memref_slice %arg10[%dma_start3A_272, %dma_start3A_273, %dma_start3A_274] : memref<2x128x128xf32, #tpu.memory_space<vmem>> -> memref<1x128x128xf32, #tpu.memory_space<vmem>>
      %dma_start3A_276 = tpu.memref_squeeze %dma_start3A_275 : memref<1x128x128xf32, #tpu.memory_space<vmem>> -> memref<128x128xf32, #tpu.memory_space<vmem>>
      %dma_start3A_277 = arith.constant 0 : i32
      %dma_start3A_278 = tpu.memref_slice %arg8[%rem3A_271, %dma_start3A_277] : memref<56x128xi32, #tpu.memory_space<vmem>> -> memref<1x128xi32, #tpu.memory_space<vmem>>
      %dma_start3A_279 = tpu.memref_squeeze %dma_start3A_278 : memref<1x128xi32, #tpu.memory_space<vmem>> -> memref<128xi32, #tpu.memory_space<vmem>>
      %dma_start3A_280 = arith.constant 0 : i32
      %dma_start3A_281 = arith.constant 0 : i32
      %dma_start3A_282 = tpu.memref_slice %arg3[%dma_start3A_280, %dma_start3A_281] : memref<10000x128xf32, #tpu.memory_space<hbm>> -> memref<10000x128xf32, #tpu.memory_space<hbm>>
      tpu.enqueue_indirect_dma source(%dma_start3A_282 : memref<10000x128xf32, #tpu.memory_space<hbm>>) target(%dma_start3A_276 : memref<128x128xf32, #tpu.memory_space<vmem>>) offsets(%dma_start3A_279 : memref<128xi32, #tpu.memory_space<vmem>>) semaphore(%arg13 : memref<!tpu.dma_semaphore, #tpu.memory_space<semaphore_mem>>)
    }
    %dma_wait3A_178 = arith.constant 0 : i32
    %dma_wait3A_179 = arith.constant 0 : i32
    %dma_wait3A_180 = arith.constant 0 : i32
    %dma_wait3A_181 = arith.constant 0 : i32
    %dma_wait3A_182 = tpu.memref_slice %arg10[%dma_wait3A_179, %dma_wait3A_180, %dma_wait3A_181] : memref<2x128x128xf32, #tpu.memory_space<vmem>> -> memref<1x128x128xf32, #tpu.memory_space<vmem>>
    %dma_wait3A_183 = tpu.memref_squeeze %dma_wait3A_182 : memref<1x128x128xf32, #tpu.memory_space<vmem>> -> memref<128x128xf32, #tpu.memory_space<vmem>>
    %dma_wait3A_184 = arith.constant 0 : i32
    %dma_wait3A_185 = tpu.memref_slice %arg8[%dma_wait3A_178, %dma_wait3A_184] : memref<56x128xi32, #tpu.memory_space<vmem>> -> memref<1x128xi32, #tpu.memory_space<vmem>>
    %dma_wait3A_186 = tpu.memref_squeeze %dma_wait3A_185 : memref<1x128xi32, #tpu.memory_space<vmem>> -> memref<128xi32, #tpu.memory_space<vmem>>
    %dma_wait3A_187 = arith.constant 0 : i32
    %dma_wait3A_188 = arith.constant 0 : i32
    %dma_wait3A_189 = tpu.memref_slice %arg3[%dma_wait3A_187, %dma_wait3A_188] : memref<10000x128xf32, #tpu.memory_space<hbm>> -> memref<10000x128xf32, #tpu.memory_space<hbm>>
    tpu.wait_indirect_dma semaphore(%arg12 : memref<!tpu.dma_semaphore, #tpu.memory_space<semaphore_mem>>) src(%dma_wait3A_189 : memref<10000x128xf32, #tpu.memory_space<hbm>>) dst(%dma_wait3A_183 : memref<128x128xf32, #tpu.memory_space<vmem>>)
    %dma_wait3A_190 = arith.constant 0 : i32
    %dma_wait3A_191 = arith.constant 1 : i32
    %dma_wait3A_192 = arith.constant 0 : i32
    %dma_wait3A_193 = arith.constant 0 : i32
    %dma_wait3A_194 = tpu.memref_slice %arg10[%dma_wait3A_191, %dma_wait3A_192, %dma_wait3A_193] : memref<2x128x128xf32, #tpu.memory_space<vmem>> -> memref<1x128x128xf32, #tpu.memory_space<vmem>>
    %dma_wait3A_195 = tpu.memref_squeeze %dma_wait3A_194 : memref<1x128x128xf32, #tpu.memory_space<vmem>> -> memref<128x128xf32, #tpu.memory_space<vmem>>
    %dma_wait3A_196 = arith.constant 0 : i32
    %dma_wait3A_197 = tpu.memref_slice %arg8[%dma_wait3A_190, %dma_wait3A_196] : memref<56x128xi32, #tpu.memory_space<vmem>> -> memref<1x128xi32, #tpu.memory_space<vmem>>
    %dma_wait3A_198 = tpu.memref_squeeze %dma_wait3A_197 : memref<1x128xi32, #tpu.memory_space<vmem>> -> memref<128xi32, #tpu.memory_space<vmem>>
    %dma_wait3A_199 = arith.constant 0 : i32
    %dma_wait3A_200 = arith.constant 0 : i32
    %dma_wait3A_201 = tpu.memref_slice %arg3[%dma_wait3A_199, %dma_wait3A_200] : memref<10000x128xf32, #tpu.memory_space<hbm>> -> memref<10000x128xf32, #tpu.memory_space<hbm>>
    tpu.wait_indirect_dma semaphore(%arg13 : memref<!tpu.dma_semaphore, #tpu.memory_space<semaphore_mem>>) src(%dma_wait3A_201 : memref<10000x128xf32, #tpu.memory_space<hbm>>) dst(%dma_wait3A_195 : memref<128x128xf32, #tpu.memory_space<vmem>>)
    %barrier3A_202 = arith.constant 0 : index
    tpu.barrier barrier_id(%barrier3A_202)
    %broadcast_in_dim3A_203 = arith.constant 0.000000e+00 : f32
    %broadcast_in_dim3A_204 = vector.broadcast %broadcast_in_dim3A_203 : f32 to vector<16xf32>
    %scan3A_205 = arith.constant 1 : i32
    %scan3A_206 = arith.constant 0 : i32
    %scan3A_207 = arith.constant 128 : i32
    %scan3A_208 = arith.addi %scan3A_206, %scan3A_207 : i32
    %scan3A_209 = arith.constant 1 : i32
    scf.for %scan3A_217 = %scan3A_206 to %scan3A_208 step %scan3A_209  : i32 {
      %mul3A_218 = arith.constant 1 : i32
      %mul3A_219 = arith.muli %scan3A_217, %mul3A_218 : i32
      %add3A_220 = arith.constant 0 : i32
      %add3A_221 = arith.addi %add3A_220, %mul3A_219 : i32
      %swap3A = arith.constant 0 : i32
      %swap3A_222 = arith.constant 0 : i32
      %swap3A_223 = tpu.memref_slice %arg10[%scan3A_205, %swap3A, %swap3A_222] : memref<2x128x128xf32, #tpu.memory_space<vmem>> -> memref<1x128x128xf32, #tpu.memory_space<vmem>>
      %swap3A_224 = tpu.memref_squeeze %swap3A_223 : memref<1x128x128xf32, #tpu.memory_space<vmem>> -> memref<128x128xf32, #tpu.memory_space<vmem>>
      %swap3A_225 = arith.index_cast %add3A_221 : i32 to index
      %swap3A_226 = arith.constant 0 : index
      %swap3A_227 = tpu.vector_load %swap3A_224[%swap3A_225, %swap3A_226] {strides = array<i32>} : memref<128x128xf32, #tpu.memory_space<vmem>>, vector<1x16xf32>,
      %swap3A_228 = vector.shape_cast %swap3A_227 : vector<1x16xf32> to vector<16xf32>
      %swap3A_229 = vector.shape_cast %broadcast_in_dim3A_204 : vector<16xf32> to vector<1x16xf32>
      tpu.vector_store %swap3A_224[%swap3A_225, %swap3A_226], %swap3A_229 {strides = array<i32>} : memref<128x128xf32, #tpu.memory_space<vmem>>, vector<1x16xf32>,
      %swap3A_230 = arith.constant 0 : i32
      %swap3A_231 = arith.constant 0 : i32
      %swap3A_232 = tpu.memref_slice %arg10[%scan3A_205, %swap3A_230, %swap3A_231] : memref<2x128x128xf32, #tpu.memory_space<vmem>> -> memref<1x128x128xf32, #tpu.memory_space<vmem>>
      %swap3A_233 = tpu.memref_squeeze %swap3A_232 : memref<1x128x128xf32, #tpu.memory_space<vmem>> -> memref<128x128xf32, #tpu.memory_space<vmem>>
      %swap3A_234 = arith.index_cast %add3A_221 : i32 to index
      %swap3A_235 = arith.constant 16 : index
      %swap3A_236 = tpu.vector_load %swap3A_233[%swap3A_234, %swap3A_235] {strides = array<i32>} : memref<128x128xf32, #tpu.memory_space<vmem>>, vector<1x16xf32>,
      %swap3A_237 = vector.shape_cast %swap3A_236 : vector<1x16xf32> to vector<16xf32>
      %swap3A_238 = vector.shape_cast %broadcast_in_dim3A_204 : vector<16xf32> to vector<1x16xf32>
      tpu.vector_store %swap3A_233[%swap3A_234, %swap3A_235], %swap3A_238 {strides = array<i32>} : memref<128x128xf32, #tpu.memory_space<vmem>>, vector<1x16xf32>,
      %swap3A_239 = arith.constant 0 : i32
      %swap3A_240 = arith.constant 0 : i32
      %swap3A_241 = tpu.memref_slice %arg10[%scan3A_205, %swap3A_239, %swap3A_240] : memref<2x128x128xf32, #tpu.memory_space<vmem>> -> memref<1x128x128xf32, #tpu.memory_space<vmem>>
      %swap3A_242 = tpu.memref_squeeze %swap3A_241 : memref<1x128x128xf32, #tpu.memory_space<vmem>> -> memref<128x128xf32, #tpu.memory_space<vmem>>
      %swap3A_243 = arith.index_cast %add3A_221 : i32 to index
      %swap3A_244 = arith.constant 32 : index
      %swap3A_245 = tpu.vector_load %swap3A_242[%swap3A_243, %swap3A_244] {strides = array<i32>} : memref<128x128xf32, #tpu.memory_space<vmem>>, vector<1x16xf32>,
      %swap3A_246 = vector.shape_cast %swap3A_245 : vector<1x16xf32> to vector<16xf32>
      %swap3A_247 = vector.shape_cast %broadcast_in_dim3A_204 : vector<16xf32> to vector<1x16xf32>
      tpu.vector_store %swap3A_242[%swap3A_243, %swap3A_244], %swap3A_247 {strides = array<i32>} : memref<128x128xf32, #tpu.memory_space<vmem>>, vector<1x16xf32>,
      %swap3A_248 = arith.constant 0 : i32
      %swap3A_249 = arith.constant 0 : i32
      %swap3A_250 = tpu.memref_slice %arg10[%scan3A_205, %swap3A_248, %swap3A_249] : memref<2x128x128xf32, #tpu.memory_space<vmem>> -> memref<1x128x128xf32, #tpu.memory_space<vmem>>
      %swap3A_251 = tpu.memref_squeeze %swap3A_250 : memref<1x128x128xf32, #tpu.memory_space<vmem>> -> memref<128x128xf32, #tpu.memory_space<vmem>>
      %swap3A_252 = arith.index_cast %add3A_221 : i32 to index
      %swap3A_253 = arith.constant 48 : index
      %swap3A_254 = tpu.vector_load %swap3A_251[%swap3A_252, %swap3A_253] {strides = array<i32>} : memref<128x128xf32, #tpu.memory_space<vmem>>, vector<1x16xf32>,
      %swap3A_255 = vector.shape_cast %swap3A_254 : vector<1x16xf32> to vector<16xf32>
      %swap3A_256 = vector.shape_cast %broadcast_in_dim3A_204 : vector<16xf32> to vector<1x16xf32>
      tpu.vector_store %swap3A_251[%swap3A_252, %swap3A_253], %swap3A_256 {strides = array<i32>} : memref<128x128xf32, #tpu.memory_space<vmem>>, vector<1x16xf32>,
      %swap3A_257 = arith.constant 0 : i32
      %swap3A_258 = arith.constant 0 : i32
      %swap3A_259 = tpu.memref_slice %arg10[%scan3A_205, %swap3A_257, %swap3A_258] : memref<2x128x128xf32, #tpu.memory_space<vmem>> -> memref<1x128x128xf32, #tpu.memory_space<vmem>>
      %swap3A_260 = tpu.memref_squeeze %swap3A_259 : memref<1x128x128xf32, #tpu.memory_space<vmem>> -> memref<128x128xf32, #tpu.memory_space<vmem>>
      %swap3A_261 = arith.index_cast %add3A_221 : i32 to index
      %swap3A_262 = arith.constant 64 : index
      %swap3A_263 = tpu.vector_load %swap3A_260[%swap3A_261, %swap3A_262] {strides = array<i32>} : memref<128x128xf32, #tpu.memory_space<vmem>>, vector<1x16xf32>,
      %swap3A_264 = vector.shape_cast %swap3A_263 : vector<1x16xf32> to vector<16xf32>
      %swap3A_265 = vector.shape_cast %broadcast_in_dim3A_204 : vector<16xf32> to vector<1x16xf32>
      tpu.vector_store %swap3A_260[%swap3A_261, %swap3A_262], %swap3A_265 {strides = array<i32>} : memref<128x128xf32, #tpu.memory_space<vmem>>, vector<1x16xf32>,
      %swap3A_266 = arith.constant 0 : i32
      %swap3A_267 = arith.constant 0 : i32
      %swap3A_268 = tpu.memref_slice %arg10[%scan3A_205, %swap3A_266, %swap3A_267] : memref<2x128x128xf32, #tpu.memory_space<vmem>> -> memref<1x128x128xf32, #tpu.memory_space<vmem>>
      %swap3A_269 = tpu.memref_squeeze %swap3A_268 : memref<1x128x128xf32, #tpu.memory_space<vmem>> -> memref<128x128xf32, #tpu.memory_space<vmem>>
      %swap3A_270 = arith.index_cast %add3A_221 : i32 to index
      %swap3A_271 = arith.constant 80 : index
      %swap3A_272 = tpu.vector_load %swap3A_269[%swap3A_270, %swap3A_271] {strides = array<i32>} : memref<128x128xf32, #tpu.memory_space<vmem>>, vector<1x16xf32>,
      %swap3A_273 = vector.shape_cast %swap3A_272 : vector<1x16xf32> to vector<16xf32>
      %swap3A_274 = vector.shape_cast %broadcast_in_dim3A_204 : vector<16xf32> to vector<1x16xf32>
      tpu.vector_store %swap3A_269[%swap3A_270, %swap3A_271], %swap3A_274 {strides = array<i32>} : memref<128x128xf32, #tpu.memory_space<vmem>>, vector<1x16xf32>,
      %swap3A_275 = arith.constant 0 : i32
      %swap3A_276 = arith.constant 0 : i32
      %swap3A_277 = tpu.memref_slice %arg10[%scan3A_205, %swap3A_275, %swap3A_276] : memref<2x128x128xf32, #tpu.memory_space<vmem>> -> memref<1x128x128xf32, #tpu.memory_space<vmem>>
      %swap3A_278 = tpu.memref_squeeze %swap3A_277 : memref<1x128x128xf32, #tpu.memory_space<vmem>> -> memref<128x128xf32, #tpu.memory_space<vmem>>
      %swap3A_279 = arith.index_cast %add3A_221 : i32 to index
      %swap3A_280 = arith.constant 96 : index
      %swap3A_281 = tpu.vector_load %swap3A_278[%swap3A_279, %swap3A_280] {strides = array<i32>} : memref<128x128xf32, #tpu.memory_space<vmem>>, vector<1x16xf32>,
      %swap3A_282 = vector.shape_cast %swap3A_281 : vector<1x16xf32> to vector<16xf32>
      %swap3A_283 = vector.shape_cast %broadcast_in_dim3A_204 : vector<16xf32> to vector<1x16xf32>
      tpu.vector_store %swap3A_278[%swap3A_279, %swap3A_280], %swap3A_283 {strides = array<i32>} : memref<128x128xf32, #tpu.memory_space<vmem>>, vector<1x16xf32>,
      %swap3A_284 = arith.constant 0 : i32
      %swap3A_285 = arith.constant 0 : i32
      %swap3A_286 = tpu.memref_slice %arg10[%scan3A_205, %swap3A_284, %swap3A_285] : memref<2x128x128xf32, #tpu.memory_space<vmem>> -> memref<1x128x128xf32, #tpu.memory_space<vmem>>
      %swap3A_287 = tpu.memref_squeeze %swap3A_286 : memref<1x128x128xf32, #tpu.memory_space<vmem>> -> memref<128x128xf32, #tpu.memory_space<vmem>>
      %swap3A_288 = arith.index_cast %add3A_221 : i32 to index
      %swap3A_289 = arith.constant 112 : index
      %swap3A_290 = tpu.vector_load %swap3A_287[%swap3A_288, %swap3A_289] {strides = array<i32>} : memref<128x128xf32, #tpu.memory_space<vmem>>, vector<1x16xf32>,
      %swap3A_291 = vector.shape_cast %swap3A_290 : vector<1x16xf32> to vector<16xf32>
      %swap3A_292 = vector.shape_cast %broadcast_in_dim3A_204 : vector<16xf32> to vector<1x16xf32>
      tpu.vector_store %swap3A_287[%swap3A_288, %swap3A_289], %swap3A_292 {strides = array<i32>} : memref<128x128xf32, #tpu.memory_space<vmem>>, vector<1x16xf32>,
    }
    %scan3A_210 = arith.constant 128 : i32
    %scan3A_211 = arith.constant 0 : i32
    %scan3A_212 = arith.constant 5 : i32
    %scan3A_213 = arith.addi %scan3A_211, %scan3A_212 : i32
    %scan3A_214 = arith.constant 1 : i32
    scf.for %scan3A_217 = %scan3A_211 to %scan3A_213 step %scan3A_214  : i32 {
      %mul3A_218 = arith.constant 1 : i32
      %mul3A_219 = arith.muli %scan3A_217, %mul3A_218 : i32
      %add3A_220 = arith.constant 0 : i32
      %add3A_221 = arith.addi %add3A_220, %mul3A_219 : i32
      %mul3A_222 = arith.constant 640 : i32
      %mul3A_223 = arith.muli %arg1, %mul3A_222 : i32
      %mul3A_224 = arith.constant 128 : i32
      %mul3A_225 = arith.muli %add3A_221, %mul3A_224 : i32
      %add3A_226 = arith.addi %mul3A_223, %mul3A_225 : i32
      %run_scoped3A = arith.constant 0 : i32
      "tpu.region"() ({
        %run_scoped3A_229 = tpu.sem_alloc : memref<!tpu.dma_semaphore, #tpu.memory_space<semaphore_mem>>
        %dma_start3A_230 = arith.constant 0 : i32
        %dma_start3A_231 = arith.constant 0 : i32
        %dma_start3A_232 = tpu.memref_slice %arg10[%run_scoped3A, %dma_start3A_230, %dma_start3A_231] : memref<2x128x128xf32, #tpu.memory_space<vmem>> -> memref<1x128x128xf32, #tpu.memory_space<vmem>>
        %dma_start3A_233 = tpu.memref_squeeze %dma_start3A_232 : memref<1x128x128xf32, #tpu.memory_space<vmem>> -> memref<128x128xf32, #tpu.memory_space<vmem>>
        %dma_start3A_234 = arith.constant 0 : i32
        %dma_start3A_235 = tpu.memref_slice %arg11[%add3A_226, %dma_start3A_234] : memref<10240x128xf32, #tpu.memory_space<vmem_shared>> -> memref<128x128xf32, #tpu.memory_space<vmem_shared>>
        %dma_start3A_236 = arith.constant 0 : i32
        %dma_start3A_237 = arith.constant 0 : i32
        %dma_start3A_238 = tpu.memref_slice %arg10[%run_scoped3A, %dma_start3A_236, %dma_start3A_237] : memref<2x128x128xf32, #tpu.memory_space<vmem>> -> memref<1x128x128xf32, #tpu.memory_space<vmem>>
        %dma_start3A_239 = tpu.memref_squeeze %dma_start3A_238 : memref<1x128x128xf32, #tpu.memory_space<vmem>> -> memref<128x128xf32, #tpu.memory_space<vmem>>
        %dma_start3A_240 = arith.constant 0 : i32
        %dma_start3A_241 = tpu.memref_slice %arg11[%add3A_226, %dma_start3A_240] : memref<10240x128xf32, #tpu.memory_space<vmem_shared>> -> memref<128x128xf32, #tpu.memory_space<vmem_shared>>
        tpu.enqueue_dma source(%dma_start3A_241 : memref<128x128xf32, #tpu.memory_space<vmem_shared>>) target(%dma_start3A_239 : memref<128x128xf32, #tpu.memory_space<vmem>>) target_semaphore(%run_scoped3A_229 : memref<!tpu.dma_semaphore, #tpu.memory_space<semaphore_mem>>)
        %dma_wait3A_242 = arith.constant 0 : i32
        %dma_wait3A_243 = arith.constant 0 : i32
        %dma_wait3A_244 = tpu.memref_slice %arg10[%run_scoped3A, %dma_wait3A_242, %dma_wait3A_243] : memref<2x128x128xf32, #tpu.memory_space<vmem>> -> memref<1x128x128xf32, #tpu.memory_space<vmem>>
        %dma_wait3A_245 = tpu.memref_squeeze %dma_wait3A_244 : memref<1x128x128xf32, #tpu.memory_space<vmem>> -> memref<128x128xf32, #tpu.memory_space<vmem>>
        %dma_wait3A_246 = arith.constant 0 : i32
        %dma_wait3A_247 = tpu.memref_slice %arg11[%add3A_226, %dma_wait3A_246] : memref<10240x128xf32, #tpu.memory_space<vmem_shared>> -> memref<128x128xf32, #tpu.memory_space<vmem_shared>>
        %dma_wait3A_248 = arith.constant 0 : i32
        %dma_wait3A_249 = arith.constant 0 : i32
        %dma_wait3A_250 = tpu.memref_slice %arg10[%run_scoped3A, %dma_wait3A_248, %dma_wait3A_249] : memref<2x128x128xf32, #tpu.memory_space<vmem>> -> memref<1x128x128xf32, #tpu.memory_space<vmem>>
        %dma_wait3A_251 = tpu.memref_squeeze %dma_wait3A_250 : memref<1x128x128xf32, #tpu.memory_space<vmem>> -> memref<128x128xf32, #tpu.memory_space<vmem>>
        %dma_wait3A_252 = arith.constant 0 : i32
        %dma_wait3A_253 = tpu.memref_slice %arg11[%add3A_226, %dma_wait3A_252] : memref<10240x128xf32, #tpu.memory_space<vmem_shared>> -> memref<128x128xf32, #tpu.memory_space<vmem_shared>>
        tpu.wait_dma2 semaphore(%run_scoped3A_229 : memref<!tpu.dma_semaphore, #tpu.memory_space<semaphore_mem>>) src(%dma_wait3A_253 : memref<128x128xf32, #tpu.memory_space<vmem_shared>>) dst(%dma_wait3A_251 : memref<128x128xf32, #tpu.memory_space<vmem>>)
        tpu.yield
      }) : () -> ()
      %run_scoped3A_227 = arith.constant 0 : i32
      "tpu.region"() ({
        %run_scoped3A_229 = tpu.sem_alloc : memref<!tpu.dma_semaphore, #tpu.memory_space<semaphore_mem>>
        %dma_start3A_230 = arith.constant 0 : i32
        %dma_start3A_231 = arith.constant 0 : i32
        %dma_start3A_232 = tpu.memref_slice %arg10[%run_scoped3A_227, %dma_start3A_230, %dma_start3A_231] : memref<2x128x128xf32, #tpu.memory_space<vmem>> -> memref<1x128x128xf32, #tpu.memory_space<vmem>>
        %dma_start3A_233 = tpu.memref_squeeze %dma_start3A_232 : memref<1x128x128xf32, #tpu.memory_space<vmem>> -> memref<128x128xf32, #tpu.memory_space<vmem>>
        %dma_start3A_234 = arith.constant 0 : i32
        %dma_start3A_235 = arith.constant 0 : i32
        %dma_start3A_236 = tpu.memref_slice %arg7[%arg0, %dma_start3A_234, %dma_start3A_235] : memref<2x10240x128xf32, #tpu.memory_space<hbm>> -> memref<1x10240x128xf32, #tpu.memory_space<hbm>>
        %dma_start3A_237 = tpu.memref_squeeze %dma_start3A_236 : memref<1x10240x128xf32, #tpu.memory_space<hbm>> -> memref<10240x128xf32, #tpu.memory_space<hbm>>
        %dma_start3A_238 = arith.constant 0 : i32
        %dma_start3A_239 = tpu.memref_slice %dma_start3A_237[%add3A_226, %dma_start3A_238] : memref<10240x128xf32, #tpu.memory_space<hbm>> -> memref<128x128xf32, #tpu.memory_space<hbm>>
        %dma_start3A_240 = arith.constant 0 : i32
        %dma_start3A_241 = arith.constant 0 : i32
        %dma_start3A_242 = tpu.memref_slice %arg7[%arg0, %dma_start3A_240, %dma_start3A_241] : memref<2x10240x128xf32, #tpu.memory_space<hbm>> -> memref<1x10240x128xf32, #tpu.memory_space<hbm>>
        %dma_start3A_243 = tpu.memref_squeeze %dma_start3A_242 : memref<1x10240x128xf32, #tpu.memory_space<hbm>> -> memref<10240x128xf32, #tpu.memory_space<hbm>>
        %dma_start3A_244 = arith.constant 0 : i32
        %dma_start3A_245 = tpu.memref_slice %dma_start3A_243[%add3A_226, %dma_start3A_244] : memref<10240x128xf32, #tpu.memory_space<hbm>> -> memref<128x128xf32, #tpu.memory_space<hbm>>
        %dma_start3A_246 = arith.constant 0 : i32
        %dma_start3A_247 = arith.constant 0 : i32
        %dma_start3A_248 = tpu.memref_slice %arg10[%run_scoped3A_227, %dma_start3A_246, %dma_start3A_247] : memref<2x128x128xf32, #tpu.memory_space<vmem>> -> memref<1x128x128xf32, #tpu.memory_space<vmem>>
        %dma_start3A_249 = tpu.memref_squeeze %dma_start3A_248 : memref<1x128x128xf32, #tpu.memory_space<vmem>> -> memref<128x128xf32, #tpu.memory_space<vmem>>
        tpu.enqueue_dma source(%dma_start3A_249 : memref<128x128xf32, #tpu.memory_space<vmem>>) target(%dma_start3A_245 : memref<128x128xf32, #tpu.memory_space<hbm>>) target_semaphore(%run_scoped3A_229 : memref<!tpu.dma_semaphore, #tpu.memory_space<semaphore_mem>>)
        %dma_wait3A_250 = arith.constant 0 : i32
        %dma_wait3A_251 = arith.constant 0 : i32
        %dma_wait3A_252 = tpu.memref_slice %arg10[%run_scoped3A_227, %dma_wait3A_250, %dma_wait3A_251] : memref<2x128x128xf32, #tpu.memory_space<vmem>> -> memref<1x128x128xf32, #tpu.memory_space<vmem>>
        %dma_wait3A_253 = tpu.memref_squeeze %dma_wait3A_252 : memref<1x128x128xf32, #tpu.memory_space<vmem>> -> memref<128x128xf32, #tpu.memory_space<vmem>>
        %dma_wait3A_254 = arith.constant 0 : i32
        %dma_wait3A_255 = arith.constant 0 : i32
        %dma_wait3A_256 = tpu.memref_slice %arg7[%arg0, %dma_wait3A_254, %dma_wait3A_255] : memref<2x10240x128xf32, #tpu.memory_space<hbm>> -> memref<1x10240x128xf32, #tpu.memory_space<hbm>>
        %dma_wait3A_257 = tpu.memref_squeeze %dma_wait3A_256 : memref<1x10240x128xf32, #tpu.memory_space<hbm>> -> memref<10240x128xf32, #tpu.memory_space<hbm>>
        %dma_wait3A_258 = arith.constant 0 : i32
        %dma_wait3A_259 = tpu.memref_slice %dma_wait3A_257[%add3A_226, %dma_wait3A_258] : memref<10240x128xf32, #tpu.memory_space<hbm>> -> memref<128x128xf32, #tpu.memory_space<hbm>>
        %dma_wait3A_260 = arith.constant 0 : i32
        %dma_wait3A_261 = arith.constant 0 : i32
        %dma_wait3A_262 = tpu.memref_slice %arg7[%arg0, %dma_wait3A_260, %dma_wait3A_261] : memref<2x10240x128xf32, #tpu.memory_space<hbm>> -> memref<1x10240x128xf32, #tpu.memory_space<hbm>>
        %dma_wait3A_263 = tpu.memref_squeeze %dma_wait3A_262 : memref<1x10240x128xf32, #tpu.memory_space<hbm>> -> memref<10240x128xf32, #tpu.memory_space<hbm>>
        %dma_wait3A_264 = arith.constant 0 : i32
        %dma_wait3A_265 = tpu.memref_slice %dma_wait3A_263[%add3A_226, %dma_wait3A_264] : memref<10240x128xf32, #tpu.memory_space<hbm>> -> memref<128x128xf32, #tpu.memory_space<hbm>>
        %dma_wait3A_266 = arith.constant 0 : i32
        %dma_wait3A_267 = arith.constant 0 : i32
        %dma_wait3A_268 = tpu.memref_slice %arg10[%run_scoped3A_227, %dma_wait3A_266, %dma_wait3A_267] : memref<2x128x128xf32, #tpu.memory_space<vmem>> -> memref<1x128x128xf32, #tpu.memory_space<vmem>>
        %dma_wait3A_269 = tpu.memref_squeeze %dma_wait3A_268 : memref<1x128x128xf32, #tpu.memory_space<vmem>> -> memref<128x128xf32, #tpu.memory_space<vmem>>
        tpu.wait_dma2 semaphore(%run_scoped3A_229 : memref<!tpu.dma_semaphore, #tpu.memory_space<semaphore_mem>>) src(%dma_wait3A_269 : memref<128x128xf32, #tpu.memory_space<vmem>>) dst(%dma_wait3A_265 : memref<128x128xf32, #tpu.memory_space<hbm>>)
        tpu.yield
      }) : () -> ()
      %run_scoped3A_228 = arith.constant 1 : i32
      "tpu.region"() ({
        %run_scoped3A_229 = tpu.sem_alloc : memref<!tpu.dma_semaphore, #tpu.memory_space<semaphore_mem>>
        %dma_start3A_230 = arith.constant 0 : i32
        %dma_start3A_231 = arith.constant 0 : i32
        %dma_start3A_232 = tpu.memref_slice %arg10[%run_scoped3A_228, %dma_start3A_230, %dma_start3A_231] : memref<2x128x128xf32, #tpu.memory_space<vmem>> -> memref<1x128x128xf32, #tpu.memory_space<vmem>>
        %dma_start3A_233 = tpu.memref_squeeze %dma_start3A_232 : memref<1x128x128xf32, #tpu.memory_space<vmem>> -> memref<128x128xf32, #tpu.memory_space<vmem>>
        %dma_start3A_234 = arith.constant 0 : i32
        %dma_start3A_235 = tpu.memref_slice %arg11[%add3A_226, %dma_start3A_234] : memref<10240x128xf32, #tpu.memory_space<vmem_shared>> -> memref<128x128xf32, #tpu.memory_space<vmem_shared>>
        %dma_start3A_236 = arith.constant 0 : i32
        %dma_start3A_237 = tpu.memref_slice %arg11[%add3A_226, %dma_start3A_236] : memref<10240x128xf32, #tpu.memory_space<vmem_shared>> -> memref<128x128xf32, #tpu.memory_space<vmem_shared>>
        %dma_start3A_238 = arith.constant 0 : i32
        %dma_start3A_239 = arith.constant 0 : i32
        %dma_start3A_240 = tpu.memref_slice %arg10[%run_scoped3A_228, %dma_start3A_238, %dma_start3A_239] : memref<2x128x128xf32, #tpu.memory_space<vmem>> -> memref<1x128x128xf32, #tpu.memory_space<vmem>>
        %dma_start3A_241 = tpu.memref_squeeze %dma_start3A_240 : memref<1x128x128xf32, #tpu.memory_space<vmem>> -> memref<128x128xf32, #tpu.memory_space<vmem>>
        tpu.enqueue_dma source(%dma_start3A_241 : memref<128x128xf32, #tpu.memory_space<vmem>>) target(%dma_start3A_237 : memref<128x128xf32, #tpu.memory_space<vmem_shared>>) target_semaphore(%run_scoped3A_229 : memref<!tpu.dma_semaphore, #tpu.memory_space<semaphore_mem>>)
        %dma_wait3A_242 = arith.constant 0 : i32
        %dma_wait3A_243 = arith.constant 0 : i32
        %dma_wait3A_244 = tpu.memref_slice %arg10[%run_scoped3A_228, %dma_wait3A_242, %dma_wait3A_243] : memref<2x128x128xf32, #tpu.memory_space<vmem>> -> memref<1x128x128xf32, #tpu.memory_space<vmem>>
        %dma_wait3A_245 = tpu.memref_squeeze %dma_wait3A_244 : memref<1x128x128xf32, #tpu.memory_space<vmem>> -> memref<128x128xf32, #tpu.memory_space<vmem>>
        %dma_wait3A_246 = arith.constant 0 : i32
        %dma_wait3A_247 = tpu.memref_slice %arg11[%add3A_226, %dma_wait3A_246] : memref<10240x128xf32, #tpu.memory_space<vmem_shared>> -> memref<128x128xf32, #tpu.memory_space<vmem_shared>>
        %dma_wait3A_248 = arith.constant 0 : i32
        %dma_wait3A_249 = tpu.memref_slice %arg11[%add3A_226, %dma_wait3A_248] : memref<10240x128xf32, #tpu.memory_space<vmem_shared>> -> memref<128x128xf32, #tpu.memory_space<vmem_shared>>
        %dma_wait3A_250 = arith.constant 0 : i32
        %dma_wait3A_251 = arith.constant 0 : i32
        %dma_wait3A_252 = tpu.memref_slice %arg10[%run_scoped3A_228, %dma_wait3A_250, %dma_wait3A_251] : memref<2x128x128xf32, #tpu.memory_space<vmem>> -> memref<1x128x128xf32, #tpu.memory_space<vmem>>
        %dma_wait3A_253 = tpu.memref_squeeze %dma_wait3A_252 : memref<1x128x128xf32, #tpu.memory_space<vmem>> -> memref<128x128xf32, #tpu.memory_space<vmem>>
        tpu.wait_dma2 semaphore(%run_scoped3A_229 : memref<!tpu.dma_semaphore, #tpu.memory_space<semaphore_mem>>) src(%dma_wait3A_253 : memref<128x128xf32, #tpu.memory_space<vmem>>) dst(%dma_wait3A_249 : memref<128x128xf32, #tpu.memory_space<vmem_shared>>)
        tpu.yield
      }) : () -> ()
    }
    %scan3A_215 = arith.constant 5 : i32
    %barrier3A_216 = arith.constant 0 : index
    tpu.barrier barrier_id(%barrier3A_216)
    return
  }
}

module attributes {stable_mosaic.version = 14 : i64} {
  func.func @body(%arg0: i32, %arg1: memref<1000x256xf32, #tpu.memory_space<vmem>>, %arg2: memref<256x256xf32, #tpu.memory_space<vmem>>, %arg3: memref<2x1000x1xf32, #tpu.memory_space<vmem>>, %arg4: memref<1000x128xf32, #tpu.memory_space<vmem>>, %arg5: memref<1000x128xf32, #tpu.memory_space<vmem>>) attributes {dimension_semantics = [#tpu.dimension_semantics<arbitrary>], iteration_bounds = array<i64: 10>, scalar_prefetch = 0 : i64, scratch_operands = 0 : i64, tpu.core_type = #tpu.core_type<tc>, window_params = [{transform_indices = @transform_0, window_bounds = array<i64: 1000, 256>}, {pipeline_mode = #tpu.pipeline_mode<synchronous>, transform_indices = @transform_1, window_bounds = array<i64: 256, 256>}, {transform_indices = @transform_2, window_bounds = array<i64: 2, 1000, 1>}, {transform_indices = @transform_3, window_bounds = array<i64: 1000, 128>}, {transform_indices = @transform_4, window_bounds = array<i64: 1000, 128>}]} {
    %get3A = arith.constant 0 : index
    %get3A_0 = arith.constant 0 : index
    %get3A_1 = vector.load %arg1[%get3A, %get3A_0] : memref<1000x256xf32, #tpu.memory_space<vmem>>, vector<1000x256xf32>
    %get3A_2 = arith.constant 0 : index
    %get3A_3 = arith.constant 0 : index
    %get3A_4 = vector.load %arg2[%get3A_2, %get3A_3] : memref<256x256xf32, #tpu.memory_space<vmem>>, vector<256x256xf32>
    %dot_general3A = arith.constant dense<0.000000e+00> : vector<1000x256xf32>
    %dot_general3A_5 = tpu.matmul %get3A_1, %get3A_4, %dot_general3A {dimension_numbers = #tpu.dot_dimension_numbers<[1], [0], [0], [1], [0, 0, 1, 1], [], []>, transpose_lhs_hint = false} : vector<1000x256xf32>, vector<256x256xf32>, vector<1000x256xf32> -> vector<1000x256xf32>
    %get3A_6 = arith.constant 0 : index
    %get3A_7 = arith.constant 0 : index
    %get3A_8 = arith.constant 0 : index
    %get3A_9 = vector.load %arg3[%get3A_6, %get3A_7, %get3A_8] : memref<2x1000x1xf32, #tpu.memory_space<vmem>>, vector<1x1000x1xf32>
    %get3A_10 = vector.shape_cast %get3A_9 : vector<1x1000x1xf32> to vector<1000xf32>
    %get3A_11 = arith.constant 1 : index
    %get3A_12 = arith.constant 0 : index
    %get3A_13 = arith.constant 0 : index
    %get3A_14 = vector.load %arg3[%get3A_11, %get3A_12, %get3A_13] : memref<2x1000x1xf32, #tpu.memory_space<vmem>>, vector<1x1000x1xf32>
    %get3A_15 = vector.shape_cast %get3A_14 : vector<1x1000x1xf32> to vector<1000xf32>
    %add3A = arith.addf %get3A_10, %get3A_15 : vector<1000xf32>
    %add3A_16 = arith.constant 2.000000e+00 : f32
    %add3A_17 = vector.broadcast %add3A_16 : f32 to vector<1000xf32>
    %add3A_18 = arith.addf %add3A, %add3A_17 : vector<1000xf32>
    %rsqrt3A = math.rsqrt %add3A_18 : vector<1000xf32>
    %broadcast_in_dim3A = vector.shape_cast %rsqrt3A : vector<1000xf32> to vector<1000x1xf32>
    %mul3A = vector.broadcast %broadcast_in_dim3A : vector<1000x1xf32> to vector<1000x256xf32>
    %mul3A_19 = arith.mulf %dot_general3A_5, %mul3A : vector<1000x256xf32>
    %slice3A = vector.extract_strided_slice %mul3A_19 {offsets = [0, 0], sizes = [1000, 128], strides = [1, 1]} : vector<1000x256xf32> to vector<1000x128xf32>
    %swap3A = arith.constant 0 : index
    %swap3A_20 = arith.constant 0 : index
    %swap3A_21 = vector.load %arg4[%swap3A, %swap3A_20] : memref<1000x128xf32, #tpu.memory_space<vmem>>, vector<1000x128xf32>
    tpu.vector_store %arg4[%swap3A, %swap3A_20], %slice3A {strides = array<i32>} : memref<1000x128xf32, #tpu.memory_space<vmem>>, vector<1000x128xf32>,
    %slice3A_22 = vector.extract_strided_slice %mul3A_19 {offsets = [0, 128], sizes = [1000, 128], strides = [1, 1]} : vector<1000x256xf32> to vector<1000x128xf32>
    %swap3A_23 = arith.constant 0 : index
    %swap3A_24 = arith.constant 0 : index
    %swap3A_25 = vector.load %arg5[%swap3A_23, %swap3A_24] : memref<1000x128xf32, #tpu.memory_space<vmem>>, vector<1000x128xf32>
    tpu.vector_store %arg5[%swap3A_23, %swap3A_24], %slice3A_22 {strides = array<i32>} : memref<1000x128xf32, #tpu.memory_space<vmem>>, vector<1000x128xf32>,
    return
  }
  func.func @transform_0(%arg0: i32) -> (i32, i32) {
    %c0_i32 = arith.constant 0 : i32
    %c0_i32_0 = arith.constant 0 : i32
    return %arg0, %c0_i32 : i32, i32
  }
  func.func @transform_1(%arg0: i32) -> (i32, i32) {
    %c0_i32 = arith.constant 0 : i32
    %c0_i32_0 = arith.constant 0 : i32
    %c0_i32_1 = arith.constant 0 : i32
    return %c0_i32, %c0_i32_0 : i32, i32
  }
  func.func @transform_2(%arg0: i32) -> (i32, i32, i32) {
    %c0_i32 = arith.constant 0 : i32
    %c0_i32_0 = arith.constant 0 : i32
    %c0_i32_1 = arith.constant 0 : i32
    return %c0_i32, %arg0, %c0_i32_0 : i32, i32, i32
  }
  func.func @transform_3(%arg0: i32) -> (i32, i32) {
    %c0_i32 = arith.constant 0 : i32
    %c0_i32_0 = arith.constant 0 : i32
    return %arg0, %c0_i32 : i32, i32
  }
  func.func @transform_4(%arg0: i32) -> (i32, i32) {
    %c0_i32 = arith.constant 0 : i32
    %c0_i32_0 = arith.constant 0 : i32
    return %arg0, %c0_i32 : i32, i32
  }
}

module attributes {stable_mosaic.version = 14 : i64} {
  func.func @body(%arg0: i32, %arg1: memref<2x1000x128xf32, #tpu.memory_space<vmem>>, %arg2: memref<2x1000x128xf32, #tpu.memory_space<vmem>>, %arg3: memref<1000x128xf32, #tpu.memory_space<vmem>>, %arg4: memref<1000x128xf32, #tpu.memory_space<vmem>>, %arg5: memref<2x1000x1xf32, #tpu.memory_space<vmem>>, %arg6: memref<1x256xf32, #tpu.memory_space<vmem>>, %arg7: memref<128x1xf32, #tpu.memory_space<vmem>>, %arg8: memref<128x1xf32, #tpu.memory_space<vmem>>, %arg9: memref<1000x1xf32, #tpu.memory_space<vmem>>, %arg10: memref<1000x1xf32, #tpu.memory_space<vmem>>) attributes {dimension_semantics = [#tpu.dimension_semantics<arbitrary>], iteration_bounds = array<i64: 10>, scalar_prefetch = 0 : i64, scratch_operands = 0 : i64, tpu.core_type = #tpu.core_type<tc>, window_params = [{transform_indices = @transform_0, window_bounds = array<i64: 2, 1000, 128>}, {transform_indices = @transform_1, window_bounds = array<i64: 2, 1000, 128>}, {transform_indices = @transform_2, window_bounds = array<i64: 1000, 128>}, {transform_indices = @transform_3, window_bounds = array<i64: 1000, 128>}, {transform_indices = @transform_4, window_bounds = array<i64: 2, 1000, 1>}, {pipeline_mode = #tpu.pipeline_mode<synchronous>, transform_indices = @transform_5, window_bounds = array<i64: 1, 256>}, {pipeline_mode = #tpu.pipeline_mode<synchronous>, transform_indices = @transform_6, window_bounds = array<i64: 128, 1>}, {pipeline_mode = #tpu.pipeline_mode<synchronous>, transform_indices = @transform_7, window_bounds = array<i64: 128, 1>}, {transform_indices = @transform_8, window_bounds = array<i64: 1000, 1>}, {transform_indices = @transform_9, window_bounds = array<i64: 1000, 1>}]} {
    %get3A = arith.constant 0 : index
    %get3A_0 = arith.constant 0 : index
    %get3A_1 = arith.constant 0 : index
    %get3A_2 = vector.load %arg5[%get3A, %get3A_0, %get3A_1] : memref<2x1000x1xf32, #tpu.memory_space<vmem>>, vector<1x1000x1xf32>
    %get3A_3 = vector.shape_cast %get3A_2 : vector<1x1000x1xf32> to vector<1000xf32>
    %get3A_4 = arith.constant 1 : index
    %get3A_5 = arith.constant 0 : index
    %get3A_6 = arith.constant 0 : index
    %get3A_7 = vector.load %arg5[%get3A_4, %get3A_5, %get3A_6] : memref<2x1000x1xf32, #tpu.memory_space<vmem>>, vector<1x1000x1xf32>
    %get3A_8 = vector.shape_cast %get3A_7 : vector<1x1000x1xf32> to vector<1000xf32>
    %add3A = arith.addf %get3A_3, %get3A_8 : vector<1000xf32>
    %add3A_9 = arith.constant 2.000000e+00 : f32
    %add3A_10 = vector.broadcast %add3A_9 : f32 to vector<1000xf32>
    %add3A_11 = arith.addf %add3A, %add3A_10 : vector<1000xf32>
    %rsqrt3A = math.rsqrt %add3A_11 : vector<1000xf32>
    %broadcast_in_dim3A = vector.shape_cast %rsqrt3A : vector<1000xf32> to vector<1000x1xf32>
    %get3A_12 = arith.constant 0 : index
    %get3A_13 = arith.constant 0 : index
    %get3A_14 = arith.constant 0 : index
    %get3A_15 = vector.load %arg1[%get3A_12, %get3A_13, %get3A_14] : memref<2x1000x128xf32, #tpu.memory_space<vmem>>, vector<1x1000x128xf32>
    %get3A_16 = vector.shape_cast %get3A_15 : vector<1x1000x128xf32> to vector<1000x128xf32>
    %get3A_17 = arith.constant 1 : index
    %get3A_18 = arith.constant 0 : index
    %get3A_19 = arith.constant 0 : index
    %get3A_20 = vector.load %arg1[%get3A_17, %get3A_18, %get3A_19] : memref<2x1000x128xf32, #tpu.memory_space<vmem>>, vector<1x1000x128xf32>
    %get3A_21 = vector.shape_cast %get3A_20 : vector<1x1000x128xf32> to vector<1000x128xf32>
    %add3A_22 = arith.addf %get3A_16, %get3A_21 : vector<1000x128xf32>
    %mul3A = vector.broadcast %broadcast_in_dim3A : vector<1000x1xf32> to vector<1000x128xf32>
    %mul3A_23 = arith.mulf %mul3A, %add3A_22 : vector<1000x128xf32>
    %mul3A_24 = arith.constant 2.000000e+00 : f32
    %mul3A_25 = vector.broadcast %mul3A_24 : f32 to vector<1000x1xf32>
    %mul3A_26 = arith.mulf %mul3A_25, %broadcast_in_dim3A : vector<1000x1xf32>
    %get3A_27 = arith.constant 0 : index
    %get3A_28 = arith.constant 0 : index
    %get3A_29 = vector.load %arg3[%get3A_27, %get3A_28] : memref<1000x128xf32, #tpu.memory_space<vmem>>, vector<1000x128xf32>
    %mul3A_30 = vector.broadcast %mul3A_26 : vector<1000x1xf32> to vector<1000x128xf32>
    %mul3A_31 = arith.mulf %mul3A_30, %get3A_29 : vector<1000x128xf32>
    %add3A_32 = arith.addf %mul3A_23, %mul3A_31 : vector<1000x128xf32>
    %get3A_33 = arith.constant 0 : index
    %get3A_34 = arith.constant 0 : index
    %get3A_35 = vector.load %arg6[%get3A_33, %get3A_34] : memref<1x256xf32, #tpu.memory_space<vmem>>, vector<1x128xf32>
    %get3A_36 = vector.shape_cast %get3A_35 : vector<1x128xf32> to vector<128xf32>
    %broadcast_in_dim3A_37 = vector.shape_cast %get3A_36 : vector<128xf32> to vector<1x128xf32>
    %add3A_38 = vector.broadcast %broadcast_in_dim3A_37 : vector<1x128xf32> to vector<1000x128xf32>
    %add3A_39 = arith.addf %add3A_32, %add3A_38 : vector<1000x128xf32>
    %max3A = arith.constant 0.000000e+00 : f32
    %max3A_40 = vector.broadcast %max3A : f32 to vector<1000x128xf32>
    %max3A_41 = arith.maximumf %add3A_39, %max3A_40 : vector<1000x128xf32>
    %get3A_42 = arith.constant 0 : index
    %get3A_43 = arith.constant 0 : index
    %get3A_44 = arith.constant 0 : index
    %get3A_45 = vector.load %arg2[%get3A_42, %get3A_43, %get3A_44] : memref<2x1000x128xf32, #tpu.memory_space<vmem>>, vector<1x1000x128xf32>
    %get3A_46 = vector.shape_cast %get3A_45 : vector<1x1000x128xf32> to vector<1000x128xf32>
    %get3A_47 = arith.constant 1 : index
    %get3A_48 = arith.constant 0 : index
    %get3A_49 = arith.constant 0 : index
    %get3A_50 = vector.load %arg2[%get3A_47, %get3A_48, %get3A_49] : memref<2x1000x128xf32, #tpu.memory_space<vmem>>, vector<1x1000x128xf32>
    %get3A_51 = vector.shape_cast %get3A_50 : vector<1x1000x128xf32> to vector<1000x128xf32>
    %add3A_52 = arith.addf %get3A_46, %get3A_51 : vector<1000x128xf32>
    %mul3A_53 = vector.broadcast %broadcast_in_dim3A : vector<1000x1xf32> to vector<1000x128xf32>
    %mul3A_54 = arith.mulf %mul3A_53, %add3A_52 : vector<1000x128xf32>
    %mul3A_55 = arith.constant 2.000000e+00 : f32
    %mul3A_56 = vector.broadcast %mul3A_55 : f32 to vector<1000x1xf32>
    %mul3A_57 = arith.mulf %mul3A_56, %broadcast_in_dim3A : vector<1000x1xf32>
    %get3A_58 = arith.constant 0 : index
    %get3A_59 = arith.constant 0 : index
    %get3A_60 = vector.load %arg4[%get3A_58, %get3A_59] : memref<1000x128xf32, #tpu.memory_space<vmem>>, vector<1000x128xf32>
    %mul3A_61 = vector.broadcast %mul3A_57 : vector<1000x1xf32> to vector<1000x128xf32>
    %mul3A_62 = arith.mulf %mul3A_61, %get3A_60 : vector<1000x128xf32>
    %add3A_63 = arith.addf %mul3A_54, %mul3A_62 : vector<1000x128xf32>
    %get3A_64 = arith.constant 0 : index
    %get3A_65 = arith.constant 128 : index
    %get3A_66 = vector.load %arg6[%get3A_64, %get3A_65] : memref<1x256xf32, #tpu.memory_space<vmem>>, vector<1x128xf32>
    %get3A_67 = vector.shape_cast %get3A_66 : vector<1x128xf32> to vector<128xf32>
    %broadcast_in_dim3A_68 = vector.shape_cast %get3A_67 : vector<128xf32> to vector<1x128xf32>
    %add3A_69 = vector.broadcast %broadcast_in_dim3A_68 : vector<1x128xf32> to vector<1000x128xf32>
    %add3A_70 = arith.addf %add3A_63, %add3A_69 : vector<1000x128xf32>
    %max3A_71 = arith.constant 0.000000e+00 : f32
    %max3A_72 = vector.broadcast %max3A_71 : f32 to vector<1000x128xf32>
    %max3A_73 = arith.maximumf %add3A_70, %max3A_72 : vector<1000x128xf32>
    %get3A_74 = arith.constant 0 : index
    %get3A_75 = arith.constant 0 : index
    %get3A_76 = vector.load %arg7[%get3A_74, %get3A_75] : memref<128x1xf32, #tpu.memory_space<vmem>>, vector<128x1xf32>
    %dot_general3A = arith.constant dense<0.000000e+00> : vector<1000x1xf32>
    %dot_general3A_77 = tpu.matmul %max3A_41, %get3A_76, %dot_general3A {dimension_numbers = #tpu.dot_dimension_numbers<[1], [0], [0], [1], [0, 0, 1, 1], [], []>, transpose_lhs_hint = false} : vector<1000x128xf32>, vector<128x1xf32>, vector<1000x1xf32> -> vector<1000x1xf32>
    %get3A_78 = arith.constant 0 : index
    %get3A_79 = arith.constant 0 : index
    %get3A_80 = vector.load %arg8[%get3A_78, %get3A_79] : memref<128x1xf32, #tpu.memory_space<vmem>>, vector<128x1xf32>
    %dot_general3A_81 = arith.constant dense<0.000000e+00> : vector<1000x1xf32>
    %dot_general3A_82 = tpu.matmul %max3A_73, %get3A_80, %dot_general3A_81 {dimension_numbers = #tpu.dot_dimension_numbers<[1], [0], [0], [1], [0, 0, 1, 1], [], []>, transpose_lhs_hint = false} : vector<1000x128xf32>, vector<128x1xf32>, vector<1000x1xf32> -> vector<1000x1xf32>
    %add3A_83 = arith.addf %dot_general3A_77, %dot_general3A_82 : vector<1000x1xf32>
    %mul3A_84 = arith.mulf %broadcast_in_dim3A, %add3A_83 : vector<1000x1xf32>
    %swap3A = arith.constant 0 : index
    %swap3A_85 = arith.constant 0 : index
    %swap3A_86 = vector.load %arg9[%swap3A, %swap3A_85] : memref<1000x1xf32, #tpu.memory_space<vmem>>, vector<1000x1xf32>
    tpu.vector_store %arg9[%swap3A, %swap3A_85], %mul3A_84 {strides = array<i32>} : memref<1000x1xf32, #tpu.memory_space<vmem>>, vector<1000x1xf32>,
    %mul3A_87 = arith.constant 2.000000e+00 : f32
    %mul3A_88 = vector.broadcast %mul3A_87 : f32 to vector<1000x1xf32>
    %mul3A_89 = arith.mulf %mul3A_88, %broadcast_in_dim3A : vector<1000x1xf32>
    %mul3A_90 = arith.mulf %mul3A_89, %mul3A_84 : vector<1000x1xf32>
    %swap3A_91 = arith.constant 0 : index
    %swap3A_92 = arith.constant 0 : index
    %swap3A_93 = vector.load %arg10[%swap3A_91, %swap3A_92] : memref<1000x1xf32, #tpu.memory_space<vmem>>, vector<1000x1xf32>
    tpu.vector_store %arg10[%swap3A_91, %swap3A_92], %mul3A_90 {strides = array<i32>} : memref<1000x1xf32, #tpu.memory_space<vmem>>, vector<1000x1xf32>,
    return
  }
  func.func @transform_0(%arg0: i32) -> (i32, i32, i32) {
    %c0_i32 = arith.constant 0 : i32
    %c0_i32_0 = arith.constant 0 : i32
    %c0_i32_1 = arith.constant 0 : i32
    return %c0_i32, %arg0, %c0_i32_0 : i32, i32, i32
  }
  func.func @transform_1(%arg0: i32) -> (i32, i32, i32) {
    %c0_i32 = arith.constant 0 : i32
    %c0_i32_0 = arith.constant 0 : i32
    %c0_i32_1 = arith.constant 0 : i32
    return %c0_i32, %arg0, %c0_i32_0 : i32, i32, i32
  }
  func.func @transform_2(%arg0: i32) -> (i32, i32) {
    %c0_i32 = arith.constant 0 : i32
    %c0_i32_0 = arith.constant 0 : i32
    return %arg0, %c0_i32 : i32, i32
  }
  func.func @transform_3(%arg0: i32) -> (i32, i32) {
    %c0_i32 = arith.constant 0 : i32
    %c0_i32_0 = arith.constant 0 : i32
    return %arg0, %c0_i32 : i32, i32
  }
  func.func @transform_4(%arg0: i32) -> (i32, i32, i32) {
    %c0_i32 = arith.constant 0 : i32
    %c0_i32_0 = arith.constant 0 : i32
    %c0_i32_1 = arith.constant 0 : i32
    return %c0_i32, %arg0, %c0_i32_0 : i32, i32, i32
  }
  func.func @transform_5(%arg0: i32) -> (i32, i32) {
    %c0_i32 = arith.constant 0 : i32
    %c0_i32_0 = arith.constant 0 : i32
    %c0_i32_1 = arith.constant 0 : i32
    return %c0_i32, %c0_i32_0 : i32, i32
  }
  func.func @transform_6(%arg0: i32) -> (i32, i32) {
    %c0_i32 = arith.constant 0 : i32
    %c0_i32_0 = arith.constant 0 : i32
    %c0_i32_1 = arith.constant 0 : i32
    return %c0_i32, %c0_i32_0 : i32, i32
  }
  func.func @transform_7(%arg0: i32) -> (i32, i32) {
    %c0_i32 = arith.constant 0 : i32
    %c0_i32_0 = arith.constant 0 : i32
    %c0_i32_1 = arith.constant 0 : i32
    return %c0_i32, %c0_i32_0 : i32, i32
  }
  func.func @transform_8(%arg0: i32) -> (i32, i32) {
    %c0_i32 = arith.constant 0 : i32
    %c0_i32_0 = arith.constant 0 : i32
    return %arg0, %c0_i32 : i32, i32
  }
  func.func @transform_9(%arg0: i32) -> (i32, i32) {
    %c0_i32 = arith.constant 0 : i32
    %c0_i32_0 = arith.constant 0 : i32
    return %arg0, %c0_i32 : i32, i32
  }
}

module attributes {stable_mosaic.version = 14 : i64} {
  func.func @body(%arg0: i32, %arg1: memref<2x1000x1xf32, #tpu.memory_space<vmem>>, %arg2: memref<1000x1xf32, #tpu.memory_space<vmem>>, %arg3: memref<2x1000x1xf32, #tpu.memory_space<vmem>>, %arg4: memref<1x1xf32, #tpu.memory_space<vmem>>, %arg5: memref<1000x1xf32, #tpu.memory_space<vmem>>) attributes {dimension_semantics = [#tpu.dimension_semantics<arbitrary>], iteration_bounds = array<i64: 10>, scalar_prefetch = 0 : i64, scratch_operands = 0 : i64, tpu.core_type = #tpu.core_type<tc>, window_params = [{transform_indices = @transform_0, window_bounds = array<i64: 2, 1000, 1>}, {transform_indices = @transform_1, window_bounds = array<i64: 1000, 1>}, {transform_indices = @transform_2, window_bounds = array<i64: 2, 1000, 1>}, {pipeline_mode = #tpu.pipeline_mode<synchronous>, transform_indices = @transform_3, window_bounds = array<i64: 1, 1>}, {transform_indices = @transform_4, window_bounds = array<i64: 1000, 1>}]} {
    %get3A = arith.constant 0 : index
    %get3A_0 = arith.constant 0 : index
    %get3A_1 = arith.constant 0 : index
    %get3A_2 = vector.load %arg3[%get3A, %get3A_0, %get3A_1] : memref<2x1000x1xf32, #tpu.memory_space<vmem>>, vector<1x1000x1xf32>
    %get3A_3 = vector.shape_cast %get3A_2 : vector<1x1000x1xf32> to vector<1000xf32>
    %get3A_4 = arith.constant 1 : index
    %get3A_5 = arith.constant 0 : index
    %get3A_6 = arith.constant 0 : index
    %get3A_7 = vector.load %arg3[%get3A_4, %get3A_5, %get3A_6] : memref<2x1000x1xf32, #tpu.memory_space<vmem>>, vector<1x1000x1xf32>
    %get3A_8 = vector.shape_cast %get3A_7 : vector<1x1000x1xf32> to vector<1000xf32>
    %add3A = arith.addf %get3A_3, %get3A_8 : vector<1000xf32>
    %add3A_9 = arith.constant 2.000000e+00 : f32
    %add3A_10 = vector.broadcast %add3A_9 : f32 to vector<1000xf32>
    %add3A_11 = arith.addf %add3A, %add3A_10 : vector<1000xf32>
    %rsqrt3A = math.rsqrt %add3A_11 : vector<1000xf32>
    %get3A_12 = arith.constant 0 : index
    %get3A_13 = arith.constant 0 : index
    %get3A_14 = arith.constant 0 : index
    %get3A_15 = vector.load %arg1[%get3A_12, %get3A_13, %get3A_14] : memref<2x1000x1xf32, #tpu.memory_space<vmem>>, vector<1x1000x1xf32>
    %get3A_16 = vector.shape_cast %get3A_15 : vector<1x1000x1xf32> to vector<1000xf32>
    %get3A_17 = arith.constant 1 : index
    %get3A_18 = arith.constant 0 : index
    %get3A_19 = arith.constant 0 : index
    %get3A_20 = vector.load %arg1[%get3A_17, %get3A_18, %get3A_19] : memref<2x1000x1xf32, #tpu.memory_space<vmem>>, vector<1x1000x1xf32>
    %get3A_21 = vector.shape_cast %get3A_20 : vector<1x1000x1xf32> to vector<1000xf32>
    %add3A_22 = arith.addf %get3A_16, %get3A_21 : vector<1000xf32>
    %mul3A = arith.mulf %rsqrt3A, %add3A_22 : vector<1000xf32>
    %get3A_23 = arith.constant 0 : index
    %get3A_24 = arith.constant 0 : index
    %get3A_25 = vector.load %arg2[%get3A_23, %get3A_24] : memref<1000x1xf32, #tpu.memory_space<vmem>>, vector<1000x1xf32>
    %get3A_26 = vector.shape_cast %get3A_25 : vector<1000x1xf32> to vector<1000xf32>
    %add3A_27 = arith.addf %mul3A, %get3A_26 : vector<1000xf32>
    %get3A_28 = arith.constant 0 : index
    %get3A_29 = arith.constant 0 : index
    %get3A_30 = vector.load %arg4[%get3A_28, %get3A_29] : memref<1x1xf32, #tpu.memory_space<vmem>>, vector<1x1xf32>
    %get3A_31 = vector.extract %get3A_30[0, 0] : f32 from vector<1x1xf32>
    %add3A_32 = vector.broadcast %get3A_31 : f32 to vector<1000xf32>
    %add3A_33 = arith.addf %add3A_27, %add3A_32 : vector<1000xf32>
    %logistic3A = arith.negf %add3A_33 : vector<1000xf32>
    %logistic3A_34 = math.exp %logistic3A : vector<1000xf32>
    %logistic3A_35 = arith.constant 1.000000e+00 : f32
    %logistic3A_36 = vector.broadcast %logistic3A_35 : f32 to vector<1000xf32>
    %logistic3A_37 = arith.addf %logistic3A_36, %logistic3A_34 : vector<1000xf32>
    %logistic3A_38 = arith.divf %logistic3A_36, %logistic3A_37 : vector<1000xf32>
    %broadcast_in_dim3A = vector.shape_cast %logistic3A_38 : vector<1000xf32> to vector<1000x1xf32>
    %swap3A = arith.constant 0 : index
    %swap3A_39 = arith.constant 0 : index
    %swap3A_40 = vector.load %arg5[%swap3A, %swap3A_39] : memref<1000x1xf32, #tpu.memory_space<vmem>>, vector<1000x1xf32>
    tpu.vector_store %arg5[%swap3A, %swap3A_39], %broadcast_in_dim3A {strides = array<i32>} : memref<1000x1xf32, #tpu.memory_space<vmem>>, vector<1000x1xf32>,
    return
  }
  func.func @transform_0(%arg0: i32) -> (i32, i32, i32) {
    %c0_i32 = arith.constant 0 : i32
    %c0_i32_0 = arith.constant 0 : i32
    %c0_i32_1 = arith.constant 0 : i32
    return %c0_i32, %arg0, %c0_i32_0 : i32, i32, i32
  }
  func.func @transform_1(%arg0: i32) -> (i32, i32) {
    %c0_i32 = arith.constant 0 : i32
    %c0_i32_0 = arith.constant 0 : i32
    return %arg0, %c0_i32 : i32, i32
  }
  func.func @transform_2(%arg0: i32) -> (i32, i32, i32) {
    %c0_i32 = arith.constant 0 : i32
    %c0_i32_0 = arith.constant 0 : i32
    %c0_i32_1 = arith.constant 0 : i32
    return %c0_i32, %arg0, %c0_i32_0 : i32, i32, i32
  }
  func.func @transform_3(%arg0: i32) -> (i32, i32) {
    %c0_i32 = arith.constant 0 : i32
    %c0_i32_0 = arith.constant 0 : i32
    %c0_i32_1 = arith.constant 0 : i32
    return %c0_i32, %c0_i32_0 : i32, i32
  }
  func.func @transform_4(%arg0: i32) -> (i32, i32) {
    %c0_i32 = arith.constant 0 : i32
    %c0_i32_0 = arith.constant 0 : i32
    return %arg0, %c0_i32 : i32, i32
  }
}

</mosaic_0001>

<sc_bundles>
// kernel: kernel.11.cloned.1.call-start
scs
__scs_entry_jumppad:
0x0: {  	(pc) =	sbr.rel $0x88, $3  }
0x1: {  	(tag) =	ssettag $0x0;
	lr =	simm.s32 $0x1  }
0x2: {  	[smem:$0x3F9B] =	sst lr;
	_ =	strace $0xD0000000  }
0x3: {  	_ = 	snop  }
0x4: {  	_ = 	snop  }
0x5: {  	_ = 	snop  }
0x6: {  	_ = 	snop  }
0x7: {  	_ = 	snop  }
__scs_overlays_trampoline_lowered:
0x8: {  	[smem:$0x3FAA] =	sst s0  }
0x9: {  	[smem:$0x3FAB] =	sst s1  }
0xa: {  	[smem:$0x3FAC] =	sst s2  }
0xb: {  	[smem:$0x3FAD] =	sst s3  }
0xc: {  	[smem:$0x3FAE] =	sst s4  }
0xd: {  	[smem:$0x3FAF] =	sst s5  }
0xe: {  	[smem:$0x3FB0] =	sst s6  }
0xf: {  	[smem:$0x3FB1] =	sst s7  }
0x10: {  	[smem:$0x3FB2] =	sst s8  }
0x11: {  	[smem:$0x3FB3] =	sst s9;
	s0 =	simm.s32 @!p0 $0x0  }
0x12: {  	s1 =	sld [smem:$0x3F99];
	s0 =	simm.s32 @p0 $0x1  }
0x13: {  	[smem:$0x3FB4] =	sst s0;
	s0 =	simm.s32 @!p1 $0x0  }
0x14: {  	s2 =	sld [smem:$0x3F98];
	s0 =	simm.s32 @p1 $0x1  }
0x15: {  	[smem:$0x3FB5] =	sst s0;
	s0 =	simm.s32 @!p2 $0x0  }
0x16: {  	s3 =	sld [smem:$0x3FDB];
	s0 =	simm.s32 @p2 $0x1  }
0x17: {  	s4 =	simm.s32 $0x1BF5;
	[smem:$0x3FB7] =	sst s0  }
0x18: {  	s0 =	sld [smem:$0x3F9A];
	_ =	swait.ge [sflag:s4], $0x0  }
0x19: {  	s7 =	sld [smem:$0x3F9B]  }
0x1a: {  	s8 =	sadd.s32 $0xFFFFE003, lr  }
0x1b: {  	s9 =	sadd.s32 $0xFFFFFEF7, lr;
	s5 =	simm.s32 $0xFFFFFFFF;
	p2 =	slt.u32 s8, $0xFFFFF086  }
0x1c: {  	p1 =	slt.u32 s9, $0xF7A;
	s5 =	simm.s32 @!p2 $0x0  }
0x1d: {  	s5 =	simm.s32 @p1 $0x1;
	p0 =	seq.s32 s7, s2  }
0x1e: {  	s7 =	smul.u32 @!p0 $0xF7A, s2;
	p2 =	seq.s32 @!p0 s5, $0x0  }
0x1f: {  	s9 =	smul.u32 $0xF7A, s1;
	s8 =	simm.s32 @!p0 $0x1BF5;
	p2 =	por !p2, p0  }
0x20: {  	[sflag:s8] =	ssyncset.s32 @!p0 $0xFFFFF086;
	s6 =	sadd.s32 @!p0 s3, s7;
	s7 =	simm.s32 @!p0 $0x108  }
0x21: {  	s3 =	sadd.s32 s3, s9;
	s6 =	sadd.s32 @!p0 $0x88, s6;
	s7 =	simm.s32 @p2 $0x1082  }
0x22: {  	[simem:s7], [sflag:s8] =	dma.local @!p0 [hbm:s6], $0xF7A  }
0x23: {  	s9 =	sor.u32 $0xD0000000, s2;
	s6 =	simm.s32 $0x108;
	_ =	swait.ge @!p0 [sflag:s8], $0x0  }
0x24: {  	s3 =	sadd.s32 $0x88, s3;
	s6 =	simm.s32 @!p1 $0x1082;
	[sflag:s4] =	ssyncset.s32 $0xFFFFF086  }
0x25: {  	[simem:s6], [sflag:s4] =	dma.local [hbm:s3], $0xF7A  }
0x26: {  	[smem:$0x3F9B] =	sst s1;
	(tag) =	ssettag s2;
	_ =	strace s9  }
0x27: {  	s1 =	sld [smem:$0x3FAB]  }
0x28: {  	s2 =	sld [smem:$0x3FAC]  }
0x29: {  	s4 =	sld [smem:$0x3FAE]  }
0x2a: {  	p0 =	seq.s32 s5, $0x0;
	s5 =	sld [smem:$0x3FAF]  }
0x2b: {  	s6 =	sld [smem:$0x3FB0]  }
0x2c: {  	s7 =	sld [smem:$0x3FB1]  }
0x2d: {  	s3 =	simm.s32 $0x108;
	s8 =	sld [smem:$0x3FB2]  }
0x2e: {  	s3 =	simm.s32 @!p0 $0x1082;
	s9 =	sld [smem:$0x3FB3]  }
0x2f: {  	lr =	sadd.s32 s0, s3;
	s0 =	sld [smem:$0x3FAA]  }
0x30: {  	s3 =	sld [smem:$0x3FAD]  }
0x31: {  	[smem:$0x3FB6] =	sst s10  }
0x32: {  	s10 =	sld [smem:$0x3FB4];
	_ =	sdelay $0x3  }
0x33: {  	p0 =	seq.s32 s10, $0x1;
	s10 =	sld [smem:$0x3FB6];
	_ =	sdelay $0x3  }
0x34: {  	[smem:$0x3FB6] =	sst s10  }
0x35: {  	s10 =	sld [smem:$0x3FB5];
	_ =	sdelay $0x3  }
0x36: {  	p1 =	seq.s32 s10, $0x1;
	s10 =	sld [smem:$0x3FB6];
	_ =	sdelay $0x3  }
0x37: {  	[smem:$0x3FB6] =	sst s10  }
0x38: {  	s10 =	sld [smem:$0x3FB7]  }
0x39: {  	_ = 	snop;
	(pc) =	sbr.ind lr, $3  }
0x3a: {  	_ = 	snop  }
0x3b: {  	_ = 	snop  }
0x3c: {  	p2 =	seq.s32 s10, $0x1;
	s10 =	sld [smem:$0x3FB6]  }
0x3d: {  	_ =	shalt  }
0x3e: {  	_ =	shalt  }
0x3f: {  	_ =	shalt  }
0x40: {  	_ =	shalt  }
0x41: {  	_ =	shalt  }
0x42: {  	_ =	shalt  }
0x43: {  	_ =	shalt  }
0x44: {  	_ =	shalt  }
0x45: {  	_ =	shalt  }
0x46: {  	_ =	shalt  }
0x47: {  	_ =	shalt  }
0x48: {  	_ =	shalt  }
0x49: {  	_ =	shalt  }
0x4a: {  	_ =	shalt  }
0x4b: {  	_ =	shalt  }
0x4c: {  	_ =	shalt  }
0x4d: {  	_ =	shalt  }
0x4e: {  	_ =	shalt  }
0x4f: {  	_ =	shalt  }
0x50: {  	_ =	shalt  }
0x51: {  	_ =	shalt  }
0x52: {  	_ =	shalt  }
0x53: {  	_ =	shalt  }
0x54: {  	_ =	shalt  }
0x55: {  	_ =	shalt  }
0x56: {  	_ =	shalt  }
0x57: {  	_ =	shalt  }
0x58: {  	_ =	shalt  }
0x59: {  	_ =	shalt  }
0x5a: {  	_ =	shalt  }
0x5b: {  	_ =	shalt  }
0x5c: {  	_ =	shalt  }
0x5d: {  	_ =	shalt  }
0x5e: {  	_ =	shalt  }
0x5f: {  	_ =	shalt  }
0x60: {  	_ =	shalt  }
0x61: {  	_ =	shalt  }
0x62: {  	_ =	shalt  }
0x63: {  	_ =	shalt  }
0x64: {  	_ =	shalt  }
0x65: {  	_ =	shalt  }
0x66: {  	_ =	shalt  }
0x67: {  	_ =	shalt  }
0x68: {  	_ =	shalt  }
0x69: {  	_ =	shalt  }
0x6a: {  	_ =	shalt  }
0x6b: {  	_ =	shalt  }
0x6c: {  	_ =	shalt  }
0x6d: {  	_ =	shalt  }
0x6e: {  	_ =	shalt  }
0x6f: {  	_ =	shalt  }
0x70: {  	_ =	shalt  }
0x71: {  	_ =	shalt  }
0x72: {  	_ =	shalt  }
0x73: {  	_ =	shalt  }
0x74: {  	_ =	shalt  }
0x75: {  	_ =	shalt  }
0x76: {  	_ =	shalt  }
0x77: {  	_ =	shalt  }
0x78: {  	_ =	shalt  }
0x79: {  	_ =	shalt  }
0x7a: {  	_ =	shalt  }
0x7b: {  	_ =	shalt  }
0x7c: {  	_ =	shalt  }
0x7d: {  	_ =	shalt  }
0x7e: {  	_ =	shalt  }
0x7f: {  	_ =	shalt  }
0x80: {  	_ =	shalt  }
0x81: {  	_ =	shalt  }
0x82: {  	_ =	shalt  }
0x83: {  	_ =	shalt  }
0x84: {  	_ =	shalt  }
0x85: {  	_ =	shalt  }
0x86: {  	_ =	shalt  }
0x87: {  	_ =	shalt  }
.Lfunc_end0:
.L_simem_size_0:
called_computation.1_lowered:
.L_overlay_start_0:
0x88: {  	s2 =	sld [smem:$0x3FD9]  }
0x89: {  	s3 =	sld [smem:$0x3FFE];
	_ =	sdelay $0x1  }
0x8a: {  	s1 =	srdreg.scid  }
0x8b: {  	s0 =	sand.u32 $0x1, s1  }
0x8c: {  	s16 =	sshll.u32 s0, $0xA;
	s2 =	sadd.s32 s3, s2  }
0x8d: {  	s2 =	sadd.s32 s2, s16  }
0x8e: {  	[smem:$0x3FC2] =	sst s2  }
0x8f: {  	_ = 	snop  }
0x90: {  	(tm) =	ssettm $0x1  }
0x91: {  	s17 =	sld [smem:$0x3FFB];
	_ =	sdelay $0x3  }
0x92: {  	_ =	strace s17  }
0x93: {  	s2 =	sld [smem:$0x3FFC];
	_ =	sdelay $0x3  }
0x94: {  	_ =	strace s2  }
0x95: {  	s2 =	sld [smem:$0x3FFD];
	_ =	sdelay $0x3  }
0x96: {  	_ =	strace s2  }
0x97: {  	_ =	strace $0x8FFFFFFF  }
0x98: {  	s18 =	sld [smem:$0x3FDB];
	_ =	sdelay $0x1  }
0x99: {  	s19 =	simm.s32 $_scs_section_size  }
0x9a: {  	s4 =	simm.s32 $_size__tile_overlayer_lowered;
	s5 =	simm.s32 $_tile_overlayer_lowered  }
0x9b: {  	s22 =	simm.s32 $0x1BFF;
	s21 =	sshll.u32 s5, $0x1;
	s2 =	sadd.s32 s19, s18  }
0x9c: {  	s6 =	simm.s32 $0x0;
	s20 =	sshll.u32 s4, $0x1;
	s4 =	sadd.s32 s21, s2  }
0x9d: {  	[timem:s6], [sflag:s22] =	dma.local [hbm:s4], s20  }
0x9e: {  	_ =	swait.ge [sflag:s22], s20  }
0x9f: {  	s3 =	ssub.s32 $0x0, s20;
	[sflag:s22] =	ssyncset.done $0x0  }
0xa0: {  	[sflag:s22] =	ssyncadd.s32 s3;
	_ =	sdelay $0x1  }
0xa1: {  	s23 =	simm.s32 $0x1B8B  }
0xa2: {  	_ =	swait.ge [sflag:s23], $0x1  }
0xa3: {  	[sflag:s23] =	ssyncset.done $0x0  }
0xa4: {  	s25 =	simm.s32 $0x1B8E;
	s24 =	sld [smem:$0x3FFE];
	[sflag:s23] =	ssyncadd.s32 $0xFFFFFFFF  }
0xa5: {  	s26 =	simm.s32 $execute0_lowered;
	[smem:$0x3FD2] =	sst s25  }
0xa6: {  	s4 =	sshll.u32 s26, $0x1;
	_ =	strace $0x80000049;
	[dreg:$0x1] =	wrdreg $0xFFFFFFFF  }
0xa7: {  	s28 =	simm.s32 $_size_execute0_lowered;
	s2 =	sadd.s32 s2, s4;
	[dreg:$0x0] =	wrdreg $0x0  }
0xa8: {  	s4 =	sshll.u32 s28, $0x1;
	[dreg:$0x2] =	wrdreg s2  }
0xa9: {  	[dreg:$0x3] =	wrdreg s4  }
0xaa: {  	[dreg:$0x4] =	wrdreg $0xC0  }
0xab: {  	_ =	task [dreg:s6], $0x5FFFF  }
0xac: {  	[dreg:$0x1] =	wrdreg $0xFFFFFFFF  }
0xad: {  	[dreg:$0x0] =	wrdreg $0x60  }
0xae: {  	[dreg:$0x2] =	wrdreg s24  }
0xaf: {  	[dreg:$0x3] =	wrdreg $0xB8000  }
0xb0: {  	[dreg:$0x4] =	wrdreg $0x9  }
0xb1: {  	_ =	task.clear_ibuf [dreg:s6], $0x5FFFF;
	_ =	strace $0x90000049  }
0xb2: {  	s29 =	simm.s32 $0x9;
	_ =	strace $0x8000004B  }
0xb3: {  	_ =	swait.ge [sflag:s29], $0x1  }
0xb4: {  	[sflag:s29] =	ssyncadd.s32 $0xFFFFFFFF  }
0xb5: {  	_ =	strace $0x9000004B  }
0xb6: {  	_ =	sfence  }
0xb7: {  	s30 =	sld [smem:$0x0];
	_ =	sdelay $0x2  }
0xb8: {  	s31 =	sshll.u32 s1, $0xD;
	s1 =	sshrl.u32 s1, $0x2  }
0xb9: {  	s3 =	sand.u32 $0x4000, s31;
	s1 =	sadd.s32 s1, s30  }
0xba: {  	s0 =	sor.u32 s3, s0;
	s1 =	sshll.u32 s1, $0x11  }
0xbb: {  	s0 =	sor.u32 s1, s0  }
0xbc: {  	s0 =	sadd.s32 $0x8F2B, s0  }
0xbd: {  	[sflag:s0] =	ssyncadd.remote.s32 $0x1  }
0xbe: {  	_ =	sfence.sel $0xFFFF  }
0xbf: {  	[dreg:$0x0] =	wrdreg $0xFFFFFFFF;
	(pc) =	sbr.abs _section_cstart, $3  }
0xc0: {  	[dreg:$0x1] =	wrdreg $0xFFFFFFFF  }
0xc1: {  	_ =	task.clear_ibuf [dreg:s6], $0x2FFFF;
	_ =	strace $0x9FFFFFFF  }
0xc2: {  	(tm) =	ssettm $0x7FFFFFFF  }
0xc3: {  	_ =	shalt  }
tec
execute0_lowered:
.L_overlay_start_1:
0x0: {  	(tag) =	ssettag $0x1  }
0x1: {  	s0 =	srdreg.scid;
	s1 =	rddreg [dreg:$0x0]  }
0x2: {  	s2 =	rddreg [dreg:$0x1];
	s13 =	stileid.u32;
	s3 =	simm.s32 $0x0  }
0x3: {  	s28 =	simm.s32 $0x3800;
	s29 =	simm.s32 $0x3;
	s31 =	simm.s32 $0x80  }
0x4: {  	s30 =	simm.s32 $0x2;
	s0 =	sand.u32 $0x1, s0;
	s9 =	smul.u32 $0x50000, s13  }
0x5: {  	[smem:$0x7FF] =	sst s3;
	s5 =	sadd.s32 $0x88800, s1;
	s15 =	smul.u32 $0x280, s13  }
0x6: {  	s4 =	sshll.u32 s0, $0x4;
	_ =	strace $0x8000004A;
	s7 =	smul.u32 $0x28000, s0  }
0x7: {  	s8 =	ssub.s32 $0x2, s0;
	p0 =	seq.s32 s0, $0x0;
	s4 =	sor.u32 s13, s4  }
0x8: {  	s26 =	sshrl.u32 s8, $0x1;
	s11 =	sshrl.u32 s9, $0x2;
	s19 =	sadd.s32 $0x80, s15  }
0x9: {  	s22 =	sadd.s32 $0x100, s15;
	s24 =	sadd.s32 $0x180, s15;
	s0 =	sadd.s32 $0x200, s15  }
0xa: {  	s6 =	smul.u32 $0x380, s4;
	s4 =	sadd.s32 $0x61600, s1;
	s8 =	ssub.s32 s8, s26  }
0xb: {  	s21 =	sshll.u32 s19, $0x7;
	s19 =	sshll.u32 s19, $0x4;
	s23 =	sshll.u32 s22, $0x7  }
0xc: {  	s25 =	sshll.u32 s24, $0x7;
	s26 =	sshll.u32 s0, $0x7;
	s17 =	smax.u32 s8, $0x1  }
0xd: {  	s8 =	simm.s32 $0x0;
	s10 =	sadd.s32 s6, s1;
	s1 =	sadd.s32 s7, s1  }
0xe: {  	s6 =	simm.s32 $0x38;
	s7 =	sadd.s32 s11, s2;
	[dreg:$0x5] =	wrdreg s17  }
0xf: {  	s6 =	simm.s32 @!p0 $0x18;
	s12 =	sadd.s32 $0x9600, s10;
	s14 =	sadd.s32 $0x2600, s10  }
0x10: {  	s11 =	sadd.s32 $0xAFA00, s1;
	s18 =	sadd.s32 $0x4000, s7;
	[dreg:$0x3] =	wrdreg s12  }
0x11: {  	s20 =	sadd.s32 $0x8000, s7;
	s16 =	sadd.s32 $0xC000, s7;
	[dreg:$0x4] =	wrdreg s14  }
0x12: {  	s17 =	sadd.s32 $0x10000, s7;
	s10 =	sshrl.u32 s6, $0x1;
	[dreg:$0x6] =	wrdreg s18  }
0x13: {  	s12 =	sadd.s32 $0xFFA00, s1;
	[dreg:$0x7] =	wrdreg s20;
	s18 =	sadd.s32 s21, s2  }
0x14: {  	s20 =	sadd.s32 s23, s2;
	s21 =	sshll.u32 s22, $0x4;
	s22 =	sadd.s32 s25, s2  }
0x15: {  	s23 =	sshll.u32 s24, $0x4;
	s24 =	sadd.s32 s26, s2;
	s25 =	sshll.u32 s0, $0x4  }
0x16: {  	v0 =	vimm.f32 $0.0e+00;
	s26 =	smul.u32 $0x2800, s13;
	s0 =	simm.s32 $0x7800;
	s1 =	simm.s32 $0x1  }
.LBB2_1:
0x17: {  	s9 =	simm.s32 $0x0;
	s13 =	simm.s32 $0x200  }
.LBB2_2:
0x18: {  	p0 =	sne.s32 s13, $0xFE00;
	[tilespmem:s9+$0x3870] =	vst v0  }
0x19: {  	[tilespmem:s9+$0x3800] =	vst v0  }
0x1a: {  	[tilespmem:s9+$0x3810] =	vst v0  }
.Ltmp0:
0x1b: {  	[tilespmem:s9+$0x3820] =	vst v0;
	(pc) =	sbr.rel @p0 .LBB2_2-.Ltmp0, $4  }
0x1c: {  	[tilespmem:s9+$0x3830] =	vst v0  }
0x1d: {  	[tilespmem:s9+$0x3840] =	vst v0  }
0x1e: {  	[tilespmem:s9+$0x3850] =	vst v0  }
0x1f: {  	[tilespmem:s9+$0x3860] =	vst v0;
	s9 =	sshra.s32 s13, $0x2;
	s13 =	sadd.s32 $0x200, s13  }
0x20: {  	[tilespmem:s9+$0x3870] =	vst v0  }
0x21: {  	[tilespmem:s9+$0x3800] =	vst v0  }
0x22: {  	[tilespmem:s9+$0x3810] =	vst v0  }
0x23: {  	[tilespmem:s9+$0x3820] =	vst v0  }
0x24: {  	[tilespmem:s9+$0x3830] =	vst v0  }
0x25: {  	[tilespmem:s9+$0x3840] =	vst v0  }
0x26: {  	[tilespmem:s9+$0x3850] =	vst v0  }
0x27: {  	[tilespmem:s9+$0x3860] =	vst v0  }
0x28: {  	[spmem:s7] =	stream.linear.scatter [tilespmem:s28], [sflag:$0x3], $0x4000, $0x38;
	[tilespmem:$0x1F800] =	vst v63  }
0x29: {  	_ =	swait.ge [sflag:s29], $0x4000  }
0x2a: {  	[sflag:s29] =	ssyncset.done $0x0  }
0x2b: {  	s15 =	rddreg [dreg:$0x6];
	[sflag:s29] =	ssyncadd.s32 $0xFFFFC000  }
0x2c: {  	[spmem:s15] =	stream.linear.scatter [tilespmem:s28], [sflag:$0x3], $0x4000, $0x38;
	[tilespmem:$0x1F800] =	vst v63  }
0x2d: {  	_ =	swait.ge [sflag:s29], $0x4000  }
0x2e: {  	[sflag:s29] =	ssyncset.done $0x0  }
0x2f: {  	s13 =	rddreg [dreg:$0x7];
	[sflag:s29] =	ssyncadd.s32 $0xFFFFC000  }
0x30: {  	[spmem:s13] =	stream.linear.scatter [tilespmem:s28], [sflag:$0x3], $0x4000, $0x38;
	[tilespmem:$0x1F800] =	vst v63  }
0x31: {  	_ =	swait.ge [sflag:s29], $0x4000  }
0x32: {  	[sflag:s29] =	ssyncset.done $0x0  }
0x33: {  	[sflag:s29] =	ssyncadd.s32 $0xFFFFC000  }
0x34: {  	[spmem:s16] =	stream.linear.scatter [tilespmem:s28], [sflag:$0x3], $0x4000, $0x38;
	[tilespmem:$0x1F800] =	vst v63  }
0x35: {  	_ =	swait.ge [sflag:s29], $0x4000  }
0x36: {  	[sflag:s29] =	ssyncset.done $0x0  }
0x37: {  	[sflag:s29] =	ssyncadd.s32 $0xFFFFC000  }
0x38: {  	[spmem:s17] =	stream.linear.scatter [tilespmem:s28], [sflag:$0x3], $0x4000, $0x38;
	[tilespmem:$0x1F800] =	vst v63  }
0x39: {  	_ =	swait.ge [sflag:s29], $0x4000  }
0x3a: {  	[sflag:s29] =	ssyncset.done $0x0  }
0x3b: {  	s14 =	rddreg [dreg:$0x3];
	[sflag:s29] =	ssyncadd.s32 $0xFFFFC000  }
0x3c: {  	[tilespmem:s3], [sflag:$0x3] =	stream.linear.gather [hbm4b:s14+s3], $0x1C00, $0x38;
	[tilespmem:$0x1F800] =	vst v63  }
0x3d: {  	_ =	swait.ge [sflag:s29], $0x1C00  }
0x3e: {  	[sflag:s29] =	ssyncset.done $0x0  }
0x3f: {  	s13 =	simm.s32 $0x1C00;
	s15 =	rddreg [dreg:$0x4];
	[sflag:s29] =	ssyncadd.s32 $0xFFFFE400  }
0x40: {  	[tilespmem:s13], [sflag:$0x3] =	stream.linear.gather [hbm4b:s15+s3], $0x1C00, $0x38;
	[tilespmem:$0x1F800] =	vst v63  }
0x41: {  	_ =	swait.ge [sflag:s29], $0x1C00  }
0x42: {  	[sflag:s29] =	ssyncset.done $0x0  }
0x43: {  	[sflag:s29] =	ssyncadd.s32 $0xFFFFE400  }
0x44: {  	s14 =	simm.s32 $0x2;
	[bflag:$0x0] =	sbarrier.arrive $0xFFFF  }
0x45: {  	(drf) =	srem.u32 s14, s6  }
0x46: {  	[tilespmem:s28], [sflag:$0x1] =	stream.indirect.gather [hbm4b:s4+s31], $0x80, s3, s31, $0xb8;
	[tilespmem:$0x1F800] =	vst v63  }
0x47: {  	_ = 	snop  }
0x48: {  	[tilespmem:s0], [sflag:$0x2] =	stream.indirect.gather [hbm4b:s4+s31], $0x80, s31, s31, $0xb8;
	[tilespmem:$0x1F800] =	vst v63  }
0x49: {  	_ =	swait.ge [sflag:s1], $0x4000  }
0x4a: {  	[sflag:s1] =	ssyncset.done $0x0  }
0x4b: {  	s15 =	simm.s32 $0x1C00;
	[sflag:s1] =	ssyncadd.s32 $0xFFFFC000  }
0x4c: {  	[spmem:s2] =	stream.indirect.scatter.add.f32 [tilespmem:s28], [sflag:$0x3], $0x80, s15, s31, $0xb8;
	[tilespmem:$0x1F800] =	vst v63  }
0x4d: {  	s13 =	simm.s32 $0x3;
	_ =	swait.ge [sflag:s29], $0x4000  }
0x4e: {  	s14 =	spop (drf);
	(drf) =	srem.u32 s13, s6  }
0x4f: {  	[sflag:s29] =	ssyncset.done $0x0  }
0x50: {  	p0 =	sne.s32 s10, $0x1;
	[sflag:s29] =	ssyncadd.s32 $0xFFFFC000;
	s15 =	sshll.u32 s14, $0x7  }
0x51: {  	[tilespmem:s28], [sflag:$0x1] =	stream.indirect.gather [hbm4b:s4+s31], $0x80, s15, s31, $0xb8;
	[tilespmem:$0x1F800] =	vst v63  }
.Ltmp1:
0x52: {  	_ =	swait.ge [sflag:s30], $0x4000;
	(pc) =	sbr.rel @!p0 .LBB2_5-.Ltmp1, $4  }
0x53: {  	[sflag:s30] =	ssyncset.done $0x0  }
0x54: {  	s9 =	simm.s32 $0x1C80;
	[sflag:s30] =	ssyncadd.s32 $0xFFFFC000  }
0x55: {  	[spmem:s2] =	stream.indirect.scatter.add.f32 [tilespmem:s0], [sflag:$0x3], $0x80, s9, s31, $0xb8;
	[tilespmem:$0x1F800] =	vst v63  }
0x56: {  	s13 =	sadd.s32 $0xFFFFFFFF, s10;
	s14 =	simm.s32 $0x4;
	_ =	swait.ge [sflag:s29], $0x4000  }
.LBB2_4:
0x57: {  	(drf) =	srem.u32 s14, s6;
	[sflag:s29] =	ssyncset.done $0x0;
	s15 =	spop (drf)  }
0x58: {  	p1 =	sne.s32 s13, $0x1;
	[sflag:s29] =	ssyncadd.s32 $0xFFFFC000;
	s15 =	sshll.u32 s15, $0x7  }
0x59: {  	[tilespmem:s0], [sflag:$0x2] =	stream.indirect.gather [hbm4b:s4+s31], $0x80, s15, s31, $0xb8;
	[tilespmem:$0x1F800] =	vst v63  }
0x5a: {  	s13 =	sadd.s32 $0xFFFFFFFF, s13;
	_ =	swait.ge [sflag:s1], $0x4000  }
0x5b: {  	s9 =	sadd.s32 $0x100, s9;
	[sflag:s1] =	ssyncset.done $0x0  }
0x5c: {  	s15 =	sadd.s32 $0xFFFFFF80, s9;
	[sflag:s1] =	ssyncadd.s32 $0xFFFFC000  }
0x5d: {  	[spmem:s2] =	stream.indirect.scatter.add.f32 [tilespmem:s28], [sflag:$0x3], $0x80, s15, s31, $0xb8;
	[tilespmem:$0x1F800] =	vst v63  }
0x5e: {  	s15 =	sadd.s32 $0x1, s14  }
0x5f: {  	_ =	swait.ge [sflag:s29], $0x4000  }
0x60: {  	(drf) =	srem.u32 s15, s6  }
0x61: {  	[sflag:s29] =	ssyncset.done $0x0;
	s15 =	spop (drf)  }
0x62: {  	[sflag:s29] =	ssyncadd.s32 $0xFFFFC000;
	s15 =	sshll.u32 s15, $0x7  }
0x63: {  	[tilespmem:s28], [sflag:$0x1] =	stream.indirect.gather [hbm4b:s4+s31], $0x80, s15, s31, $0xb8;
	[tilespmem:$0x1F800] =	vst v63  }
.Ltmp2:
0x64: {  	_ =	swait.ge [sflag:s30], $0x4000;
	(pc) =	sbr.rel @p1 .LBB2_4-.Ltmp2, $4  }
0x65: {  	[sflag:s30] =	ssyncset.done $0x0  }
0x66: {  	[sflag:s30] =	ssyncadd.s32 $0xFFFFC000  }
0x67: {  	[spmem:s2] =	stream.indirect.scatter.add.f32 [tilespmem:s0], [sflag:$0x3], $0x80, s9, s31, $0xb8;
	[tilespmem:$0x1F800] =	vst v63  }
0x68: {  	s14 =	sadd.s32 $0x2, s14;
	_ =	swait.ge [sflag:s29], $0x4000  }
.LBB2_5:
0x69: {  	[sflag:s29] =	ssyncset.done $0x0;
	s9 =	spop (drf)  }
0x6a: {  	[sflag:s29] =	ssyncadd.s32 $0xFFFFC000;
	s9 =	sshll.u32 s9, $0x7  }
0x6b: {  	[tilespmem:s0], [sflag:$0x2] =	stream.indirect.gather [hbm4b:s4+s31], $0x80, s9, s31, $0xb8;
	[tilespmem:$0x1F800] =	vst v63  }
0x6c: {  	_ =	swait.ge [sflag:s1], $0x4000  }
0x6d: {  	[sflag:s1] =	ssyncset.done $0x0  }
0x6e: {  	[sflag:s1] =	ssyncadd.s32 $0xFFFFC000  }
0x6f: {  	_ =	swait.ge [sflag:s30], $0x4000  }
0x70: {  	[sflag:s30] =	ssyncset.done $0x0  }
0x71: {  	[sflag:s30] =	ssyncadd.s32 $0xFFFFC000  }
0x72: {  	s13 =	simm.s32 $0x200;
	s9 =	simm.s32 $0x0;
	[bflag:$0x0] =	sbarrier.arrive $0xFFFF  }
.LBB2_6:
0x73: {  	p1 =	sne.s32 s13, $0xFE00;
	[tilespmem:s9+$0x7870] =	vst v0  }
0x74: {  	[tilespmem:s9+$0x7800] =	vst v0  }
0x75: {  	[tilespmem:s9+$0x7810] =	vst v0  }
.Ltmp3:
0x76: {  	[tilespmem:s9+$0x7820] =	vst v0;
	(pc) =	sbr.rel @p1 .LBB2_6-.Ltmp3, $4  }
0x77: {  	[tilespmem:s9+$0x7830] =	vst v0  }
0x78: {  	[tilespmem:s9+$0x7840] =	vst v0  }
0x79: {  	[tilespmem:s9+$0x7850] =	vst v0  }
0x7a: {  	[tilespmem:s9+$0x7860] =	vst v0;
	s9 =	sshra.s32 s13, $0x2;
	s13 =	sadd.s32 $0x200, s13  }
0x7b: {  	[tilespmem:s9+$0x7870] =	vst v0  }
0x7c: {  	[tilespmem:s9+$0x7800] =	vst v0  }
0x7d: {  	[tilespmem:s9+$0x7810] =	vst v0  }
0x7e: {  	[tilespmem:s9+$0x7820] =	vst v0  }
0x7f: {  	[tilespmem:s9+$0x7830] =	vst v0  }
0x80: {  	[tilespmem:s9+$0x7840] =	vst v0  }
0x81: {  	[tilespmem:s9+$0x7850] =	vst v0  }
0x82: {  	[tilespmem:s9+$0x7860] =	vst v0  }
0x83: {  	[tilespmem:s28], [sflag:$0x3] =	stream.linear.gather [spmem:s7], $0x4000, $0x38;
	[tilespmem:$0x1F800] =	vst v63  }
0x84: {  	_ =	swait.ge [sflag:s29], $0x4000  }
0x85: {  	[sflag:s29] =	ssyncset.done $0x0  }
0x86: {  	s13 =	sadd.s32 s26, s11;
	[sflag:s29] =	ssyncadd.s32 $0xFFFFC000  }
0x87: {  	[hbm4b:s13+s3] =	stream.linear.scatter [tilespmem:s28], [sflag:$0x3], $0x4000, $0x38;
	[tilespmem:$0x1F800] =	vst v63  }
0x88: {  	_ =	swait.ge [sflag:s29], $0x4000  }
0x89: {  	[sflag:s29] =	ssyncset.done $0x0  }
0x8a: {  	[sflag:s29] =	ssyncadd.s32 $0xFFFFC000  }
0x8b: {  	[spmem:s7] =	stream.linear.scatter [tilespmem:s0], [sflag:$0x3], $0x4000, $0x38;
	[tilespmem:$0x1F800] =	vst v63  }
0x8c: {  	_ =	swait.ge [sflag:s29], $0x4000  }
0x8d: {  	[sflag:s29] =	ssyncset.done $0x0  }
0x8e: {  	[sflag:s29] =	ssyncadd.s32 $0xFFFFC000  }
0x8f: {  	[tilespmem:s28], [sflag:$0x3] =	stream.linear.gather [spmem:s18], $0x4000, $0x38;
	[tilespmem:$0x1F800] =	vst v63  }
0x90: {  	_ =	swait.ge [sflag:s29], $0x4000  }
0x91: {  	[sflag:s29] =	ssyncset.done $0x0  }
0x92: {  	s14 =	sadd.s32 s19, s11;
	[sflag:s29] =	ssyncadd.s32 $0xFFFFC000  }
0x93: {  	[hbm4b:s14+s3] =	stream.linear.scatter [tilespmem:s28], [sflag:$0x3], $0x4000, $0x38;
	[tilespmem:$0x1F800] =	vst v63  }
0x94: {  	_ =	swait.ge [sflag:s29], $0x4000  }
0x95: {  	[sflag:s29] =	ssyncset.done $0x0  }
0x96: {  	[sflag:s29] =	ssyncadd.s32 $0xFFFFC000  }
0x97: {  	[spmem:s18] =	stream.linear.scatter [tilespmem:s0], [sflag:$0x3], $0x4000, $0x38;
	[tilespmem:$0x1F800] =	vst v63  }
0x98: {  	_ =	swait.ge [sflag:s29], $0x4000  }
0x99: {  	[sflag:s29] =	ssyncset.done $0x0  }
0x9a: {  	[sflag:s29] =	ssyncadd.s32 $0xFFFFC000  }
0x9b: {  	[tilespmem:s28], [sflag:$0x3] =	stream.linear.gather [spmem:s20], $0x4000, $0x38;
	[tilespmem:$0x1F800] =	vst v63  }
0x9c: {  	_ =	swait.ge [sflag:s29], $0x4000  }
0x9d: {  	[sflag:s29] =	ssyncset.done $0x0  }
0x9e: {  	s15 =	sadd.s32 s21, s11;
	[sflag:s29] =	ssyncadd.s32 $0xFFFFC000  }
0x9f: {  	[hbm4b:s15+s3] =	stream.linear.scatter [tilespmem:s28], [sflag:$0x3], $0x4000, $0x38;
	[tilespmem:$0x1F800] =	vst v63  }
0xa0: {  	_ =	swait.ge [sflag:s29], $0x4000  }
0xa1: {  	[sflag:s29] =	ssyncset.done $0x0  }
0xa2: {  	[sflag:s29] =	ssyncadd.s32 $0xFFFFC000  }
0xa3: {  	[spmem:s20] =	stream.linear.scatter [tilespmem:s0], [sflag:$0x3], $0x4000, $0x38;
	[tilespmem:$0x1F800] =	vst v63  }
0xa4: {  	_ =	swait.ge [sflag:s29], $0x4000  }
0xa5: {  	[sflag:s29] =	ssyncset.done $0x0  }
0xa6: {  	[sflag:s29] =	ssyncadd.s32 $0xFFFFC000  }
0xa7: {  	[tilespmem:s28], [sflag:$0x3] =	stream.linear.gather [spmem:s22], $0x4000, $0x38;
	[tilespmem:$0x1F800] =	vst v63  }
0xa8: {  	_ =	swait.ge [sflag:s29], $0x4000  }
0xa9: {  	[sflag:s29] =	ssyncset.done $0x0  }
0xaa: {  	s13 =	sadd.s32 s23, s11;
	[sflag:s29] =	ssyncadd.s32 $0xFFFFC000  }
0xab: {  	[hbm4b:s13+s3] =	stream.linear.scatter [tilespmem:s28], [sflag:$0x3], $0x4000, $0x38;
	[tilespmem:$0x1F800] =	vst v63  }
0xac: {  	_ =	swait.ge [sflag:s29], $0x4000  }
0xad: {  	[sflag:s29] =	ssyncset.done $0x0  }
0xae: {  	[sflag:s29] =	ssyncadd.s32 $0xFFFFC000  }
0xaf: {  	[spmem:s22] =	stream.linear.scatter [tilespmem:s0], [sflag:$0x3], $0x4000, $0x38;
	[tilespmem:$0x1F800] =	vst v63  }
0xb0: {  	_ =	swait.ge [sflag:s29], $0x4000  }
0xb1: {  	[sflag:s29] =	ssyncset.done $0x0  }
0xb2: {  	[sflag:s29] =	ssyncadd.s32 $0xFFFFC000  }
0xb3: {  	[tilespmem:s28], [sflag:$0x3] =	stream.linear.gather [spmem:s24], $0x4000, $0x38;
	[tilespmem:$0x1F800] =	vst v63  }
0xb4: {  	_ =	swait.ge [sflag:s29], $0x4000  }
0xb5: {  	[sflag:s29] =	ssyncset.done $0x0  }
0xb6: {  	s14 =	sadd.s32 s25, s11;
	[sflag:s29] =	ssyncadd.s32 $0xFFFFC000  }
0xb7: {  	[hbm4b:s14+s3] =	stream.linear.scatter [tilespmem:s28], [sflag:$0x3], $0x4000, $0x38;
	[tilespmem:$0x1F800] =	vst v63  }
0xb8: {  	_ =	swait.ge [sflag:s29], $0x4000  }
0xb9: {  	[sflag:s29] =	ssyncset.done $0x0  }
0xba: {  	[sflag:s29] =	ssyncadd.s32 $0xFFFFC000  }
0xbb: {  	[spmem:s24] =	stream.linear.scatter [tilespmem:s0], [sflag:$0x3], $0x4000, $0x38;
	[tilespmem:$0x1F800] =	vst v63  }
0xbc: {  	_ =	swait.ge [sflag:s29], $0x4000  }
0xbd: {  	[sflag:s29] =	ssyncset.done $0x0  }
0xbe: {  	[sflag:s29] =	ssyncadd.s32 $0xFFFFC000  }
0xbf: {  	s15 =	simm.s32 $0x2;
	[bflag:$0x0] =	sbarrier.arrive $0xFFFF  }
0xc0: {  	(drf) =	srem.u32 s15, s6  }
0xc1: {  	[tilespmem:s28], [sflag:$0x1] =	stream.indirect.gather [hbm4b:s5+s31], $0x80, s3, s31, $0xb8;
	[tilespmem:$0x1F800] =	vst v63  }
0xc2: {  	_ = 	snop  }
0xc3: {  	[tilespmem:s0], [sflag:$0x2] =	stream.indirect.gather [hbm4b:s5+s31], $0x80, s31, s31, $0xb8;
	[tilespmem:$0x1F800] =	vst v63  }
0xc4: {  	_ =	swait.ge [sflag:s1], $0x4000  }
0xc5: {  	[sflag:s1] =	ssyncset.done $0x0  }
0xc6: {  	s13 =	simm.s32 $0x1C00;
	[sflag:s1] =	ssyncadd.s32 $0xFFFFC000  }
0xc7: {  	[spmem:s2] =	stream.indirect.scatter.add.f32 [tilespmem:s28], [sflag:$0x3], $0x80, s13, s31, $0xb8;
	[tilespmem:$0x1F800] =	vst v63  }
0xc8: {  	s14 =	simm.s32 $0x3;
	_ =	swait.ge [sflag:s29], $0x4000  }
0xc9: {  	s13 =	spop (drf);
	(drf) =	srem.u32 s14, s6  }
0xca: {  	[sflag:s29] =	ssyncset.done $0x0  }
0xcb: {  	[sflag:s29] =	ssyncadd.s32 $0xFFFFC000;
	s15 =	sshll.u32 s13, $0x7  }
0xcc: {  	[tilespmem:s28], [sflag:$0x1] =	stream.indirect.gather [hbm4b:s5+s31], $0x80, s15, s31, $0xb8;
	[tilespmem:$0x1F800] =	vst v63  }
.Ltmp4:
0xcd: {  	_ =	swait.ge [sflag:s30], $0x4000;
	(pc) =	sbr.rel @!p0 .LBB2_9-.Ltmp4, $4  }
0xce: {  	[sflag:s30] =	ssyncset.done $0x0  }
0xcf: {  	s9 =	simm.s32 $0x1C80;
	[sflag:s30] =	ssyncadd.s32 $0xFFFFC000  }
0xd0: {  	[spmem:s2] =	stream.indirect.scatter.add.f32 [tilespmem:s0], [sflag:$0x3], $0x80, s9, s31, $0xb8;
	[tilespmem:$0x1F800] =	vst v63  }
0xd1: {  	s14 =	simm.s32 $0x4;
	s13 =	sadd.s32 $0xFFFFFFFF, s10;
	_ =	swait.ge [sflag:s29], $0x4000  }
.LBB2_8:
0xd2: {  	(drf) =	srem.u32 s14, s6;
	[sflag:s29] =	ssyncset.done $0x0;
	s15 =	spop (drf)  }
0xd3: {  	p0 =	sne.s32 s13, $0x1;
	[sflag:s29] =	ssyncadd.s32 $0xFFFFC000;
	s15 =	sshll.u32 s15, $0x7  }
0xd4: {  	[tilespmem:s0], [sflag:$0x2] =	stream.indirect.gather [hbm4b:s5+s31], $0x80, s15, s31, $0xb8;
	[tilespmem:$0x1F800] =	vst v63  }
0xd5: {  	s13 =	sadd.s32 $0xFFFFFFFF, s13;
	_ =	swait.ge [sflag:s1], $0x4000  }
0xd6: {  	s9 =	sadd.s32 $0x100, s9;
	[sflag:s1] =	ssyncset.done $0x0  }
0xd7: {  	s15 =	sadd.s32 $0xFFFFFF80, s9;
	[sflag:s1] =	ssyncadd.s32 $0xFFFFC000  }
0xd8: {  	[spmem:s2] =	stream.indirect.scatter.add.f32 [tilespmem:s28], [sflag:$0x3], $0x80, s15, s31, $0xb8;
	[tilespmem:$0x1F800] =	vst v63  }
0xd9: {  	s15 =	sadd.s32 $0x1, s14  }
0xda: {  	_ =	swait.ge [sflag:s29], $0x4000  }
0xdb: {  	(drf) =	srem.u32 s15, s6  }
0xdc: {  	[sflag:s29] =	ssyncset.done $0x0;
	s15 =	spop (drf)  }
0xdd: {  	[sflag:s29] =	ssyncadd.s32 $0xFFFFC000;
	s15 =	sshll.u32 s15, $0x7  }
0xde: {  	[tilespmem:s28], [sflag:$0x1] =	stream.indirect.gather [hbm4b:s5+s31], $0x80, s15, s31, $0xb8;
	[tilespmem:$0x1F800] =	vst v63  }
.Ltmp5:
0xdf: {  	_ =	swait.ge [sflag:s30], $0x4000;
	(pc) =	sbr.rel @p0 .LBB2_8-.Ltmp5, $4  }
0xe0: {  	[sflag:s30] =	ssyncset.done $0x0  }
0xe1: {  	[sflag:s30] =	ssyncadd.s32 $0xFFFFC000  }
0xe2: {  	[spmem:s2] =	stream.indirect.scatter.add.f32 [tilespmem:s0], [sflag:$0x3], $0x80, s9, s31, $0xb8;
	[tilespmem:$0x1F800] =	vst v63  }
0xe3: {  	s14 =	sadd.s32 $0x2, s14;
	_ =	swait.ge [sflag:s29], $0x4000  }
.LBB2_9:
0xe4: {  	[sflag:s29] =	ssyncset.done $0x0;
	s9 =	spop (drf)  }
0xe5: {  	[sflag:s29] =	ssyncadd.s32 $0xFFFFC000;
	s9 =	sshll.u32 s9, $0x7  }
0xe6: {  	[tilespmem:s0], [sflag:$0x2] =	stream.indirect.gather [hbm4b:s5+s31], $0x80, s9, s31, $0xb8;
	[tilespmem:$0x1F800] =	vst v63  }
0xe7: {  	_ =	swait.ge [sflag:s1], $0x4000  }
0xe8: {  	[sflag:s1] =	ssyncset.done $0x0  }
0xe9: {  	[sflag:s1] =	ssyncadd.s32 $0xFFFFC000  }
0xea: {  	_ =	swait.ge [sflag:s30], $0x4000  }
0xeb: {  	[sflag:s30] =	ssyncset.done $0x0  }
0xec: {  	[sflag:s30] =	ssyncadd.s32 $0xFFFFC000  }
0xed: {  	s13 =	simm.s32 $0x200;
	s9 =	simm.s32 $0x0;
	[bflag:$0x0] =	sbarrier.arrive $0xFFFF  }
.LBB2_10:
0xee: {  	p0 =	sne.s32 s13, $0xFE00;
	[tilespmem:s9+$0x7870] =	vst v0  }
0xef: {  	[tilespmem:s9+$0x7800] =	vst v0  }
0xf0: {  	[tilespmem:s9+$0x7810] =	vst v0  }
.Ltmp6:
0xf1: {  	[tilespmem:s9+$0x7820] =	vst v0;
	(pc) =	sbr.rel @p0 .LBB2_10-.Ltmp6, $4  }
0xf2: {  	[tilespmem:s9+$0x7830] =	vst v0  }
0xf3: {  	[tilespmem:s9+$0x7840] =	vst v0  }
0xf4: {  	[tilespmem:s9+$0x7850] =	vst v0  }
0xf5: {  	[tilespmem:s9+$0x7860] =	vst v0;
	s9 =	sshra.s32 s13, $0x2;
	s13 =	sadd.s32 $0x200, s13  }
0xf6: {  	[tilespmem:s9+$0x7870] =	vst v0  }
0xf7: {  	[tilespmem:s9+$0x7800] =	vst v0  }
0xf8: {  	[tilespmem:s9+$0x7810] =	vst v0  }
0xf9: {  	[tilespmem:s9+$0x7820] =	vst v0  }
0xfa: {  	[tilespmem:s9+$0x7830] =	vst v0  }
0xfb: {  	[tilespmem:s9+$0x7840] =	vst v0  }
0xfc: {  	[tilespmem:s9+$0x7850] =	vst v0  }
0xfd: {  	[tilespmem:s9+$0x7860] =	vst v0  }
0xfe: {  	[tilespmem:s28], [sflag:$0x3] =	stream.linear.gather [spmem:s7], $0x4000, $0x38;
	[tilespmem:$0x1F800] =	vst v63  }
0xff: {  	_ =	swait.ge [sflag:s29], $0x4000  }
0x100: {  	[sflag:s29] =	ssyncset.done $0x0  }
0x101: {  	s13 =	sadd.s32 s26, s12;
	[sflag:s29] =	ssyncadd.s32 $0xFFFFC000  }
0x102: {  	[hbm4b:s13+s3] =	stream.linear.scatter [tilespmem:s28], [sflag:$0x3], $0x4000, $0x38;
	[tilespmem:$0x1F800] =	vst v63  }
0x103: {  	_ =	swait.ge [sflag:s29], $0x4000  }
0x104: {  	[sflag:s29] =	ssyncset.done $0x0  }
0x105: {  	[sflag:s29] =	ssyncadd.s32 $0xFFFFC000  }
0x106: {  	[spmem:s7] =	stream.linear.scatter [tilespmem:s0], [sflag:$0x3], $0x4000, $0x38;
	[tilespmem:$0x1F800] =	vst v63  }
0x107: {  	_ =	swait.ge [sflag:s29], $0x4000  }
0x108: {  	[sflag:s29] =	ssyncset.done $0x0  }
0x109: {  	[sflag:s29] =	ssyncadd.s32 $0xFFFFC000  }
0x10a: {  	[tilespmem:s28], [sflag:$0x3] =	stream.linear.gather [spmem:s18], $0x4000, $0x38;
	[tilespmem:$0x1F800] =	vst v63  }
0x10b: {  	_ =	swait.ge [sflag:s29], $0x4000  }
0x10c: {  	[sflag:s29] =	ssyncset.done $0x0  }
0x10d: {  	s14 =	sadd.s32 s19, s12;
	[sflag:s29] =	ssyncadd.s32 $0xFFFFC000  }
0x10e: {  	[hbm4b:s14+s3] =	stream.linear.scatter [tilespmem:s28], [sflag:$0x3], $0x4000, $0x38;
	[tilespmem:$0x1F800] =	vst v63  }
0x10f: {  	_ =	swait.ge [sflag:s29], $0x4000  }
0x110: {  	[sflag:s29] =	ssyncset.done $0x0  }
0x111: {  	[sflag:s29] =	ssyncadd.s32 $0xFFFFC000  }
0x112: {  	[spmem:s18] =	stream.linear.scatter [tilespmem:s0], [sflag:$0x3], $0x4000, $0x38;
	[tilespmem:$0x1F800] =	vst v63  }
0x113: {  	_ =	swait.ge [sflag:s29], $0x4000  }
0x114: {  	[sflag:s29] =	ssyncset.done $0x0  }
0x115: {  	[sflag:s29] =	ssyncadd.s32 $0xFFFFC000  }
0x116: {  	[tilespmem:s28], [sflag:$0x3] =	stream.linear.gather [spmem:s20], $0x4000, $0x38;
	[tilespmem:$0x1F800] =	vst v63  }
0x117: {  	_ =	swait.ge [sflag:s29], $0x4000  }
0x118: {  	[sflag:s29] =	ssyncset.done $0x0  }
0x119: {  	s15 =	sadd.s32 s21, s12;
	[sflag:s29] =	ssyncadd.s32 $0xFFFFC000  }
0x11a: {  	[hbm4b:s15+s3] =	stream.linear.scatter [tilespmem:s28], [sflag:$0x3], $0x4000, $0x38;
	[tilespmem:$0x1F800] =	vst v63  }
0x11b: {  	_ =	swait.ge [sflag:s29], $0x4000  }
0x11c: {  	[sflag:s29] =	ssyncset.done $0x0  }
0x11d: {  	[sflag:s29] =	ssyncadd.s32 $0xFFFFC000  }
0x11e: {  	[spmem:s20] =	stream.linear.scatter [tilespmem:s0], [sflag:$0x3], $0x4000, $0x38;
	[tilespmem:$0x1F800] =	vst v63  }
0x11f: {  	_ =	swait.ge [sflag:s29], $0x4000  }
0x120: {  	[sflag:s29] =	ssyncset.done $0x0  }
0x121: {  	[sflag:s29] =	ssyncadd.s32 $0xFFFFC000  }
0x122: {  	[tilespmem:s28], [sflag:$0x3] =	stream.linear.gather [spmem:s22], $0x4000, $0x38;
	[tilespmem:$0x1F800] =	vst v63  }
0x123: {  	_ =	swait.ge [sflag:s29], $0x4000  }
0x124: {  	[sflag:s29] =	ssyncset.done $0x0  }
0x125: {  	s13 =	sadd.s32 s23, s12;
	[sflag:s29] =	ssyncadd.s32 $0xFFFFC000  }
0x126: {  	[hbm4b:s13+s3] =	stream.linear.scatter [tilespmem:s28], [sflag:$0x3], $0x4000, $0x38;
	[tilespmem:$0x1F800] =	vst v63  }
0x127: {  	_ =	swait.ge [sflag:s29], $0x4000  }
0x128: {  	[sflag:s29] =	ssyncset.done $0x0  }
0x129: {  	[sflag:s29] =	ssyncadd.s32 $0xFFFFC000  }
0x12a: {  	[spmem:s22] =	stream.linear.scatter [tilespmem:s0], [sflag:$0x3], $0x4000, $0x38;
	[tilespmem:$0x1F800] =	vst v63  }
0x12b: {  	_ =	swait.ge [sflag:s29], $0x4000  }
0x12c: {  	[sflag:s29] =	ssyncset.done $0x0  }
0x12d: {  	[sflag:s29] =	ssyncadd.s32 $0xFFFFC000  }
0x12e: {  	[tilespmem:s28], [sflag:$0x3] =	stream.linear.gather [spmem:s24], $0x4000, $0x38;
	[tilespmem:$0x1F800] =	vst v63  }
0x12f: {  	_ =	swait.ge [sflag:s29], $0x4000  }
0x130: {  	[sflag:s29] =	ssyncset.done $0x0  }
0x131: {  	s14 =	sadd.s32 s25, s12;
	[sflag:s29] =	ssyncadd.s32 $0xFFFFC000  }
0x132: {  	[hbm4b:s14+s3] =	stream.linear.scatter [tilespmem:s28], [sflag:$0x3], $0x4000, $0x38;
	[tilespmem:$0x1F800] =	vst v63  }
0x133: {  	_ =	swait.ge [sflag:s29], $0x4000  }
0x134: {  	[sflag:s29] =	ssyncset.done $0x0  }
0x135: {  	[sflag:s29] =	ssyncadd.s32 $0xFFFFC000  }
0x136: {  	[spmem:s24] =	stream.linear.scatter [tilespmem:s0], [sflag:$0x3], $0x4000, $0x38;
	[tilespmem:$0x1F800] =	vst v63  }
0x137: {  	_ =	swait.ge [sflag:s29], $0x4000  }
0x138: {  	s8 =	sadd.s32 $0x1, s8;
	s15 =	rddreg [dreg:$0x5]  }
0x139: {  	p0 =	sne.s32 s8, s15  }
.Ltmp7:
0x13a: {  	_ = 	snop;
	(pc) =	sbr.rel @p0 .LBB2_1-.Ltmp7, $3  }
0x13b: {  	[sflag:s29] =	ssyncset.done $0x0  }
0x13c: {  	[sflag:s29] =	ssyncadd.s32 $0xFFFFC000  }
0x13d: {  	[bflag:$0x0] =	sbarrier.arrive $0xFFFF;
	_ =	sdelay $0x1  }
0x13e: {  	_ =	sfence.sel $0x180000  }
0x13f: {  	[bflag:$0x0] =	sbarrier.arrive $0xFFFF  }
0x140: {  	_ =	strace $0x9000004A  }
0x141: {  	s0 =	stileid.u32;
	[bflag:$0x2] =	sbarrier.arrive $0xFFFF  }
0x142: {  	p0 =	sne.s32 s0, $0x0;
	s0 =	rddreg [dreg:$0x2]  }
0x143: {  	s0 =	sadd.s32 @!p0 $0x100000, s0  }
0x144: {  	[sflag:s0] =	ssyncadd.tile.s32 @!p0 $0x1;
	_ =	shalt  }
.Lfunc_end2:
_tile_overlayer_lowered:
.L_overlay_start_2:
0x145: {  	(tag) =	ssettag $0x2  }
0x146: {  	s0 =	rddreg [dreg:$0x0];
	s2 =	stileid.u32  }
0x147: {  	s1 =	rddreg [dreg:$0x1];
	p0 =	sne.s32 s2, $0x0  }
0x148: {  	s3 =	rddreg [dreg:$0x2];
	[bflag:$0x3] =	sbarrier.arrive $0xFFFF;
	s2 =	simm.s32 @!p0 $0x1C03  }
0x149: {  	[timem:s3], [sflag:s2] =	dma.local @!p0 [hbm:s0], s1  }
0x14a: {  	s0 =	simm.s32 @!p0 $0x3  }
0x14b: {  	_ =	swait.ge @!p0 [sflag:s0], s1  }
0x14c: {  	s1 =	ssub.s32 @!p0 $0x0, s1;
	[sflag:s0] =	ssyncset.done @!p0 $0x0  }
0x14d: {  	[sflag:s0] =	ssyncadd.s32 @!p0 s1  }
0x14e: {  	[bflag:$0x3] =	sbarrier.arrive $0xFFFF  }
0x14f: {  	_ =	shalt  }

// kernel: kernel.14.cloned.1.call-start
scs
__scs_entry_jumppad:
0x0: {  	(pc) =	sbr.rel $0x88, $3  }
0x1: {  	(tag) =	ssettag $0x0;
	lr =	simm.s32 $0x1  }
0x2: {  	[smem:$0x3F9B] =	sst lr;
	_ =	strace $0xD0000000  }
0x3: {  	_ = 	snop  }
0x4: {  	_ = 	snop  }
0x5: {  	_ = 	snop  }
0x6: {  	_ = 	snop  }
0x7: {  	_ = 	snop  }
__scs_overlays_trampoline_lowered:
0x8: {  	[smem:$0x3FAA] =	sst s0  }
0x9: {  	[smem:$0x3FAB] =	sst s1  }
0xa: {  	[smem:$0x3FAC] =	sst s2  }
0xb: {  	[smem:$0x3FAD] =	sst s3  }
0xc: {  	[smem:$0x3FAE] =	sst s4  }
0xd: {  	[smem:$0x3FAF] =	sst s5  }
0xe: {  	[smem:$0x3FB0] =	sst s6  }
0xf: {  	[smem:$0x3FB1] =	sst s7  }
0x10: {  	[smem:$0x3FB2] =	sst s8  }
0x11: {  	[smem:$0x3FB3] =	sst s9;
	s0 =	simm.s32 @!p0 $0x0  }
0x12: {  	s1 =	sld [smem:$0x3F99];
	s0 =	simm.s32 @p0 $0x1  }
0x13: {  	[smem:$0x3FB4] =	sst s0;
	s0 =	simm.s32 @!p1 $0x0  }
0x14: {  	s2 =	sld [smem:$0x3F98];
	s0 =	simm.s32 @p1 $0x1  }
0x15: {  	[smem:$0x3FB5] =	sst s0;
	s0 =	simm.s32 @!p2 $0x0  }
0x16: {  	s3 =	sld [smem:$0x3FDB];
	s0 =	simm.s32 @p2 $0x1  }
0x17: {  	s4 =	simm.s32 $0x1BF5;
	[smem:$0x3FB7] =	sst s0  }
0x18: {  	s0 =	sld [smem:$0x3F9A];
	_ =	swait.ge [sflag:s4], $0x0  }
0x19: {  	s7 =	sld [smem:$0x3F9B]  }
0x1a: {  	s8 =	sadd.s32 $0xFFFFE003, lr  }
0x1b: {  	s9 =	sadd.s32 $0xFFFFFEF7, lr;
	s5 =	simm.s32 $0xFFFFFFFF;
	p2 =	slt.u32 s8, $0xFFFFF086  }
0x1c: {  	p1 =	slt.u32 s9, $0xF7A;
	s5 =	simm.s32 @!p2 $0x0  }
0x1d: {  	s5 =	simm.s32 @p1 $0x1;
	p0 =	seq.s32 s7, s2  }
0x1e: {  	s7 =	smul.u32 @!p0 $0xF7A, s2;
	p2 =	seq.s32 @!p0 s5, $0x0  }
0x1f: {  	s9 =	smul.u32 $0xF7A, s1;
	s8 =	simm.s32 @!p0 $0x1BF5;
	p2 =	por !p2, p0  }
0x20: {  	[sflag:s8] =	ssyncset.s32 @!p0 $0xFFFFF086;
	s6 =	sadd.s32 @!p0 s3, s7;
	s7 =	simm.s32 @!p0 $0x108  }
0x21: {  	s3 =	sadd.s32 s3, s9;
	s6 =	sadd.s32 @!p0 $0x88, s6;
	s7 =	simm.s32 @p2 $0x1082  }
0x22: {  	[simem:s7], [sflag:s8] =	dma.local @!p0 [hbm:s6], $0xF7A  }
0x23: {  	s9 =	sor.u32 $0xD0000000, s2;
	s6 =	simm.s32 $0x108;
	_ =	swait.ge @!p0 [sflag:s8], $0x0  }
0x24: {  	s3 =	sadd.s32 $0x88, s3;
	s6 =	simm.s32 @!p1 $0x1082;
	[sflag:s4] =	ssyncset.s32 $0xFFFFF086  }
0x25: {  	[simem:s6], [sflag:s4] =	dma.local [hbm:s3], $0xF7A  }
0x26: {  	[smem:$0x3F9B] =	sst s1;
	(tag) =	ssettag s2;
	_ =	strace s9  }
0x27: {  	s1 =	sld [smem:$0x3FAB]  }
0x28: {  	s2 =	sld [smem:$0x3FAC]  }
0x29: {  	s4 =	sld [smem:$0x3FAE]  }
0x2a: {  	p0 =	seq.s32 s5, $0x0;
	s5 =	sld [smem:$0x3FAF]  }
0x2b: {  	s6 =	sld [smem:$0x3FB0]  }
0x2c: {  	s7 =	sld [smem:$0x3FB1]  }
0x2d: {  	s3 =	simm.s32 $0x108;
	s8 =	sld [smem:$0x3FB2]  }
0x2e: {  	s3 =	simm.s32 @!p0 $0x1082;
	s9 =	sld [smem:$0x3FB3]  }
0x2f: {  	lr =	sadd.s32 s0, s3;
	s0 =	sld [smem:$0x3FAA]  }
0x30: {  	s3 =	sld [smem:$0x3FAD]  }
0x31: {  	[smem:$0x3FB6] =	sst s10  }
0x32: {  	s10 =	sld [smem:$0x3FB4];
	_ =	sdelay $0x3  }
0x33: {  	p0 =	seq.s32 s10, $0x1;
	s10 =	sld [smem:$0x3FB6];
	_ =	sdelay $0x3  }
0x34: {  	[smem:$0x3FB6] =	sst s10  }
0x35: {  	s10 =	sld [smem:$0x3FB5];
	_ =	sdelay $0x3  }
0x36: {  	p1 =	seq.s32 s10, $0x1;
	s10 =	sld [smem:$0x3FB6];
	_ =	sdelay $0x3  }
0x37: {  	[smem:$0x3FB6] =	sst s10  }
0x38: {  	s10 =	sld [smem:$0x3FB7]  }
0x39: {  	_ = 	snop;
	(pc) =	sbr.ind lr, $3  }
0x3a: {  	_ = 	snop  }
0x3b: {  	_ = 	snop  }
0x3c: {  	p2 =	seq.s32 s10, $0x1;
	s10 =	sld [smem:$0x3FB6]  }
0x3d: {  	_ =	shalt  }
0x3e: {  	_ =	shalt  }
0x3f: {  	_ =	shalt  }
0x40: {  	_ =	shalt  }
0x41: {  	_ =	shalt  }
0x42: {  	_ =	shalt  }
0x43: {  	_ =	shalt  }
0x44: {  	_ =	shalt  }
0x45: {  	_ =	shalt  }
0x46: {  	_ =	shalt  }
0x47: {  	_ =	shalt  }
0x48: {  	_ =	shalt  }
0x49: {  	_ =	shalt  }
0x4a: {  	_ =	shalt  }
0x4b: {  	_ =	shalt  }
0x4c: {  	_ =	shalt  }
0x4d: {  	_ =	shalt  }
0x4e: {  	_ =	shalt  }
0x4f: {  	_ =	shalt  }
0x50: {  	_ =	shalt  }
0x51: {  	_ =	shalt  }
0x52: {  	_ =	shalt  }
0x53: {  	_ =	shalt  }
0x54: {  	_ =	shalt  }
0x55: {  	_ =	shalt  }
0x56: {  	_ =	shalt  }
0x57: {  	_ =	shalt  }
0x58: {  	_ =	shalt  }
0x59: {  	_ =	shalt  }
0x5a: {  	_ =	shalt  }
0x5b: {  	_ =	shalt  }
0x5c: {  	_ =	shalt  }
0x5d: {  	_ =	shalt  }
0x5e: {  	_ =	shalt  }
0x5f: {  	_ =	shalt  }
0x60: {  	_ =	shalt  }
0x61: {  	_ =	shalt  }
0x62: {  	_ =	shalt  }
0x63: {  	_ =	shalt  }
0x64: {  	_ =	shalt  }
0x65: {  	_ =	shalt  }
0x66: {  	_ =	shalt  }
0x67: {  	_ =	shalt  }
0x68: {  	_ =	shalt  }
0x69: {  	_ =	shalt  }
0x6a: {  	_ =	shalt  }
0x6b: {  	_ =	shalt  }
0x6c: {  	_ =	shalt  }
0x6d: {  	_ =	shalt  }
0x6e: {  	_ =	shalt  }
0x6f: {  	_ =	shalt  }
0x70: {  	_ =	shalt  }
0x71: {  	_ =	shalt  }
0x72: {  	_ =	shalt  }
0x73: {  	_ =	shalt  }
0x74: {  	_ =	shalt  }
0x75: {  	_ =	shalt  }
0x76: {  	_ =	shalt  }
0x77: {  	_ =	shalt  }
0x78: {  	_ =	shalt  }
0x79: {  	_ =	shalt  }
0x7a: {  	_ =	shalt  }
0x7b: {  	_ =	shalt  }
0x7c: {  	_ =	shalt  }
0x7d: {  	_ =	shalt  }
0x7e: {  	_ =	shalt  }
0x7f: {  	_ =	shalt  }
0x80: {  	_ =	shalt  }
0x81: {  	_ =	shalt  }
0x82: {  	_ =	shalt  }
0x83: {  	_ =	shalt  }
0x84: {  	_ =	shalt  }
0x85: {  	_ =	shalt  }
0x86: {  	_ =	shalt  }
0x87: {  	_ =	shalt  }
.Lfunc_end0:
.L_simem_size_0:
called_computation.2_lowered:
.L_overlay_start_0:
0x88: {  	s2 =	sld [smem:$0x3FD9]  }
0x89: {  	s3 =	sld [smem:$0x3FFE];
	_ =	sdelay $0x1  }
0x8a: {  	s1 =	srdreg.scid  }
0x8b: {  	s0 =	sand.u32 $0x1, s1  }
0x8c: {  	s16 =	sshll.u32 s0, $0xA;
	s2 =	sadd.s32 s3, s2  }
0x8d: {  	s2 =	sadd.s32 s2, s16  }
0x8e: {  	[smem:$0x3FC2] =	sst s2  }
0x8f: {  	_ = 	snop  }
0x90: {  	(tm) =	ssettm $0x1  }
0x91: {  	s17 =	sld [smem:$0x3FFB];
	_ =	sdelay $0x3  }
0x92: {  	_ =	strace s17  }
0x93: {  	s2 =	sld [smem:$0x3FFC];
	_ =	sdelay $0x3  }
0x94: {  	_ =	strace s2  }
0x95: {  	s2 =	sld [smem:$0x3FFD];
	_ =	sdelay $0x3  }
0x96: {  	_ =	strace s2  }
0x97: {  	_ =	strace $0x8FFFFFFF  }
0x98: {  	s18 =	sld [smem:$0x3FDB];
	_ =	sdelay $0x1  }
0x99: {  	s19 =	simm.s32 $_scs_section_size  }
0x9a: {  	s4 =	simm.s32 $_size__tile_overlayer_lowered;
	s5 =	simm.s32 $_tile_overlayer_lowered  }
0x9b: {  	s22 =	simm.s32 $0x1BFF;
	s21 =	sshll.u32 s5, $0x1;
	s2 =	sadd.s32 s19, s18  }
0x9c: {  	s6 =	simm.s32 $0x0;
	s20 =	sshll.u32 s4, $0x1;
	s4 =	sadd.s32 s21, s2  }
0x9d: {  	[timem:s6], [sflag:s22] =	dma.local [hbm:s4], s20  }
0x9e: {  	_ =	swait.ge [sflag:s22], s20  }
0x9f: {  	s3 =	ssub.s32 $0x0, s20;
	[sflag:s22] =	ssyncset.done $0x0  }
0xa0: {  	[sflag:s22] =	ssyncadd.s32 s3;
	_ =	sdelay $0x1  }
0xa1: {  	s23 =	simm.s32 $0x1B8B  }
0xa2: {  	_ =	swait.ge [sflag:s23], $0x1  }
0xa3: {  	[sflag:s23] =	ssyncset.done $0x0  }
0xa4: {  	s25 =	simm.s32 $0x1B8E;
	s24 =	sld [smem:$0x3FFE];
	[sflag:s23] =	ssyncadd.s32 $0xFFFFFFFF  }
0xa5: {  	s26 =	simm.s32 $execute0_lowered;
	[smem:$0x3FD2] =	sst s25  }
0xa6: {  	s4 =	sshll.u32 s26, $0x1;
	_ =	strace $0x8000004C;
	[dreg:$0x1] =	wrdreg $0xFFFFFFFF  }
0xa7: {  	s28 =	simm.s32 $_size_execute0_lowered;
	s2 =	sadd.s32 s2, s4;
	[dreg:$0x0] =	wrdreg $0x0  }
0xa8: {  	s4 =	sshll.u32 s28, $0x1;
	[dreg:$0x2] =	wrdreg s2  }
0xa9: {  	[dreg:$0x3] =	wrdreg s4  }
0xaa: {  	[dreg:$0x4] =	wrdreg $0xC0  }
0xab: {  	_ =	task [dreg:s6], $0x5FFFF  }
0xac: {  	[dreg:$0x1] =	wrdreg $0xFFFFFFFF  }
0xad: {  	[dreg:$0x0] =	wrdreg $0x60  }
0xae: {  	[dreg:$0x2] =	wrdreg s24  }
0xaf: {  	[dreg:$0x3] =	wrdreg $0x88000  }
0xb0: {  	[dreg:$0x4] =	wrdreg $0x9  }
0xb1: {  	_ =	task.clear_ibuf [dreg:s6], $0x5FFFF;
	_ =	strace $0x9000004C  }
0xb2: {  	s29 =	simm.s32 $0x9;
	_ =	strace $0x8000004E  }
0xb3: {  	_ =	swait.ge [sflag:s29], $0x1  }
0xb4: {  	[sflag:s29] =	ssyncadd.s32 $0xFFFFFFFF  }
0xb5: {  	_ =	strace $0x9000004E  }
0xb6: {  	_ =	sfence  }
0xb7: {  	s30 =	sld [smem:$0x0];
	_ =	sdelay $0x2  }
0xb8: {  	s31 =	sshll.u32 s1, $0xD;
	s1 =	sshrl.u32 s1, $0x2  }
0xb9: {  	s3 =	sand.u32 $0x4000, s31;
	s1 =	sadd.s32 s1, s30  }
0xba: {  	s0 =	sor.u32 s3, s0;
	s1 =	sshll.u32 s1, $0x11  }
0xbb: {  	s0 =	sor.u32 s1, s0  }
0xbc: {  	s0 =	sadd.s32 $0x8F2B, s0  }
0xbd: {  	[sflag:s0] =	ssyncadd.remote.s32 $0x1  }
0xbe: {  	_ =	sfence.sel $0xFFFF  }
0xbf: {  	[dreg:$0x0] =	wrdreg $0xFFFFFFFF;
	(pc) =	sbr.abs _section_cstart, $3  }
0xc0: {  	[dreg:$0x1] =	wrdreg $0xFFFFFFFF  }
0xc1: {  	_ =	task.clear_ibuf [dreg:s6], $0x2FFFF;
	_ =	strace $0x9FFFFFFF  }
0xc2: {  	(tm) =	ssettm $0x7FFFFFFF  }
0xc3: {  	_ =	shalt  }
tec
execute0_lowered:
.L_overlay_start_1:
0x0: {  	(tag) =	ssettag $0x1  }
0x1: {  	s6 =	rddreg [dreg:$0x0]  }
0x2: {  	s0 =	srdreg.scid;
	s2 =	rddreg [dreg:$0x1]  }
0x3: {  	s3 =	simm.s32 $0x0;
	s12 =	simm.s32 $0x1C00;
	s13 =	simm.s32 $0x3800  }
0x4: {  	s14 =	simm.s32 $0x5F80;
	s15 =	simm.s32 $0x50;
	s16 =	simm.s32 $0x8780  }
0x5: {  	s5 =	sand.u32 $0x1, s0;
	s0 =	stileid.u32;
	[smem:$0x7FF] =	sst s3  }
0x6: {  	s1 =	sshll.u32 s5, $0x4;
	s8 =	smul.u32 $0x500, s5;
	s9 =	ssub.s32 $0x2, s5  }
0x7: {  	p0 =	seq.s32 s5, $0x0;
	s5 =	simm.s32 $0x1C0;
	s31 =	sshll.u32 s0, $0xA  }
0x8: {  	s18 =	sshll.u32 s0, $0x7;
	s4 =	sor.u32 s0, s1;
	s1 =	rddreg [dreg:$0x2]  }
0x9: {  	_ =	strace $0x8000004D;
	s30 =	sshrl.u32 s9, $0x1;
	s5 =	simm.s32 @!p0 $0xC0  }
0xa: {  	p0 =	sgt.u32 s0, $0x9;
	s7 =	smul.u32 $0x380, s4;
	s4 =	sadd.s32 $0x10600, s6  }
0xb: {  	s10 =	sadd.s32 s8, s6;
	s11 =	ssub.s32 s9, s30;
	s8 =	sadd.s32 s31, s2  }
0xc: {  	v0 =	vlaneseq.u32;
	s9 =	sadd.s32 $0x5F80, s31;
	s17 =	sadd.s32 $0x10C00, s10;
	s10 =	smax.u32 s11, $0x1  }
0xd: {  	v5 =	vimm.f32 $0.0e+00;
	v6 =	vimm.s32 $0x0;
	v1 =	vor.u32 $0x10, v0;
	s11 =	simm.s32 $0x1;
	s7 =	sadd.s32 s7, s6;
	s17 =	sadd.s32 @!p0 s18, s17  }
0xe: {  	v2 =	vor.u32 $0x20, v0;
	v3 =	vor.u32 $0x30, v0;
	v4 =	vor.u32 $0x40, v0;
	s18 =	simm.s32 $0x0;
	s6 =	sadd.s32 $0x9600, s7;
	s7 =	sadd.s32 $0x2600, s7  }
.LBB2_1:
0xf: {  	[tilespmem:s3], [sflag:$0x1] =	stream.linear.gather [hbm4b:s6+s3], $0x1C00, $0x38;
	[tilespmem:$0x8A80] =	vst v63  }
0x10: {  	_ =	swait.ge [sflag:s11], $0x1C00  }
0x11: {  	[sflag:s11] =	ssyncset.done $0x0  }
0x12: {  	[sflag:s11] =	ssyncadd.s32 $0xFFFFE400  }
0x13: {  	[tilespmem:s12], [sflag:$0x1] =	stream.linear.gather [hbm4b:s7+s3], $0x1C00, $0x38;
	[tilespmem:$0x8A80] =	vst v63  }
0x14: {  	_ =	swait.ge [sflag:s11], $0x1C00  }
0x15: {  	[sflag:s11] =	ssyncset.done $0x0  }
0x16: {  	[sflag:s11] =	ssyncadd.s32 $0xFFFFE400  }
0x17: {  	[tilespmem:s13], [sflag:$0x1] =	stream.linear.gather [hbm4b:s4+s3], $0x2780, $0x38;
	[tilespmem:$0x8A80] =	vst v63  }
0x18: {  	_ =	swait.ge [sflag:s11], $0x2780  }
0x19: {  	[sflag:s11] =	ssyncset.done $0x0  }
0x1a: {  	[sflag:s11] =	ssyncadd.s32 $0xFFFFD880  }
0x1b: {  	[tilespmem:$0x8780] =	vst v0  }
0x1c: {  	[tilespmem:$0x8790] =	vst v1  }
0x1d: {  	[tilespmem:$0x87A0] =	vst v2  }
0x1e: {  	[tilespmem:$0x87B0] =	vst v3  }
0x1f: {  	s19 =	simm.s32 $0x0;
	s20 =	simm.s32 $0x200;
	[tilespmem:$0x87C0] =	vst v4  }
.LBB2_2:
0x20: {  	p1 =	sne.s32 s20, $0x9E00;
	[tilespmem:s19+$0x5FF0] =	vst v5  }
0x21: {  	[tilespmem:s19+$0x5F80] =	vst v5  }
0x22: {  	[tilespmem:s19+$0x5F90] =	vst v5  }
.Ltmp0:
0x23: {  	[tilespmem:s19+$0x5FA0] =	vst v5;
	(pc) =	sbr.rel @p1 .LBB2_2-.Ltmp0, $4  }
0x24: {  	[tilespmem:s19+$0x5FB0] =	vst v5  }
0x25: {  	[tilespmem:s19+$0x5FC0] =	vst v5  }
0x26: {  	[tilespmem:s19+$0x5FD0] =	vst v5  }
0x27: {  	[tilespmem:s19+$0x5FE0] =	vst v5;
	s19 =	sshra.s32 s20, $0x2;
	s20 =	sadd.s32 $0x200, s20  }
0x28: {  	[tilespmem:s19+$0x5FF0] =	vst v5  }
0x29: {  	[tilespmem:s19+$0x5F80] =	vst v5  }
0x2a: {  	[tilespmem:s19+$0x5F90] =	vst v5  }
0x2b: {  	[tilespmem:s19+$0x5FA0] =	vst v5  }
0x2c: {  	[tilespmem:s19+$0x5FB0] =	vst v5  }
0x2d: {  	[tilespmem:s19+$0x5FC0] =	vst v5  }
0x2e: {  	[tilespmem:s19+$0x5FD0] =	vst v5  }
0x2f: {  	[tilespmem:s19+$0x5FE0] =	vst v5;
	s19 =	simm.s32 @!p0 $0x1;
	p2 =	sne.s32 s5, $0x1  }
0x30: {  	[spmem:s8] =	stream.linear.scatter @!p0 [tilespmem:s9], [sflag:$0x1], $0x400, $0x38;
	[tilespmem:$0x8A80] =	vst v63  }
.Ltmp1:
0x31: {  	_ =	swait.ge @!p0 [sflag:s19], $0x400;
	(pc) =	sbr.rel @!p2 .LBB2_4-.Ltmp1, $4  }
0x32: {  	[sflag:s19] =	ssyncset.done @!p0 $0x0  }
0x33: {  	[sflag:s19] =	ssyncadd.s32 @!p0 $0xFFFFFC00  }
0x34: {  	s21 =	simm.s32 $0x1C00;
	[bflag:$0x0] =	sbarrier.arrive $0xFFFF  }
0x35: {  	s20 =	simm.s32 $0x0;
	p1 =	por $0x0, $0x0;
	v7 =	vld [tilespmem:s21+$0x0];
	s21 =	sadd.s32 $0xFFFFFFFF, s5  }
0x36: {  	_ =	sdelay $0x3  }
0x37: {  	v8 =	vshra.s32 v7, $0x1F  }
0x38: {  	v8 =	vshrl.u32 v8, $0x19  }
0x39: {  	v9 =	vld [tilespmem:s20+$0x0];
	v8 =	vadd.s32 v8, v7  }
0x3a: {  	v8 =	vshra.s32 v8, $0x7  }
0x3b: {  	v10 =	vshll.u32 v8, $0x7  }
0x3c: {  	vm0 =	vlt.s32 v7, $0x1;
	vm1 =	vne.s32 v7, v10  }
0x3d: {  	vm0 =	vmand vm0, vm1  }
0x3e: {  	v63 =	vsel vm0, $0xFFFFFFFF, v6  }
0x3f: {  	v8 =	vadd.s32 v63, v8  }
0x40: {  	v7 =	vand.u32 $0x7F, v7;
	v8 =	vshll.u32 v8, $0x7  }
0x41: {  	v9 =	vld.idx.msk [tilespmem:v9+s13+$0x0], $0xffff;
	v7 =	vor.u32 v7, v8  }
0x42: {  	p2 =	sne.s32 s21, $0x1  }
.Ltmp2:
0x43: {  	_ = 	snop;
	(pc) =	sbr.rel @!p2 .LBB2_6-.Ltmp2, $3  }
0x44: {  	_ =	sdelay $0x1  }
0x45: {  	s22 =	simm.s32 $0x1C10;
	[tilespmem:v7+s14+$0x0] =	vst.idx.add.f32.msk $0xffff, v9  }
0x46: {  	s23 =	sadd.s32 $0xFFFFFFFF, s21;
	p1 =	por $0x1, $0x1;
	s21 =	simm.s32 $0x0;
	v7 =	vld [tilespmem:s22+$0x0]  }
.LBB2_7:
0x47: {  	p2 =	sne.s32 s23, $0x1;
	_ =	sdelay $0x3  }
0x48: {  	s21 =	sadd.s32 $0x10, s21;
	v8 =	vshra.s32 v7, $0x1F  }
0x49: {  	v9 =	vld [tilespmem:s21+$0x0];
	v8 =	vshrl.u32 v8, $0x19  }
0x4a: {  	v8 =	vadd.s32 v8, v7  }
0x4b: {  	v8 =	vshra.s32 v8, $0x7  }
0x4c: {  	v10 =	vshll.u32 v8, $0x7  }
0x4d: {  	vm0 =	vlt.s32 v7, $0x1;
	vm1 =	vne.s32 v7, v10  }
0x4e: {  	vm0 =	vmand vm0, vm1  }
0x4f: {  	v10 =	vsel vm0, $0xFFFFFFFF, v6  }
0x50: {  	v8 =	vadd.s32 v10, v8  }
0x51: {  	v7 =	vand.u32 $0x7F, v7;
	v9 =	vld.idx.msk [tilespmem:v9+s13+$0x0], $0xffff;
	v8 =	vshll.u32 v8, $0x7  }
0x52: {  	v7 =	vor.u32 v7, v8;
	_ =	sdelay $0x1  }
.Ltmp3:
0x53: {  	(pc) =	sbr.rel @p2 .LBB2_7-.Ltmp3, $3  }
0x54: {  	_ =	sdelay $0x1  }
0x55: {  	s22 =	sadd.s32 $0x10, s22;
	[tilespmem:v7+s14+$0x0] =	vst.idx.add.f32.msk $0xffff, v9  }
0x56: {  	s23 =	sadd.s32 $0xFFFFFFFF, s23;
	v7 =	vld [tilespmem:s22+$0x0]  }
.LBB2_8:
0x57: {  	_ =	sdelay $0x3  }
0x58: {  	s21 =	sadd.s32 @p1 $0x10, s21;
	v8 =	vshra.s32 v7, $0x1F  }
0x59: {  	s20 =	smov.u32 @p1 s21;
	v8 =	vshrl.u32 v8, $0x19  }
0x5a: {  	v9 =	vld [tilespmem:s20+$0x0];
	v8 =	vadd.s32 v8, v7  }
0x5b: {  	v8 =	vshra.s32 v8, $0x7  }
0x5c: {  	v10 =	vshll.u32 v8, $0x7  }
0x5d: {  	vm0 =	vlt.s32 v7, $0x1;
	vm1 =	vne.s32 v7, v10  }
0x5e: {  	vm0 =	vmand vm0, vm1  }
0x5f: {  	v63 =	vsel vm0, $0xFFFFFFFF, v6  }
0x60: {  	v8 =	vadd.s32 v63, v8  }
0x61: {  	v7 =	vand.u32 $0x7F, v7;
	v8 =	vshll.u32 v8, $0x7  }
0x62: {  	v9 =	vld.idx.msk [tilespmem:v9+s13+$0x0], $0xffff;
	v7 =	vor.u32 v7, v8;
	_ =	sdelay $0x4  }
0x63: {  	[tilespmem:v7+s14+$0x0] =	vst.idx.add.f32.msk $0xffff, v9  }
0x64: {  	[spmem:s2] =	stream.indirect.scatter.add.f32 [tilespmem:s14], [sflag:$0x1], $0x80, s16, s15, $0xb8;
	[tilespmem:$0x8A80] =	vst v63  }
0x65: {  	_ =	swait.ge [sflag:s11], $0x2800  }
0x66: {  	[sflag:s11] =	ssyncset.done $0x0  }
0x67: {  	[sflag:s11] =	ssyncadd.s32 $0xFFFFD800  }
0x68: {  	s20 =	simm.s32 @!p0 $0x5F80;
	[bflag:$0x0] =	sbarrier.arrive $0xFFFF  }
0x69: {  	[tilespmem:s20], [sflag:$0x1] =	stream.linear.gather @!p0 [spmem:s8], $0x400, $0x38;
	[tilespmem:$0x8A80] =	vst v63  }
0x6a: {  	_ =	swait.ge @!p0 [sflag:s19], $0x400  }
0x6b: {  	s18 =	sadd.s32 $0x1, s18;
	[sflag:s19] =	ssyncset.done @!p0 $0x0  }
0x6c: {  	s21 =	simm.s32 @!p0 $0x0;
	p1 =	sne.s32 s18, s10;
	[sflag:s19] =	ssyncadd.s32 @!p0 $0xFFFFFC00  }
0x6d: {  	[hbm4b:s17+s21] =	stream.linear.scatter @!p0 [tilespmem:s20], [sflag:$0x1], $0x400, $0x38;
	[tilespmem:$0x8A80] =	vst v63  }
.Ltmp4:
0x6e: {  	_ = 	snop;
	(pc) =	sbr.rel @p1 .LBB2_1-.Ltmp4, $4  }
.Ltmp5:
0x6f: {  	_ = 	snop;
	(pc) =	sbr.rel @!p1 .LBB2_9-.Ltmp5, $4  }
0x70: {  	_ =	swait.ge @!p0 [sflag:s19], $0x400  }
0x71: {  	[sflag:s19] =	ssyncset.done @!p0 $0x0  }
0x72: {  	[sflag:s19] =	ssyncadd.s32 @!p0 $0xFFFFFC00  }
0x73: {  	_ = 	snop  }
.LBB2_4:
.Ltmp6:
0x74: {  	(pc) =	sbr.rel .LBB2_8-.Ltmp6, $2  }
0x75: {  	_ =	sdelay $0x2  }
0x76: {  	s21 =	simm.s32 $0x0  }
.LBB2_6:
.Ltmp7:
0x77: {  	(pc) =	sbr.rel .LBB2_8-.Ltmp7, $2  }
0x78: {  	_ =	sdelay $0x2  }
0x79: {  	s21 =	simm.s32 $0x0  }
.LBB2_9:
0x7a: {  	_ =	sfence.sel $0x180000  }
0x7b: {  	[bflag:$0x0] =	sbarrier.arrive $0xFFFF  }
0x7c: {  	p0 =	sne.s32 s0, $0x0;
	_ =	strace $0x9000004D  }
0x7d: {  	s0 =	sadd.s32 @!p0 $0x100000, s1;
	[bflag:$0x2] =	sbarrier.arrive $0xFFFF  }
0x7e: {  	[sflag:s0] =	ssyncadd.tile.s32 @!p0 $0x1;
	_ =	shalt  }
.Lfunc_end2:
_tile_overlayer_lowered:
.L_overlay_start_2:
0x7f: {  	(tag) =	ssettag $0x2  }
0x80: {  	s0 =	rddreg [dreg:$0x0];
	s2 =	stileid.u32  }
0x81: {  	s1 =	rddreg [dreg:$0x1];
	p0 =	sne.s32 s2, $0x0  }
0x82: {  	s3 =	rddreg [dreg:$0x2];
	[bflag:$0x3] =	sbarrier.arrive $0xFFFF;
	s2 =	simm.s32 @!p0 $0x1C01  }
0x83: {  	[timem:s3], [sflag:s2] =	dma.local @!p0 [hbm:s0], s1  }
0x84: {  	s0 =	simm.s32 @!p0 $0x1  }
0x85: {  	_ =	swait.ge @!p0 [sflag:s0], s1  }
0x86: {  	s1 =	ssub.s32 @!p0 $0x0, s1;
	[sflag:s0] =	ssyncset.done @!p0 $0x0  }
0x87: {  	[sflag:s0] =	ssyncadd.s32 @!p0 s1  }
0x88: {  	[bflag:$0x3] =	sbarrier.arrive $0xFFFF  }
0x89: {  	_ =	shalt  }

// kernel: kernel.8.cloned.1.call-start
scs
__scs_entry_jumppad:
0x0: {  	(pc) =	sbr.rel $0x88, $3  }
0x1: {  	(tag) =	ssettag $0x0;
	lr =	simm.s32 $0x1  }
0x2: {  	[smem:$0x3F9B] =	sst lr;
	_ =	strace $0xD0000000  }
0x3: {  	_ = 	snop  }
0x4: {  	_ = 	snop  }
0x5: {  	_ = 	snop  }
0x6: {  	_ = 	snop  }
0x7: {  	_ = 	snop  }
__scs_overlays_trampoline_lowered:
0x8: {  	[smem:$0x3FAA] =	sst s0  }
0x9: {  	[smem:$0x3FAB] =	sst s1  }
0xa: {  	[smem:$0x3FAC] =	sst s2  }
0xb: {  	[smem:$0x3FAD] =	sst s3  }
0xc: {  	[smem:$0x3FAE] =	sst s4  }
0xd: {  	[smem:$0x3FAF] =	sst s5  }
0xe: {  	[smem:$0x3FB0] =	sst s6  }
0xf: {  	[smem:$0x3FB1] =	sst s7  }
0x10: {  	[smem:$0x3FB2] =	sst s8  }
0x11: {  	[smem:$0x3FB3] =	sst s9;
	s0 =	simm.s32 @!p0 $0x0  }
0x12: {  	s1 =	sld [smem:$0x3F99];
	s0 =	simm.s32 @p0 $0x1  }
0x13: {  	[smem:$0x3FB4] =	sst s0;
	s0 =	simm.s32 @!p1 $0x0  }
0x14: {  	s2 =	sld [smem:$0x3F98];
	s0 =	simm.s32 @p1 $0x1  }
0x15: {  	[smem:$0x3FB5] =	sst s0;
	s0 =	simm.s32 @!p2 $0x0  }
0x16: {  	s3 =	sld [smem:$0x3FDB];
	s0 =	simm.s32 @p2 $0x1  }
0x17: {  	s4 =	simm.s32 $0x1BF5;
	[smem:$0x3FB7] =	sst s0  }
0x18: {  	s0 =	sld [smem:$0x3F9A];
	_ =	swait.ge [sflag:s4], $0x0  }
0x19: {  	s7 =	sld [smem:$0x3F9B]  }
0x1a: {  	s8 =	sadd.s32 $0xFFFFE003, lr  }
0x1b: {  	s9 =	sadd.s32 $0xFFFFFEF7, lr;
	s5 =	simm.s32 $0xFFFFFFFF;
	p2 =	slt.u32 s8, $0xFFFFF086  }
0x1c: {  	p1 =	slt.u32 s9, $0xF7A;
	s5 =	simm.s32 @!p2 $0x0  }
0x1d: {  	s5 =	simm.s32 @p1 $0x1;
	p0 =	seq.s32 s7, s2  }
0x1e: {  	s7 =	smul.u32 @!p0 $0xF7A, s2;
	p2 =	seq.s32 @!p0 s5, $0x0  }
0x1f: {  	s9 =	smul.u32 $0xF7A, s1;
	s8 =	simm.s32 @!p0 $0x1BF5;
	p2 =	por !p2, p0  }
0x20: {  	[sflag:s8] =	ssyncset.s32 @!p0 $0xFFFFF086;
	s6 =	sadd.s32 @!p0 s3, s7;
	s7 =	simm.s32 @!p0 $0x108  }
0x21: {  	s3 =	sadd.s32 s3, s9;
	s6 =	sadd.s32 @!p0 $0x88, s6;
	s7 =	simm.s32 @p2 $0x1082  }
0x22: {  	[simem:s7], [sflag:s8] =	dma.local @!p0 [hbm:s6], $0xF7A  }
0x23: {  	s9 =	sor.u32 $0xD0000000, s2;
	s6 =	simm.s32 $0x108;
	_ =	swait.ge @!p0 [sflag:s8], $0x0  }
0x24: {  	s3 =	sadd.s32 $0x88, s3;
	s6 =	simm.s32 @!p1 $0x1082;
	[sflag:s4] =	ssyncset.s32 $0xFFFFF086  }
0x25: {  	[simem:s6], [sflag:s4] =	dma.local [hbm:s3], $0xF7A  }
0x26: {  	[smem:$0x3F9B] =	sst s1;
	(tag) =	ssettag s2;
	_ =	strace s9  }
0x27: {  	s1 =	sld [smem:$0x3FAB]  }
0x28: {  	s2 =	sld [smem:$0x3FAC]  }
0x29: {  	s4 =	sld [smem:$0x3FAE]  }
0x2a: {  	p0 =	seq.s32 s5, $0x0;
	s5 =	sld [smem:$0x3FAF]  }
0x2b: {  	s6 =	sld [smem:$0x3FB0]  }
0x2c: {  	s7 =	sld [smem:$0x3FB1]  }
0x2d: {  	s3 =	simm.s32 $0x108;
	s8 =	sld [smem:$0x3FB2]  }
0x2e: {  	s3 =	simm.s32 @!p0 $0x1082;
	s9 =	sld [smem:$0x3FB3]  }
0x2f: {  	lr =	sadd.s32 s0, s3;
	s0 =	sld [smem:$0x3FAA]  }
0x30: {  	s3 =	sld [smem:$0x3FAD]  }
0x31: {  	[smem:$0x3FB6] =	sst s10  }
0x32: {  	s10 =	sld [smem:$0x3FB4];
	_ =	sdelay $0x3  }
0x33: {  	p0 =	seq.s32 s10, $0x1;
	s10 =	sld [smem:$0x3FB6];
	_ =	sdelay $0x3  }
0x34: {  	[smem:$0x3FB6] =	sst s10  }
0x35: {  	s10 =	sld [smem:$0x3FB5];
	_ =	sdelay $0x3  }
0x36: {  	p1 =	seq.s32 s10, $0x1;
	s10 =	sld [smem:$0x3FB6];
	_ =	sdelay $0x3  }
0x37: {  	[smem:$0x3FB6] =	sst s10  }
0x38: {  	s10 =	sld [smem:$0x3FB7]  }
0x39: {  	_ = 	snop;
	(pc) =	sbr.ind lr, $3  }
0x3a: {  	_ = 	snop  }
0x3b: {  	_ = 	snop  }
0x3c: {  	p2 =	seq.s32 s10, $0x1;
	s10 =	sld [smem:$0x3FB6]  }
0x3d: {  	_ =	shalt  }
0x3e: {  	_ =	shalt  }
0x3f: {  	_ =	shalt  }
0x40: {  	_ =	shalt  }
0x41: {  	_ =	shalt  }
0x42: {  	_ =	shalt  }
0x43: {  	_ =	shalt  }
0x44: {  	_ =	shalt  }
0x45: {  	_ =	shalt  }
0x46: {  	_ =	shalt  }
0x47: {  	_ =	shalt  }
0x48: {  	_ =	shalt  }
0x49: {  	_ =	shalt  }
0x4a: {  	_ =	shalt  }
0x4b: {  	_ =	shalt  }
0x4c: {  	_ =	shalt  }
0x4d: {  	_ =	shalt  }
0x4e: {  	_ =	shalt  }
0x4f: {  	_ =	shalt  }
0x50: {  	_ =	shalt  }
0x51: {  	_ =	shalt  }
0x52: {  	_ =	shalt  }
0x53: {  	_ =	shalt  }
0x54: {  	_ =	shalt  }
0x55: {  	_ =	shalt  }
0x56: {  	_ =	shalt  }
0x57: {  	_ =	shalt  }
0x58: {  	_ =	shalt  }
0x59: {  	_ =	shalt  }
0x5a: {  	_ =	shalt  }
0x5b: {  	_ =	shalt  }
0x5c: {  	_ =	shalt  }
0x5d: {  	_ =	shalt  }
0x5e: {  	_ =	shalt  }
0x5f: {  	_ =	shalt  }
0x60: {  	_ =	shalt  }
0x61: {  	_ =	shalt  }
0x62: {  	_ =	shalt  }
0x63: {  	_ =	shalt  }
0x64: {  	_ =	shalt  }
0x65: {  	_ =	shalt  }
0x66: {  	_ =	shalt  }
0x67: {  	_ =	shalt  }
0x68: {  	_ =	shalt  }
0x69: {  	_ =	shalt  }
0x6a: {  	_ =	shalt  }
0x6b: {  	_ =	shalt  }
0x6c: {  	_ =	shalt  }
0x6d: {  	_ =	shalt  }
0x6e: {  	_ =	shalt  }
0x6f: {  	_ =	shalt  }
0x70: {  	_ =	shalt  }
0x71: {  	_ =	shalt  }
0x72: {  	_ =	shalt  }
0x73: {  	_ =	shalt  }
0x74: {  	_ =	shalt  }
0x75: {  	_ =	shalt  }
0x76: {  	_ =	shalt  }
0x77: {  	_ =	shalt  }
0x78: {  	_ =	shalt  }
0x79: {  	_ =	shalt  }
0x7a: {  	_ =	shalt  }
0x7b: {  	_ =	shalt  }
0x7c: {  	_ =	shalt  }
0x7d: {  	_ =	shalt  }
0x7e: {  	_ =	shalt  }
0x7f: {  	_ =	shalt  }
0x80: {  	_ =	shalt  }
0x81: {  	_ =	shalt  }
0x82: {  	_ =	shalt  }
0x83: {  	_ =	shalt  }
0x84: {  	_ =	shalt  }
0x85: {  	_ =	shalt  }
0x86: {  	_ =	shalt  }
0x87: {  	_ =	shalt  }
.Lfunc_end0:
.L_simem_size_0:
called_computation_lowered:
.L_overlay_start_0:
0x88: {  	s2 =	sld [smem:$0x3FD9]  }
0x89: {  	s3 =	sld [smem:$0x3FFE];
	_ =	sdelay $0x1  }
0x8a: {  	s1 =	srdreg.scid  }
0x8b: {  	s0 =	sand.u32 $0x1, s1  }
0x8c: {  	s16 =	sshll.u32 s0, $0xA;
	s2 =	sadd.s32 s3, s2  }
0x8d: {  	s2 =	sadd.s32 s2, s16  }
0x8e: {  	[smem:$0x3FC2] =	sst s2  }
0x8f: {  	_ = 	snop  }
0x90: {  	(tm) =	ssettm $0x1  }
0x91: {  	s17 =	sld [smem:$0x3FFB];
	_ =	sdelay $0x3  }
0x92: {  	_ =	strace s17  }
0x93: {  	s2 =	sld [smem:$0x3FFC];
	_ =	sdelay $0x3  }
0x94: {  	_ =	strace s2  }
0x95: {  	s2 =	sld [smem:$0x3FFD];
	_ =	sdelay $0x3  }
0x96: {  	_ =	strace s2  }
0x97: {  	_ =	strace $0x8FFFFFFF  }
0x98: {  	s18 =	sld [smem:$0x3FDB];
	_ =	sdelay $0x1  }
0x99: {  	s19 =	simm.s32 $_scs_section_size  }
0x9a: {  	s4 =	simm.s32 $_size__tile_overlayer_lowered;
	s5 =	simm.s32 $_tile_overlayer_lowered  }
0x9b: {  	s22 =	simm.s32 $0x1BFF;
	s21 =	sshll.u32 s5, $0x1;
	s2 =	sadd.s32 s19, s18  }
0x9c: {  	s6 =	simm.s32 $0x0;
	s20 =	sshll.u32 s4, $0x1;
	s4 =	sadd.s32 s21, s2  }
0x9d: {  	[timem:s6], [sflag:s22] =	dma.local [hbm:s4], s20  }
0x9e: {  	_ =	swait.ge [sflag:s22], s20  }
0x9f: {  	s3 =	ssub.s32 $0x0, s20;
	[sflag:s22] =	ssyncset.done $0x0  }
0xa0: {  	[sflag:s22] =	ssyncadd.s32 s3;
	_ =	sdelay $0x1  }
0xa1: {  	s23 =	simm.s32 $0x1B8B  }
0xa2: {  	_ =	swait.ge [sflag:s23], $0x1  }
0xa3: {  	[sflag:s23] =	ssyncset.done $0x0  }
0xa4: {  	s25 =	simm.s32 $0x1B8E;
	s24 =	sld [smem:$0x3FFE];
	[sflag:s23] =	ssyncadd.s32 $0xFFFFFFFF  }
0xa5: {  	s26 =	simm.s32 $execute0_lowered;
	[smem:$0x3FD2] =	sst s25  }
0xa6: {  	s4 =	sshll.u32 s26, $0x1;
	_ =	strace $0x80000046;
	[dreg:$0x1] =	wrdreg $0xFFFFFFFF  }
0xa7: {  	s28 =	simm.s32 $_size_execute0_lowered;
	s2 =	sadd.s32 s2, s4;
	[dreg:$0x0] =	wrdreg $0x0  }
0xa8: {  	s4 =	sshll.u32 s28, $0x1;
	[dreg:$0x2] =	wrdreg s2  }
0xa9: {  	[dreg:$0x3] =	wrdreg s4  }
0xaa: {  	[dreg:$0x4] =	wrdreg $0xC0  }
0xab: {  	_ =	task [dreg:s6], $0x5FFFF  }
0xac: {  	[dreg:$0x1] =	wrdreg $0xFFFFFFFF  }
0xad: {  	[dreg:$0x0] =	wrdreg $0x60  }
0xae: {  	[dreg:$0x2] =	wrdreg s24  }
0xaf: {  	[dreg:$0x3] =	wrdreg $0x60800  }
0xb0: {  	[dreg:$0x4] =	wrdreg $0x9  }
0xb1: {  	_ =	task.clear_ibuf [dreg:s6], $0x5FFFF;
	_ =	strace $0x90000046  }
0xb2: {  	s29 =	simm.s32 $0x9;
	_ =	strace $0x80000048  }
0xb3: {  	_ =	swait.ge [sflag:s29], $0x1  }
0xb4: {  	[sflag:s29] =	ssyncadd.s32 $0xFFFFFFFF  }
0xb5: {  	_ =	strace $0x90000048  }
0xb6: {  	_ =	sfence  }
0xb7: {  	s30 =	sld [smem:$0x0];
	_ =	sdelay $0x2  }
0xb8: {  	s31 =	sshll.u32 s1, $0xD;
	s1 =	sshrl.u32 s1, $0x2  }
0xb9: {  	s3 =	sand.u32 $0x4000, s31;
	s1 =	sadd.s32 s1, s30  }
0xba: {  	s0 =	sor.u32 s3, s0;
	s1 =	sshll.u32 s1, $0x11  }
0xbb: {  	s0 =	sor.u32 s1, s0  }
0xbc: {  	s0 =	sadd.s32 $0x8F2B, s0  }
0xbd: {  	[sflag:s0] =	ssyncadd.remote.s32 $0x1  }
0xbe: {  	_ =	sfence.sel $0xFFFF  }
0xbf: {  	[dreg:$0x0] =	wrdreg $0xFFFFFFFF;
	(pc) =	sbr.abs _section_cstart, $3  }
0xc0: {  	[dreg:$0x1] =	wrdreg $0xFFFFFFFF  }
0xc1: {  	_ =	task.clear_ibuf [dreg:s6], $0x2FFFF;
	_ =	strace $0x9FFFFFFF  }
0xc2: {  	(tm) =	ssettm $0x7FFFFFFF  }
0xc3: {  	_ =	shalt  }
tec
execute0_lowered:
.L_overlay_start_1:
0x0: {  	(tag) =	ssettag $0x1  }
0x1: {  	s5 =	rddreg [dreg:$0x0]  }
0x2: {  	s0 =	srdreg.scid;
	s2 =	rddreg [dreg:$0x1];
	s3 =	simm.s32 $0x0  }
0x3: {  	s11 =	simm.s32 $0x1C00;
	s12 =	simm.s32 $0x3800;
	s13 =	simm.s32 $0x50  }
0x4: {  	s14 =	simm.s32 $0x6000;
	s4 =	sand.u32 $0x1, s0;
	s0 =	stileid.u32  }
0x5: {  	[smem:$0x7FF] =	sst s3;
	s1 =	sshll.u32 s4, $0x4;
	s7 =	smul.u32 $0x500, s4  }
0x6: {  	s30 =	ssub.s32 $0x2, s4;
	p0 =	seq.s32 s4, $0x0;
	s4 =	simm.s32 $0x7000  }
0x7: {  	s8 =	sshll.u32 s0, $0xA;
	s16 =	sshll.u32 s0, $0x7;
	s6 =	sor.u32 s0, s1  }
0x8: {  	s1 =	rddreg [dreg:$0x2];
	_ =	strace $0x80000047;
	s31 =	sshrl.u32 s30, $0x1  }
0x9: {  	s4 =	simm.s32 @!p0 $0x3000;
	p0 =	sgt.u32 s0, $0x9;
	s6 =	smul.u32 $0x380, s6  }
0xa: {  	s9 =	sadd.s32 s7, s5;
	s10 =	ssub.s32 s30, s31;
	s7 =	sadd.s32 s8, s2  }
0xb: {  	v0 =	vlaneseq.u32;
	v5 =	vimm.f32 $0.0e+00;
	s8 =	sadd.s32 $0x3800, s8;
	s15 =	sadd.s32 $0x10C00, s9;
	s9 =	smax.u32 s10, $0x1  }
0xc: {  	v6 =	vimm.s32 $0x0;
	v7 =	vimm.f32 $1.000000000e+00;
	v1 =	vor.u32 $0x10, v0;
	s10 =	simm.s32 $0x1;
	s6 =	sadd.s32 s6, s5;
	s15 =	sadd.s32 @!p0 s16, s15  }
0xd: {  	v2 =	vor.u32 $0x20, v0;
	v3 =	vor.u32 $0x30, v0;
	v4 =	vor.u32 $0x40, v0;
	s16 =	simm.s32 $0x0;
	s5 =	sadd.s32 $0x9600, s6;
	s6 =	sadd.s32 $0x2600, s6  }
.LBB2_1:
0xe: {  	[tilespmem:s3], [sflag:$0x1] =	stream.linear.gather [hbm4b:s5+s3], $0x1C00, $0x38;
	[tilespmem:$0x6300] =	vst v63  }
0xf: {  	_ =	swait.ge [sflag:s10], $0x1C00  }
0x10: {  	[sflag:s10] =	ssyncset.done $0x0  }
0x11: {  	[sflag:s10] =	ssyncadd.s32 $0xFFFFE400  }
0x12: {  	[tilespmem:s11], [sflag:$0x1] =	stream.linear.gather [hbm4b:s6+s3], $0x1C00, $0x38;
	[tilespmem:$0x6300] =	vst v63  }
0x13: {  	_ =	swait.ge [sflag:s10], $0x1C00  }
0x14: {  	[sflag:s10] =	ssyncset.done $0x0  }
0x15: {  	[sflag:s10] =	ssyncadd.s32 $0xFFFFE400  }
0x16: {  	[tilespmem:$0x6000] =	vst v0  }
0x17: {  	[tilespmem:$0x6010] =	vst v1  }
0x18: {  	[tilespmem:$0x6020] =	vst v2  }
0x19: {  	[tilespmem:$0x6030] =	vst v3  }
0x1a: {  	s17 =	simm.s32 $0x0;
	s18 =	simm.s32 $0x200;
	[tilespmem:$0x6040] =	vst v4  }
.LBB2_2:
0x1b: {  	p1 =	sne.s32 s18, $0x9E00;
	[tilespmem:s17+$0x3870] =	vst v5  }
0x1c: {  	[tilespmem:s17+$0x3800] =	vst v5  }
0x1d: {  	[tilespmem:s17+$0x3810] =	vst v5  }
.Ltmp0:
0x1e: {  	[tilespmem:s17+$0x3820] =	vst v5;
	(pc) =	sbr.rel @p1 .LBB2_2-.Ltmp0, $4  }
0x1f: {  	[tilespmem:s17+$0x3830] =	vst v5  }
0x20: {  	[tilespmem:s17+$0x3840] =	vst v5  }
0x21: {  	[tilespmem:s17+$0x3850] =	vst v5  }
0x22: {  	[tilespmem:s17+$0x3860] =	vst v5;
	s17 =	sshra.s32 s18, $0x2;
	s18 =	sadd.s32 $0x200, s18  }
0x23: {  	[tilespmem:s17+$0x3870] =	vst v5  }
0x24: {  	[tilespmem:s17+$0x3800] =	vst v5  }
0x25: {  	[tilespmem:s17+$0x3810] =	vst v5  }
0x26: {  	[tilespmem:s17+$0x3820] =	vst v5  }
0x27: {  	[tilespmem:s17+$0x3830] =	vst v5  }
0x28: {  	[tilespmem:s17+$0x3840] =	vst v5  }
0x29: {  	[tilespmem:s17+$0x3850] =	vst v5  }
0x2a: {  	[tilespmem:s17+$0x3860] =	vst v5;
	s17 =	simm.s32 @!p0 $0x1  }
0x2b: {  	[spmem:s7] =	stream.linear.scatter @!p0 [tilespmem:s8], [sflag:$0x1], $0x400, $0x38;
	[tilespmem:$0x6300] =	vst v63  }
0x2c: {  	s18 =	simm.s32 $0x0;
	_ =	swait.ge @!p0 [sflag:s17], $0x400  }
0x2d: {  	s19 =	sand.u32 $0xFFFFFE00, s18;
	[sflag:s17] =	ssyncset.done @!p0 $0x0  }
0x2e: {  	s20 =	sand.u32 $0x70, s18;
	s19 =	sshra.s32 s19, $0x2;
	[sflag:s17] =	ssyncadd.s32 @!p0 $0xFFFFFC00  }
0x2f: {  	s19 =	sor.u32 s20, s19;
	[bflag:$0x0] =	sbarrier.arrive $0xFFFF  }
0x30: {  	v8 =	vld [tilespmem:s19+$0x1C00];
	_ =	sdelay $0x4  }
0x31: {  	v9 =	vshra.s32 v8, $0x1F  }
0x32: {  	v9 =	vshrl.u32 v9, $0x19  }
0x33: {  	v9 =	vadd.s32 v9, v8  }
0x34: {  	v9 =	vshra.s32 v9, $0x7  }
0x35: {  	v10 =	vshll.u32 v9, $0x7  }
0x36: {  	p1 =	sne.s32 s4, $0x40;
	vm0 =	vlt.s32 v8, $0x1;
	vm1 =	vne.s32 v8, v10  }
.Ltmp1:
0x37: {  	vm0 =	vmand vm0, vm1;
	(pc) =	sbr.rel @!p1 .LBB2_5-.Ltmp1, $4  }
0x38: {  	v10 =	vsel vm0, $0xFFFFFFFF, v6  }
0x39: {  	v9 =	vadd.s32 v10, v9  }
0x3a: {  	v8 =	vand.u32 $0x7F, v8;
	v9 =	vshll.u32 v9, $0x7  }
0x3b: {  	s19 =	simm.s32 $0x40;
	v8 =	vor.u32 v8, v9  }
.LBB2_4:
0x3c: {  	_ =	sdelay $0x1  }
0x3d: {  	s20 =	sand.u32 $0xFFFFFE00, s19;
	s19 =	sadd.s32 $0x40, s19;
	s18 =	sadd.s32 $0x10, s18  }
0x3e: {  	s21 =	sand.u32 $0x70, s18;
	s20 =	sshra.s32 s20, $0x2;
	p1 =	sne.s32 s4, s19  }
0x3f: {  	s20 =	sor.u32 s21, s20;
	[tilespmem:v8+s12+$0x0] =	vst.idx.add.f32.msk $0xffff, v7  }
0x40: {  	v8 =	vld [tilespmem:s20+$0x1C00];
	_ =	sdelay $0x4  }
0x41: {  	v9 =	vshra.s32 v8, $0x1F  }
0x42: {  	v9 =	vshrl.u32 v9, $0x19  }
0x43: {  	v9 =	vadd.s32 v9, v8  }
0x44: {  	v9 =	vshra.s32 v9, $0x7  }
0x45: {  	v10 =	vshll.u32 v9, $0x7  }
0x46: {  	vm0 =	vlt.s32 v8, $0x1;
	vm1 =	vne.s32 v8, v10  }
.Ltmp2:
0x47: {  	vm0 =	vmand vm0, vm1;
	(pc) =	sbr.rel @p1 .LBB2_4-.Ltmp2, $4  }
0x48: {  	v10 =	vsel vm0, $0xFFFFFFFF, v6  }
0x49: {  	v9 =	vadd.s32 v10, v9  }
0x4a: {  	v8 =	vand.u32 $0x7F, v8;
	v9 =	vshll.u32 v9, $0x7  }
0x4b: {  	v8 =	vor.u32 v8, v9  }
.LBB2_5:
0x4c: {  	_ =	sdelay $0x3  }
0x4d: {  	[tilespmem:v8+s12+$0x0] =	vst.idx.add.f32.msk $0xffff, v7  }
0x4e: {  	[spmem:s2] =	stream.indirect.scatter.add.f32 [tilespmem:s12], [sflag:$0x1], $0x80, s14, s13, $0xb8;
	[tilespmem:$0x6300] =	vst v63  }
0x4f: {  	_ =	swait.ge [sflag:s10], $0x2800  }
0x50: {  	[sflag:s10] =	ssyncset.done $0x0  }
0x51: {  	[sflag:s10] =	ssyncadd.s32 $0xFFFFD800  }
0x52: {  	s18 =	simm.s32 @!p0 $0x3800;
	[bflag:$0x0] =	sbarrier.arrive $0xFFFF  }
0x53: {  	[tilespmem:s18], [sflag:$0x1] =	stream.linear.gather @!p0 [spmem:s7], $0x400, $0x38;
	[tilespmem:$0x6300] =	vst v63  }
0x54: {  	s16 =	sadd.s32 $0x1, s16;
	_ =	swait.ge @!p0 [sflag:s17], $0x400  }
0x55: {  	p1 =	sne.s32 s16, s9;
	[sflag:s17] =	ssyncset.done @!p0 $0x0  }
.Ltmp3:
0x56: {  	s19 =	simm.s32 @!p0 $0x0;
	[sflag:s17] =	ssyncadd.s32 @!p0 $0xFFFFFC00;
	(pc) =	sbr.rel @p1 .LBB2_1-.Ltmp3, $4  }
0x57: {  	[hbm4b:s15+s19] =	stream.linear.scatter @!p0 [tilespmem:s18], [sflag:$0x1], $0x400, $0x38;
	[tilespmem:$0x6300] =	vst v63  }
0x58: {  	_ =	swait.ge @!p0 [sflag:s17], $0x400  }
0x59: {  	[sflag:s17] =	ssyncset.done @!p0 $0x0  }
0x5a: {  	[sflag:s17] =	ssyncadd.s32 @!p0 $0xFFFFFC00  }
0x5b: {  	_ =	sfence.sel $0x180000  }
0x5c: {  	[bflag:$0x0] =	sbarrier.arrive $0xFFFF  }
0x5d: {  	p0 =	sne.s32 s0, $0x0;
	_ =	strace $0x90000047  }
0x5e: {  	s0 =	sadd.s32 @!p0 $0x100000, s1;
	[bflag:$0x2] =	sbarrier.arrive $0xFFFF  }
0x5f: {  	[sflag:s0] =	ssyncadd.tile.s32 @!p0 $0x1;
	_ =	shalt  }
.Lfunc_end2:
_tile_overlayer_lowered:
.L_overlay_start_2:
0x60: {  	(tag) =	ssettag $0x2  }
0x61: {  	s0 =	rddreg [dreg:$0x0];
	s2 =	stileid.u32  }
0x62: {  	s1 =	rddreg [dreg:$0x1];
	p0 =	sne.s32 s2, $0x0  }
0x63: {  	s3 =	rddreg [dreg:$0x2];
	[bflag:$0x3] =	sbarrier.arrive $0xFFFF;
	s2 =	simm.s32 @!p0 $0x1C01  }
0x64: {  	[timem:s3], [sflag:s2] =	dma.local @!p0 [hbm:s0], s1  }
0x65: {  	s0 =	simm.s32 @!p0 $0x1  }
0x66: {  	_ =	swait.ge @!p0 [sflag:s0], s1  }
0x67: {  	s1 =	ssub.s32 @!p0 $0x0, s1;
	[sflag:s0] =	ssyncset.done @!p0 $0x0  }
0x68: {  	[sflag:s0] =	ssyncadd.s32 @!p0 s1  }
0x69: {  	[bflag:$0x3] =	sbarrier.arrive $0xFFFF  }
0x6a: {  	_ =	shalt  }

</sc_bundles>
